<compile_context>
chip_gen: v7x
topology: tpu7x:2x2x1
jax: 0.10.2.dev20260603
libtpu: 0.0.44.dev20260713+nightly
codegen_flags: <defaults>
</compile_context>

<pallas_src>
import functools

import jax
import jax.numpy as jnp
from jax import lax
from jax.experimental import pallas as pl
from jax.experimental.pallas import tpu as pltpu
from jax.experimental.pallas import tpu_sc as plsc

NC = 2
NS = 16
L = 16
NW = NC * NS

_N = 10000
_E = 320000
_D = 128
_H = 64
_G = 512

NP = 10240
K = 128
NCH = 80
EP = NW * NCH * K
NBUF = 8
GLEAD = 6
RNDS = NCH // NBUF
RPT = NP // NS

_mesh = plsc.VectorSubcoreMesh(
    core_axis_name="c", subcore_axis_name="s", num_cores=NC, num_subcores=NS
)

_SC_PARAMS = pltpu.CompilerParams(
    needs_layout_passes=False, use_tc_tiling_on_sc=False
)

@functools.partial(
    pl.kernel,
    out_type=jax.ShapeDtypeStruct((NC, NP), jnp.float32),
    mesh=_mesh,
    compiler_params=_SC_PARAMS,
    scratch_types=[
        pltpu.VMEM((NCH, K), jnp.int32),
        pltpu.VMEM((NP,), jnp.float32),
        pltpu.VMEM((NS, RPT), jnp.float32),
        pltpu.VMEM((RPT,), jnp.float32),
        pltpu.VMEM_SHARED((NS, NP), jnp.float32),
    ],
)
def _deg_kernel(col_hbm, deg_out, colv, degp, comb, outv, dsh):
    c = lax.axis_index("c")
    sid = lax.axis_index("s")
    wid = c * NS + sid

    zero16 = jnp.zeros((L,), jnp.float32)

    @pl.loop(0, NP // L)
    def _(i):
        degp[pl.ds(i * L, L)] = zero16

    pltpu.sync_copy(col_hbm.at[wid], colv)
    ones = jnp.ones((L,), jnp.float32)

    @pl.loop(0, NCH)
    def _(j):
        for t in range(K // L):
            idx = colv[j, pl.ds(t * L, L)]
            plsc.addupdate_scatter(degp, [idx], ones)

    pltpu.sync_copy(degp, dsh.at[sid])
    plsc.subcore_barrier()
    pltpu.sync_copy(dsh.at[:, pl.ds(sid * RPT, RPT)], comb)

    @pl.loop(0, RPT // L)
    def _(t):
        a = comb[0, pl.ds(t * L, L)]
        for r in range(1, NS):
            a = a + comb[r, pl.ds(t * L, L)]
        outv[pl.ds(t * L, L)] = a

    pltpu.sync_copy(outv, deg_out.at[c, pl.ds(sid * RPT, RPT)])


@functools.partial(
    pl.kernel,
    out_type=jax.ShapeDtypeStruct((NC, NP, _H), jnp.float32),
    mesh=_mesh,
    compiler_params=_SC_PARAMS,
    scratch_types=[
        pltpu.VMEM((NCH, K), jnp.int32),
        pltpu.VMEM((NCH, K), jnp.int32),
        pltpu.VMEM((NBUF, K, _H), jnp.float32),
        pltpu.SemaphoreType.DMA((NBUF,)),
        pltpu.SemaphoreType.DMA((NBUF,)),
        pltpu.VMEM_SHARED((NP, _H), jnp.float32),
    ],
)
def _agg_kernel(y_hbm, row_hbm, col_hbm, zero_hbm, acc_out, rowv, colv, msg,
                semg, sems, acc_sh):
    c = lax.axis_index("c")
    sid = lax.axis_index("s")
    wid = c * NS + sid

    pltpu.sync_copy(zero_hbm.at[pl.ds(sid * RPT, RPT)], acc_sh.at[pl.ds(sid * RPT, RPT)])
    pltpu.sync_copy(row_hbm.at[wid], rowv)
    pltpu.sync_copy(col_hbm.at[wid], colv)
    plsc.subcore_barrier()

    for b0 in range(GLEAD):
        pltpu.async_copy(y_hbm.at[rowv.at[b0]], msg.at[b0], semg.at[b0])

    @pl.loop(0, RNDS)
    def _(g):
        for b in range(NBUF):
            j = g * NBUF + b
            bg = (b + GLEAD) % NBUF

            def _pref():
                def _free():
                    pltpu.make_async_copy(
                        msg.at[bg], acc_sh.at[colv.at[j - (NBUF - GLEAD)]],
                        sems.at[bg]
                    ).wait()

                if b >= NBUF - GLEAD:
                    _free()
                else:
                    pl.when(g > 0)(_free)
                pltpu.async_copy(y_hbm.at[rowv.at[j + GLEAD]], msg.at[bg], semg.at[bg])

            if b >= NBUF - GLEAD:
                pl.when(g < RNDS - 1)(_pref)
            else:
                _pref()

            pltpu.make_async_copy(y_hbm.at[rowv.at[j]], msg.at[b], semg.at[b]).wait()
            pltpu.async_copy(msg.at[b], acc_sh.at[colv.at[j]], sems.at[b], add=True)

    for i in range(NBUF):
        j = NCH - NBUF + i
        pltpu.make_async_copy(
            msg.at[j % NBUF], acc_sh.at[colv.at[j]], sems.at[j % NBUF]
        ).wait()

    plsc.subcore_barrier()
    pltpu.sync_copy(
        acc_sh.at[pl.ds(sid * RPT, RPT)], acc_out.at[c, pl.ds(sid * RPT, RPT)]
    )



BLK = 5120


def _dinv_of(deg_ref):
    deg = deg_ref[0, :] + deg_ref[1, :] + 1.0
    return lax.rsqrt(deg)


def _mm1_body(x_ref, w_ref, deg_ref, y_ref):
    dinv = _dinv_of(deg_ref)
    y_ref[...] = (
        jnp.dot(x_ref[...], w_ref[...], preferred_element_type=jnp.float32)
        * dinv[:, None]
    )


def _mm2_body(acc_ref, y1_ref, deg_ref, b1_ref, w2_ref, y2_ref):
    dinv = _dinv_of(deg_ref)
    a = (acc_ref[0] + acc_ref[1] + y1_ref[...]) * dinv[:, None] + b1_ref[...]
    h = jnp.maximum(a, 0.0)
    y2_ref[...] = (
        jnp.dot(h, w2_ref[...], preferred_element_type=jnp.float32) * dinv[:, None]
    )


def _mm3_body(acc_ref, y2_ref, deg_ref, b2_ref, fcw_ref, batch_ref, fcb_ref,
              out_ref, sums_ref, cnt_ref):
    i = pl.program_id(0)
    dinv = _dinv_of(deg_ref)
    h = (acc_ref[0] + acc_ref[1] + y2_ref[...]) * dinv[:, None] + b2_ref[...]
    rowid = i * BLK + lax.broadcasted_iota(jnp.int32, (BLK, 1), 0)
    gids = lax.broadcasted_iota(jnp.int32, (1, _G), 1)
    onehot = jnp.where((batch_ref[...] == gids) & (rowid < _N), 1.0, 0.0)
    ps = lax.dot_general(onehot, h, (((0,), (0,)), ((), ())),
                         preferred_element_type=jnp.float32,
                         precision=lax.Precision.HIGHEST)
    pc = lax.dot_general(onehot, jnp.ones((BLK, 1), jnp.float32),
                         (((0,), (0,)), ((), ())),
                         preferred_element_type=jnp.float32,
                         precision=lax.Precision.HIGHEST)

    @pl.when(i == 0)
    def _():
        sums_ref[...] = ps
        cnt_ref[...] = pc

    @pl.when(i > 0)
    def _():
        sums_ref[...] += ps
        cnt_ref[...] += pc

    pooled = sums_ref[...] / jnp.maximum(cnt_ref[...], 1.0)
    out_ref[...] = (
        jnp.dot(pooled, fcw_ref[...], preferred_element_type=jnp.float32)
        + fcb_ref[...]
    )


_GRID = NP // BLK

_mm1 = pl.pallas_call(
    _mm1_body,
    grid=(_GRID,),
    in_specs=[
        pl.BlockSpec((BLK, _D), lambda i: (i, 0)),
        pl.BlockSpec((_D, _H), lambda i: (0, 0)),
        pl.BlockSpec((NC, BLK), lambda i: (0, i)),
    ],
    out_specs=pl.BlockSpec((BLK, _H), lambda i: (i, 0)),
    out_shape=jax.ShapeDtypeStruct((NP, _H), jnp.float32),
)

_mm2 = pl.pallas_call(
    _mm2_body,
    grid=(_GRID,),
    in_specs=[
        pl.BlockSpec((NC, BLK, _H), lambda i: (0, i, 0)),
        pl.BlockSpec((BLK, _H), lambda i: (i, 0)),
        pl.BlockSpec((NC, BLK), lambda i: (0, i)),
        pl.BlockSpec((1, _H), lambda i: (0, 0)),
        pl.BlockSpec((_H, _H), lambda i: (0, 0)),
    ],
    out_specs=pl.BlockSpec((BLK, _H), lambda i: (i, 0)),
    out_shape=jax.ShapeDtypeStruct((NP, _H), jnp.float32),
)

_mm3 = pl.pallas_call(
    _mm3_body,
    grid=(_GRID,),
    in_specs=[
        pl.BlockSpec((NC, BLK, _H), lambda i: (0, i, 0)),
        pl.BlockSpec((BLK, _H), lambda i: (i, 0)),
        pl.BlockSpec((NC, BLK), lambda i: (0, i)),
        pl.BlockSpec((1, _H), lambda i: (0, 0)),
        pl.BlockSpec((_H, 1), lambda i: (0, 0)),
        pl.BlockSpec((BLK, 1), lambda i: (i, 0)),
        pl.BlockSpec((1, 1), lambda i: (0, 0)),
    ],
    out_specs=pl.BlockSpec((_G, 1), lambda i: (0, 0)),
    out_shape=jax.ShapeDtypeStruct((_G, 1), jnp.float32),
    scratch_shapes=[
        pltpu.VMEM((_G, _H), jnp.float32),
        pltpu.VMEM((_G, 1), jnp.float32),
    ],
)


def kernel(x, edge_index, batch, W1, b1, W2, b2, fcW, fcb):
    x_pad = jnp.pad(x, ((0, NP - _N), (0, 0)))
    pad_ids = _N + jnp.arange(EP - _E, dtype=jnp.int32) % (NP - _N)
    epad = jnp.stack([pad_ids, pad_ids])
    eidx = jnp.concatenate([edge_index, epad], axis=1)
    row_r = eidx[0].reshape(NW, NCH, K)
    col_r = eidx[1].reshape(NW, NCH, K)
    batch2d = jnp.pad(batch, (0, NP - _N)).reshape(NP, 1)
    zeros_nh = jnp.zeros((NP, _H), jnp.float32)
    b1r = b1.reshape(1, _H)
    b2r = b2.reshape(1, _H)

    deg2 = _deg_kernel(col_r)
    y1 = _mm1(x_pad, W1, deg2)
    acc1 = _agg_kernel(y1, row_r, col_r, zeros_nh)
    y2 = _mm2(acc1, y1, deg2, b1r, W2)
    acc2 = _agg_kernel(y2, row_r, col_r, zeros_nh)
    return _mm3(acc2, y2, deg2, b2r, fcW, batch2d, fcb.reshape(1, 1))

# --- scband reference (transcript-rebuilt; emitter-appended) ---
"""Pipeline reference for scband-molecule-gnn-11398843203621 (READ-ONLY COPY).

The authoritative reference and input builder live on the scoring server;
editing this copy changes nothing except your own understanding.
"""

import jax, jax.numpy as jnp
import numpy as np

N = 10000
E = 320000
D = 128
H = 64
G = 512


def _gcn_conv(x, row, col, W, b, num_nodes):
    # PyG GCNConv: add self-loops, symmetric normalization, aggregate at dst (col)
    sl = jnp.arange(num_nodes, dtype=row.dtype)
    row2 = jnp.concatenate([row, sl])
    col2 = jnp.concatenate([col, sl])
    ones = jnp.ones(row2.shape[0], dtype=x.dtype)
    deg = jnp.zeros(num_nodes, dtype=x.dtype).at[col2].add(ones)
    dinv = jnp.where(deg > 0, 1.0 / jnp.sqrt(deg), 0.0)
    norm = dinv[row2] * dinv[col2]
    xw = x @ W
    msg = xw[row2] * norm[:, None]
    out = jnp.zeros((num_nodes, W.shape[1]), dtype=x.dtype).at[col2].add(msg)
    return out + b


def setup_inputs(seed: int = 0):
    key = jax.random.key(seed)
    ks = jax.random.split(key, 10)
    x = jax.random.normal(ks[0], (N, D), dtype=jnp.float32)
    edge_index = jax.random.randint(ks[1], (2, E), 0, N, dtype=jnp.int32)
    batch = jnp.sort(jax.random.randint(ks[2], (N,), 0, G, dtype=jnp.int32))
    W1 = jax.random.normal(ks[3], (D, H), dtype=jnp.float32) * (1.0 / np.sqrt(D))
    b1 = jnp.zeros((H,), dtype=jnp.float32)
    W2 = jax.random.normal(ks[4], (H, H), dtype=jnp.float32) * (1.0 / np.sqrt(H))
    b2 = jnp.zeros((H,), dtype=jnp.float32)
    fcW = jax.random.normal(ks[5], (H, 1), dtype=jnp.float32) * (1.0 / np.sqrt(H))
    fcb = jnp.zeros((1,), dtype=jnp.float32)
    return {"x": x, "edge_index": edge_index, "batch": batch,
            "W1": W1, "b1": b1, "W2": W2, "b2": b2, "fcW": fcW, "fcb": fcb}


def reference(x, edge_index, batch, W1, b1, W2, b2, fcW, fcb):
    row = edge_index[0]
    col = edge_index[1]
    h = _gcn_conv(x, row, col, W1, b1, N)
    h = jax.nn.relu(h)
    h = _gcn_conv(h, row, col, W2, b2, N)
    # global_mean_pool over batch (graph ids)
    sums = jax.ops.segment_sum(h, batch, num_segments=G)
    cnt = jax.ops.segment_sum(jnp.ones((N, 1), dtype=h.dtype), batch, num_segments=G)
    pooled = sums / jnp.maximum(cnt, 1.0)
    out = pooled @ fcW + fcb
    return out

if __name__ == "__main__":
    import jax
    _d = setup_inputs()
    print(jax.jit(kernel)(*tuple(_d.values())))

</pallas_src>

<mosaic_0001>
#map = affine_map<(d0, d1) -> (0, 0)>
#map1 = affine_map<(d0, d1) -> (0, 0, 0)>
module attributes {stable_mosaic.version = 14 : i64} {
  func.func @_agg_kernel(%arg0: i32, %arg1: i32, %arg2: memref<10240x64xf32, #tpu.memory_space<hbm>>, %arg3: memref<32x80x128xi32, #tpu.memory_space<hbm>>, %arg4: memref<32x80x128xi32, #tpu.memory_space<hbm>>, %arg5: memref<10240x64xf32, #tpu.memory_space<hbm>>, %arg6: memref<2x10240x64xf32, #tpu.memory_space<hbm>>, %arg7: memref<80x128xi32, #tpu.memory_space<vmem>>, %arg8: memref<80x128xi32, #tpu.memory_space<vmem>>, %arg9: memref<8x128x64xf32, #tpu.memory_space<vmem>>, %arg10: memref<8x!tpu.dma_semaphore, #tpu.memory_space<semaphore_mem>>, %arg11: memref<8x!tpu.dma_semaphore, #tpu.memory_space<semaphore_mem>>, %arg12: memref<10240x64xf32, #tpu.memory_space<vmem_shared>>) attributes {dimension_semantics = [#tpu.dimension_semantics<core_parallel>, #tpu.dimension_semantics<subcore_parallel>], iteration_bounds = array<i64: 2, 16>, scalar_prefetch = 0 : i64, scratch_operands = 6 : i64, tpu.core_type = #tpu.core_type<sc_vector_subcore>, window_params = [{transform_indices = #map}, {transform_indices = #map1}, {transform_indices = #map1}, {transform_indices = #map}, {transform_indices = #map1}]} {
    %mul3A = arith.constant 16 : i32
    %mul3A_0 = arith.muli %arg0, %mul3A : i32
    %add3A = arith.addi %mul3A_0, %arg1 : i32
    %mul3A_1 = arith.constant 640 : i32
    %mul3A_2 = arith.muli %arg1, %mul3A_1 : i32
    %mul3A_3 = arith.constant 640 : i32
    %mul3A_4 = arith.muli %arg1, %mul3A_3 : i32
    "tpu.region"() ({
      %run_scoped3A = tpu.sem_alloc : memref<!tpu.dma_semaphore, #tpu.memory_space<semaphore_mem>>
      %dma_start3A_222 = arith.constant 0 : i32
      %dma_start3A_223 = tpu.memref_slice %arg12[%mul3A_4, %dma_start3A_222] : memref<10240x64xf32, #tpu.memory_space<vmem_shared>> -> memref<640x64xf32, #tpu.memory_space<vmem_shared>>
      %dma_start3A_224 = arith.constant 0 : i32
      %dma_start3A_225 = tpu.memref_slice %arg5[%mul3A_2, %dma_start3A_224] : memref<10240x64xf32, #tpu.memory_space<hbm>> -> memref<640x64xf32, #tpu.memory_space<hbm>>
      tpu.enqueue_dma source(%dma_start3A_225 : memref<640x64xf32, #tpu.memory_space<hbm>>) target(%dma_start3A_223 : memref<640x64xf32, #tpu.memory_space<vmem_shared>>) target_semaphore(%run_scoped3A : memref<!tpu.dma_semaphore, #tpu.memory_space<semaphore_mem>>)
      %dma_wait3A_226 = arith.constant 0 : i32
      %dma_wait3A_227 = tpu.memref_slice %arg12[%mul3A_4, %dma_wait3A_226] : memref<10240x64xf32, #tpu.memory_space<vmem_shared>> -> memref<640x64xf32, #tpu.memory_space<vmem_shared>>
      %dma_wait3A_228 = arith.constant 0 : i32
      %dma_wait3A_229 = tpu.memref_slice %arg5[%mul3A_2, %dma_wait3A_228] : memref<10240x64xf32, #tpu.memory_space<hbm>> -> memref<640x64xf32, #tpu.memory_space<hbm>>
      tpu.wait_dma2 semaphore(%run_scoped3A : memref<!tpu.dma_semaphore, #tpu.memory_space<semaphore_mem>>) src(%dma_wait3A_229 : memref<640x64xf32, #tpu.memory_space<hbm>>) dst(%dma_wait3A_227 : memref<640x64xf32, #tpu.memory_space<vmem_shared>>)
      tpu.yield
    }) : () -> ()
    "tpu.region"() ({
      %run_scoped3A = tpu.sem_alloc : memref<!tpu.dma_semaphore, #tpu.memory_space<semaphore_mem>>
      %dma_start3A_222 = arith.constant 0 : i32
      %dma_start3A_223 = arith.constant 0 : i32
      %dma_start3A_224 = tpu.memref_slice %arg3[%add3A, %dma_start3A_222, %dma_start3A_223] : memref<32x80x128xi32, #tpu.memory_space<hbm>> -> memref<1x80x128xi32, #tpu.memory_space<hbm>>
      %dma_start3A_225 = tpu.memref_squeeze %dma_start3A_224 : memref<1x80x128xi32, #tpu.memory_space<hbm>> -> memref<80x128xi32, #tpu.memory_space<hbm>>
      %dma_start3A_226 = arith.constant 0 : i32
      %dma_start3A_227 = arith.constant 0 : i32
      %dma_start3A_228 = tpu.memref_slice %arg3[%add3A, %dma_start3A_226, %dma_start3A_227] : memref<32x80x128xi32, #tpu.memory_space<hbm>> -> memref<1x80x128xi32, #tpu.memory_space<hbm>>
      %dma_start3A_229 = tpu.memref_squeeze %dma_start3A_228 : memref<1x80x128xi32, #tpu.memory_space<hbm>> -> memref<80x128xi32, #tpu.memory_space<hbm>>
      tpu.enqueue_dma source(%dma_start3A_229 : memref<80x128xi32, #tpu.memory_space<hbm>>) target(%arg7 : memref<80x128xi32, #tpu.memory_space<vmem>>) target_semaphore(%run_scoped3A : memref<!tpu.dma_semaphore, #tpu.memory_space<semaphore_mem>>)
      %dma_wait3A_230 = arith.constant 0 : i32
      %dma_wait3A_231 = arith.constant 0 : i32
      %dma_wait3A_232 = tpu.memref_slice %arg3[%add3A, %dma_wait3A_230, %dma_wait3A_231] : memref<32x80x128xi32, #tpu.memory_space<hbm>> -> memref<1x80x128xi32, #tpu.memory_space<hbm>>
      %dma_wait3A_233 = tpu.memref_squeeze %dma_wait3A_232 : memref<1x80x128xi32, #tpu.memory_space<hbm>> -> memref<80x128xi32, #tpu.memory_space<hbm>>
      %dma_wait3A_234 = arith.constant 0 : i32
      %dma_wait3A_235 = arith.constant 0 : i32
      %dma_wait3A_236 = tpu.memref_slice %arg3[%add3A, %dma_wait3A_234, %dma_wait3A_235] : memref<32x80x128xi32, #tpu.memory_space<hbm>> -> memref<1x80x128xi32, #tpu.memory_space<hbm>>
      %dma_wait3A_237 = tpu.memref_squeeze %dma_wait3A_236 : memref<1x80x128xi32, #tpu.memory_space<hbm>> -> memref<80x128xi32, #tpu.memory_space<hbm>>
      tpu.wait_dma2 semaphore(%run_scoped3A : memref<!tpu.dma_semaphore, #tpu.memory_space<semaphore_mem>>) src(%dma_wait3A_237 : memref<80x128xi32, #tpu.memory_space<hbm>>) dst(%arg7 : memref<80x128xi32, #tpu.memory_space<vmem>>)
      tpu.yield
    }) : () -> ()
    "tpu.region"() ({
      %run_scoped3A = tpu.sem_alloc : memref<!tpu.dma_semaphore, #tpu.memory_space<semaphore_mem>>
      %dma_start3A_222 = arith.constant 0 : i32
      %dma_start3A_223 = arith.constant 0 : i32
      %dma_start3A_224 = tpu.memref_slice %arg4[%add3A, %dma_start3A_222, %dma_start3A_223] : memref<32x80x128xi32, #tpu.memory_space<hbm>> -> memref<1x80x128xi32, #tpu.memory_space<hbm>>
      %dma_start3A_225 = tpu.memref_squeeze %dma_start3A_224 : memref<1x80x128xi32, #tpu.memory_space<hbm>> -> memref<80x128xi32, #tpu.memory_space<hbm>>
      %dma_start3A_226 = arith.constant 0 : i32
      %dma_start3A_227 = arith.constant 0 : i32
      %dma_start3A_228 = tpu.memref_slice %arg4[%add3A, %dma_start3A_226, %dma_start3A_227] : memref<32x80x128xi32, #tpu.memory_space<hbm>> -> memref<1x80x128xi32, #tpu.memory_space<hbm>>
      %dma_start3A_229 = tpu.memref_squeeze %dma_start3A_228 : memref<1x80x128xi32, #tpu.memory_space<hbm>> -> memref<80x128xi32, #tpu.memory_space<hbm>>
      tpu.enqueue_dma source(%dma_start3A_229 : memref<80x128xi32, #tpu.memory_space<hbm>>) target(%arg8 : memref<80x128xi32, #tpu.memory_space<vmem>>) target_semaphore(%run_scoped3A : memref<!tpu.dma_semaphore, #tpu.memory_space<semaphore_mem>>)
      %dma_wait3A_230 = arith.constant 0 : i32
      %dma_wait3A_231 = arith.constant 0 : i32
      %dma_wait3A_232 = tpu.memref_slice %arg4[%add3A, %dma_wait3A_230, %dma_wait3A_231] : memref<32x80x128xi32, #tpu.memory_space<hbm>> -> memref<1x80x128xi32, #tpu.memory_space<hbm>>
      %dma_wait3A_233 = tpu.memref_squeeze %dma_wait3A_232 : memref<1x80x128xi32, #tpu.memory_space<hbm>> -> memref<80x128xi32, #tpu.memory_space<hbm>>
      %dma_wait3A_234 = arith.constant 0 : i32
      %dma_wait3A_235 = arith.constant 0 : i32
      %dma_wait3A_236 = tpu.memref_slice %arg4[%add3A, %dma_wait3A_234, %dma_wait3A_235] : memref<32x80x128xi32, #tpu.memory_space<hbm>> -> memref<1x80x128xi32, #tpu.memory_space<hbm>>
      %dma_wait3A_237 = tpu.memref_squeeze %dma_wait3A_236 : memref<1x80x128xi32, #tpu.memory_space<hbm>> -> memref<80x128xi32, #tpu.memory_space<hbm>>
      tpu.wait_dma2 semaphore(%run_scoped3A : memref<!tpu.dma_semaphore, #tpu.memory_space<semaphore_mem>>) src(%dma_wait3A_237 : memref<80x128xi32, #tpu.memory_space<hbm>>) dst(%arg8 : memref<80x128xi32, #tpu.memory_space<vmem>>)
      tpu.yield
    }) : () -> ()
    %barrier3A = arith.constant 0 : index
    tpu.barrier barrier_id(%barrier3A)
    %dma_start3A = arith.constant 0 : i32
    %dma_start3A_5 = arith.constant 0 : i32
    %dma_start3A_6 = arith.constant 0 : i32
    %dma_start3A_7 = arith.constant 0 : i32
    %dma_start3A_8 = arith.constant 0 : i32
    %dma_start3A_9 = tpu.memref_slice %arg9[%dma_start3A_5, %dma_start3A_7, %dma_start3A_8] : memref<8x128x64xf32, #tpu.memory_space<vmem>> -> memref<1x128x64xf32, #tpu.memory_space<vmem>>
    %dma_start3A_10 = tpu.memref_squeeze %dma_start3A_9 : memref<1x128x64xf32, #tpu.memory_space<vmem>> -> memref<128x64xf32, #tpu.memory_space<vmem>>
    %dma_start3A_11 = arith.constant 0 : i32
    %dma_start3A_12 = tpu.memref_slice %arg7[%dma_start3A, %dma_start3A_11] : memref<80x128xi32, #tpu.memory_space<vmem>> -> memref<1x128xi32, #tpu.memory_space<vmem>>
    %dma_start3A_13 = tpu.memref_squeeze %dma_start3A_12 : memref<1x128xi32, #tpu.memory_space<vmem>> -> memref<128xi32, #tpu.memory_space<vmem>>
    %dma_start3A_14 = arith.constant 0 : i32
    %dma_start3A_15 = arith.constant 0 : i32
    %dma_start3A_16 = tpu.memref_slice %arg2[%dma_start3A_14, %dma_start3A_15] : memref<10240x64xf32, #tpu.memory_space<hbm>> -> memref<10240x64xf32, #tpu.memory_space<hbm>>
    %dma_start3A_17 = tpu.memref_slice %arg10[%dma_start3A_6] : memref<8x!tpu.dma_semaphore, #tpu.memory_space<semaphore_mem>> -> memref<1x!tpu.dma_semaphore, #tpu.memory_space<semaphore_mem>>
    %dma_start3A_18 = tpu.memref_squeeze %dma_start3A_17 : memref<1x!tpu.dma_semaphore, #tpu.memory_space<semaphore_mem>> -> memref<!tpu.dma_semaphore, #tpu.memory_space<semaphore_mem>>
    tpu.enqueue_indirect_dma source(%dma_start3A_16 : memref<10240x64xf32, #tpu.memory_space<hbm>>) target(%dma_start3A_10 : memref<128x64xf32, #tpu.memory_space<vmem>>) offsets(%dma_start3A_13 : memref<128xi32, #tpu.memory_space<vmem>>) semaphore(%dma_start3A_18 : memref<!tpu.dma_semaphore, #tpu.memory_space<semaphore_mem>>)
    %dma_start3A_19 = arith.constant 1 : i32
    %dma_start3A_20 = arith.constant 1 : i32
    %dma_start3A_21 = arith.constant 1 : i32
    %dma_start3A_22 = arith.constant 0 : i32
    %dma_start3A_23 = arith.constant 0 : i32
    %dma_start3A_24 = tpu.memref_slice %arg9[%dma_start3A_20, %dma_start3A_22, %dma_start3A_23] : memref<8x128x64xf32, #tpu.memory_space<vmem>> -> memref<1x128x64xf32, #tpu.memory_space<vmem>>
    %dma_start3A_25 = tpu.memref_squeeze %dma_start3A_24 : memref<1x128x64xf32, #tpu.memory_space<vmem>> -> memref<128x64xf32, #tpu.memory_space<vmem>>
    %dma_start3A_26 = arith.constant 0 : i32
    %dma_start3A_27 = tpu.memref_slice %arg7[%dma_start3A_19, %dma_start3A_26] : memref<80x128xi32, #tpu.memory_space<vmem>> -> memref<1x128xi32, #tpu.memory_space<vmem>>
    %dma_start3A_28 = tpu.memref_squeeze %dma_start3A_27 : memref<1x128xi32, #tpu.memory_space<vmem>> -> memref<128xi32, #tpu.memory_space<vmem>>
    %dma_start3A_29 = arith.constant 0 : i32
    %dma_start3A_30 = arith.constant 0 : i32
    %dma_start3A_31 = tpu.memref_slice %arg2[%dma_start3A_29, %dma_start3A_30] : memref<10240x64xf32, #tpu.memory_space<hbm>> -> memref<10240x64xf32, #tpu.memory_space<hbm>>
    %dma_start3A_32 = tpu.memref_slice %arg10[%dma_start3A_21] : memref<8x!tpu.dma_semaphore, #tpu.memory_space<semaphore_mem>> -> memref<1x!tpu.dma_semaphore, #tpu.memory_space<semaphore_mem>>
    %dma_start3A_33 = tpu.memref_squeeze %dma_start3A_32 : memref<1x!tpu.dma_semaphore, #tpu.memory_space<semaphore_mem>> -> memref<!tpu.dma_semaphore, #tpu.memory_space<semaphore_mem>>
    tpu.enqueue_indirect_dma source(%dma_start3A_31 : memref<10240x64xf32, #tpu.memory_space<hbm>>) target(%dma_start3A_25 : memref<128x64xf32, #tpu.memory_space<vmem>>) offsets(%dma_start3A_28 : memref<128xi32, #tpu.memory_space<vmem>>) semaphore(%dma_start3A_33 : memref<!tpu.dma_semaphore, #tpu.memory_space<semaphore_mem>>)
    %dma_start3A_34 = arith.constant 2 : i32
    %dma_start3A_35 = arith.constant 2 : i32
    %dma_start3A_36 = arith.constant 2 : i32
    %dma_start3A_37 = arith.constant 0 : i32
    %dma_start3A_38 = arith.constant 0 : i32
    %dma_start3A_39 = tpu.memref_slice %arg9[%dma_start3A_35, %dma_start3A_37, %dma_start3A_38] : memref<8x128x64xf32, #tpu.memory_space<vmem>> -> memref<1x128x64xf32, #tpu.memory_space<vmem>>
    %dma_start3A_40 = tpu.memref_squeeze %dma_start3A_39 : memref<1x128x64xf32, #tpu.memory_space<vmem>> -> memref<128x64xf32, #tpu.memory_space<vmem>>
    %dma_start3A_41 = arith.constant 0 : i32
    %dma_start3A_42 = tpu.memref_slice %arg7[%dma_start3A_34, %dma_start3A_41] : memref<80x128xi32, #tpu.memory_space<vmem>> -> memref<1x128xi32, #tpu.memory_space<vmem>>
    %dma_start3A_43 = tpu.memref_squeeze %dma_start3A_42 : memref<1x128xi32, #tpu.memory_space<vmem>> -> memref<128xi32, #tpu.memory_space<vmem>>
    %dma_start3A_44 = arith.constant 0 : i32
    %dma_start3A_45 = arith.constant 0 : i32
    %dma_start3A_46 = tpu.memref_slice %arg2[%dma_start3A_44, %dma_start3A_45] : memref<10240x64xf32, #tpu.memory_space<hbm>> -> memref<10240x64xf32, #tpu.memory_space<hbm>>
    %dma_start3A_47 = tpu.memref_slice %arg10[%dma_start3A_36] : memref<8x!tpu.dma_semaphore, #tpu.memory_space<semaphore_mem>> -> memref<1x!tpu.dma_semaphore, #tpu.memory_space<semaphore_mem>>
    %dma_start3A_48 = tpu.memref_squeeze %dma_start3A_47 : memref<1x!tpu.dma_semaphore, #tpu.memory_space<semaphore_mem>> -> memref<!tpu.dma_semaphore, #tpu.memory_space<semaphore_mem>>
    tpu.enqueue_indirect_dma source(%dma_start3A_46 : memref<10240x64xf32, #tpu.memory_space<hbm>>) target(%dma_start3A_40 : memref<128x64xf32, #tpu.memory_space<vmem>>) offsets(%dma_start3A_43 : memref<128xi32, #tpu.memory_space<vmem>>) semaphore(%dma_start3A_48 : memref<!tpu.dma_semaphore, #tpu.memory_space<semaphore_mem>>)
    %dma_start3A_49 = arith.constant 3 : i32
    %dma_start3A_50 = arith.constant 3 : i32
    %dma_start3A_51 = arith.constant 3 : i32
    %dma_start3A_52 = arith.constant 0 : i32
    %dma_start3A_53 = arith.constant 0 : i32
    %dma_start3A_54 = tpu.memref_slice %arg9[%dma_start3A_50, %dma_start3A_52, %dma_start3A_53] : memref<8x128x64xf32, #tpu.memory_space<vmem>> -> memref<1x128x64xf32, #tpu.memory_space<vmem>>
    %dma_start3A_55 = tpu.memref_squeeze %dma_start3A_54 : memref<1x128x64xf32, #tpu.memory_space<vmem>> -> memref<128x64xf32, #tpu.memory_space<vmem>>
    %dma_start3A_56 = arith.constant 0 : i32
    %dma_start3A_57 = tpu.memref_slice %arg7[%dma_start3A_49, %dma_start3A_56] : memref<80x128xi32, #tpu.memory_space<vmem>> -> memref<1x128xi32, #tpu.memory_space<vmem>>
    %dma_start3A_58 = tpu.memref_squeeze %dma_start3A_57 : memref<1x128xi32, #tpu.memory_space<vmem>> -> memref<128xi32, #tpu.memory_space<vmem>>
    %dma_start3A_59 = arith.constant 0 : i32
    %dma_start3A_60 = arith.constant 0 : i32
    %dma_start3A_61 = tpu.memref_slice %arg2[%dma_start3A_59, %dma_start3A_60] : memref<10240x64xf32, #tpu.memory_space<hbm>> -> memref<10240x64xf32, #tpu.memory_space<hbm>>
    %dma_start3A_62 = tpu.memref_slice %arg10[%dma_start3A_51] : memref<8x!tpu.dma_semaphore, #tpu.memory_space<semaphore_mem>> -> memref<1x!tpu.dma_semaphore, #tpu.memory_space<semaphore_mem>>
    %dma_start3A_63 = tpu.memref_squeeze %dma_start3A_62 : memref<1x!tpu.dma_semaphore, #tpu.memory_space<semaphore_mem>> -> memref<!tpu.dma_semaphore, #tpu.memory_space<semaphore_mem>>
    tpu.enqueue_indirect_dma source(%dma_start3A_61 : memref<10240x64xf32, #tpu.memory_space<hbm>>) target(%dma_start3A_55 : memref<128x64xf32, #tpu.memory_space<vmem>>) offsets(%dma_start3A_58 : memref<128xi32, #tpu.memory_space<vmem>>) semaphore(%dma_start3A_63 : memref<!tpu.dma_semaphore, #tpu.memory_space<semaphore_mem>>)
    %dma_start3A_64 = arith.constant 4 : i32
    %dma_start3A_65 = arith.constant 4 : i32
    %dma_start3A_66 = arith.constant 4 : i32
    %dma_start3A_67 = arith.constant 0 : i32
    %dma_start3A_68 = arith.constant 0 : i32
    %dma_start3A_69 = tpu.memref_slice %arg9[%dma_start3A_65, %dma_start3A_67, %dma_start3A_68] : memref<8x128x64xf32, #tpu.memory_space<vmem>> -> memref<1x128x64xf32, #tpu.memory_space<vmem>>
    %dma_start3A_70 = tpu.memref_squeeze %dma_start3A_69 : memref<1x128x64xf32, #tpu.memory_space<vmem>> -> memref<128x64xf32, #tpu.memory_space<vmem>>
    %dma_start3A_71 = arith.constant 0 : i32
    %dma_start3A_72 = tpu.memref_slice %arg7[%dma_start3A_64, %dma_start3A_71] : memref<80x128xi32, #tpu.memory_space<vmem>> -> memref<1x128xi32, #tpu.memory_space<vmem>>
    %dma_start3A_73 = tpu.memref_squeeze %dma_start3A_72 : memref<1x128xi32, #tpu.memory_space<vmem>> -> memref<128xi32, #tpu.memory_space<vmem>>
    %dma_start3A_74 = arith.constant 0 : i32
    %dma_start3A_75 = arith.constant 0 : i32
    %dma_start3A_76 = tpu.memref_slice %arg2[%dma_start3A_74, %dma_start3A_75] : memref<10240x64xf32, #tpu.memory_space<hbm>> -> memref<10240x64xf32, #tpu.memory_space<hbm>>
    %dma_start3A_77 = tpu.memref_slice %arg10[%dma_start3A_66] : memref<8x!tpu.dma_semaphore, #tpu.memory_space<semaphore_mem>> -> memref<1x!tpu.dma_semaphore, #tpu.memory_space<semaphore_mem>>
    %dma_start3A_78 = tpu.memref_squeeze %dma_start3A_77 : memref<1x!tpu.dma_semaphore, #tpu.memory_space<semaphore_mem>> -> memref<!tpu.dma_semaphore, #tpu.memory_space<semaphore_mem>>
    tpu.enqueue_indirect_dma source(%dma_start3A_76 : memref<10240x64xf32, #tpu.memory_space<hbm>>) target(%dma_start3A_70 : memref<128x64xf32, #tpu.memory_space<vmem>>) offsets(%dma_start3A_73 : memref<128xi32, #tpu.memory_space<vmem>>) semaphore(%dma_start3A_78 : memref<!tpu.dma_semaphore, #tpu.memory_space<semaphore_mem>>)
    %dma_start3A_79 = arith.constant 5 : i32
    %dma_start3A_80 = arith.constant 5 : i32
    %dma_start3A_81 = arith.constant 5 : i32
    %dma_start3A_82 = arith.constant 0 : i32
    %dma_start3A_83 = arith.constant 0 : i32
    %dma_start3A_84 = tpu.memref_slice %arg9[%dma_start3A_80, %dma_start3A_82, %dma_start3A_83] : memref<8x128x64xf32, #tpu.memory_space<vmem>> -> memref<1x128x64xf32, #tpu.memory_space<vmem>>
    %dma_start3A_85 = tpu.memref_squeeze %dma_start3A_84 : memref<1x128x64xf32, #tpu.memory_space<vmem>> -> memref<128x64xf32, #tpu.memory_space<vmem>>
    %dma_start3A_86 = arith.constant 0 : i32
    %dma_start3A_87 = tpu.memref_slice %arg7[%dma_start3A_79, %dma_start3A_86] : memref<80x128xi32, #tpu.memory_space<vmem>> -> memref<1x128xi32, #tpu.memory_space<vmem>>
    %dma_start3A_88 = tpu.memref_squeeze %dma_start3A_87 : memref<1x128xi32, #tpu.memory_space<vmem>> -> memref<128xi32, #tpu.memory_space<vmem>>
    %dma_start3A_89 = arith.constant 0 : i32
    %dma_start3A_90 = arith.constant 0 : i32
    %dma_start3A_91 = tpu.memref_slice %arg2[%dma_start3A_89, %dma_start3A_90] : memref<10240x64xf32, #tpu.memory_space<hbm>> -> memref<10240x64xf32, #tpu.memory_space<hbm>>
    %dma_start3A_92 = tpu.memref_slice %arg10[%dma_start3A_81] : memref<8x!tpu.dma_semaphore, #tpu.memory_space<semaphore_mem>> -> memref<1x!tpu.dma_semaphore, #tpu.memory_space<semaphore_mem>>
    %dma_start3A_93 = tpu.memref_squeeze %dma_start3A_92 : memref<1x!tpu.dma_semaphore, #tpu.memory_space<semaphore_mem>> -> memref<!tpu.dma_semaphore, #tpu.memory_space<semaphore_mem>>
    tpu.enqueue_indirect_dma source(%dma_start3A_91 : memref<10240x64xf32, #tpu.memory_space<hbm>>) target(%dma_start3A_85 : memref<128x64xf32, #tpu.memory_space<vmem>>) offsets(%dma_start3A_88 : memref<128xi32, #tpu.memory_space<vmem>>) semaphore(%dma_start3A_93 : memref<!tpu.dma_semaphore, #tpu.memory_space<semaphore_mem>>)
    %scan3A = arith.constant 0 : i32
    %scan3A_94 = arith.constant 10 : i32
    %scan3A_95 = arith.addi %scan3A, %scan3A_94 : i32
    %scan3A_96 = arith.constant 1 : i32
    scf.for %scan3A_222 = %scan3A to %scan3A_95 step %scan3A_96  : i32 {
      %mul3A_223 = arith.constant 1 : i32
      %mul3A_224 = arith.muli %scan3A_222, %mul3A_223 : i32
      %add3A_225 = arith.constant 0 : i32
      %add3A_226 = arith.addi %add3A_225, %mul3A_224 : i32
      %mul3A_227 = arith.constant 8 : i32
      %mul3A_228 = arith.muli %add3A_226, %mul3A_227 : i32
      %add3A_229 = arith.constant 0 : i32
      %add3A_230 = arith.addi %mul3A_228, %add3A_229 : i32
      %gt3A = arith.constant 0 : i32
      %gt3A_231 = arith.cmpi sgt, %add3A_226, %gt3A : i32
      %convert_element_type3A = arith.extui %gt3A_231 : i1 to i32
      %cond3A = arith.constant 0 : i32
      %cond3A_232 = arith.cmpi ne, %convert_element_type3A, %cond3A : i32
      scf.if %cond3A_232 {
        %sub3A = arith.constant 2 : i32
        %sub3A_551 = arith.subi %add3A_230, %sub3A : i32
        %dma_wait3A_552 = arith.constant 6 : i32
        %dma_wait3A_553 = arith.constant 6 : i32
        %dma_wait3A_554 = arith.constant 0 : i32
        %dma_wait3A_555 = arith.constant 0 : i32
        %dma_wait3A_556 = tpu.memref_slice %arg9[%dma_wait3A_552, %dma_wait3A_554, %dma_wait3A_555] : memref<8x128x64xf32, #tpu.memory_space<vmem>> -> memref<1x128x64xf32, #tpu.memory_space<vmem>>
        %dma_wait3A_557 = tpu.memref_squeeze %dma_wait3A_556 : memref<1x128x64xf32, #tpu.memory_space<vmem>> -> memref<128x64xf32, #tpu.memory_space<vmem>>
        %dma_wait3A_558 = arith.constant 0 : i32
        %dma_wait3A_559 = tpu.memref_slice %arg8[%sub3A_551, %dma_wait3A_558] : memref<80x128xi32, #tpu.memory_space<vmem>> -> memref<1x128xi32, #tpu.memory_space<vmem>>
        %dma_wait3A_560 = tpu.memref_squeeze %dma_wait3A_559 : memref<1x128xi32, #tpu.memory_space<vmem>> -> memref<128xi32, #tpu.memory_space<vmem>>
        %dma_wait3A_561 = arith.constant 0 : i32
        %dma_wait3A_562 = arith.constant 0 : i32
        %dma_wait3A_563 = tpu.memref_slice %arg12[%dma_wait3A_561, %dma_wait3A_562] : memref<10240x64xf32, #tpu.memory_space<vmem_shared>> -> memref<10240x64xf32, #tpu.memory_space<vmem_shared>>
        %dma_wait3A_564 = tpu.memref_slice %arg11[%dma_wait3A_553] : memref<8x!tpu.dma_semaphore, #tpu.memory_space<semaphore_mem>> -> memref<1x!tpu.dma_semaphore, #tpu.memory_space<semaphore_mem>>
        %dma_wait3A_565 = tpu.memref_squeeze %dma_wait3A_564 : memref<1x!tpu.dma_semaphore, #tpu.memory_space<semaphore_mem>> -> memref<!tpu.dma_semaphore, #tpu.memory_space<semaphore_mem>>
        tpu.wait_indirect_dma semaphore(%dma_wait3A_565 : memref<!tpu.dma_semaphore, #tpu.memory_space<semaphore_mem>>) src(%dma_wait3A_557 : memref<128x64xf32, #tpu.memory_space<vmem>>) dst(%dma_wait3A_563 : memref<10240x64xf32, #tpu.memory_space<vmem_shared>>)
      } else {
      }
      %add3A_233 = arith.constant 6 : i32
      %add3A_234 = arith.addi %add3A_230, %add3A_233 : i32
      %dma_start3A_235 = arith.constant 6 : i32
      %dma_start3A_236 = arith.constant 6 : i32
      %dma_start3A_237 = arith.constant 0 : i32
      %dma_start3A_238 = arith.constant 0 : i32
      %dma_start3A_239 = tpu.memref_slice %arg9[%dma_start3A_235, %dma_start3A_237, %dma_start3A_238] : memref<8x128x64xf32, #tpu.memory_space<vmem>> -> memref<1x128x64xf32, #tpu.memory_space<vmem>>
      %dma_start3A_240 = tpu.memref_squeeze %dma_start3A_239 : memref<1x128x64xf32, #tpu.memory_space<vmem>> -> memref<128x64xf32, #tpu.memory_space<vmem>>
      %dma_start3A_241 = arith.constant 0 : i32
      %dma_start3A_242 = tpu.memref_slice %arg7[%add3A_234, %dma_start3A_241] : memref<80x128xi32, #tpu.memory_space<vmem>> -> memref<1x128xi32, #tpu.memory_space<vmem>>
      %dma_start3A_243 = tpu.memref_squeeze %dma_start3A_242 : memref<1x128xi32, #tpu.memory_space<vmem>> -> memref<128xi32, #tpu.memory_space<vmem>>
      %dma_start3A_244 = arith.constant 0 : i32
      %dma_start3A_245 = arith.constant 0 : i32
      %dma_start3A_246 = tpu.memref_slice %arg2[%dma_start3A_244, %dma_start3A_245] : memref<10240x64xf32, #tpu.memory_space<hbm>> -> memref<10240x64xf32, #tpu.memory_space<hbm>>
      %dma_start3A_247 = tpu.memref_slice %arg10[%dma_start3A_236] : memref<8x!tpu.dma_semaphore, #tpu.memory_space<semaphore_mem>> -> memref<1x!tpu.dma_semaphore, #tpu.memory_space<semaphore_mem>>
      %dma_start3A_248 = tpu.memref_squeeze %dma_start3A_247 : memref<1x!tpu.dma_semaphore, #tpu.memory_space<semaphore_mem>> -> memref<!tpu.dma_semaphore, #tpu.memory_space<semaphore_mem>>
      tpu.enqueue_indirect_dma source(%dma_start3A_246 : memref<10240x64xf32, #tpu.memory_space<hbm>>) target(%dma_start3A_240 : memref<128x64xf32, #tpu.memory_space<vmem>>) offsets(%dma_start3A_243 : memref<128xi32, #tpu.memory_space<vmem>>) semaphore(%dma_start3A_248 : memref<!tpu.dma_semaphore, #tpu.memory_space<semaphore_mem>>)
      %dma_wait3A_249 = arith.constant 0 : i32
      %dma_wait3A_250 = arith.constant 0 : i32
      %dma_wait3A_251 = arith.constant 0 : i32
      %dma_wait3A_252 = arith.constant 0 : i32
      %dma_wait3A_253 = tpu.memref_slice %arg9[%dma_wait3A_249, %dma_wait3A_251, %dma_wait3A_252] : memref<8x128x64xf32, #tpu.memory_space<vmem>> -> memref<1x128x64xf32, #tpu.memory_space<vmem>>
      %dma_wait3A_254 = tpu.memref_squeeze %dma_wait3A_253 : memref<1x128x64xf32, #tpu.memory_space<vmem>> -> memref<128x64xf32, #tpu.memory_space<vmem>>
      %dma_wait3A_255 = arith.constant 0 : i32
      %dma_wait3A_256 = tpu.memref_slice %arg7[%add3A_230, %dma_wait3A_255] : memref<80x128xi32, #tpu.memory_space<vmem>> -> memref<1x128xi32, #tpu.memory_space<vmem>>
      %dma_wait3A_257 = tpu.memref_squeeze %dma_wait3A_256 : memref<1x128xi32, #tpu.memory_space<vmem>> -> memref<128xi32, #tpu.memory_space<vmem>>
      %dma_wait3A_258 = arith.constant 0 : i32
      %dma_wait3A_259 = arith.constant 0 : i32
      %dma_wait3A_260 = tpu.memref_slice %arg2[%dma_wait3A_258, %dma_wait3A_259] : memref<10240x64xf32, #tpu.memory_space<hbm>> -> memref<10240x64xf32, #tpu.memory_space<hbm>>
      %dma_wait3A_261 = tpu.memref_slice %arg10[%dma_wait3A_250] : memref<8x!tpu.dma_semaphore, #tpu.memory_space<semaphore_mem>> -> memref<1x!tpu.dma_semaphore, #tpu.memory_space<semaphore_mem>>
      %dma_wait3A_262 = tpu.memref_squeeze %dma_wait3A_261 : memref<1x!tpu.dma_semaphore, #tpu.memory_space<semaphore_mem>> -> memref<!tpu.dma_semaphore, #tpu.memory_space<semaphore_mem>>
      tpu.wait_indirect_dma semaphore(%dma_wait3A_262 : memref<!tpu.dma_semaphore, #tpu.memory_space<semaphore_mem>>) src(%dma_wait3A_260 : memref<10240x64xf32, #tpu.memory_space<hbm>>) dst(%dma_wait3A_254 : memref<128x64xf32, #tpu.memory_space<vmem>>)
      %dma_start3A_263 = arith.constant 0 : i32
      %dma_start3A_264 = arith.constant 0 : i32
      %dma_start3A_265 = arith.constant 0 : i32
      %dma_start3A_266 = arith.constant 0 : i32
      %dma_start3A_267 = tpu.memref_slice %arg9[%dma_start3A_263, %dma_start3A_265, %dma_start3A_266] : memref<8x128x64xf32, #tpu.memory_space<vmem>> -> memref<1x128x64xf32, #tpu.memory_space<vmem>>
      %dma_start3A_268 = tpu.memref_squeeze %dma_start3A_267 : memref<1x128x64xf32, #tpu.memory_space<vmem>> -> memref<128x64xf32, #tpu.memory_space<vmem>>
      %dma_start3A_269 = arith.constant 0 : i32
      %dma_start3A_270 = tpu.memref_slice %arg8[%add3A_230, %dma_start3A_269] : memref<80x128xi32, #tpu.memory_space<vmem>> -> memref<1x128xi32, #tpu.memory_space<vmem>>
      %dma_start3A_271 = tpu.memref_squeeze %dma_start3A_270 : memref<1x128xi32, #tpu.memory_space<vmem>> -> memref<128xi32, #tpu.memory_space<vmem>>
      %dma_start3A_272 = arith.constant 0 : i32
      %dma_start3A_273 = arith.constant 0 : i32
      %dma_start3A_274 = tpu.memref_slice %arg12[%dma_start3A_272, %dma_start3A_273] : memref<10240x64xf32, #tpu.memory_space<vmem_shared>> -> memref<10240x64xf32, #tpu.memory_space<vmem_shared>>
      %dma_start3A_275 = tpu.memref_slice %arg11[%dma_start3A_264] : memref<8x!tpu.dma_semaphore, #tpu.memory_space<semaphore_mem>> -> memref<1x!tpu.dma_semaphore, #tpu.memory_space<semaphore_mem>>
      %dma_start3A_276 = tpu.memref_squeeze %dma_start3A_275 : memref<1x!tpu.dma_semaphore, #tpu.memory_space<semaphore_mem>> -> memref<!tpu.dma_semaphore, #tpu.memory_space<semaphore_mem>>
      tpu.enqueue_indirect_dma source(%dma_start3A_268 : memref<128x64xf32, #tpu.memory_space<vmem>>) target(%dma_start3A_274 : memref<10240x64xf32, #tpu.memory_space<vmem_shared>>) offsets(%dma_start3A_271 : memref<128xi32, #tpu.memory_space<vmem>>) semaphore(%dma_start3A_276 : memref<!tpu.dma_semaphore, #tpu.memory_space<semaphore_mem>>) {add = true}
      %mul3A_277 = arith.constant 8 : i32
      %mul3A_278 = arith.muli %add3A_226, %mul3A_277 : i32
      %add3A_279 = arith.constant 1 : i32
      %add3A_280 = arith.addi %mul3A_278, %add3A_279 : i32
      %gt3A_281 = arith.constant 0 : i32
      %gt3A_282 = arith.cmpi sgt, %add3A_226, %gt3A_281 : i32
      %convert_element_type3A_283 = arith.extui %gt3A_282 : i1 to i32
      %cond3A_284 = arith.constant 0 : i32
      %cond3A_285 = arith.cmpi ne, %convert_element_type3A_283, %cond3A_284 : i32
      scf.if %cond3A_285 {
        %sub3A = arith.constant 2 : i32
        %sub3A_551 = arith.subi %add3A_280, %sub3A : i32
        %dma_wait3A_552 = arith.constant 7 : i32
        %dma_wait3A_553 = arith.constant 7 : i32
        %dma_wait3A_554 = arith.constant 0 : i32
        %dma_wait3A_555 = arith.constant 0 : i32
        %dma_wait3A_556 = tpu.memref_slice %arg9[%dma_wait3A_552, %dma_wait3A_554, %dma_wait3A_555] : memref<8x128x64xf32, #tpu.memory_space<vmem>> -> memref<1x128x64xf32, #tpu.memory_space<vmem>>
        %dma_wait3A_557 = tpu.memref_squeeze %dma_wait3A_556 : memref<1x128x64xf32, #tpu.memory_space<vmem>> -> memref<128x64xf32, #tpu.memory_space<vmem>>
        %dma_wait3A_558 = arith.constant 0 : i32
        %dma_wait3A_559 = tpu.memref_slice %arg8[%sub3A_551, %dma_wait3A_558] : memref<80x128xi32, #tpu.memory_space<vmem>> -> memref<1x128xi32, #tpu.memory_space<vmem>>
        %dma_wait3A_560 = tpu.memref_squeeze %dma_wait3A_559 : memref<1x128xi32, #tpu.memory_space<vmem>> -> memref<128xi32, #tpu.memory_space<vmem>>
        %dma_wait3A_561 = arith.constant 0 : i32
        %dma_wait3A_562 = arith.constant 0 : i32
        %dma_wait3A_563 = tpu.memref_slice %arg12[%dma_wait3A_561, %dma_wait3A_562] : memref<10240x64xf32, #tpu.memory_space<vmem_shared>> -> memref<10240x64xf32, #tpu.memory_space<vmem_shared>>
        %dma_wait3A_564 = tpu.memref_slice %arg11[%dma_wait3A_553] : memref<8x!tpu.dma_semaphore, #tpu.memory_space<semaphore_mem>> -> memref<1x!tpu.dma_semaphore, #tpu.memory_space<semaphore_mem>>
        %dma_wait3A_565 = tpu.memref_squeeze %dma_wait3A_564 : memref<1x!tpu.dma_semaphore, #tpu.memory_space<semaphore_mem>> -> memref<!tpu.dma_semaphore, #tpu.memory_space<semaphore_mem>>
        tpu.wait_indirect_dma semaphore(%dma_wait3A_565 : memref<!tpu.dma_semaphore, #tpu.memory_space<semaphore_mem>>) src(%dma_wait3A_557 : memref<128x64xf32, #tpu.memory_space<vmem>>) dst(%dma_wait3A_563 : memref<10240x64xf32, #tpu.memory_space<vmem_shared>>)
      } else {
      }
      %add3A_286 = arith.constant 6 : i32
      %add3A_287 = arith.addi %add3A_280, %add3A_286 : i32
      %dma_start3A_288 = arith.constant 7 : i32
      %dma_start3A_289 = arith.constant 7 : i32
      %dma_start3A_290 = arith.constant 0 : i32
      %dma_start3A_291 = arith.constant 0 : i32
      %dma_start3A_292 = tpu.memref_slice %arg9[%dma_start3A_288, %dma_start3A_290, %dma_start3A_291] : memref<8x128x64xf32, #tpu.memory_space<vmem>> -> memref<1x128x64xf32, #tpu.memory_space<vmem>>
      %dma_start3A_293 = tpu.memref_squeeze %dma_start3A_292 : memref<1x128x64xf32, #tpu.memory_space<vmem>> -> memref<128x64xf32, #tpu.memory_space<vmem>>
      %dma_start3A_294 = arith.constant 0 : i32
      %dma_start3A_295 = tpu.memref_slice %arg7[%add3A_287, %dma_start3A_294] : memref<80x128xi32, #tpu.memory_space<vmem>> -> memref<1x128xi32, #tpu.memory_space<vmem>>
      %dma_start3A_296 = tpu.memref_squeeze %dma_start3A_295 : memref<1x128xi32, #tpu.memory_space<vmem>> -> memref<128xi32, #tpu.memory_space<vmem>>
      %dma_start3A_297 = arith.constant 0 : i32
      %dma_start3A_298 = arith.constant 0 : i32
      %dma_start3A_299 = tpu.memref_slice %arg2[%dma_start3A_297, %dma_start3A_298] : memref<10240x64xf32, #tpu.memory_space<hbm>> -> memref<10240x64xf32, #tpu.memory_space<hbm>>
      %dma_start3A_300 = tpu.memref_slice %arg10[%dma_start3A_289] : memref<8x!tpu.dma_semaphore, #tpu.memory_space<semaphore_mem>> -> memref<1x!tpu.dma_semaphore, #tpu.memory_space<semaphore_mem>>
      %dma_start3A_301 = tpu.memref_squeeze %dma_start3A_300 : memref<1x!tpu.dma_semaphore, #tpu.memory_space<semaphore_mem>> -> memref<!tpu.dma_semaphore, #tpu.memory_space<semaphore_mem>>
      tpu.enqueue_indirect_dma source(%dma_start3A_299 : memref<10240x64xf32, #tpu.memory_space<hbm>>) target(%dma_start3A_293 : memref<128x64xf32, #tpu.memory_space<vmem>>) offsets(%dma_start3A_296 : memref<128xi32, #tpu.memory_space<vmem>>) semaphore(%dma_start3A_301 : memref<!tpu.dma_semaphore, #tpu.memory_space<semaphore_mem>>)
      %dma_wait3A_302 = arith.constant 1 : i32
      %dma_wait3A_303 = arith.constant 1 : i32
      %dma_wait3A_304 = arith.constant 0 : i32
      %dma_wait3A_305 = arith.constant 0 : i32
      %dma_wait3A_306 = tpu.memref_slice %arg9[%dma_wait3A_302, %dma_wait3A_304, %dma_wait3A_305] : memref<8x128x64xf32, #tpu.memory_space<vmem>> -> memref<1x128x64xf32, #tpu.memory_space<vmem>>
      %dma_wait3A_307 = tpu.memref_squeeze %dma_wait3A_306 : memref<1x128x64xf32, #tpu.memory_space<vmem>> -> memref<128x64xf32, #tpu.memory_space<vmem>>
      %dma_wait3A_308 = arith.constant 0 : i32
      %dma_wait3A_309 = tpu.memref_slice %arg7[%add3A_280, %dma_wait3A_308] : memref<80x128xi32, #tpu.memory_space<vmem>> -> memref<1x128xi32, #tpu.memory_space<vmem>>
      %dma_wait3A_310 = tpu.memref_squeeze %dma_wait3A_309 : memref<1x128xi32, #tpu.memory_space<vmem>> -> memref<128xi32, #tpu.memory_space<vmem>>
      %dma_wait3A_311 = arith.constant 0 : i32
      %dma_wait3A_312 = arith.constant 0 : i32
      %dma_wait3A_313 = tpu.memref_slice %arg2[%dma_wait3A_311, %dma_wait3A_312] : memref<10240x64xf32, #tpu.memory_space<hbm>> -> memref<10240x64xf32, #tpu.memory_space<hbm>>
      %dma_wait3A_314 = tpu.memref_slice %arg10[%dma_wait3A_303] : memref<8x!tpu.dma_semaphore, #tpu.memory_space<semaphore_mem>> -> memref<1x!tpu.dma_semaphore, #tpu.memory_space<semaphore_mem>>
      %dma_wait3A_315 = tpu.memref_squeeze %dma_wait3A_314 : memref<1x!tpu.dma_semaphore, #tpu.memory_space<semaphore_mem>> -> memref<!tpu.dma_semaphore, #tpu.memory_space<semaphore_mem>>
      tpu.wait_indirect_dma semaphore(%dma_wait3A_315 : memref<!tpu.dma_semaphore, #tpu.memory_space<semaphore_mem>>) src(%dma_wait3A_313 : memref<10240x64xf32, #tpu.memory_space<hbm>>) dst(%dma_wait3A_307 : memref<128x64xf32, #tpu.memory_space<vmem>>)
      %dma_start3A_316 = arith.constant 1 : i32
      %dma_start3A_317 = arith.constant 1 : i32
      %dma_start3A_318 = arith.constant 0 : i32
      %dma_start3A_319 = arith.constant 0 : i32
      %dma_start3A_320 = tpu.memref_slice %arg9[%dma_start3A_316, %dma_start3A_318, %dma_start3A_319] : memref<8x128x64xf32, #tpu.memory_space<vmem>> -> memref<1x128x64xf32, #tpu.memory_space<vmem>>
      %dma_start3A_321 = tpu.memref_squeeze %dma_start3A_320 : memref<1x128x64xf32, #tpu.memory_space<vmem>> -> memref<128x64xf32, #tpu.memory_space<vmem>>
      %dma_start3A_322 = arith.constant 0 : i32
      %dma_start3A_323 = tpu.memref_slice %arg8[%add3A_280, %dma_start3A_322] : memref<80x128xi32, #tpu.memory_space<vmem>> -> memref<1x128xi32, #tpu.memory_space<vmem>>
      %dma_start3A_324 = tpu.memref_squeeze %dma_start3A_323 : memref<1x128xi32, #tpu.memory_space<vmem>> -> memref<128xi32, #tpu.memory_space<vmem>>
      %dma_start3A_325 = arith.constant 0 : i32
      %dma_start3A_326 = arith.constant 0 : i32
      %dma_start3A_327 = tpu.memref_slice %arg12[%dma_start3A_325, %dma_start3A_326] : memref<10240x64xf32, #tpu.memory_space<vmem_shared>> -> memref<10240x64xf32, #tpu.memory_space<vmem_shared>>
      %dma_start3A_328 = tpu.memref_slice %arg11[%dma_start3A_317] : memref<8x!tpu.dma_semaphore, #tpu.memory_space<semaphore_mem>> -> memref<1x!tpu.dma_semaphore, #tpu.memory_space<semaphore_mem>>
      %dma_start3A_329 = tpu.memref_squeeze %dma_start3A_328 : memref<1x!tpu.dma_semaphore, #tpu.memory_space<semaphore_mem>> -> memref<!tpu.dma_semaphore, #tpu.memory_space<semaphore_mem>>
      tpu.enqueue_indirect_dma source(%dma_start3A_321 : memref<128x64xf32, #tpu.memory_space<vmem>>) target(%dma_start3A_327 : memref<10240x64xf32, #tpu.memory_space<vmem_shared>>) offsets(%dma_start3A_324 : memref<128xi32, #tpu.memory_space<vmem>>) semaphore(%dma_start3A_329 : memref<!tpu.dma_semaphore, #tpu.memory_space<semaphore_mem>>) {add = true}
      %mul3A_330 = arith.constant 8 : i32
      %mul3A_331 = arith.muli %add3A_226, %mul3A_330 : i32
      %add3A_332 = arith.constant 2 : i32
      %add3A_333 = arith.addi %mul3A_331, %add3A_332 : i32
      %lt3A = arith.constant 9 : i32
      %lt3A_334 = arith.cmpi slt, %add3A_226, %lt3A : i32
      %convert_element_type3A_335 = arith.extui %lt3A_334 : i1 to i32
      %cond3A_336 = arith.constant 0 : i32
      %cond3A_337 = arith.cmpi ne, %convert_element_type3A_335, %cond3A_336 : i32
      scf.if %cond3A_337 {
        %sub3A = arith.constant 2 : i32
        %sub3A_551 = arith.subi %add3A_333, %sub3A : i32
        %dma_wait3A_552 = arith.constant 0 : i32
        %dma_wait3A_553 = arith.constant 0 : i32
        %dma_wait3A_554 = arith.constant 0 : i32
        %dma_wait3A_555 = arith.constant 0 : i32
        %dma_wait3A_556 = tpu.memref_slice %arg9[%dma_wait3A_552, %dma_wait3A_554, %dma_wait3A_555] : memref<8x128x64xf32, #tpu.memory_space<vmem>> -> memref<1x128x64xf32, #tpu.memory_space<vmem>>
        %dma_wait3A_557 = tpu.memref_squeeze %dma_wait3A_556 : memref<1x128x64xf32, #tpu.memory_space<vmem>> -> memref<128x64xf32, #tpu.memory_space<vmem>>
        %dma_wait3A_558 = arith.constant 0 : i32
        %dma_wait3A_559 = tpu.memref_slice %arg8[%sub3A_551, %dma_wait3A_558] : memref<80x128xi32, #tpu.memory_space<vmem>> -> memref<1x128xi32, #tpu.memory_space<vmem>>
        %dma_wait3A_560 = tpu.memref_squeeze %dma_wait3A_559 : memref<1x128xi32, #tpu.memory_space<vmem>> -> memref<128xi32, #tpu.memory_space<vmem>>
        %dma_wait3A_561 = arith.constant 0 : i32
        %dma_wait3A_562 = arith.constant 0 : i32
        %dma_wait3A_563 = tpu.memref_slice %arg12[%dma_wait3A_561, %dma_wait3A_562] : memref<10240x64xf32, #tpu.memory_space<vmem_shared>> -> memref<10240x64xf32, #tpu.memory_space<vmem_shared>>
        %dma_wait3A_564 = tpu.memref_slice %arg11[%dma_wait3A_553] : memref<8x!tpu.dma_semaphore, #tpu.memory_space<semaphore_mem>> -> memref<1x!tpu.dma_semaphore, #tpu.memory_space<semaphore_mem>>
        %dma_wait3A_565 = tpu.memref_squeeze %dma_wait3A_564 : memref<1x!tpu.dma_semaphore, #tpu.memory_space<semaphore_mem>> -> memref<!tpu.dma_semaphore, #tpu.memory_space<semaphore_mem>>
        tpu.wait_indirect_dma semaphore(%dma_wait3A_565 : memref<!tpu.dma_semaphore, #tpu.memory_space<semaphore_mem>>) src(%dma_wait3A_557 : memref<128x64xf32, #tpu.memory_space<vmem>>) dst(%dma_wait3A_563 : memref<10240x64xf32, #tpu.memory_space<vmem_shared>>)
        %add3A_566 = arith.constant 6 : i32
        %add3A_567 = arith.addi %add3A_333, %add3A_566 : i32
        %dma_start3A_568 = arith.constant 0 : i32
        %dma_start3A_569 = arith.constant 0 : i32
        %dma_start3A_570 = arith.constant 0 : i32
        %dma_start3A_571 = arith.constant 0 : i32
        %dma_start3A_572 = tpu.memref_slice %arg9[%dma_start3A_568, %dma_start3A_570, %dma_start3A_571] : memref<8x128x64xf32, #tpu.memory_space<vmem>> -> memref<1x128x64xf32, #tpu.memory_space<vmem>>
        %dma_start3A_573 = tpu.memref_squeeze %dma_start3A_572 : memref<1x128x64xf32, #tpu.memory_space<vmem>> -> memref<128x64xf32, #tpu.memory_space<vmem>>
        %dma_start3A_574 = arith.constant 0 : i32
        %dma_start3A_575 = tpu.memref_slice %arg7[%add3A_567, %dma_start3A_574] : memref<80x128xi32, #tpu.memory_space<vmem>> -> memref<1x128xi32, #tpu.memory_space<vmem>>
        %dma_start3A_576 = tpu.memref_squeeze %dma_start3A_575 : memref<1x128xi32, #tpu.memory_space<vmem>> -> memref<128xi32, #tpu.memory_space<vmem>>
        %dma_start3A_577 = arith.constant 0 : i32
        %dma_start3A_578 = arith.constant 0 : i32
        %dma_start3A_579 = tpu.memref_slice %arg2[%dma_start3A_577, %dma_start3A_578] : memref<10240x64xf32, #tpu.memory_space<hbm>> -> memref<10240x64xf32, #tpu.memory_space<hbm>>
        %dma_start3A_580 = tpu.memref_slice %arg10[%dma_start3A_569] : memref<8x!tpu.dma_semaphore, #tpu.memory_space<semaphore_mem>> -> memref<1x!tpu.dma_semaphore, #tpu.memory_space<semaphore_mem>>
        %dma_start3A_581 = tpu.memref_squeeze %dma_start3A_580 : memref<1x!tpu.dma_semaphore, #tpu.memory_space<semaphore_mem>> -> memref<!tpu.dma_semaphore, #tpu.memory_space<semaphore_mem>>
        tpu.enqueue_indirect_dma source(%dma_start3A_579 : memref<10240x64xf32, #tpu.memory_space<hbm>>) target(%dma_start3A_573 : memref<128x64xf32, #tpu.memory_space<vmem>>) offsets(%dma_start3A_576 : memref<128xi32, #tpu.memory_space<vmem>>) semaphore(%dma_start3A_581 : memref<!tpu.dma_semaphore, #tpu.memory_space<semaphore_mem>>)
      } else {
      }
      %dma_wait3A_338 = arith.constant 2 : i32
      %dma_wait3A_339 = arith.constant 2 : i32
      %dma_wait3A_340 = arith.constant 0 : i32
      %dma_wait3A_341 = arith.constant 0 : i32
      %dma_wait3A_342 = tpu.memref_slice %arg9[%dma_wait3A_338, %dma_wait3A_340, %dma_wait3A_341] : memref<8x128x64xf32, #tpu.memory_space<vmem>> -> memref<1x128x64xf32, #tpu.memory_space<vmem>>
      %dma_wait3A_343 = tpu.memref_squeeze %dma_wait3A_342 : memref<1x128x64xf32, #tpu.memory_space<vmem>> -> memref<128x64xf32, #tpu.memory_space<vmem>>
      %dma_wait3A_344 = arith.constant 0 : i32
      %dma_wait3A_345 = tpu.memref_slice %arg7[%add3A_333, %dma_wait3A_344] : memref<80x128xi32, #tpu.memory_space<vmem>> -> memref<1x128xi32, #tpu.memory_space<vmem>>
      %dma_wait3A_346 = tpu.memref_squeeze %dma_wait3A_345 : memref<1x128xi32, #tpu.memory_space<vmem>> -> memref<128xi32, #tpu.memory_space<vmem>>
      %dma_wait3A_347 = arith.constant 0 : i32
      %dma_wait3A_348 = arith.constant 0 : i32
      %dma_wait3A_349 = tpu.memref_slice %arg2[%dma_wait3A_347, %dma_wait3A_348] : memref<10240x64xf32, #tpu.memory_space<hbm>> -> memref<10240x64xf32, #tpu.memory_space<hbm>>
      %dma_wait3A_350 = tpu.memref_slice %arg10[%dma_wait3A_339] : memref<8x!tpu.dma_semaphore, #tpu.memory_space<semaphore_mem>> -> memref<1x!tpu.dma_semaphore, #tpu.memory_space<semaphore_mem>>
      %dma_wait3A_351 = tpu.memref_squeeze %dma_wait3A_350 : memref<1x!tpu.dma_semaphore, #tpu.memory_space<semaphore_mem>> -> memref<!tpu.dma_semaphore, #tpu.memory_space<semaphore_mem>>
      tpu.wait_indirect_dma semaphore(%dma_wait3A_351 : memref<!tpu.dma_semaphore, #tpu.memory_space<semaphore_mem>>) src(%dma_wait3A_349 : memref<10240x64xf32, #tpu.memory_space<hbm>>) dst(%dma_wait3A_343 : memref<128x64xf32, #tpu.memory_space<vmem>>)
      %dma_start3A_352 = arith.constant 2 : i32
      %dma_start3A_353 = arith.constant 2 : i32
      %dma_start3A_354 = arith.constant 0 : i32
      %dma_start3A_355 = arith.constant 0 : i32
      %dma_start3A_356 = tpu.memref_slice %arg9[%dma_start3A_352, %dma_start3A_354, %dma_start3A_355] : memref<8x128x64xf32, #tpu.memory_space<vmem>> -> memref<1x128x64xf32, #tpu.memory_space<vmem>>
      %dma_start3A_357 = tpu.memref_squeeze %dma_start3A_356 : memref<1x128x64xf32, #tpu.memory_space<vmem>> -> memref<128x64xf32, #tpu.memory_space<vmem>>
      %dma_start3A_358 = arith.constant 0 : i32
      %dma_start3A_359 = tpu.memref_slice %arg8[%add3A_333, %dma_start3A_358] : memref<80x128xi32, #tpu.memory_space<vmem>> -> memref<1x128xi32, #tpu.memory_space<vmem>>
      %dma_start3A_360 = tpu.memref_squeeze %dma_start3A_359 : memref<1x128xi32, #tpu.memory_space<vmem>> -> memref<128xi32, #tpu.memory_space<vmem>>
      %dma_start3A_361 = arith.constant 0 : i32
      %dma_start3A_362 = arith.constant 0 : i32
      %dma_start3A_363 = tpu.memref_slice %arg12[%dma_start3A_361, %dma_start3A_362] : memref<10240x64xf32, #tpu.memory_space<vmem_shared>> -> memref<10240x64xf32, #tpu.memory_space<vmem_shared>>
      %dma_start3A_364 = tpu.memref_slice %arg11[%dma_start3A_353] : memref<8x!tpu.dma_semaphore, #tpu.memory_space<semaphore_mem>> -> memref<1x!tpu.dma_semaphore, #tpu.memory_space<semaphore_mem>>
      %dma_start3A_365 = tpu.memref_squeeze %dma_start3A_364 : memref<1x!tpu.dma_semaphore, #tpu.memory_space<semaphore_mem>> -> memref<!tpu.dma_semaphore, #tpu.memory_space<semaphore_mem>>
      tpu.enqueue_indirect_dma source(%dma_start3A_357 : memref<128x64xf32, #tpu.memory_space<vmem>>) target(%dma_start3A_363 : memref<10240x64xf32, #tpu.memory_space<vmem_shared>>) offsets(%dma_start3A_360 : memref<128xi32, #tpu.memory_space<vmem>>) semaphore(%dma_start3A_365 : memref<!tpu.dma_semaphore, #tpu.memory_space<semaphore_mem>>) {add = true}
      %mul3A_366 = arith.constant 8 : i32
      %mul3A_367 = arith.muli %add3A_226, %mul3A_366 : i32
      %add3A_368 = arith.constant 3 : i32
      %add3A_369 = arith.addi %mul3A_367, %add3A_368 : i32
      %lt3A_370 = arith.constant 9 : i32
      %lt3A_371 = arith.cmpi slt, %add3A_226, %lt3A_370 : i32
      %convert_element_type3A_372 = arith.extui %lt3A_371 : i1 to i32
      %cond3A_373 = arith.constant 0 : i32
      %cond3A_374 = arith.cmpi ne, %convert_element_type3A_372, %cond3A_373 : i32
      scf.if %cond3A_374 {
        %sub3A = arith.constant 2 : i32
        %sub3A_551 = arith.subi %add3A_369, %sub3A : i32
        %dma_wait3A_552 = arith.constant 1 : i32
        %dma_wait3A_553 = arith.constant 1 : i32
        %dma_wait3A_554 = arith.constant 0 : i32
        %dma_wait3A_555 = arith.constant 0 : i32
        %dma_wait3A_556 = tpu.memref_slice %arg9[%dma_wait3A_552, %dma_wait3A_554, %dma_wait3A_555] : memref<8x128x64xf32, #tpu.memory_space<vmem>> -> memref<1x128x64xf32, #tpu.memory_space<vmem>>
        %dma_wait3A_557 = tpu.memref_squeeze %dma_wait3A_556 : memref<1x128x64xf32, #tpu.memory_space<vmem>> -> memref<128x64xf32, #tpu.memory_space<vmem>>
        %dma_wait3A_558 = arith.constant 0 : i32
        %dma_wait3A_559 = tpu.memref_slice %arg8[%sub3A_551, %dma_wait3A_558] : memref<80x128xi32, #tpu.memory_space<vmem>> -> memref<1x128xi32, #tpu.memory_space<vmem>>
        %dma_wait3A_560 = tpu.memref_squeeze %dma_wait3A_559 : memref<1x128xi32, #tpu.memory_space<vmem>> -> memref<128xi32, #tpu.memory_space<vmem>>
        %dma_wait3A_561 = arith.constant 0 : i32
        %dma_wait3A_562 = arith.constant 0 : i32
        %dma_wait3A_563 = tpu.memref_slice %arg12[%dma_wait3A_561, %dma_wait3A_562] : memref<10240x64xf32, #tpu.memory_space<vmem_shared>> -> memref<10240x64xf32, #tpu.memory_space<vmem_shared>>
        %dma_wait3A_564 = tpu.memref_slice %arg11[%dma_wait3A_553] : memref<8x!tpu.dma_semaphore, #tpu.memory_space<semaphore_mem>> -> memref<1x!tpu.dma_semaphore, #tpu.memory_space<semaphore_mem>>
        %dma_wait3A_565 = tpu.memref_squeeze %dma_wait3A_564 : memref<1x!tpu.dma_semaphore, #tpu.memory_space<semaphore_mem>> -> memref<!tpu.dma_semaphore, #tpu.memory_space<semaphore_mem>>
        tpu.wait_indirect_dma semaphore(%dma_wait3A_565 : memref<!tpu.dma_semaphore, #tpu.memory_space<semaphore_mem>>) src(%dma_wait3A_557 : memref<128x64xf32, #tpu.memory_space<vmem>>) dst(%dma_wait3A_563 : memref<10240x64xf32, #tpu.memory_space<vmem_shared>>)
        %add3A_566 = arith.constant 6 : i32
        %add3A_567 = arith.addi %add3A_369, %add3A_566 : i32
        %dma_start3A_568 = arith.constant 1 : i32
        %dma_start3A_569 = arith.constant 1 : i32
        %dma_start3A_570 = arith.constant 0 : i32
        %dma_start3A_571 = arith.constant 0 : i32
        %dma_start3A_572 = tpu.memref_slice %arg9[%dma_start3A_568, %dma_start3A_570, %dma_start3A_571] : memref<8x128x64xf32, #tpu.memory_space<vmem>> -> memref<1x128x64xf32, #tpu.memory_space<vmem>>
        %dma_start3A_573 = tpu.memref_squeeze %dma_start3A_572 : memref<1x128x64xf32, #tpu.memory_space<vmem>> -> memref<128x64xf32, #tpu.memory_space<vmem>>
        %dma_start3A_574 = arith.constant 0 : i32
        %dma_start3A_575 = tpu.memref_slice %arg7[%add3A_567, %dma_start3A_574] : memref<80x128xi32, #tpu.memory_space<vmem>> -> memref<1x128xi32, #tpu.memory_space<vmem>>
        %dma_start3A_576 = tpu.memref_squeeze %dma_start3A_575 : memref<1x128xi32, #tpu.memory_space<vmem>> -> memref<128xi32, #tpu.memory_space<vmem>>
        %dma_start3A_577 = arith.constant 0 : i32
        %dma_start3A_578 = arith.constant 0 : i32
        %dma_start3A_579 = tpu.memref_slice %arg2[%dma_start3A_577, %dma_start3A_578] : memref<10240x64xf32, #tpu.memory_space<hbm>> -> memref<10240x64xf32, #tpu.memory_space<hbm>>
        %dma_start3A_580 = tpu.memref_slice %arg10[%dma_start3A_569] : memref<8x!tpu.dma_semaphore, #tpu.memory_space<semaphore_mem>> -> memref<1x!tpu.dma_semaphore, #tpu.memory_space<semaphore_mem>>
        %dma_start3A_581 = tpu.memref_squeeze %dma_start3A_580 : memref<1x!tpu.dma_semaphore, #tpu.memory_space<semaphore_mem>> -> memref<!tpu.dma_semaphore, #tpu.memory_space<semaphore_mem>>
        tpu.enqueue_indirect_dma source(%dma_start3A_579 : memref<10240x64xf32, #tpu.memory_space<hbm>>) target(%dma_start3A_573 : memref<128x64xf32, #tpu.memory_space<vmem>>) offsets(%dma_start3A_576 : memref<128xi32, #tpu.memory_space<vmem>>) semaphore(%dma_start3A_581 : memref<!tpu.dma_semaphore, #tpu.memory_space<semaphore_mem>>)
      } else {
      }
      %dma_wait3A_375 = arith.constant 3 : i32
      %dma_wait3A_376 = arith.constant 3 : i32
      %dma_wait3A_377 = arith.constant 0 : i32
      %dma_wait3A_378 = arith.constant 0 : i32
      %dma_wait3A_379 = tpu.memref_slice %arg9[%dma_wait3A_375, %dma_wait3A_377, %dma_wait3A_378] : memref<8x128x64xf32, #tpu.memory_space<vmem>> -> memref<1x128x64xf32, #tpu.memory_space<vmem>>
      %dma_wait3A_380 = tpu.memref_squeeze %dma_wait3A_379 : memref<1x128x64xf32, #tpu.memory_space<vmem>> -> memref<128x64xf32, #tpu.memory_space<vmem>>
      %dma_wait3A_381 = arith.constant 0 : i32
      %dma_wait3A_382 = tpu.memref_slice %arg7[%add3A_369, %dma_wait3A_381] : memref<80x128xi32, #tpu.memory_space<vmem>> -> memref<1x128xi32, #tpu.memory_space<vmem>>
      %dma_wait3A_383 = tpu.memref_squeeze %dma_wait3A_382 : memref<1x128xi32, #tpu.memory_space<vmem>> -> memref<128xi32, #tpu.memory_space<vmem>>
      %dma_wait3A_384 = arith.constant 0 : i32
      %dma_wait3A_385 = arith.constant 0 : i32
      %dma_wait3A_386 = tpu.memref_slice %arg2[%dma_wait3A_384, %dma_wait3A_385] : memref<10240x64xf32, #tpu.memory_space<hbm>> -> memref<10240x64xf32, #tpu.memory_space<hbm>>
      %dma_wait3A_387 = tpu.memref_slice %arg10[%dma_wait3A_376] : memref<8x!tpu.dma_semaphore, #tpu.memory_space<semaphore_mem>> -> memref<1x!tpu.dma_semaphore, #tpu.memory_space<semaphore_mem>>
      %dma_wait3A_388 = tpu.memref_squeeze %dma_wait3A_387 : memref<1x!tpu.dma_semaphore, #tpu.memory_space<semaphore_mem>> -> memref<!tpu.dma_semaphore, #tpu.memory_space<semaphore_mem>>
      tpu.wait_indirect_dma semaphore(%dma_wait3A_388 : memref<!tpu.dma_semaphore, #tpu.memory_space<semaphore_mem>>) src(%dma_wait3A_386 : memref<10240x64xf32, #tpu.memory_space<hbm>>) dst(%dma_wait3A_380 : memref<128x64xf32, #tpu.memory_space<vmem>>)
      %dma_start3A_389 = arith.constant 3 : i32
      %dma_start3A_390 = arith.constant 3 : i32
      %dma_start3A_391 = arith.constant 0 : i32
      %dma_start3A_392 = arith.constant 0 : i32
      %dma_start3A_393 = tpu.memref_slice %arg9[%dma_start3A_389, %dma_start3A_391, %dma_start3A_392] : memref<8x128x64xf32, #tpu.memory_space<vmem>> -> memref<1x128x64xf32, #tpu.memory_space<vmem>>
      %dma_start3A_394 = tpu.memref_squeeze %dma_start3A_393 : memref<1x128x64xf32, #tpu.memory_space<vmem>> -> memref<128x64xf32, #tpu.memory_space<vmem>>
      %dma_start3A_395 = arith.constant 0 : i32
      %dma_start3A_396 = tpu.memref_slice %arg8[%add3A_369, %dma_start3A_395] : memref<80x128xi32, #tpu.memory_space<vmem>> -> memref<1x128xi32, #tpu.memory_space<vmem>>
      %dma_start3A_397 = tpu.memref_squeeze %dma_start3A_396 : memref<1x128xi32, #tpu.memory_space<vmem>> -> memref<128xi32, #tpu.memory_space<vmem>>
      %dma_start3A_398 = arith.constant 0 : i32
      %dma_start3A_399 = arith.constant 0 : i32
      %dma_start3A_400 = tpu.memref_slice %arg12[%dma_start3A_398, %dma_start3A_399] : memref<10240x64xf32, #tpu.memory_space<vmem_shared>> -> memref<10240x64xf32, #tpu.memory_space<vmem_shared>>
      %dma_start3A_401 = tpu.memref_slice %arg11[%dma_start3A_390] : memref<8x!tpu.dma_semaphore, #tpu.memory_space<semaphore_mem>> -> memref<1x!tpu.dma_semaphore, #tpu.memory_space<semaphore_mem>>
      %dma_start3A_402 = tpu.memref_squeeze %dma_start3A_401 : memref<1x!tpu.dma_semaphore, #tpu.memory_space<semaphore_mem>> -> memref<!tpu.dma_semaphore, #tpu.memory_space<semaphore_mem>>
      tpu.enqueue_indirect_dma source(%dma_start3A_394 : memref<128x64xf32, #tpu.memory_space<vmem>>) target(%dma_start3A_400 : memref<10240x64xf32, #tpu.memory_space<vmem_shared>>) offsets(%dma_start3A_397 : memref<128xi32, #tpu.memory_space<vmem>>) semaphore(%dma_start3A_402 : memref<!tpu.dma_semaphore, #tpu.memory_space<semaphore_mem>>) {add = true}
      %mul3A_403 = arith.constant 8 : i32
      %mul3A_404 = arith.muli %add3A_226, %mul3A_403 : i32
      %add3A_405 = arith.constant 4 : i32
      %add3A_406 = arith.addi %mul3A_404, %add3A_405 : i32
      %lt3A_407 = arith.constant 9 : i32
      %lt3A_408 = arith.cmpi slt, %add3A_226, %lt3A_407 : i32
      %convert_element_type3A_409 = arith.extui %lt3A_408 : i1 to i32
      %cond3A_410 = arith.constant 0 : i32
      %cond3A_411 = arith.cmpi ne, %convert_element_type3A_409, %cond3A_410 : i32
      scf.if %cond3A_411 {
        %sub3A = arith.constant 2 : i32
        %sub3A_551 = arith.subi %add3A_406, %sub3A : i32
        %dma_wait3A_552 = arith.constant 2 : i32
        %dma_wait3A_553 = arith.constant 2 : i32
        %dma_wait3A_554 = arith.constant 0 : i32
        %dma_wait3A_555 = arith.constant 0 : i32
        %dma_wait3A_556 = tpu.memref_slice %arg9[%dma_wait3A_552, %dma_wait3A_554, %dma_wait3A_555] : memref<8x128x64xf32, #tpu.memory_space<vmem>> -> memref<1x128x64xf32, #tpu.memory_space<vmem>>
        %dma_wait3A_557 = tpu.memref_squeeze %dma_wait3A_556 : memref<1x128x64xf32, #tpu.memory_space<vmem>> -> memref<128x64xf32, #tpu.memory_space<vmem>>
        %dma_wait3A_558 = arith.constant 0 : i32
        %dma_wait3A_559 = tpu.memref_slice %arg8[%sub3A_551, %dma_wait3A_558] : memref<80x128xi32, #tpu.memory_space<vmem>> -> memref<1x128xi32, #tpu.memory_space<vmem>>
        %dma_wait3A_560 = tpu.memref_squeeze %dma_wait3A_559 : memref<1x128xi32, #tpu.memory_space<vmem>> -> memref<128xi32, #tpu.memory_space<vmem>>
        %dma_wait3A_561 = arith.constant 0 : i32
        %dma_wait3A_562 = arith.constant 0 : i32
        %dma_wait3A_563 = tpu.memref_slice %arg12[%dma_wait3A_561, %dma_wait3A_562] : memref<10240x64xf32, #tpu.memory_space<vmem_shared>> -> memref<10240x64xf32, #tpu.memory_space<vmem_shared>>
        %dma_wait3A_564 = tpu.memref_slice %arg11[%dma_wait3A_553] : memref<8x!tpu.dma_semaphore, #tpu.memory_space<semaphore_mem>> -> memref<1x!tpu.dma_semaphore, #tpu.memory_space<semaphore_mem>>
        %dma_wait3A_565 = tpu.memref_squeeze %dma_wait3A_564 : memref<1x!tpu.dma_semaphore, #tpu.memory_space<semaphore_mem>> -> memref<!tpu.dma_semaphore, #tpu.memory_space<semaphore_mem>>
        tpu.wait_indirect_dma semaphore(%dma_wait3A_565 : memref<!tpu.dma_semaphore, #tpu.memory_space<semaphore_mem>>) src(%dma_wait3A_557 : memref<128x64xf32, #tpu.memory_space<vmem>>) dst(%dma_wait3A_563 : memref<10240x64xf32, #tpu.memory_space<vmem_shared>>)
        %add3A_566 = arith.constant 6 : i32
        %add3A_567 = arith.addi %add3A_406, %add3A_566 : i32
        %dma_start3A_568 = arith.constant 2 : i32
        %dma_start3A_569 = arith.constant 2 : i32
        %dma_start3A_570 = arith.constant 0 : i32
        %dma_start3A_571 = arith.constant 0 : i32
        %dma_start3A_572 = tpu.memref_slice %arg9[%dma_start3A_568, %dma_start3A_570, %dma_start3A_571] : memref<8x128x64xf32, #tpu.memory_space<vmem>> -> memref<1x128x64xf32, #tpu.memory_space<vmem>>
        %dma_start3A_573 = tpu.memref_squeeze %dma_start3A_572 : memref<1x128x64xf32, #tpu.memory_space<vmem>> -> memref<128x64xf32, #tpu.memory_space<vmem>>
        %dma_start3A_574 = arith.constant 0 : i32
        %dma_start3A_575 = tpu.memref_slice %arg7[%add3A_567, %dma_start3A_574] : memref<80x128xi32, #tpu.memory_space<vmem>> -> memref<1x128xi32, #tpu.memory_space<vmem>>
        %dma_start3A_576 = tpu.memref_squeeze %dma_start3A_575 : memref<1x128xi32, #tpu.memory_space<vmem>> -> memref<128xi32, #tpu.memory_space<vmem>>
        %dma_start3A_577 = arith.constant 0 : i32
        %dma_start3A_578 = arith.constant 0 : i32
        %dma_start3A_579 = tpu.memref_slice %arg2[%dma_start3A_577, %dma_start3A_578] : memref<10240x64xf32, #tpu.memory_space<hbm>> -> memref<10240x64xf32, #tpu.memory_space<hbm>>
        %dma_start3A_580 = tpu.memref_slice %arg10[%dma_start3A_569] : memref<8x!tpu.dma_semaphore, #tpu.memory_space<semaphore_mem>> -> memref<1x!tpu.dma_semaphore, #tpu.memory_space<semaphore_mem>>
        %dma_start3A_581 = tpu.memref_squeeze %dma_start3A_580 : memref<1x!tpu.dma_semaphore, #tpu.memory_space<semaphore_mem>> -> memref<!tpu.dma_semaphore, #tpu.memory_space<semaphore_mem>>
        tpu.enqueue_indirect_dma source(%dma_start3A_579 : memref<10240x64xf32, #tpu.memory_space<hbm>>) target(%dma_start3A_573 : memref<128x64xf32, #tpu.memory_space<vmem>>) offsets(%dma_start3A_576 : memref<128xi32, #tpu.memory_space<vmem>>) semaphore(%dma_start3A_581 : memref<!tpu.dma_semaphore, #tpu.memory_space<semaphore_mem>>)
      } else {
      }
      %dma_wait3A_412 = arith.constant 4 : i32
      %dma_wait3A_413 = arith.constant 4 : i32
      %dma_wait3A_414 = arith.constant 0 : i32
      %dma_wait3A_415 = arith.constant 0 : i32
      %dma_wait3A_416 = tpu.memref_slice %arg9[%dma_wait3A_412, %dma_wait3A_414, %dma_wait3A_415] : memref<8x128x64xf32, #tpu.memory_space<vmem>> -> memref<1x128x64xf32, #tpu.memory_space<vmem>>
      %dma_wait3A_417 = tpu.memref_squeeze %dma_wait3A_416 : memref<1x128x64xf32, #tpu.memory_space<vmem>> -> memref<128x64xf32, #tpu.memory_space<vmem>>
      %dma_wait3A_418 = arith.constant 0 : i32
      %dma_wait3A_419 = tpu.memref_slice %arg7[%add3A_406, %dma_wait3A_418] : memref<80x128xi32, #tpu.memory_space<vmem>> -> memref<1x128xi32, #tpu.memory_space<vmem>>
      %dma_wait3A_420 = tpu.memref_squeeze %dma_wait3A_419 : memref<1x128xi32, #tpu.memory_space<vmem>> -> memref<128xi32, #tpu.memory_space<vmem>>
      %dma_wait3A_421 = arith.constant 0 : i32
      %dma_wait3A_422 = arith.constant 0 : i32
      %dma_wait3A_423 = tpu.memref_slice %arg2[%dma_wait3A_421, %dma_wait3A_422] : memref<10240x64xf32, #tpu.memory_space<hbm>> -> memref<10240x64xf32, #tpu.memory_space<hbm>>
      %dma_wait3A_424 = tpu.memref_slice %arg10[%dma_wait3A_413] : memref<8x!tpu.dma_semaphore, #tpu.memory_space<semaphore_mem>> -> memref<1x!tpu.dma_semaphore, #tpu.memory_space<semaphore_mem>>
      %dma_wait3A_425 = tpu.memref_squeeze %dma_wait3A_424 : memref<1x!tpu.dma_semaphore, #tpu.memory_space<semaphore_mem>> -> memref<!tpu.dma_semaphore, #tpu.memory_space<semaphore_mem>>
      tpu.wait_indirect_dma semaphore(%dma_wait3A_425 : memref<!tpu.dma_semaphore, #tpu.memory_space<semaphore_mem>>) src(%dma_wait3A_423 : memref<10240x64xf32, #tpu.memory_space<hbm>>) dst(%dma_wait3A_417 : memref<128x64xf32, #tpu.memory_space<vmem>>)
      %dma_start3A_426 = arith.constant 4 : i32
      %dma_start3A_427 = arith.constant 4 : i32
      %dma_start3A_428 = arith.constant 0 : i32
      %dma_start3A_429 = arith.constant 0 : i32
      %dma_start3A_430 = tpu.memref_slice %arg9[%dma_start3A_426, %dma_start3A_428, %dma_start3A_429] : memref<8x128x64xf32, #tpu.memory_space<vmem>> -> memref<1x128x64xf32, #tpu.memory_space<vmem>>
      %dma_start3A_431 = tpu.memref_squeeze %dma_start3A_430 : memref<1x128x64xf32, #tpu.memory_space<vmem>> -> memref<128x64xf32, #tpu.memory_space<vmem>>
      %dma_start3A_432 = arith.constant 0 : i32
      %dma_start3A_433 = tpu.memref_slice %arg8[%add3A_406, %dma_start3A_432] : memref<80x128xi32, #tpu.memory_space<vmem>> -> memref<1x128xi32, #tpu.memory_space<vmem>>
      %dma_start3A_434 = tpu.memref_squeeze %dma_start3A_433 : memref<1x128xi32, #tpu.memory_space<vmem>> -> memref<128xi32, #tpu.memory_space<vmem>>
      %dma_start3A_435 = arith.constant 0 : i32
      %dma_start3A_436 = arith.constant 0 : i32
      %dma_start3A_437 = tpu.memref_slice %arg12[%dma_start3A_435, %dma_start3A_436] : memref<10240x64xf32, #tpu.memory_space<vmem_shared>> -> memref<10240x64xf32, #tpu.memory_space<vmem_shared>>
      %dma_start3A_438 = tpu.memref_slice %arg11[%dma_start3A_427] : memref<8x!tpu.dma_semaphore, #tpu.memory_space<semaphore_mem>> -> memref<1x!tpu.dma_semaphore, #tpu.memory_space<semaphore_mem>>
      %dma_start3A_439 = tpu.memref_squeeze %dma_start3A_438 : memref<1x!tpu.dma_semaphore, #tpu.memory_space<semaphore_mem>> -> memref<!tpu.dma_semaphore, #tpu.memory_space<semaphore_mem>>
      tpu.enqueue_indirect_dma source(%dma_start3A_431 : memref<128x64xf32, #tpu.memory_space<vmem>>) target(%dma_start3A_437 : memref<10240x64xf32, #tpu.memory_space<vmem_shared>>) offsets(%dma_start3A_434 : memref<128xi32, #tpu.memory_space<vmem>>) semaphore(%dma_start3A_439 : memref<!tpu.dma_semaphore, #tpu.memory_space<semaphore_mem>>) {add = true}
      %mul3A_440 = arith.constant 8 : i32
      %mul3A_441 = arith.muli %add3A_226, %mul3A_440 : i32
      %add3A_442 = arith.constant 5 : i32
      %add3A_443 = arith.addi %mul3A_441, %add3A_442 : i32
      %lt3A_444 = arith.constant 9 : i32
      %lt3A_445 = arith.cmpi slt, %add3A_226, %lt3A_444 : i32
      %convert_element_type3A_446 = arith.extui %lt3A_445 : i1 to i32
      %cond3A_447 = arith.constant 0 : i32
      %cond3A_448 = arith.cmpi ne, %convert_element_type3A_446, %cond3A_447 : i32
      scf.if %cond3A_448 {
        %sub3A = arith.constant 2 : i32
        %sub3A_551 = arith.subi %add3A_443, %sub3A : i32
        %dma_wait3A_552 = arith.constant 3 : i32
        %dma_wait3A_553 = arith.constant 3 : i32
        %dma_wait3A_554 = arith.constant 0 : i32
        %dma_wait3A_555 = arith.constant 0 : i32
        %dma_wait3A_556 = tpu.memref_slice %arg9[%dma_wait3A_552, %dma_wait3A_554, %dma_wait3A_555] : memref<8x128x64xf32, #tpu.memory_space<vmem>> -> memref<1x128x64xf32, #tpu.memory_space<vmem>>
        %dma_wait3A_557 = tpu.memref_squeeze %dma_wait3A_556 : memref<1x128x64xf32, #tpu.memory_space<vmem>> -> memref<128x64xf32, #tpu.memory_space<vmem>>
        %dma_wait3A_558 = arith.constant 0 : i32
        %dma_wait3A_559 = tpu.memref_slice %arg8[%sub3A_551, %dma_wait3A_558] : memref<80x128xi32, #tpu.memory_space<vmem>> -> memref<1x128xi32, #tpu.memory_space<vmem>>
        %dma_wait3A_560 = tpu.memref_squeeze %dma_wait3A_559 : memref<1x128xi32, #tpu.memory_space<vmem>> -> memref<128xi32, #tpu.memory_space<vmem>>
        %dma_wait3A_561 = arith.constant 0 : i32
        %dma_wait3A_562 = arith.constant 0 : i32
        %dma_wait3A_563 = tpu.memref_slice %arg12[%dma_wait3A_561, %dma_wait3A_562] : memref<10240x64xf32, #tpu.memory_space<vmem_shared>> -> memref<10240x64xf32, #tpu.memory_space<vmem_shared>>
        %dma_wait3A_564 = tpu.memref_slice %arg11[%dma_wait3A_553] : memref<8x!tpu.dma_semaphore, #tpu.memory_space<semaphore_mem>> -> memref<1x!tpu.dma_semaphore, #tpu.memory_space<semaphore_mem>>
        %dma_wait3A_565 = tpu.memref_squeeze %dma_wait3A_564 : memref<1x!tpu.dma_semaphore, #tpu.memory_space<semaphore_mem>> -> memref<!tpu.dma_semaphore, #tpu.memory_space<semaphore_mem>>
        tpu.wait_indirect_dma semaphore(%dma_wait3A_565 : memref<!tpu.dma_semaphore, #tpu.memory_space<semaphore_mem>>) src(%dma_wait3A_557 : memref<128x64xf32, #tpu.memory_space<vmem>>) dst(%dma_wait3A_563 : memref<10240x64xf32, #tpu.memory_space<vmem_shared>>)
        %add3A_566 = arith.constant 6 : i32
        %add3A_567 = arith.addi %add3A_443, %add3A_566 : i32
        %dma_start3A_568 = arith.constant 3 : i32
        %dma_start3A_569 = arith.constant 3 : i32
        %dma_start3A_570 = arith.constant 0 : i32
        %dma_start3A_571 = arith.constant 0 : i32
        %dma_start3A_572 = tpu.memref_slice %arg9[%dma_start3A_568, %dma_start3A_570, %dma_start3A_571] : memref<8x128x64xf32, #tpu.memory_space<vmem>> -> memref<1x128x64xf32, #tpu.memory_space<vmem>>
        %dma_start3A_573 = tpu.memref_squeeze %dma_start3A_572 : memref<1x128x64xf32, #tpu.memory_space<vmem>> -> memref<128x64xf32, #tpu.memory_space<vmem>>
        %dma_start3A_574 = arith.constant 0 : i32
        %dma_start3A_575 = tpu.memref_slice %arg7[%add3A_567, %dma_start3A_574] : memref<80x128xi32, #tpu.memory_space<vmem>> -> memref<1x128xi32, #tpu.memory_space<vmem>>
        %dma_start3A_576 = tpu.memref_squeeze %dma_start3A_575 : memref<1x128xi32, #tpu.memory_space<vmem>> -> memref<128xi32, #tpu.memory_space<vmem>>
        %dma_start3A_577 = arith.constant 0 : i32
        %dma_start3A_578 = arith.constant 0 : i32
        %dma_start3A_579 = tpu.memref_slice %arg2[%dma_start3A_577, %dma_start3A_578] : memref<10240x64xf32, #tpu.memory_space<hbm>> -> memref<10240x64xf32, #tpu.memory_space<hbm>>
        %dma_start3A_580 = tpu.memref_slice %arg10[%dma_start3A_569] : memref<8x!tpu.dma_semaphore, #tpu.memory_space<semaphore_mem>> -> memref<1x!tpu.dma_semaphore, #tpu.memory_space<semaphore_mem>>
        %dma_start3A_581 = tpu.memref_squeeze %dma_start3A_580 : memref<1x!tpu.dma_semaphore, #tpu.memory_space<semaphore_mem>> -> memref<!tpu.dma_semaphore, #tpu.memory_space<semaphore_mem>>
        tpu.enqueue_indirect_dma source(%dma_start3A_579 : memref<10240x64xf32, #tpu.memory_space<hbm>>) target(%dma_start3A_573 : memref<128x64xf32, #tpu.memory_space<vmem>>) offsets(%dma_start3A_576 : memref<128xi32, #tpu.memory_space<vmem>>) semaphore(%dma_start3A_581 : memref<!tpu.dma_semaphore, #tpu.memory_space<semaphore_mem>>)
      } else {
      }
      %dma_wait3A_449 = arith.constant 5 : i32
      %dma_wait3A_450 = arith.constant 5 : i32
      %dma_wait3A_451 = arith.constant 0 : i32
      %dma_wait3A_452 = arith.constant 0 : i32
      %dma_wait3A_453 = tpu.memref_slice %arg9[%dma_wait3A_449, %dma_wait3A_451, %dma_wait3A_452] : memref<8x128x64xf32, #tpu.memory_space<vmem>> -> memref<1x128x64xf32, #tpu.memory_space<vmem>>
      %dma_wait3A_454 = tpu.memref_squeeze %dma_wait3A_453 : memref<1x128x64xf32, #tpu.memory_space<vmem>> -> memref<128x64xf32, #tpu.memory_space<vmem>>
      %dma_wait3A_455 = arith.constant 0 : i32
      %dma_wait3A_456 = tpu.memref_slice %arg7[%add3A_443, %dma_wait3A_455] : memref<80x128xi32, #tpu.memory_space<vmem>> -> memref<1x128xi32, #tpu.memory_space<vmem>>
      %dma_wait3A_457 = tpu.memref_squeeze %dma_wait3A_456 : memref<1x128xi32, #tpu.memory_space<vmem>> -> memref<128xi32, #tpu.memory_space<vmem>>
      %dma_wait3A_458 = arith.constant 0 : i32
      %dma_wait3A_459 = arith.constant 0 : i32
      %dma_wait3A_460 = tpu.memref_slice %arg2[%dma_wait3A_458, %dma_wait3A_459] : memref<10240x64xf32, #tpu.memory_space<hbm>> -> memref<10240x64xf32, #tpu.memory_space<hbm>>
      %dma_wait3A_461 = tpu.memref_slice %arg10[%dma_wait3A_450] : memref<8x!tpu.dma_semaphore, #tpu.memory_space<semaphore_mem>> -> memref<1x!tpu.dma_semaphore, #tpu.memory_space<semaphore_mem>>
      %dma_wait3A_462 = tpu.memref_squeeze %dma_wait3A_461 : memref<1x!tpu.dma_semaphore, #tpu.memory_space<semaphore_mem>> -> memref<!tpu.dma_semaphore, #tpu.memory_space<semaphore_mem>>
      tpu.wait_indirect_dma semaphore(%dma_wait3A_462 : memref<!tpu.dma_semaphore, #tpu.memory_space<semaphore_mem>>) src(%dma_wait3A_460 : memref<10240x64xf32, #tpu.memory_space<hbm>>) dst(%dma_wait3A_454 : memref<128x64xf32, #tpu.memory_space<vmem>>)
      %dma_start3A_463 = arith.constant 5 : i32
      %dma_start3A_464 = arith.constant 5 : i32
      %dma_start3A_465 = arith.constant 0 : i32
      %dma_start3A_466 = arith.constant 0 : i32
      %dma_start3A_467 = tpu.memref_slice %arg9[%dma_start3A_463, %dma_start3A_465, %dma_start3A_466] : memref<8x128x64xf32, #tpu.memory_space<vmem>> -> memref<1x128x64xf32, #tpu.memory_space<vmem>>
      %dma_start3A_468 = tpu.memref_squeeze %dma_start3A_467 : memref<1x128x64xf32, #tpu.memory_space<vmem>> -> memref<128x64xf32, #tpu.memory_space<vmem>>
      %dma_start3A_469 = arith.constant 0 : i32
      %dma_start3A_470 = tpu.memref_slice %arg8[%add3A_443, %dma_start3A_469] : memref<80x128xi32, #tpu.memory_space<vmem>> -> memref<1x128xi32, #tpu.memory_space<vmem>>
      %dma_start3A_471 = tpu.memref_squeeze %dma_start3A_470 : memref<1x128xi32, #tpu.memory_space<vmem>> -> memref<128xi32, #tpu.memory_space<vmem>>
      %dma_start3A_472 = arith.constant 0 : i32
      %dma_start3A_473 = arith.constant 0 : i32
      %dma_start3A_474 = tpu.memref_slice %arg12[%dma_start3A_472, %dma_start3A_473] : memref<10240x64xf32, #tpu.memory_space<vmem_shared>> -> memref<10240x64xf32, #tpu.memory_space<vmem_shared>>
      %dma_start3A_475 = tpu.memref_slice %arg11[%dma_start3A_464] : memref<8x!tpu.dma_semaphore, #tpu.memory_space<semaphore_mem>> -> memref<1x!tpu.dma_semaphore, #tpu.memory_space<semaphore_mem>>
      %dma_start3A_476 = tpu.memref_squeeze %dma_start3A_475 : memref<1x!tpu.dma_semaphore, #tpu.memory_space<semaphore_mem>> -> memref<!tpu.dma_semaphore, #tpu.memory_space<semaphore_mem>>
      tpu.enqueue_indirect_dma source(%dma_start3A_468 : memref<128x64xf32, #tpu.memory_space<vmem>>) target(%dma_start3A_474 : memref<10240x64xf32, #tpu.memory_space<vmem_shared>>) offsets(%dma_start3A_471 : memref<128xi32, #tpu.memory_space<vmem>>) semaphore(%dma_start3A_476 : memref<!tpu.dma_semaphore, #tpu.memory_space<semaphore_mem>>) {add = true}
      %mul3A_477 = arith.constant 8 : i32
      %mul3A_478 = arith.muli %add3A_226, %mul3A_477 : i32
      %add3A_479 = arith.constant 6 : i32
      %add3A_480 = arith.addi %mul3A_478, %add3A_479 : i32
      %lt3A_481 = arith.constant 9 : i32
      %lt3A_482 = arith.cmpi slt, %add3A_226, %lt3A_481 : i32
      %convert_element_type3A_483 = arith.extui %lt3A_482 : i1 to i32
      %cond3A_484 = arith.constant 0 : i32
      %cond3A_485 = arith.cmpi ne, %convert_element_type3A_483, %cond3A_484 : i32
      scf.if %cond3A_485 {
        %sub3A = arith.constant 2 : i32
        %sub3A_551 = arith.subi %add3A_480, %sub3A : i32
        %dma_wait3A_552 = arith.constant 4 : i32
        %dma_wait3A_553 = arith.constant 4 : i32
        %dma_wait3A_554 = arith.constant 0 : i32
        %dma_wait3A_555 = arith.constant 0 : i32
        %dma_wait3A_556 = tpu.memref_slice %arg9[%dma_wait3A_552, %dma_wait3A_554, %dma_wait3A_555] : memref<8x128x64xf32, #tpu.memory_space<vmem>> -> memref<1x128x64xf32, #tpu.memory_space<vmem>>
        %dma_wait3A_557 = tpu.memref_squeeze %dma_wait3A_556 : memref<1x128x64xf32, #tpu.memory_space<vmem>> -> memref<128x64xf32, #tpu.memory_space<vmem>>
        %dma_wait3A_558 = arith.constant 0 : i32
        %dma_wait3A_559 = tpu.memref_slice %arg8[%sub3A_551, %dma_wait3A_558] : memref<80x128xi32, #tpu.memory_space<vmem>> -> memref<1x128xi32, #tpu.memory_space<vmem>>
        %dma_wait3A_560 = tpu.memref_squeeze %dma_wait3A_559 : memref<1x128xi32, #tpu.memory_space<vmem>> -> memref<128xi32, #tpu.memory_space<vmem>>
        %dma_wait3A_561 = arith.constant 0 : i32
        %dma_wait3A_562 = arith.constant 0 : i32
        %dma_wait3A_563 = tpu.memref_slice %arg12[%dma_wait3A_561, %dma_wait3A_562] : memref<10240x64xf32, #tpu.memory_space<vmem_shared>> -> memref<10240x64xf32, #tpu.memory_space<vmem_shared>>
        %dma_wait3A_564 = tpu.memref_slice %arg11[%dma_wait3A_553] : memref<8x!tpu.dma_semaphore, #tpu.memory_space<semaphore_mem>> -> memref<1x!tpu.dma_semaphore, #tpu.memory_space<semaphore_mem>>
        %dma_wait3A_565 = tpu.memref_squeeze %dma_wait3A_564 : memref<1x!tpu.dma_semaphore, #tpu.memory_space<semaphore_mem>> -> memref<!tpu.dma_semaphore, #tpu.memory_space<semaphore_mem>>
        tpu.wait_indirect_dma semaphore(%dma_wait3A_565 : memref<!tpu.dma_semaphore, #tpu.memory_space<semaphore_mem>>) src(%dma_wait3A_557 : memref<128x64xf32, #tpu.memory_space<vmem>>) dst(%dma_wait3A_563 : memref<10240x64xf32, #tpu.memory_space<vmem_shared>>)
        %add3A_566 = arith.constant 6 : i32
        %add3A_567 = arith.addi %add3A_480, %add3A_566 : i32
        %dma_start3A_568 = arith.constant 4 : i32
        %dma_start3A_569 = arith.constant 4 : i32
        %dma_start3A_570 = arith.constant 0 : i32
        %dma_start3A_571 = arith.constant 0 : i32
        %dma_start3A_572 = tpu.memref_slice %arg9[%dma_start3A_568, %dma_start3A_570, %dma_start3A_571] : memref<8x128x64xf32, #tpu.memory_space<vmem>> -> memref<1x128x64xf32, #tpu.memory_space<vmem>>
        %dma_start3A_573 = tpu.memref_squeeze %dma_start3A_572 : memref<1x128x64xf32, #tpu.memory_space<vmem>> -> memref<128x64xf32, #tpu.memory_space<vmem>>
        %dma_start3A_574 = arith.constant 0 : i32
        %dma_start3A_575 = tpu.memref_slice %arg7[%add3A_567, %dma_start3A_574] : memref<80x128xi32, #tpu.memory_space<vmem>> -> memref<1x128xi32, #tpu.memory_space<vmem>>
        %dma_start3A_576 = tpu.memref_squeeze %dma_start3A_575 : memref<1x128xi32, #tpu.memory_space<vmem>> -> memref<128xi32, #tpu.memory_space<vmem>>
        %dma_start3A_577 = arith.constant 0 : i32
        %dma_start3A_578 = arith.constant 0 : i32
        %dma_start3A_579 = tpu.memref_slice %arg2[%dma_start3A_577, %dma_start3A_578] : memref<10240x64xf32, #tpu.memory_space<hbm>> -> memref<10240x64xf32, #tpu.memory_space<hbm>>
        %dma_start3A_580 = tpu.memref_slice %arg10[%dma_start3A_569] : memref<8x!tpu.dma_semaphore, #tpu.memory_space<semaphore_mem>> -> memref<1x!tpu.dma_semaphore, #tpu.memory_space<semaphore_mem>>
        %dma_start3A_581 = tpu.memref_squeeze %dma_start3A_580 : memref<1x!tpu.dma_semaphore, #tpu.memory_space<semaphore_mem>> -> memref<!tpu.dma_semaphore, #tpu.memory_space<semaphore_mem>>
        tpu.enqueue_indirect_dma source(%dma_start3A_579 : memref<10240x64xf32, #tpu.memory_space<hbm>>) target(%dma_start3A_573 : memref<128x64xf32, #tpu.memory_space<vmem>>) offsets(%dma_start3A_576 : memref<128xi32, #tpu.memory_space<vmem>>) semaphore(%dma_start3A_581 : memref<!tpu.dma_semaphore, #tpu.memory_space<semaphore_mem>>)
      } else {
      }
      %dma_wait3A_486 = arith.constant 6 : i32
      %dma_wait3A_487 = arith.constant 6 : i32
      %dma_wait3A_488 = arith.constant 0 : i32
      %dma_wait3A_489 = arith.constant 0 : i32
      %dma_wait3A_490 = tpu.memref_slice %arg9[%dma_wait3A_486, %dma_wait3A_488, %dma_wait3A_489] : memref<8x128x64xf32, #tpu.memory_space<vmem>> -> memref<1x128x64xf32, #tpu.memory_space<vmem>>
      %dma_wait3A_491 = tpu.memref_squeeze %dma_wait3A_490 : memref<1x128x64xf32, #tpu.memory_space<vmem>> -> memref<128x64xf32, #tpu.memory_space<vmem>>
      %dma_wait3A_492 = arith.constant 0 : i32
      %dma_wait3A_493 = tpu.memref_slice %arg7[%add3A_480, %dma_wait3A_492] : memref<80x128xi32, #tpu.memory_space<vmem>> -> memref<1x128xi32, #tpu.memory_space<vmem>>
      %dma_wait3A_494 = tpu.memref_squeeze %dma_wait3A_493 : memref<1x128xi32, #tpu.memory_space<vmem>> -> memref<128xi32, #tpu.memory_space<vmem>>
      %dma_wait3A_495 = arith.constant 0 : i32
      %dma_wait3A_496 = arith.constant 0 : i32
      %dma_wait3A_497 = tpu.memref_slice %arg2[%dma_wait3A_495, %dma_wait3A_496] : memref<10240x64xf32, #tpu.memory_space<hbm>> -> memref<10240x64xf32, #tpu.memory_space<hbm>>
      %dma_wait3A_498 = tpu.memref_slice %arg10[%dma_wait3A_487] : memref<8x!tpu.dma_semaphore, #tpu.memory_space<semaphore_mem>> -> memref<1x!tpu.dma_semaphore, #tpu.memory_space<semaphore_mem>>
      %dma_wait3A_499 = tpu.memref_squeeze %dma_wait3A_498 : memref<1x!tpu.dma_semaphore, #tpu.memory_space<semaphore_mem>> -> memref<!tpu.dma_semaphore, #tpu.memory_space<semaphore_mem>>
      tpu.wait_indirect_dma semaphore(%dma_wait3A_499 : memref<!tpu.dma_semaphore, #tpu.memory_space<semaphore_mem>>) src(%dma_wait3A_497 : memref<10240x64xf32, #tpu.memory_space<hbm>>) dst(%dma_wait3A_491 : memref<128x64xf32, #tpu.memory_space<vmem>>)
      %dma_start3A_500 = arith.constant 6 : i32
      %dma_start3A_501 = arith.constant 6 : i32
      %dma_start3A_502 = arith.constant 0 : i32
      %dma_start3A_503 = arith.constant 0 : i32
      %dma_start3A_504 = tpu.memref_slice %arg9[%dma_start3A_500, %dma_start3A_502, %dma_start3A_503] : memref<8x128x64xf32, #tpu.memory_space<vmem>> -> memref<1x128x64xf32, #tpu.memory_space<vmem>>
      %dma_start3A_505 = tpu.memref_squeeze %dma_start3A_504 : memref<1x128x64xf32, #tpu.memory_space<vmem>> -> memref<128x64xf32, #tpu.memory_space<vmem>>
      %dma_start3A_506 = arith.constant 0 : i32
      %dma_start3A_507 = tpu.memref_slice %arg8[%add3A_480, %dma_start3A_506] : memref<80x128xi32, #tpu.memory_space<vmem>> -> memref<1x128xi32, #tpu.memory_space<vmem>>
      %dma_start3A_508 = tpu.memref_squeeze %dma_start3A_507 : memref<1x128xi32, #tpu.memory_space<vmem>> -> memref<128xi32, #tpu.memory_space<vmem>>
      %dma_start3A_509 = arith.constant 0 : i32
      %dma_start3A_510 = arith.constant 0 : i32
      %dma_start3A_511 = tpu.memref_slice %arg12[%dma_start3A_509, %dma_start3A_510] : memref<10240x64xf32, #tpu.memory_space<vmem_shared>> -> memref<10240x64xf32, #tpu.memory_space<vmem_shared>>
      %dma_start3A_512 = tpu.memref_slice %arg11[%dma_start3A_501] : memref<8x!tpu.dma_semaphore, #tpu.memory_space<semaphore_mem>> -> memref<1x!tpu.dma_semaphore, #tpu.memory_space<semaphore_mem>>
      %dma_start3A_513 = tpu.memref_squeeze %dma_start3A_512 : memref<1x!tpu.dma_semaphore, #tpu.memory_space<semaphore_mem>> -> memref<!tpu.dma_semaphore, #tpu.memory_space<semaphore_mem>>
      tpu.enqueue_indirect_dma source(%dma_start3A_505 : memref<128x64xf32, #tpu.memory_space<vmem>>) target(%dma_start3A_511 : memref<10240x64xf32, #tpu.memory_space<vmem_shared>>) offsets(%dma_start3A_508 : memref<128xi32, #tpu.memory_space<vmem>>) semaphore(%dma_start3A_513 : memref<!tpu.dma_semaphore, #tpu.memory_space<semaphore_mem>>) {add = true}
      %mul3A_514 = arith.constant 8 : i32
      %mul3A_515 = arith.muli %add3A_226, %mul3A_514 : i32
      %add3A_516 = arith.constant 7 : i32
      %add3A_517 = arith.addi %mul3A_515, %add3A_516 : i32
      %lt3A_518 = arith.constant 9 : i32
      %lt3A_519 = arith.cmpi slt, %add3A_226, %lt3A_518 : i32
      %convert_element_type3A_520 = arith.extui %lt3A_519 : i1 to i32
      %cond3A_521 = arith.constant 0 : i32
      %cond3A_522 = arith.cmpi ne, %convert_element_type3A_520, %cond3A_521 : i32
      scf.if %cond3A_522 {
        %sub3A = arith.constant 2 : i32
        %sub3A_551 = arith.subi %add3A_517, %sub3A : i32
        %dma_wait3A_552 = arith.constant 5 : i32
        %dma_wait3A_553 = arith.constant 5 : i32
        %dma_wait3A_554 = arith.constant 0 : i32
        %dma_wait3A_555 = arith.constant 0 : i32
        %dma_wait3A_556 = tpu.memref_slice %arg9[%dma_wait3A_552, %dma_wait3A_554, %dma_wait3A_555] : memref<8x128x64xf32, #tpu.memory_space<vmem>> -> memref<1x128x64xf32, #tpu.memory_space<vmem>>
        %dma_wait3A_557 = tpu.memref_squeeze %dma_wait3A_556 : memref<1x128x64xf32, #tpu.memory_space<vmem>> -> memref<128x64xf32, #tpu.memory_space<vmem>>
        %dma_wait3A_558 = arith.constant 0 : i32
        %dma_wait3A_559 = tpu.memref_slice %arg8[%sub3A_551, %dma_wait3A_558] : memref<80x128xi32, #tpu.memory_space<vmem>> -> memref<1x128xi32, #tpu.memory_space<vmem>>
        %dma_wait3A_560 = tpu.memref_squeeze %dma_wait3A_559 : memref<1x128xi32, #tpu.memory_space<vmem>> -> memref<128xi32, #tpu.memory_space<vmem>>
        %dma_wait3A_561 = arith.constant 0 : i32
        %dma_wait3A_562 = arith.constant 0 : i32
        %dma_wait3A_563 = tpu.memref_slice %arg12[%dma_wait3A_561, %dma_wait3A_562] : memref<10240x64xf32, #tpu.memory_space<vmem_shared>> -> memref<10240x64xf32, #tpu.memory_space<vmem_shared>>
        %dma_wait3A_564 = tpu.memref_slice %arg11[%dma_wait3A_553] : memref<8x!tpu.dma_semaphore, #tpu.memory_space<semaphore_mem>> -> memref<1x!tpu.dma_semaphore, #tpu.memory_space<semaphore_mem>>
        %dma_wait3A_565 = tpu.memref_squeeze %dma_wait3A_564 : memref<1x!tpu.dma_semaphore, #tpu.memory_space<semaphore_mem>> -> memref<!tpu.dma_semaphore, #tpu.memory_space<semaphore_mem>>
        tpu.wait_indirect_dma semaphore(%dma_wait3A_565 : memref<!tpu.dma_semaphore, #tpu.memory_space<semaphore_mem>>) src(%dma_wait3A_557 : memref<128x64xf32, #tpu.memory_space<vmem>>) dst(%dma_wait3A_563 : memref<10240x64xf32, #tpu.memory_space<vmem_shared>>)
        %add3A_566 = arith.constant 6 : i32
        %add3A_567 = arith.addi %add3A_517, %add3A_566 : i32
        %dma_start3A_568 = arith.constant 5 : i32
        %dma_start3A_569 = arith.constant 5 : i32
        %dma_start3A_570 = arith.constant 0 : i32
        %dma_start3A_571 = arith.constant 0 : i32
        %dma_start3A_572 = tpu.memref_slice %arg9[%dma_start3A_568, %dma_start3A_570, %dma_start3A_571] : memref<8x128x64xf32, #tpu.memory_space<vmem>> -> memref<1x128x64xf32, #tpu.memory_space<vmem>>
        %dma_start3A_573 = tpu.memref_squeeze %dma_start3A_572 : memref<1x128x64xf32, #tpu.memory_space<vmem>> -> memref<128x64xf32, #tpu.memory_space<vmem>>
        %dma_start3A_574 = arith.constant 0 : i32
        %dma_start3A_575 = tpu.memref_slice %arg7[%add3A_567, %dma_start3A_574] : memref<80x128xi32, #tpu.memory_space<vmem>> -> memref<1x128xi32, #tpu.memory_space<vmem>>
        %dma_start3A_576 = tpu.memref_squeeze %dma_start3A_575 : memref<1x128xi32, #tpu.memory_space<vmem>> -> memref<128xi32, #tpu.memory_space<vmem>>
        %dma_start3A_577 = arith.constant 0 : i32
        %dma_start3A_578 = arith.constant 0 : i32
        %dma_start3A_579 = tpu.memref_slice %arg2[%dma_start3A_577, %dma_start3A_578] : memref<10240x64xf32, #tpu.memory_space<hbm>> -> memref<10240x64xf32, #tpu.memory_space<hbm>>
        %dma_start3A_580 = tpu.memref_slice %arg10[%dma_start3A_569] : memref<8x!tpu.dma_semaphore, #tpu.memory_space<semaphore_mem>> -> memref<1x!tpu.dma_semaphore, #tpu.memory_space<semaphore_mem>>
        %dma_start3A_581 = tpu.memref_squeeze %dma_start3A_580 : memref<1x!tpu.dma_semaphore, #tpu.memory_space<semaphore_mem>> -> memref<!tpu.dma_semaphore, #tpu.memory_space<semaphore_mem>>
        tpu.enqueue_indirect_dma source(%dma_start3A_579 : memref<10240x64xf32, #tpu.memory_space<hbm>>) target(%dma_start3A_573 : memref<128x64xf32, #tpu.memory_space<vmem>>) offsets(%dma_start3A_576 : memref<128xi32, #tpu.memory_space<vmem>>) semaphore(%dma_start3A_581 : memref<!tpu.dma_semaphore, #tpu.memory_space<semaphore_mem>>)
      } else {
      }
      %dma_wait3A_523 = arith.constant 7 : i32
      %dma_wait3A_524 = arith.constant 7 : i32
      %dma_wait3A_525 = arith.constant 0 : i32
      %dma_wait3A_526 = arith.constant 0 : i32
      %dma_wait3A_527 = tpu.memref_slice %arg9[%dma_wait3A_523, %dma_wait3A_525, %dma_wait3A_526] : memref<8x128x64xf32, #tpu.memory_space<vmem>> -> memref<1x128x64xf32, #tpu.memory_space<vmem>>
      %dma_wait3A_528 = tpu.memref_squeeze %dma_wait3A_527 : memref<1x128x64xf32, #tpu.memory_space<vmem>> -> memref<128x64xf32, #tpu.memory_space<vmem>>
      %dma_wait3A_529 = arith.constant 0 : i32
      %dma_wait3A_530 = tpu.memref_slice %arg7[%add3A_517, %dma_wait3A_529] : memref<80x128xi32, #tpu.memory_space<vmem>> -> memref<1x128xi32, #tpu.memory_space<vmem>>
      %dma_wait3A_531 = tpu.memref_squeeze %dma_wait3A_530 : memref<1x128xi32, #tpu.memory_space<vmem>> -> memref<128xi32, #tpu.memory_space<vmem>>
      %dma_wait3A_532 = arith.constant 0 : i32
      %dma_wait3A_533 = arith.constant 0 : i32
      %dma_wait3A_534 = tpu.memref_slice %arg2[%dma_wait3A_532, %dma_wait3A_533] : memref<10240x64xf32, #tpu.memory_space<hbm>> -> memref<10240x64xf32, #tpu.memory_space<hbm>>
      %dma_wait3A_535 = tpu.memref_slice %arg10[%dma_wait3A_524] : memref<8x!tpu.dma_semaphore, #tpu.memory_space<semaphore_mem>> -> memref<1x!tpu.dma_semaphore, #tpu.memory_space<semaphore_mem>>
      %dma_wait3A_536 = tpu.memref_squeeze %dma_wait3A_535 : memref<1x!tpu.dma_semaphore, #tpu.memory_space<semaphore_mem>> -> memref<!tpu.dma_semaphore, #tpu.memory_space<semaphore_mem>>
      tpu.wait_indirect_dma semaphore(%dma_wait3A_536 : memref<!tpu.dma_semaphore, #tpu.memory_space<semaphore_mem>>) src(%dma_wait3A_534 : memref<10240x64xf32, #tpu.memory_space<hbm>>) dst(%dma_wait3A_528 : memref<128x64xf32, #tpu.memory_space<vmem>>)
      %dma_start3A_537 = arith.constant 7 : i32
      %dma_start3A_538 = arith.constant 7 : i32
      %dma_start3A_539 = arith.constant 0 : i32
      %dma_start3A_540 = arith.constant 0 : i32
      %dma_start3A_541 = tpu.memref_slice %arg9[%dma_start3A_537, %dma_start3A_539, %dma_start3A_540] : memref<8x128x64xf32, #tpu.memory_space<vmem>> -> memref<1x128x64xf32, #tpu.memory_space<vmem>>
      %dma_start3A_542 = tpu.memref_squeeze %dma_start3A_541 : memref<1x128x64xf32, #tpu.memory_space<vmem>> -> memref<128x64xf32, #tpu.memory_space<vmem>>
      %dma_start3A_543 = arith.constant 0 : i32
      %dma_start3A_544 = tpu.memref_slice %arg8[%add3A_517, %dma_start3A_543] : memref<80x128xi32, #tpu.memory_space<vmem>> -> memref<1x128xi32, #tpu.memory_space<vmem>>
      %dma_start3A_545 = tpu.memref_squeeze %dma_start3A_544 : memref<1x128xi32, #tpu.memory_space<vmem>> -> memref<128xi32, #tpu.memory_space<vmem>>
      %dma_start3A_546 = arith.constant 0 : i32
      %dma_start3A_547 = arith.constant 0 : i32
      %dma_start3A_548 = tpu.memref_slice %arg12[%dma_start3A_546, %dma_start3A_547] : memref<10240x64xf32, #tpu.memory_space<vmem_shared>> -> memref<10240x64xf32, #tpu.memory_space<vmem_shared>>
      %dma_start3A_549 = tpu.memref_slice %arg11[%dma_start3A_538] : memref<8x!tpu.dma_semaphore, #tpu.memory_space<semaphore_mem>> -> memref<1x!tpu.dma_semaphore, #tpu.memory_space<semaphore_mem>>
      %dma_start3A_550 = tpu.memref_squeeze %dma_start3A_549 : memref<1x!tpu.dma_semaphore, #tpu.memory_space<semaphore_mem>> -> memref<!tpu.dma_semaphore, #tpu.memory_space<semaphore_mem>>
      tpu.enqueue_indirect_dma source(%dma_start3A_542 : memref<128x64xf32, #tpu.memory_space<vmem>>) target(%dma_start3A_548 : memref<10240x64xf32, #tpu.memory_space<vmem_shared>>) offsets(%dma_start3A_545 : memref<128xi32, #tpu.memory_space<vmem>>) semaphore(%dma_start3A_550 : memref<!tpu.dma_semaphore, #tpu.memory_space<semaphore_mem>>) {add = true}
    }
    %scan3A_97 = arith.constant 10 : i32
    %dma_wait3A = arith.constant 0 : i32
    %dma_wait3A_98 = arith.constant 72 : i32
    %dma_wait3A_99 = arith.constant 0 : i32
    %dma_wait3A_100 = arith.constant 0 : i32
    %dma_wait3A_101 = arith.constant 0 : i32
    %dma_wait3A_102 = tpu.memref_slice %arg9[%dma_wait3A, %dma_wait3A_100, %dma_wait3A_101] : memref<8x128x64xf32, #tpu.memory_space<vmem>> -> memref<1x128x64xf32, #tpu.memory_space<vmem>>
    %dma_wait3A_103 = tpu.memref_squeeze %dma_wait3A_102 : memref<1x128x64xf32, #tpu.memory_space<vmem>> -> memref<128x64xf32, #tpu.memory_space<vmem>>
    %dma_wait3A_104 = arith.constant 0 : i32
    %dma_wait3A_105 = tpu.memref_slice %arg8[%dma_wait3A_98, %dma_wait3A_104] : memref<80x128xi32, #tpu.memory_space<vmem>> -> memref<1x128xi32, #tpu.memory_space<vmem>>
    %dma_wait3A_106 = tpu.memref_squeeze %dma_wait3A_105 : memref<1x128xi32, #tpu.memory_space<vmem>> -> memref<128xi32, #tpu.memory_space<vmem>>
    %dma_wait3A_107 = arith.constant 0 : i32
    %dma_wait3A_108 = arith.constant 0 : i32
    %dma_wait3A_109 = tpu.memref_slice %arg12[%dma_wait3A_107, %dma_wait3A_108] : memref<10240x64xf32, #tpu.memory_space<vmem_shared>> -> memref<10240x64xf32, #tpu.memory_space<vmem_shared>>
    %dma_wait3A_110 = tpu.memref_slice %arg11[%dma_wait3A_99] : memref<8x!tpu.dma_semaphore, #tpu.memory_space<semaphore_mem>> -> memref<1x!tpu.dma_semaphore, #tpu.memory_space<semaphore_mem>>
    %dma_wait3A_111 = tpu.memref_squeeze %dma_wait3A_110 : memref<1x!tpu.dma_semaphore, #tpu.memory_space<semaphore_mem>> -> memref<!tpu.dma_semaphore, #tpu.memory_space<semaphore_mem>>
    tpu.wait_indirect_dma semaphore(%dma_wait3A_111 : memref<!tpu.dma_semaphore, #tpu.memory_space<semaphore_mem>>) src(%dma_wait3A_103 : memref<128x64xf32, #tpu.memory_space<vmem>>) dst(%dma_wait3A_109 : memref<10240x64xf32, #tpu.memory_space<vmem_shared>>)
    %dma_wait3A_112 = arith.constant 1 : i32
    %dma_wait3A_113 = arith.constant 73 : i32
    %dma_wait3A_114 = arith.constant 1 : i32
    %dma_wait3A_115 = arith.constant 0 : i32
    %dma_wait3A_116 = arith.constant 0 : i32
    %dma_wait3A_117 = tpu.memref_slice %arg9[%dma_wait3A_112, %dma_wait3A_115, %dma_wait3A_116] : memref<8x128x64xf32, #tpu.memory_space<vmem>> -> memref<1x128x64xf32, #tpu.memory_space<vmem>>
    %dma_wait3A_118 = tpu.memref_squeeze %dma_wait3A_117 : memref<1x128x64xf32, #tpu.memory_space<vmem>> -> memref<128x64xf32, #tpu.memory_space<vmem>>
    %dma_wait3A_119 = arith.constant 0 : i32
    %dma_wait3A_120 = tpu.memref_slice %arg8[%dma_wait3A_113, %dma_wait3A_119] : memref<80x128xi32, #tpu.memory_space<vmem>> -> memref<1x128xi32, #tpu.memory_space<vmem>>
    %dma_wait3A_121 = tpu.memref_squeeze %dma_wait3A_120 : memref<1x128xi32, #tpu.memory_space<vmem>> -> memref<128xi32, #tpu.memory_space<vmem>>
    %dma_wait3A_122 = arith.constant 0 : i32
    %dma_wait3A_123 = arith.constant 0 : i32
    %dma_wait3A_124 = tpu.memref_slice %arg12[%dma_wait3A_122, %dma_wait3A_123] : memref<10240x64xf32, #tpu.memory_space<vmem_shared>> -> memref<10240x64xf32, #tpu.memory_space<vmem_shared>>
    %dma_wait3A_125 = tpu.memref_slice %arg11[%dma_wait3A_114] : memref<8x!tpu.dma_semaphore, #tpu.memory_space<semaphore_mem>> -> memref<1x!tpu.dma_semaphore, #tpu.memory_space<semaphore_mem>>
    %dma_wait3A_126 = tpu.memref_squeeze %dma_wait3A_125 : memref<1x!tpu.dma_semaphore, #tpu.memory_space<semaphore_mem>> -> memref<!tpu.dma_semaphore, #tpu.memory_space<semaphore_mem>>
    tpu.wait_indirect_dma semaphore(%dma_wait3A_126 : memref<!tpu.dma_semaphore, #tpu.memory_space<semaphore_mem>>) src(%dma_wait3A_118 : memref<128x64xf32, #tpu.memory_space<vmem>>) dst(%dma_wait3A_124 : memref<10240x64xf32, #tpu.memory_space<vmem_shared>>)
    %dma_wait3A_127 = arith.constant 2 : i32
    %dma_wait3A_128 = arith.constant 74 : i32
    %dma_wait3A_129 = arith.constant 2 : i32
    %dma_wait3A_130 = arith.constant 0 : i32
    %dma_wait3A_131 = arith.constant 0 : i32
    %dma_wait3A_132 = tpu.memref_slice %arg9[%dma_wait3A_127, %dma_wait3A_130, %dma_wait3A_131] : memref<8x128x64xf32, #tpu.memory_space<vmem>> -> memref<1x128x64xf32, #tpu.memory_space<vmem>>
    %dma_wait3A_133 = tpu.memref_squeeze %dma_wait3A_132 : memref<1x128x64xf32, #tpu.memory_space<vmem>> -> memref<128x64xf32, #tpu.memory_space<vmem>>
    %dma_wait3A_134 = arith.constant 0 : i32
    %dma_wait3A_135 = tpu.memref_slice %arg8[%dma_wait3A_128, %dma_wait3A_134] : memref<80x128xi32, #tpu.memory_space<vmem>> -> memref<1x128xi32, #tpu.memory_space<vmem>>
    %dma_wait3A_136 = tpu.memref_squeeze %dma_wait3A_135 : memref<1x128xi32, #tpu.memory_space<vmem>> -> memref<128xi32, #tpu.memory_space<vmem>>
    %dma_wait3A_137 = arith.constant 0 : i32
    %dma_wait3A_138 = arith.constant 0 : i32
    %dma_wait3A_139 = tpu.memref_slice %arg12[%dma_wait3A_137, %dma_wait3A_138] : memref<10240x64xf32, #tpu.memory_space<vmem_shared>> -> memref<10240x64xf32, #tpu.memory_space<vmem_shared>>
    %dma_wait3A_140 = tpu.memref_slice %arg11[%dma_wait3A_129] : memref<8x!tpu.dma_semaphore, #tpu.memory_space<semaphore_mem>> -> memref<1x!tpu.dma_semaphore, #tpu.memory_space<semaphore_mem>>
    %dma_wait3A_141 = tpu.memref_squeeze %dma_wait3A_140 : memref<1x!tpu.dma_semaphore, #tpu.memory_space<semaphore_mem>> -> memref<!tpu.dma_semaphore, #tpu.memory_space<semaphore_mem>>
    tpu.wait_indirect_dma semaphore(%dma_wait3A_141 : memref<!tpu.dma_semaphore, #tpu.memory_space<semaphore_mem>>) src(%dma_wait3A_133 : memref<128x64xf32, #tpu.memory_space<vmem>>) dst(%dma_wait3A_139 : memref<10240x64xf32, #tpu.memory_space<vmem_shared>>)
    %dma_wait3A_142 = arith.constant 3 : i32
    %dma_wait3A_143 = arith.constant 75 : i32
    %dma_wait3A_144 = arith.constant 3 : i32
    %dma_wait3A_145 = arith.constant 0 : i32
    %dma_wait3A_146 = arith.constant 0 : i32
    %dma_wait3A_147 = tpu.memref_slice %arg9[%dma_wait3A_142, %dma_wait3A_145, %dma_wait3A_146] : memref<8x128x64xf32, #tpu.memory_space<vmem>> -> memref<1x128x64xf32, #tpu.memory_space<vmem>>
    %dma_wait3A_148 = tpu.memref_squeeze %dma_wait3A_147 : memref<1x128x64xf32, #tpu.memory_space<vmem>> -> memref<128x64xf32, #tpu.memory_space<vmem>>
    %dma_wait3A_149 = arith.constant 0 : i32
    %dma_wait3A_150 = tpu.memref_slice %arg8[%dma_wait3A_143, %dma_wait3A_149] : memref<80x128xi32, #tpu.memory_space<vmem>> -> memref<1x128xi32, #tpu.memory_space<vmem>>
    %dma_wait3A_151 = tpu.memref_squeeze %dma_wait3A_150 : memref<1x128xi32, #tpu.memory_space<vmem>> -> memref<128xi32, #tpu.memory_space<vmem>>
    %dma_wait3A_152 = arith.constant 0 : i32
    %dma_wait3A_153 = arith.constant 0 : i32
    %dma_wait3A_154 = tpu.memref_slice %arg12[%dma_wait3A_152, %dma_wait3A_153] : memref<10240x64xf32, #tpu.memory_space<vmem_shared>> -> memref<10240x64xf32, #tpu.memory_space<vmem_shared>>
    %dma_wait3A_155 = tpu.memref_slice %arg11[%dma_wait3A_144] : memref<8x!tpu.dma_semaphore, #tpu.memory_space<semaphore_mem>> -> memref<1x!tpu.dma_semaphore, #tpu.memory_space<semaphore_mem>>
    %dma_wait3A_156 = tpu.memref_squeeze %dma_wait3A_155 : memref<1x!tpu.dma_semaphore, #tpu.memory_space<semaphore_mem>> -> memref<!tpu.dma_semaphore, #tpu.memory_space<semaphore_mem>>
    tpu.wait_indirect_dma semaphore(%dma_wait3A_156 : memref<!tpu.dma_semaphore, #tpu.memory_space<semaphore_mem>>) src(%dma_wait3A_148 : memref<128x64xf32, #tpu.memory_space<vmem>>) dst(%dma_wait3A_154 : memref<10240x64xf32, #tpu.memory_space<vmem_shared>>)
    %dma_wait3A_157 = arith.constant 4 : i32
    %dma_wait3A_158 = arith.constant 76 : i32
    %dma_wait3A_159 = arith.constant 4 : i32
    %dma_wait3A_160 = arith.constant 0 : i32
    %dma_wait3A_161 = arith.constant 0 : i32
    %dma_wait3A_162 = tpu.memref_slice %arg9[%dma_wait3A_157, %dma_wait3A_160, %dma_wait3A_161] : memref<8x128x64xf32, #tpu.memory_space<vmem>> -> memref<1x128x64xf32, #tpu.memory_space<vmem>>
    %dma_wait3A_163 = tpu.memref_squeeze %dma_wait3A_162 : memref<1x128x64xf32, #tpu.memory_space<vmem>> -> memref<128x64xf32, #tpu.memory_space<vmem>>
    %dma_wait3A_164 = arith.constant 0 : i32
    %dma_wait3A_165 = tpu.memref_slice %arg8[%dma_wait3A_158, %dma_wait3A_164] : memref<80x128xi32, #tpu.memory_space<vmem>> -> memref<1x128xi32, #tpu.memory_space<vmem>>
    %dma_wait3A_166 = tpu.memref_squeeze %dma_wait3A_165 : memref<1x128xi32, #tpu.memory_space<vmem>> -> memref<128xi32, #tpu.memory_space<vmem>>
    %dma_wait3A_167 = arith.constant 0 : i32
    %dma_wait3A_168 = arith.constant 0 : i32
    %dma_wait3A_169 = tpu.memref_slice %arg12[%dma_wait3A_167, %dma_wait3A_168] : memref<10240x64xf32, #tpu.memory_space<vmem_shared>> -> memref<10240x64xf32, #tpu.memory_space<vmem_shared>>
    %dma_wait3A_170 = tpu.memref_slice %arg11[%dma_wait3A_159] : memref<8x!tpu.dma_semaphore, #tpu.memory_space<semaphore_mem>> -> memref<1x!tpu.dma_semaphore, #tpu.memory_space<semaphore_mem>>
    %dma_wait3A_171 = tpu.memref_squeeze %dma_wait3A_170 : memref<1x!tpu.dma_semaphore, #tpu.memory_space<semaphore_mem>> -> memref<!tpu.dma_semaphore, #tpu.memory_space<semaphore_mem>>
    tpu.wait_indirect_dma semaphore(%dma_wait3A_171 : memref<!tpu.dma_semaphore, #tpu.memory_space<semaphore_mem>>) src(%dma_wait3A_163 : memref<128x64xf32, #tpu.memory_space<vmem>>) dst(%dma_wait3A_169 : memref<10240x64xf32, #tpu.memory_space<vmem_shared>>)
    %dma_wait3A_172 = arith.constant 5 : i32
    %dma_wait3A_173 = arith.constant 77 : i32
    %dma_wait3A_174 = arith.constant 5 : i32
    %dma_wait3A_175 = arith.constant 0 : i32
    %dma_wait3A_176 = arith.constant 0 : i32
    %dma_wait3A_177 = tpu.memref_slice %arg9[%dma_wait3A_172, %dma_wait3A_175, %dma_wait3A_176] : memref<8x128x64xf32, #tpu.memory_space<vmem>> -> memref<1x128x64xf32, #tpu.memory_space<vmem>>
    %dma_wait3A_178 = tpu.memref_squeeze %dma_wait3A_177 : memref<1x128x64xf32, #tpu.memory_space<vmem>> -> memref<128x64xf32, #tpu.memory_space<vmem>>
    %dma_wait3A_179 = arith.constant 0 : i32
    %dma_wait3A_180 = tpu.memref_slice %arg8[%dma_wait3A_173, %dma_wait3A_179] : memref<80x128xi32, #tpu.memory_space<vmem>> -> memref<1x128xi32, #tpu.memory_space<vmem>>
    %dma_wait3A_181 = tpu.memref_squeeze %dma_wait3A_180 : memref<1x128xi32, #tpu.memory_space<vmem>> -> memref<128xi32, #tpu.memory_space<vmem>>
    %dma_wait3A_182 = arith.constant 0 : i32
    %dma_wait3A_183 = arith.constant 0 : i32
    %dma_wait3A_184 = tpu.memref_slice %arg12[%dma_wait3A_182, %dma_wait3A_183] : memref<10240x64xf32, #tpu.memory_space<vmem_shared>> -> memref<10240x64xf32, #tpu.memory_space<vmem_shared>>
    %dma_wait3A_185 = tpu.memref_slice %arg11[%dma_wait3A_174] : memref<8x!tpu.dma_semaphore, #tpu.memory_space<semaphore_mem>> -> memref<1x!tpu.dma_semaphore, #tpu.memory_space<semaphore_mem>>
    %dma_wait3A_186 = tpu.memref_squeeze %dma_wait3A_185 : memref<1x!tpu.dma_semaphore, #tpu.memory_space<semaphore_mem>> -> memref<!tpu.dma_semaphore, #tpu.memory_space<semaphore_mem>>
    tpu.wait_indirect_dma semaphore(%dma_wait3A_186 : memref<!tpu.dma_semaphore, #tpu.memory_space<semaphore_mem>>) src(%dma_wait3A_178 : memref<128x64xf32, #tpu.memory_space<vmem>>) dst(%dma_wait3A_184 : memref<10240x64xf32, #tpu.memory_space<vmem_shared>>)
    %dma_wait3A_187 = arith.constant 6 : i32
    %dma_wait3A_188 = arith.constant 78 : i32
    %dma_wait3A_189 = arith.constant 6 : i32
    %dma_wait3A_190 = arith.constant 0 : i32
    %dma_wait3A_191 = arith.constant 0 : i32
    %dma_wait3A_192 = tpu.memref_slice %arg9[%dma_wait3A_187, %dma_wait3A_190, %dma_wait3A_191] : memref<8x128x64xf32, #tpu.memory_space<vmem>> -> memref<1x128x64xf32, #tpu.memory_space<vmem>>
    %dma_wait3A_193 = tpu.memref_squeeze %dma_wait3A_192 : memref<1x128x64xf32, #tpu.memory_space<vmem>> -> memref<128x64xf32, #tpu.memory_space<vmem>>
    %dma_wait3A_194 = arith.constant 0 : i32
    %dma_wait3A_195 = tpu.memref_slice %arg8[%dma_wait3A_188, %dma_wait3A_194] : memref<80x128xi32, #tpu.memory_space<vmem>> -> memref<1x128xi32, #tpu.memory_space<vmem>>
    %dma_wait3A_196 = tpu.memref_squeeze %dma_wait3A_195 : memref<1x128xi32, #tpu.memory_space<vmem>> -> memref<128xi32, #tpu.memory_space<vmem>>
    %dma_wait3A_197 = arith.constant 0 : i32
    %dma_wait3A_198 = arith.constant 0 : i32
    %dma_wait3A_199 = tpu.memref_slice %arg12[%dma_wait3A_197, %dma_wait3A_198] : memref<10240x64xf32, #tpu.memory_space<vmem_shared>> -> memref<10240x64xf32, #tpu.memory_space<vmem_shared>>
    %dma_wait3A_200 = tpu.memref_slice %arg11[%dma_wait3A_189] : memref<8x!tpu.dma_semaphore, #tpu.memory_space<semaphore_mem>> -> memref<1x!tpu.dma_semaphore, #tpu.memory_space<semaphore_mem>>
    %dma_wait3A_201 = tpu.memref_squeeze %dma_wait3A_200 : memref<1x!tpu.dma_semaphore, #tpu.memory_space<semaphore_mem>> -> memref<!tpu.dma_semaphore, #tpu.memory_space<semaphore_mem>>
    tpu.wait_indirect_dma semaphore(%dma_wait3A_201 : memref<!tpu.dma_semaphore, #tpu.memory_space<semaphore_mem>>) src(%dma_wait3A_193 : memref<128x64xf32, #tpu.memory_space<vmem>>) dst(%dma_wait3A_199 : memref<10240x64xf32, #tpu.memory_space<vmem_shared>>)
    %dma_wait3A_202 = arith.constant 7 : i32
    %dma_wait3A_203 = arith.constant 79 : i32
    %dma_wait3A_204 = arith.constant 7 : i32
    %dma_wait3A_205 = arith.constant 0 : i32
    %dma_wait3A_206 = arith.constant 0 : i32
    %dma_wait3A_207 = tpu.memref_slice %arg9[%dma_wait3A_202, %dma_wait3A_205, %dma_wait3A_206] : memref<8x128x64xf32, #tpu.memory_space<vmem>> -> memref<1x128x64xf32, #tpu.memory_space<vmem>>
    %dma_wait3A_208 = tpu.memref_squeeze %dma_wait3A_207 : memref<1x128x64xf32, #tpu.memory_space<vmem>> -> memref<128x64xf32, #tpu.memory_space<vmem>>
    %dma_wait3A_209 = arith.constant 0 : i32
    %dma_wait3A_210 = tpu.memref_slice %arg8[%dma_wait3A_203, %dma_wait3A_209] : memref<80x128xi32, #tpu.memory_space<vmem>> -> memref<1x128xi32, #tpu.memory_space<vmem>>
    %dma_wait3A_211 = tpu.memref_squeeze %dma_wait3A_210 : memref<1x128xi32, #tpu.memory_space<vmem>> -> memref<128xi32, #tpu.memory_space<vmem>>
    %dma_wait3A_212 = arith.constant 0 : i32
    %dma_wait3A_213 = arith.constant 0 : i32
    %dma_wait3A_214 = tpu.memref_slice %arg12[%dma_wait3A_212, %dma_wait3A_213] : memref<10240x64xf32, #tpu.memory_space<vmem_shared>> -> memref<10240x64xf32, #tpu.memory_space<vmem_shared>>
    %dma_wait3A_215 = tpu.memref_slice %arg11[%dma_wait3A_204] : memref<8x!tpu.dma_semaphore, #tpu.memory_space<semaphore_mem>> -> memref<1x!tpu.dma_semaphore, #tpu.memory_space<semaphore_mem>>
    %dma_wait3A_216 = tpu.memref_squeeze %dma_wait3A_215 : memref<1x!tpu.dma_semaphore, #tpu.memory_space<semaphore_mem>> -> memref<!tpu.dma_semaphore, #tpu.memory_space<semaphore_mem>>
    tpu.wait_indirect_dma semaphore(%dma_wait3A_216 : memref<!tpu.dma_semaphore, #tpu.memory_space<semaphore_mem>>) src(%dma_wait3A_208 : memref<128x64xf32, #tpu.memory_space<vmem>>) dst(%dma_wait3A_214 : memref<10240x64xf32, #tpu.memory_space<vmem_shared>>)
    %barrier3A_217 = arith.constant 0 : index
    tpu.barrier barrier_id(%barrier3A_217)
    %mul3A_218 = arith.constant 640 : i32
    %mul3A_219 = arith.muli %arg1, %mul3A_218 : i32
    %mul3A_220 = arith.constant 640 : i32
    %mul3A_221 = arith.muli %arg1, %mul3A_220 : i32
    "tpu.region"() ({
      %run_scoped3A = tpu.sem_alloc : memref<!tpu.dma_semaphore, #tpu.memory_space<semaphore_mem>>
      %dma_start3A_222 = arith.constant 0 : i32
      %dma_start3A_223 = tpu.memref_slice %arg6[%arg0, %mul3A_221, %dma_start3A_222] : memref<2x10240x64xf32, #tpu.memory_space<hbm>> -> memref<1x640x64xf32, #tpu.memory_space<hbm>>
      %dma_start3A_224 = tpu.memref_squeeze %dma_start3A_223 : memref<1x640x64xf32, #tpu.memory_space<hbm>> -> memref<640x64xf32, #tpu.memory_space<hbm>>
      %dma_start3A_225 = arith.constant 0 : i32
      %dma_start3A_226 = tpu.memref_slice %arg12[%mul3A_219, %dma_start3A_225] : memref<10240x64xf32, #tpu.memory_space<vmem_shared>> -> memref<640x64xf32, #tpu.memory_space<vmem_shared>>
      tpu.enqueue_dma source(%dma_start3A_226 : memref<640x64xf32, #tpu.memory_space<vmem_shared>>) target(%dma_start3A_224 : memref<640x64xf32, #tpu.memory_space<hbm>>) target_semaphore(%run_scoped3A : memref<!tpu.dma_semaphore, #tpu.memory_space<semaphore_mem>>)
      %dma_wait3A_227 = arith.constant 0 : i32
      %dma_wait3A_228 = tpu.memref_slice %arg6[%arg0, %mul3A_221, %dma_wait3A_227] : memref<2x10240x64xf32, #tpu.memory_space<hbm>> -> memref<1x640x64xf32, #tpu.memory_space<hbm>>
      %dma_wait3A_229 = tpu.memref_squeeze %dma_wait3A_228 : memref<1x640x64xf32, #tpu.memory_space<hbm>> -> memref<640x64xf32, #tpu.memory_space<hbm>>
      %dma_wait3A_230 = arith.constant 0 : i32
      %dma_wait3A_231 = tpu.memref_slice %arg12[%mul3A_219, %dma_wait3A_230] : memref<10240x64xf32, #tpu.memory_space<vmem_shared>> -> memref<640x64xf32, #tpu.memory_space<vmem_shared>>
      tpu.wait_dma2 semaphore(%run_scoped3A : memref<!tpu.dma_semaphore, #tpu.memory_space<semaphore_mem>>) src(%dma_wait3A_231 : memref<640x64xf32, #tpu.memory_space<vmem_shared>>) dst(%dma_wait3A_229 : memref<640x64xf32, #tpu.memory_space<hbm>>)
      tpu.yield
    }) : () -> ()
    return
  }
}

#map = affine_map<(d0, d1) -> (0, 0, 0)>
#map1 = affine_map<(d0, d1) -> (0, 0)>
module attributes {stable_mosaic.version = 14 : i64} {
  func.func @_deg_kernel(%arg0: i32, %arg1: i32, %arg2: memref<32x80x128xi32, #tpu.memory_space<hbm>>, %arg3: memref<2x10240xf32, #tpu.memory_space<hbm>>, %arg4: memref<80x128xi32, #tpu.memory_space<vmem>>, %arg5: memref<10240xf32, #tpu.memory_space<vmem>>, %arg6: memref<16x640xf32, #tpu.memory_space<vmem>>, %arg7: memref<640xf32, #tpu.memory_space<vmem>>, %arg8: memref<16x10240xf32, #tpu.memory_space<vmem_shared>>) attributes {dimension_semantics = [#tpu.dimension_semantics<core_parallel>, #tpu.dimension_semantics<subcore_parallel>], iteration_bounds = array<i64: 2, 16>, scalar_prefetch = 0 : i64, scratch_operands = 5 : i64, tpu.core_type = #tpu.core_type<sc_vector_subcore>, window_params = [{transform_indices = #map}, {transform_indices = #map1}]} {
    %mul3A = arith.constant 16 : i32
    %mul3A_0 = arith.muli %arg0, %mul3A : i32
    %add3A = arith.addi %mul3A_0, %arg1 : i32
    %broadcast_in_dim3A = arith.constant 0.000000e+00 : f32
    %broadcast_in_dim3A_1 = vector.broadcast %broadcast_in_dim3A : f32 to vector<16xf32>
    %scan3A = arith.constant 0 : i32
    %scan3A_2 = arith.constant 640 : i32
    %scan3A_3 = arith.addi %scan3A, %scan3A_2 : i32
    %scan3A_4 = arith.constant 1 : i32
    scf.for %scan3A_22 = %scan3A to %scan3A_3 step %scan3A_4  : i32 {
      %mul3A_23 = arith.constant 1 : i32
      %mul3A_24 = arith.muli %scan3A_22, %mul3A_23 : i32
      %add3A_25 = arith.constant 0 : i32
      %add3A_26 = arith.addi %add3A_25, %mul3A_24 : i32
      %mul3A_27 = arith.constant 16 : i32
      %mul3A_28 = arith.muli %add3A_26, %mul3A_27 : i32
      %swap3A = arith.index_cast %mul3A_28 : i32 to index
      %swap3A_29 = tpu.vector_load %arg5[%swap3A] {strides = array<i32>} : memref<10240xf32, #tpu.memory_space<vmem>>, vector<16xf32>,
      tpu.vector_store %arg5[%swap3A], %broadcast_in_dim3A_1 {strides = array<i32>} : memref<10240xf32, #tpu.memory_space<vmem>>, vector<16xf32>,
    }
    %scan3A_5 = arith.constant 640 : i32
    "tpu.region"() ({
      %run_scoped3A = tpu.sem_alloc : memref<!tpu.dma_semaphore, #tpu.memory_space<semaphore_mem>>
      %dma_start3A = arith.constant 0 : i32
      %dma_start3A_22 = arith.constant 0 : i32
      %dma_start3A_23 = tpu.memref_slice %arg2[%add3A, %dma_start3A, %dma_start3A_22] : memref<32x80x128xi32, #tpu.memory_space<hbm>> -> memref<1x80x128xi32, #tpu.memory_space<hbm>>
      %dma_start3A_24 = tpu.memref_squeeze %dma_start3A_23 : memref<1x80x128xi32, #tpu.memory_space<hbm>> -> memref<80x128xi32, #tpu.memory_space<hbm>>
      %dma_start3A_25 = arith.constant 0 : i32
      %dma_start3A_26 = arith.constant 0 : i32
      %dma_start3A_27 = tpu.memref_slice %arg2[%add3A, %dma_start3A_25, %dma_start3A_26] : memref<32x80x128xi32, #tpu.memory_space<hbm>> -> memref<1x80x128xi32, #tpu.memory_space<hbm>>
      %dma_start3A_28 = tpu.memref_squeeze %dma_start3A_27 : memref<1x80x128xi32, #tpu.memory_space<hbm>> -> memref<80x128xi32, #tpu.memory_space<hbm>>
      tpu.enqueue_dma source(%dma_start3A_28 : memref<80x128xi32, #tpu.memory_space<hbm>>) target(%arg4 : memref<80x128xi32, #tpu.memory_space<vmem>>) target_semaphore(%run_scoped3A : memref<!tpu.dma_semaphore, #tpu.memory_space<semaphore_mem>>)
      %dma_wait3A = arith.constant 0 : i32
      %dma_wait3A_29 = arith.constant 0 : i32
      %dma_wait3A_30 = tpu.memref_slice %arg2[%add3A, %dma_wait3A, %dma_wait3A_29] : memref<32x80x128xi32, #tpu.memory_space<hbm>> -> memref<1x80x128xi32, #tpu.memory_space<hbm>>
      %dma_wait3A_31 = tpu.memref_squeeze %dma_wait3A_30 : memref<1x80x128xi32, #tpu.memory_space<hbm>> -> memref<80x128xi32, #tpu.memory_space<hbm>>
      %dma_wait3A_32 = arith.constant 0 : i32
      %dma_wait3A_33 = arith.constant 0 : i32
      %dma_wait3A_34 = tpu.memref_slice %arg2[%add3A, %dma_wait3A_32, %dma_wait3A_33] : memref<32x80x128xi32, #tpu.memory_space<hbm>> -> memref<1x80x128xi32, #tpu.memory_space<hbm>>
      %dma_wait3A_35 = tpu.memref_squeeze %dma_wait3A_34 : memref<1x80x128xi32, #tpu.memory_space<hbm>> -> memref<80x128xi32, #tpu.memory_space<hbm>>
      tpu.wait_dma2 semaphore(%run_scoped3A : memref<!tpu.dma_semaphore, #tpu.memory_space<semaphore_mem>>) src(%dma_wait3A_35 : memref<80x128xi32, #tpu.memory_space<hbm>>) dst(%arg4 : memref<80x128xi32, #tpu.memory_space<vmem>>)
      tpu.yield
    }) : () -> ()
    %broadcast_in_dim3A_6 = arith.constant 1.000000e+00 : f32
    %broadcast_in_dim3A_7 = vector.broadcast %broadcast_in_dim3A_6 : f32 to vector<16xf32>
    %scan3A_8 = arith.constant 0 : i32
    %scan3A_9 = arith.constant 80 : i32
    %scan3A_10 = arith.addi %scan3A_8, %scan3A_9 : i32
    %scan3A_11 = arith.constant 1 : i32
    scf.for %scan3A_22 = %scan3A_8 to %scan3A_10 step %scan3A_11  : i32 {
      %mul3A_23 = arith.constant 1 : i32
      %mul3A_24 = arith.muli %scan3A_22, %mul3A_23 : i32
      %add3A_25 = arith.constant 0 : i32
      %add3A_26 = arith.addi %add3A_25, %mul3A_24 : i32
      %get3A = arith.index_cast %add3A_26 : i32 to index
      %get3A_27 = arith.constant 0 : index
      %get3A_28 = tpu.vector_load %arg4[%get3A, %get3A_27] {strides = array<i32>} : memref<80x128xi32, #tpu.memory_space<vmem>>, vector<16xi32>,
      tpu.vector_store_idx %arg5[%get3A_28], %broadcast_in_dim3A_7 {add = true} : memref<10240xf32, #tpu.memory_space<vmem>>[vector<16xi32>], vector<16xf32>,
      %get3A_29 = arith.index_cast %add3A_26 : i32 to index
      %get3A_30 = arith.constant 16 : index
      %get3A_31 = tpu.vector_load %arg4[%get3A_29, %get3A_30] {strides = array<i32>} : memref<80x128xi32, #tpu.memory_space<vmem>>, vector<16xi32>,
      tpu.vector_store_idx %arg5[%get3A_31], %broadcast_in_dim3A_7 {add = true} : memref<10240xf32, #tpu.memory_space<vmem>>[vector<16xi32>], vector<16xf32>,
      %get3A_32 = arith.index_cast %add3A_26 : i32 to index
      %get3A_33 = arith.constant 32 : index
      %get3A_34 = tpu.vector_load %arg4[%get3A_32, %get3A_33] {strides = array<i32>} : memref<80x128xi32, #tpu.memory_space<vmem>>, vector<16xi32>,
      tpu.vector_store_idx %arg5[%get3A_34], %broadcast_in_dim3A_7 {add = true} : memref<10240xf32, #tpu.memory_space<vmem>>[vector<16xi32>], vector<16xf32>,
      %get3A_35 = arith.index_cast %add3A_26 : i32 to index
      %get3A_36 = arith.constant 48 : index
      %get3A_37 = tpu.vector_load %arg4[%get3A_35, %get3A_36] {strides = array<i32>} : memref<80x128xi32, #tpu.memory_space<vmem>>, vector<16xi32>,
      tpu.vector_store_idx %arg5[%get3A_37], %broadcast_in_dim3A_7 {add = true} : memref<10240xf32, #tpu.memory_space<vmem>>[vector<16xi32>], vector<16xf32>,
      %get3A_38 = arith.index_cast %add3A_26 : i32 to index
      %get3A_39 = arith.constant 64 : index
      %get3A_40 = tpu.vector_load %arg4[%get3A_38, %get3A_39] {strides = array<i32>} : memref<80x128xi32, #tpu.memory_space<vmem>>, vector<16xi32>,
      tpu.vector_store_idx %arg5[%get3A_40], %broadcast_in_dim3A_7 {add = true} : memref<10240xf32, #tpu.memory_space<vmem>>[vector<16xi32>], vector<16xf32>,
      %get3A_41 = arith.index_cast %add3A_26 : i32 to index
      %get3A_42 = arith.constant 80 : index
      %get3A_43 = tpu.vector_load %arg4[%get3A_41, %get3A_42] {strides = array<i32>} : memref<80x128xi32, #tpu.memory_space<vmem>>, vector<16xi32>,
      tpu.vector_store_idx %arg5[%get3A_43], %broadcast_in_dim3A_7 {add = true} : memref<10240xf32, #tpu.memory_space<vmem>>[vector<16xi32>], vector<16xf32>,
      %get3A_44 = arith.index_cast %add3A_26 : i32 to index
      %get3A_45 = arith.constant 96 : index
      %get3A_46 = tpu.vector_load %arg4[%get3A_44, %get3A_45] {strides = array<i32>} : memref<80x128xi32, #tpu.memory_space<vmem>>, vector<16xi32>,
      tpu.vector_store_idx %arg5[%get3A_46], %broadcast_in_dim3A_7 {add = true} : memref<10240xf32, #tpu.memory_space<vmem>>[vector<16xi32>], vector<16xf32>,
      %get3A_47 = arith.index_cast %add3A_26 : i32 to index
      %get3A_48 = arith.constant 112 : index
      %get3A_49 = tpu.vector_load %arg4[%get3A_47, %get3A_48] {strides = array<i32>} : memref<80x128xi32, #tpu.memory_space<vmem>>, vector<16xi32>,
      tpu.vector_store_idx %arg5[%get3A_49], %broadcast_in_dim3A_7 {add = true} : memref<10240xf32, #tpu.memory_space<vmem>>[vector<16xi32>], vector<16xf32>,
    }
    %scan3A_12 = arith.constant 80 : i32
    "tpu.region"() ({
      %run_scoped3A = tpu.sem_alloc : memref<!tpu.dma_semaphore, #tpu.memory_space<semaphore_mem>>
      %dma_start3A = arith.constant 0 : i32
      %dma_start3A_22 = tpu.memref_slice %arg8[%arg1, %dma_start3A] : memref<16x10240xf32, #tpu.memory_space<vmem_shared>> -> memref<1x10240xf32, #tpu.memory_space<vmem_shared>>
      %dma_start3A_23 = tpu.memref_squeeze %dma_start3A_22 : memref<1x10240xf32, #tpu.memory_space<vmem_shared>> -> memref<10240xf32, #tpu.memory_space<vmem_shared>>
      %dma_start3A_24 = arith.constant 0 : i32
      %dma_start3A_25 = tpu.memref_slice %arg8[%arg1, %dma_start3A_24] : memref<16x10240xf32, #tpu.memory_space<vmem_shared>> -> memref<1x10240xf32, #tpu.memory_space<vmem_shared>>
      %dma_start3A_26 = tpu.memref_squeeze %dma_start3A_25 : memref<1x10240xf32, #tpu.memory_space<vmem_shared>> -> memref<10240xf32, #tpu.memory_space<vmem_shared>>
      tpu.enqueue_dma source(%arg5 : memref<10240xf32, #tpu.memory_space<vmem>>) target(%dma_start3A_26 : memref<10240xf32, #tpu.memory_space<vmem_shared>>) target_semaphore(%run_scoped3A : memref<!tpu.dma_semaphore, #tpu.memory_space<semaphore_mem>>)
      %dma_wait3A = arith.constant 0 : i32
      %dma_wait3A_27 = tpu.memref_slice %arg8[%arg1, %dma_wait3A] : memref<16x10240xf32, #tpu.memory_space<vmem_shared>> -> memref<1x10240xf32, #tpu.memory_space<vmem_shared>>
      %dma_wait3A_28 = tpu.memref_squeeze %dma_wait3A_27 : memref<1x10240xf32, #tpu.memory_space<vmem_shared>> -> memref<10240xf32, #tpu.memory_space<vmem_shared>>
      %dma_wait3A_29 = arith.constant 0 : i32
      %dma_wait3A_30 = tpu.memref_slice %arg8[%arg1, %dma_wait3A_29] : memref<16x10240xf32, #tpu.memory_space<vmem_shared>> -> memref<1x10240xf32, #tpu.memory_space<vmem_shared>>
      %dma_wait3A_31 = tpu.memref_squeeze %dma_wait3A_30 : memref<1x10240xf32, #tpu.memory_space<vmem_shared>> -> memref<10240xf32, #tpu.memory_space<vmem_shared>>
      tpu.wait_dma2 semaphore(%run_scoped3A : memref<!tpu.dma_semaphore, #tpu.memory_space<semaphore_mem>>) src(%arg5 : memref<10240xf32, #tpu.memory_space<vmem>>) dst(%dma_wait3A_31 : memref<10240xf32, #tpu.memory_space<vmem_shared>>)
      tpu.yield
    }) : () -> ()
    %barrier3A = arith.constant 0 : index
    tpu.barrier barrier_id(%barrier3A)
    %mul3A_13 = arith.constant 640 : i32
    %mul3A_14 = arith.muli %arg1, %mul3A_13 : i32
    "tpu.region"() ({
      %run_scoped3A = tpu.sem_alloc : memref<!tpu.dma_semaphore, #tpu.memory_space<semaphore_mem>>
      %dma_start3A = arith.constant 0 : i32
      %dma_start3A_22 = tpu.memref_slice %arg8[%dma_start3A, %mul3A_14] : memref<16x10240xf32, #tpu.memory_space<vmem_shared>> -> memref<16x640xf32, #tpu.memory_space<vmem_shared>>
      %dma_start3A_23 = arith.constant 0 : i32
      %dma_start3A_24 = tpu.memref_slice %arg8[%dma_start3A_23, %mul3A_14] : memref<16x10240xf32, #tpu.memory_space<vmem_shared>> -> memref<16x640xf32, #tpu.memory_space<vmem_shared>>
      tpu.enqueue_dma source(%dma_start3A_24 : memref<16x640xf32, #tpu.memory_space<vmem_shared>>) target(%arg6 : memref<16x640xf32, #tpu.memory_space<vmem>>) target_semaphore(%run_scoped3A : memref<!tpu.dma_semaphore, #tpu.memory_space<semaphore_mem>>)
      %dma_wait3A = arith.constant 0 : i32
      %dma_wait3A_25 = tpu.memref_slice %arg8[%dma_wait3A, %mul3A_14] : memref<16x10240xf32, #tpu.memory_space<vmem_shared>> -> memref<16x640xf32, #tpu.memory_space<vmem_shared>>
      %dma_wait3A_26 = arith.constant 0 : i32
      %dma_wait3A_27 = tpu.memref_slice %arg8[%dma_wait3A_26, %mul3A_14] : memref<16x10240xf32, #tpu.memory_space<vmem_shared>> -> memref<16x640xf32, #tpu.memory_space<vmem_shared>>
      tpu.wait_dma2 semaphore(%run_scoped3A : memref<!tpu.dma_semaphore, #tpu.memory_space<semaphore_mem>>) src(%dma_wait3A_27 : memref<16x640xf32, #tpu.memory_space<vmem_shared>>) dst(%arg6 : memref<16x640xf32, #tpu.memory_space<vmem>>)
      tpu.yield
    }) : () -> ()
    %scan3A_15 = arith.constant 0 : i32
    %scan3A_16 = arith.constant 40 : i32
    %scan3A_17 = arith.addi %scan3A_15, %scan3A_16 : i32
    %scan3A_18 = arith.constant 1 : i32
    scf.for %scan3A_22 = %scan3A_15 to %scan3A_17 step %scan3A_18  : i32 {
      %mul3A_23 = arith.constant 1 : i32
      %mul3A_24 = arith.muli %scan3A_22, %mul3A_23 : i32
      %add3A_25 = arith.constant 0 : i32
      %add3A_26 = arith.addi %add3A_25, %mul3A_24 : i32
      %mul3A_27 = arith.constant 16 : i32
      %mul3A_28 = arith.muli %add3A_26, %mul3A_27 : i32
      %get3A = arith.constant 0 : i32
      %get3A_29 = arith.index_cast %get3A : i32 to index
      %get3A_30 = arith.index_cast %mul3A_28 : i32 to index
      %get3A_31 = tpu.vector_load %arg6[%get3A_29, %get3A_30] {strides = array<i32>} : memref<16x640xf32, #tpu.memory_space<vmem>>, vector<16xf32>,
      %mul3A_32 = arith.constant 16 : i32
      %mul3A_33 = arith.muli %add3A_26, %mul3A_32 : i32
      %get3A_34 = arith.constant 1 : i32
      %get3A_35 = arith.index_cast %get3A_34 : i32 to index
      %get3A_36 = arith.index_cast %mul3A_33 : i32 to index
      %get3A_37 = tpu.vector_load %arg6[%get3A_35, %get3A_36] {strides = array<i32>} : memref<16x640xf32, #tpu.memory_space<vmem>>, vector<16xf32>,
      %add3A_38 = arith.addf %get3A_31, %get3A_37 : vector<16xf32>
      %mul3A_39 = arith.constant 16 : i32
      %mul3A_40 = arith.muli %add3A_26, %mul3A_39 : i32
      %get3A_41 = arith.constant 2 : i32
      %get3A_42 = arith.index_cast %get3A_41 : i32 to index
      %get3A_43 = arith.index_cast %mul3A_40 : i32 to index
      %get3A_44 = tpu.vector_load %arg6[%get3A_42, %get3A_43] {strides = array<i32>} : memref<16x640xf32, #tpu.memory_space<vmem>>, vector<16xf32>,
      %add3A_45 = arith.addf %add3A_38, %get3A_44 : vector<16xf32>
      %mul3A_46 = arith.constant 16 : i32
      %mul3A_47 = arith.muli %add3A_26, %mul3A_46 : i32
      %get3A_48 = arith.constant 3 : i32
      %get3A_49 = arith.index_cast %get3A_48 : i32 to index
      %get3A_50 = arith.index_cast %mul3A_47 : i32 to index
      %get3A_51 = tpu.vector_load %arg6[%get3A_49, %get3A_50] {strides = array<i32>} : memref<16x640xf32, #tpu.memory_space<vmem>>, vector<16xf32>,
      %add3A_52 = arith.addf %add3A_45, %get3A_51 : vector<16xf32>
      %mul3A_53 = arith.constant 16 : i32
      %mul3A_54 = arith.muli %add3A_26, %mul3A_53 : i32
      %get3A_55 = arith.constant 4 : i32
      %get3A_56 = arith.index_cast %get3A_55 : i32 to index
      %get3A_57 = arith.index_cast %mul3A_54 : i32 to index
      %get3A_58 = tpu.vector_load %arg6[%get3A_56, %get3A_57] {strides = array<i32>} : memref<16x640xf32, #tpu.memory_space<vmem>>, vector<16xf32>,
      %add3A_59 = arith.addf %add3A_52, %get3A_58 : vector<16xf32>
      %mul3A_60 = arith.constant 16 : i32
      %mul3A_61 = arith.muli %add3A_26, %mul3A_60 : i32
      %get3A_62 = arith.constant 5 : i32
      %get3A_63 = arith.index_cast %get3A_62 : i32 to index
      %get3A_64 = arith.index_cast %mul3A_61 : i32 to index
      %get3A_65 = tpu.vector_load %arg6[%get3A_63, %get3A_64] {strides = array<i32>} : memref<16x640xf32, #tpu.memory_space<vmem>>, vector<16xf32>,
      %add3A_66 = arith.addf %add3A_59, %get3A_65 : vector<16xf32>
      %mul3A_67 = arith.constant 16 : i32
      %mul3A_68 = arith.muli %add3A_26, %mul3A_67 : i32
      %get3A_69 = arith.constant 6 : i32
      %get3A_70 = arith.index_cast %get3A_69 : i32 to index
      %get3A_71 = arith.index_cast %mul3A_68 : i32 to index
      %get3A_72 = tpu.vector_load %arg6[%get3A_70, %get3A_71] {strides = array<i32>} : memref<16x640xf32, #tpu.memory_space<vmem>>, vector<16xf32>,
      %add3A_73 = arith.addf %add3A_66, %get3A_72 : vector<16xf32>
      %mul3A_74 = arith.constant 16 : i32
      %mul3A_75 = arith.muli %add3A_26, %mul3A_74 : i32
      %get3A_76 = arith.constant 7 : i32
      %get3A_77 = arith.index_cast %get3A_76 : i32 to index
      %get3A_78 = arith.index_cast %mul3A_75 : i32 to index
      %get3A_79 = tpu.vector_load %arg6[%get3A_77, %get3A_78] {strides = array<i32>} : memref<16x640xf32, #tpu.memory_space<vmem>>, vector<16xf32>,
      %add3A_80 = arith.addf %add3A_73, %get3A_79 : vector<16xf32>
      %mul3A_81 = arith.constant 16 : i32
      %mul3A_82 = arith.muli %add3A_26, %mul3A_81 : i32
      %get3A_83 = arith.constant 8 : i32
      %get3A_84 = arith.index_cast %get3A_83 : i32 to index
      %get3A_85 = arith.index_cast %mul3A_82 : i32 to index
      %get3A_86 = tpu.vector_load %arg6[%get3A_84, %get3A_85] {strides = array<i32>} : memref<16x640xf32, #tpu.memory_space<vmem>>, vector<16xf32>,
      %add3A_87 = arith.addf %add3A_80, %get3A_86 : vector<16xf32>
      %mul3A_88 = arith.constant 16 : i32
      %mul3A_89 = arith.muli %add3A_26, %mul3A_88 : i32
      %get3A_90 = arith.constant 9 : i32
      %get3A_91 = arith.index_cast %get3A_90 : i32 to index
      %get3A_92 = arith.index_cast %mul3A_89 : i32 to index
      %get3A_93 = tpu.vector_load %arg6[%get3A_91, %get3A_92] {strides = array<i32>} : memref<16x640xf32, #tpu.memory_space<vmem>>, vector<16xf32>,
      %add3A_94 = arith.addf %add3A_87, %get3A_93 : vector<16xf32>
      %mul3A_95 = arith.constant 16 : i32
      %mul3A_96 = arith.muli %add3A_26, %mul3A_95 : i32
      %get3A_97 = arith.constant 10 : i32
      %get3A_98 = arith.index_cast %get3A_97 : i32 to index
      %get3A_99 = arith.index_cast %mul3A_96 : i32 to index
      %get3A_100 = tpu.vector_load %arg6[%get3A_98, %get3A_99] {strides = array<i32>} : memref<16x640xf32, #tpu.memory_space<vmem>>, vector<16xf32>,
      %add3A_101 = arith.addf %add3A_94, %get3A_100 : vector<16xf32>
      %mul3A_102 = arith.constant 16 : i32
      %mul3A_103 = arith.muli %add3A_26, %mul3A_102 : i32
      %get3A_104 = arith.constant 11 : i32
      %get3A_105 = arith.index_cast %get3A_104 : i32 to index
      %get3A_106 = arith.index_cast %mul3A_103 : i32 to index
      %get3A_107 = tpu.vector_load %arg6[%get3A_105, %get3A_106] {strides = array<i32>} : memref<16x640xf32, #tpu.memory_space<vmem>>, vector<16xf32>,
      %add3A_108 = arith.addf %add3A_101, %get3A_107 : vector<16xf32>
      %mul3A_109 = arith.constant 16 : i32
      %mul3A_110 = arith.muli %add3A_26, %mul3A_109 : i32
      %get3A_111 = arith.constant 12 : i32
      %get3A_112 = arith.index_cast %get3A_111 : i32 to index
      %get3A_113 = arith.index_cast %mul3A_110 : i32 to index
      %get3A_114 = tpu.vector_load %arg6[%get3A_112, %get3A_113] {strides = array<i32>} : memref<16x640xf32, #tpu.memory_space<vmem>>, vector<16xf32>,
      %add3A_115 = arith.addf %add3A_108, %get3A_114 : vector<16xf32>
      %mul3A_116 = arith.constant 16 : i32
      %mul3A_117 = arith.muli %add3A_26, %mul3A_116 : i32
      %get3A_118 = arith.constant 13 : i32
      %get3A_119 = arith.index_cast %get3A_118 : i32 to index
      %get3A_120 = arith.index_cast %mul3A_117 : i32 to index
      %get3A_121 = tpu.vector_load %arg6[%get3A_119, %get3A_120] {strides = array<i32>} : memref<16x640xf32, #tpu.memory_space<vmem>>, vector<16xf32>,
      %add3A_122 = arith.addf %add3A_115, %get3A_121 : vector<16xf32>
      %mul3A_123 = arith.constant 16 : i32
      %mul3A_124 = arith.muli %add3A_26, %mul3A_123 : i32
      %get3A_125 = arith.constant 14 : i32
      %get3A_126 = arith.index_cast %get3A_125 : i32 to index
      %get3A_127 = arith.index_cast %mul3A_124 : i32 to index
      %get3A_128 = tpu.vector_load %arg6[%get3A_126, %get3A_127] {strides = array<i32>} : memref<16x640xf32, #tpu.memory_space<vmem>>, vector<16xf32>,
      %add3A_129 = arith.addf %add3A_122, %get3A_128 : vector<16xf32>
      %mul3A_130 = arith.constant 16 : i32
      %mul3A_131 = arith.muli %add3A_26, %mul3A_130 : i32
      %get3A_132 = arith.constant 15 : i32
      %get3A_133 = arith.index_cast %get3A_132 : i32 to index
      %get3A_134 = arith.index_cast %mul3A_131 : i32 to index
      %get3A_135 = tpu.vector_load %arg6[%get3A_133, %get3A_134] {strides = array<i32>} : memref<16x640xf32, #tpu.memory_space<vmem>>, vector<16xf32>,
      %add3A_136 = arith.addf %add3A_129, %get3A_135 : vector<16xf32>
      %mul3A_137 = arith.constant 16 : i32
      %mul3A_138 = arith.muli %add3A_26, %mul3A_137 : i32
      %swap3A = arith.index_cast %mul3A_138 : i32 to index
      %swap3A_139 = tpu.vector_load %arg7[%swap3A] {strides = array<i32>} : memref<640xf32, #tpu.memory_space<vmem>>, vector<16xf32>,
      tpu.vector_store %arg7[%swap3A], %add3A_136 {strides = array<i32>} : memref<640xf32, #tpu.memory_space<vmem>>, vector<16xf32>,
    }
    %scan3A_19 = arith.constant 40 : i32
    %mul3A_20 = arith.constant 640 : i32
    %mul3A_21 = arith.muli %arg1, %mul3A_20 : i32
    "tpu.region"() ({
      %run_scoped3A = tpu.sem_alloc : memref<!tpu.dma_semaphore, #tpu.memory_space<semaphore_mem>>
      %dma_start3A = tpu.memref_slice %arg3[%arg0, %mul3A_21] : memref<2x10240xf32, #tpu.memory_space<hbm>> -> memref<1x640xf32, #tpu.memory_space<hbm>>
      %dma_start3A_22 = tpu.memref_squeeze %dma_start3A : memref<1x640xf32, #tpu.memory_space<hbm>> -> memref<640xf32, #tpu.memory_space<hbm>>
      %dma_start3A_23 = tpu.memref_slice %arg3[%arg0, %mul3A_21] : memref<2x10240xf32, #tpu.memory_space<hbm>> -> memref<1x640xf32, #tpu.memory_space<hbm>>
      %dma_start3A_24 = tpu.memref_squeeze %dma_start3A_23 : memref<1x640xf32, #tpu.memory_space<hbm>> -> memref<640xf32, #tpu.memory_space<hbm>>
      tpu.enqueue_dma source(%arg7 : memref<640xf32, #tpu.memory_space<vmem>>) target(%dma_start3A_24 : memref<640xf32, #tpu.memory_space<hbm>>) target_semaphore(%run_scoped3A : memref<!tpu.dma_semaphore, #tpu.memory_space<semaphore_mem>>)
      %dma_wait3A = tpu.memref_slice %arg3[%arg0, %mul3A_21] : memref<2x10240xf32, #tpu.memory_space<hbm>> -> memref<1x640xf32, #tpu.memory_space<hbm>>
      %dma_wait3A_25 = tpu.memref_squeeze %dma_wait3A : memref<1x640xf32, #tpu.memory_space<hbm>> -> memref<640xf32, #tpu.memory_space<hbm>>
      %dma_wait3A_26 = tpu.memref_slice %arg3[%arg0, %mul3A_21] : memref<2x10240xf32, #tpu.memory_space<hbm>> -> memref<1x640xf32, #tpu.memory_space<hbm>>
      %dma_wait3A_27 = tpu.memref_squeeze %dma_wait3A_26 : memref<1x640xf32, #tpu.memory_space<hbm>> -> memref<640xf32, #tpu.memory_space<hbm>>
      tpu.wait_dma2 semaphore(%run_scoped3A : memref<!tpu.dma_semaphore, #tpu.memory_space<semaphore_mem>>) src(%arg7 : memref<640xf32, #tpu.memory_space<vmem>>) dst(%dma_wait3A_27 : memref<640xf32, #tpu.memory_space<hbm>>)
      tpu.yield
    }) : () -> ()
    return
  }
}

#map = affine_map<(d0, d1) -> (0, 0)>
#map1 = affine_map<(d0, d1) -> (0, 0, 0)>
module attributes {stable_mosaic.version = 14 : i64} {
  func.func @_agg_kernel(%arg0: i32, %arg1: i32, %arg2: memref<10240x64xf32, #tpu.memory_space<hbm>>, %arg3: memref<32x80x128xi32, #tpu.memory_space<hbm>>, %arg4: memref<32x80x128xi32, #tpu.memory_space<hbm>>, %arg5: memref<10240x64xf32, #tpu.memory_space<hbm>>, %arg6: memref<2x10240x64xf32, #tpu.memory_space<hbm>>, %arg7: memref<80x128xi32, #tpu.memory_space<vmem>>, %arg8: memref<80x128xi32, #tpu.memory_space<vmem>>, %arg9: memref<8x128x64xf32, #tpu.memory_space<vmem>>, %arg10: memref<8x!tpu.dma_semaphore, #tpu.memory_space<semaphore_mem>>, %arg11: memref<8x!tpu.dma_semaphore, #tpu.memory_space<semaphore_mem>>, %arg12: memref<10240x64xf32, #tpu.memory_space<vmem_shared>>) attributes {dimension_semantics = [#tpu.dimension_semantics<core_parallel>, #tpu.dimension_semantics<subcore_parallel>], iteration_bounds = array<i64: 2, 16>, scalar_prefetch = 0 : i64, scratch_operands = 6 : i64, tpu.core_type = #tpu.core_type<sc_vector_subcore>, window_params = [{transform_indices = #map}, {transform_indices = #map1}, {transform_indices = #map1}, {transform_indices = #map}, {transform_indices = #map1}]} {
    %mul3A = arith.constant 16 : i32
    %mul3A_0 = arith.muli %arg0, %mul3A : i32
    %add3A = arith.addi %mul3A_0, %arg1 : i32
    %mul3A_1 = arith.constant 640 : i32
    %mul3A_2 = arith.muli %arg1, %mul3A_1 : i32
    %mul3A_3 = arith.constant 640 : i32
    %mul3A_4 = arith.muli %arg1, %mul3A_3 : i32
    "tpu.region"() ({
      %run_scoped3A = tpu.sem_alloc : memref<!tpu.dma_semaphore, #tpu.memory_space<semaphore_mem>>
      %dma_start3A_222 = arith.constant 0 : i32
      %dma_start3A_223 = tpu.memref_slice %arg12[%mul3A_4, %dma_start3A_222] : memref<10240x64xf32, #tpu.memory_space<vmem_shared>> -> memref<640x64xf32, #tpu.memory_space<vmem_shared>>
      %dma_start3A_224 = arith.constant 0 : i32
      %dma_start3A_225 = tpu.memref_slice %arg5[%mul3A_2, %dma_start3A_224] : memref<10240x64xf32, #tpu.memory_space<hbm>> -> memref<640x64xf32, #tpu.memory_space<hbm>>
      tpu.enqueue_dma source(%dma_start3A_225 : memref<640x64xf32, #tpu.memory_space<hbm>>) target(%dma_start3A_223 : memref<640x64xf32, #tpu.memory_space<vmem_shared>>) target_semaphore(%run_scoped3A : memref<!tpu.dma_semaphore, #tpu.memory_space<semaphore_mem>>)
      %dma_wait3A_226 = arith.constant 0 : i32
      %dma_wait3A_227 = tpu.memref_slice %arg12[%mul3A_4, %dma_wait3A_226] : memref<10240x64xf32, #tpu.memory_space<vmem_shared>> -> memref<640x64xf32, #tpu.memory_space<vmem_shared>>
      %dma_wait3A_228 = arith.constant 0 : i32
      %dma_wait3A_229 = tpu.memref_slice %arg5[%mul3A_2, %dma_wait3A_228] : memref<10240x64xf32, #tpu.memory_space<hbm>> -> memref<640x64xf32, #tpu.memory_space<hbm>>
      tpu.wait_dma2 semaphore(%run_scoped3A : memref<!tpu.dma_semaphore, #tpu.memory_space<semaphore_mem>>) src(%dma_wait3A_229 : memref<640x64xf32, #tpu.memory_space<hbm>>) dst(%dma_wait3A_227 : memref<640x64xf32, #tpu.memory_space<vmem_shared>>)
      tpu.yield
    }) : () -> ()
    "tpu.region"() ({
      %run_scoped3A = tpu.sem_alloc : memref<!tpu.dma_semaphore, #tpu.memory_space<semaphore_mem>>
      %dma_start3A_222 = arith.constant 0 : i32
      %dma_start3A_223 = arith.constant 0 : i32
      %dma_start3A_224 = tpu.memref_slice %arg3[%add3A, %dma_start3A_222, %dma_start3A_223] : memref<32x80x128xi32, #tpu.memory_space<hbm>> -> memref<1x80x128xi32, #tpu.memory_space<hbm>>
      %dma_start3A_225 = tpu.memref_squeeze %dma_start3A_224 : memref<1x80x128xi32, #tpu.memory_space<hbm>> -> memref<80x128xi32, #tpu.memory_space<hbm>>
      %dma_start3A_226 = arith.constant 0 : i32
      %dma_start3A_227 = arith.constant 0 : i32
      %dma_start3A_228 = tpu.memref_slice %arg3[%add3A, %dma_start3A_226, %dma_start3A_227] : memref<32x80x128xi32, #tpu.memory_space<hbm>> -> memref<1x80x128xi32, #tpu.memory_space<hbm>>
      %dma_start3A_229 = tpu.memref_squeeze %dma_start3A_228 : memref<1x80x128xi32, #tpu.memory_space<hbm>> -> memref<80x128xi32, #tpu.memory_space<hbm>>
      tpu.enqueue_dma source(%dma_start3A_229 : memref<80x128xi32, #tpu.memory_space<hbm>>) target(%arg7 : memref<80x128xi32, #tpu.memory_space<vmem>>) target_semaphore(%run_scoped3A : memref<!tpu.dma_semaphore, #tpu.memory_space<semaphore_mem>>)
      %dma_wait3A_230 = arith.constant 0 : i32
      %dma_wait3A_231 = arith.constant 0 : i32
      %dma_wait3A_232 = tpu.memref_slice %arg3[%add3A, %dma_wait3A_230, %dma_wait3A_231] : memref<32x80x128xi32, #tpu.memory_space<hbm>> -> memref<1x80x128xi32, #tpu.memory_space<hbm>>
      %dma_wait3A_233 = tpu.memref_squeeze %dma_wait3A_232 : memref<1x80x128xi32, #tpu.memory_space<hbm>> -> memref<80x128xi32, #tpu.memory_space<hbm>>
      %dma_wait3A_234 = arith.constant 0 : i32
      %dma_wait3A_235 = arith.constant 0 : i32
      %dma_wait3A_236 = tpu.memref_slice %arg3[%add3A, %dma_wait3A_234, %dma_wait3A_235] : memref<32x80x128xi32, #tpu.memory_space<hbm>> -> memref<1x80x128xi32, #tpu.memory_space<hbm>>
      %dma_wait3A_237 = tpu.memref_squeeze %dma_wait3A_236 : memref<1x80x128xi32, #tpu.memory_space<hbm>> -> memref<80x128xi32, #tpu.memory_space<hbm>>
      tpu.wait_dma2 semaphore(%run_scoped3A : memref<!tpu.dma_semaphore, #tpu.memory_space<semaphore_mem>>) src(%dma_wait3A_237 : memref<80x128xi32, #tpu.memory_space<hbm>>) dst(%arg7 : memref<80x128xi32, #tpu.memory_space<vmem>>)
      tpu.yield
    }) : () -> ()
    "tpu.region"() ({
      %run_scoped3A = tpu.sem_alloc : memref<!tpu.dma_semaphore, #tpu.memory_space<semaphore_mem>>
      %dma_start3A_222 = arith.constant 0 : i32
      %dma_start3A_223 = arith.constant 0 : i32
      %dma_start3A_224 = tpu.memref_slice %arg4[%add3A, %dma_start3A_222, %dma_start3A_223] : memref<32x80x128xi32, #tpu.memory_space<hbm>> -> memref<1x80x128xi32, #tpu.memory_space<hbm>>
      %dma_start3A_225 = tpu.memref_squeeze %dma_start3A_224 : memref<1x80x128xi32, #tpu.memory_space<hbm>> -> memref<80x128xi32, #tpu.memory_space<hbm>>
      %dma_start3A_226 = arith.constant 0 : i32
      %dma_start3A_227 = arith.constant 0 : i32
      %dma_start3A_228 = tpu.memref_slice %arg4[%add3A, %dma_start3A_226, %dma_start3A_227] : memref<32x80x128xi32, #tpu.memory_space<hbm>> -> memref<1x80x128xi32, #tpu.memory_space<hbm>>
      %dma_start3A_229 = tpu.memref_squeeze %dma_start3A_228 : memref<1x80x128xi32, #tpu.memory_space<hbm>> -> memref<80x128xi32, #tpu.memory_space<hbm>>
      tpu.enqueue_dma source(%dma_start3A_229 : memref<80x128xi32, #tpu.memory_space<hbm>>) target(%arg8 : memref<80x128xi32, #tpu.memory_space<vmem>>) target_semaphore(%run_scoped3A : memref<!tpu.dma_semaphore, #tpu.memory_space<semaphore_mem>>)
      %dma_wait3A_230 = arith.constant 0 : i32
      %dma_wait3A_231 = arith.constant 0 : i32
      %dma_wait3A_232 = tpu.memref_slice %arg4[%add3A, %dma_wait3A_230, %dma_wait3A_231] : memref<32x80x128xi32, #tpu.memory_space<hbm>> -> memref<1x80x128xi32, #tpu.memory_space<hbm>>
      %dma_wait3A_233 = tpu.memref_squeeze %dma_wait3A_232 : memref<1x80x128xi32, #tpu.memory_space<hbm>> -> memref<80x128xi32, #tpu.memory_space<hbm>>
      %dma_wait3A_234 = arith.constant 0 : i32
      %dma_wait3A_235 = arith.constant 0 : i32
      %dma_wait3A_236 = tpu.memref_slice %arg4[%add3A, %dma_wait3A_234, %dma_wait3A_235] : memref<32x80x128xi32, #tpu.memory_space<hbm>> -> memref<1x80x128xi32, #tpu.memory_space<hbm>>
      %dma_wait3A_237 = tpu.memref_squeeze %dma_wait3A_236 : memref<1x80x128xi32, #tpu.memory_space<hbm>> -> memref<80x128xi32, #tpu.memory_space<hbm>>
      tpu.wait_dma2 semaphore(%run_scoped3A : memref<!tpu.dma_semaphore, #tpu.memory_space<semaphore_mem>>) src(%dma_wait3A_237 : memref<80x128xi32, #tpu.memory_space<hbm>>) dst(%arg8 : memref<80x128xi32, #tpu.memory_space<vmem>>)
      tpu.yield
    }) : () -> ()
    %barrier3A = arith.constant 0 : index
    tpu.barrier barrier_id(%barrier3A)
    %dma_start3A = arith.constant 0 : i32
    %dma_start3A_5 = arith.constant 0 : i32
    %dma_start3A_6 = arith.constant 0 : i32
    %dma_start3A_7 = arith.constant 0 : i32
    %dma_start3A_8 = arith.constant 0 : i32
    %dma_start3A_9 = tpu.memref_slice %arg9[%dma_start3A_5, %dma_start3A_7, %dma_start3A_8] : memref<8x128x64xf32, #tpu.memory_space<vmem>> -> memref<1x128x64xf32, #tpu.memory_space<vmem>>
    %dma_start3A_10 = tpu.memref_squeeze %dma_start3A_9 : memref<1x128x64xf32, #tpu.memory_space<vmem>> -> memref<128x64xf32, #tpu.memory_space<vmem>>
    %dma_start3A_11 = arith.constant 0 : i32
    %dma_start3A_12 = tpu.memref_slice %arg7[%dma_start3A, %dma_start3A_11] : memref<80x128xi32, #tpu.memory_space<vmem>> -> memref<1x128xi32, #tpu.memory_space<vmem>>
    %dma_start3A_13 = tpu.memref_squeeze %dma_start3A_12 : memref<1x128xi32, #tpu.memory_space<vmem>> -> memref<128xi32, #tpu.memory_space<vmem>>
    %dma_start3A_14 = arith.constant 0 : i32
    %dma_start3A_15 = arith.constant 0 : i32
    %dma_start3A_16 = tpu.memref_slice %arg2[%dma_start3A_14, %dma_start3A_15] : memref<10240x64xf32, #tpu.memory_space<hbm>> -> memref<10240x64xf32, #tpu.memory_space<hbm>>
    %dma_start3A_17 = tpu.memref_slice %arg10[%dma_start3A_6] : memref<8x!tpu.dma_semaphore, #tpu.memory_space<semaphore_mem>> -> memref<1x!tpu.dma_semaphore, #tpu.memory_space<semaphore_mem>>
    %dma_start3A_18 = tpu.memref_squeeze %dma_start3A_17 : memref<1x!tpu.dma_semaphore, #tpu.memory_space<semaphore_mem>> -> memref<!tpu.dma_semaphore, #tpu.memory_space<semaphore_mem>>
    tpu.enqueue_indirect_dma source(%dma_start3A_16 : memref<10240x64xf32, #tpu.memory_space<hbm>>) target(%dma_start3A_10 : memref<128x64xf32, #tpu.memory_space<vmem>>) offsets(%dma_start3A_13 : memref<128xi32, #tpu.memory_space<vmem>>) semaphore(%dma_start3A_18 : memref<!tpu.dma_semaphore, #tpu.memory_space<semaphore_mem>>)
    %dma_start3A_19 = arith.constant 1 : i32
    %dma_start3A_20 = arith.constant 1 : i32
    %dma_start3A_21 = arith.constant 1 : i32
    %dma_start3A_22 = arith.constant 0 : i32
    %dma_start3A_23 = arith.constant 0 : i32
    %dma_start3A_24 = tpu.memref_slice %arg9[%dma_start3A_20, %dma_start3A_22, %dma_start3A_23] : memref<8x128x64xf32, #tpu.memory_space<vmem>> -> memref<1x128x64xf32, #tpu.memory_space<vmem>>
    %dma_start3A_25 = tpu.memref_squeeze %dma_start3A_24 : memref<1x128x64xf32, #tpu.memory_space<vmem>> -> memref<128x64xf32, #tpu.memory_space<vmem>>
    %dma_start3A_26 = arith.constant 0 : i32
    %dma_start3A_27 = tpu.memref_slice %arg7[%dma_start3A_19, %dma_start3A_26] : memref<80x128xi32, #tpu.memory_space<vmem>> -> memref<1x128xi32, #tpu.memory_space<vmem>>
    %dma_start3A_28 = tpu.memref_squeeze %dma_start3A_27 : memref<1x128xi32, #tpu.memory_space<vmem>> -> memref<128xi32, #tpu.memory_space<vmem>>
    %dma_start3A_29 = arith.constant 0 : i32
    %dma_start3A_30 = arith.constant 0 : i32
    %dma_start3A_31 = tpu.memref_slice %arg2[%dma_start3A_29, %dma_start3A_30] : memref<10240x64xf32, #tpu.memory_space<hbm>> -> memref<10240x64xf32, #tpu.memory_space<hbm>>
    %dma_start3A_32 = tpu.memref_slice %arg10[%dma_start3A_21] : memref<8x!tpu.dma_semaphore, #tpu.memory_space<semaphore_mem>> -> memref<1x!tpu.dma_semaphore, #tpu.memory_space<semaphore_mem>>
    %dma_start3A_33 = tpu.memref_squeeze %dma_start3A_32 : memref<1x!tpu.dma_semaphore, #tpu.memory_space<semaphore_mem>> -> memref<!tpu.dma_semaphore, #tpu.memory_space<semaphore_mem>>
    tpu.enqueue_indirect_dma source(%dma_start3A_31 : memref<10240x64xf32, #tpu.memory_space<hbm>>) target(%dma_start3A_25 : memref<128x64xf32, #tpu.memory_space<vmem>>) offsets(%dma_start3A_28 : memref<128xi32, #tpu.memory_space<vmem>>) semaphore(%dma_start3A_33 : memref<!tpu.dma_semaphore, #tpu.memory_space<semaphore_mem>>)
    %dma_start3A_34 = arith.constant 2 : i32
    %dma_start3A_35 = arith.constant 2 : i32
    %dma_start3A_36 = arith.constant 2 : i32
    %dma_start3A_37 = arith.constant 0 : i32
    %dma_start3A_38 = arith.constant 0 : i32
    %dma_start3A_39 = tpu.memref_slice %arg9[%dma_start3A_35, %dma_start3A_37, %dma_start3A_38] : memref<8x128x64xf32, #tpu.memory_space<vmem>> -> memref<1x128x64xf32, #tpu.memory_space<vmem>>
    %dma_start3A_40 = tpu.memref_squeeze %dma_start3A_39 : memref<1x128x64xf32, #tpu.memory_space<vmem>> -> memref<128x64xf32, #tpu.memory_space<vmem>>
    %dma_start3A_41 = arith.constant 0 : i32
    %dma_start3A_42 = tpu.memref_slice %arg7[%dma_start3A_34, %dma_start3A_41] : memref<80x128xi32, #tpu.memory_space<vmem>> -> memref<1x128xi32, #tpu.memory_space<vmem>>
    %dma_start3A_43 = tpu.memref_squeeze %dma_start3A_42 : memref<1x128xi32, #tpu.memory_space<vmem>> -> memref<128xi32, #tpu.memory_space<vmem>>
    %dma_start3A_44 = arith.constant 0 : i32
    %dma_start3A_45 = arith.constant 0 : i32
    %dma_start3A_46 = tpu.memref_slice %arg2[%dma_start3A_44, %dma_start3A_45] : memref<10240x64xf32, #tpu.memory_space<hbm>> -> memref<10240x64xf32, #tpu.memory_space<hbm>>
    %dma_start3A_47 = tpu.memref_slice %arg10[%dma_start3A_36] : memref<8x!tpu.dma_semaphore, #tpu.memory_space<semaphore_mem>> -> memref<1x!tpu.dma_semaphore, #tpu.memory_space<semaphore_mem>>
    %dma_start3A_48 = tpu.memref_squeeze %dma_start3A_47 : memref<1x!tpu.dma_semaphore, #tpu.memory_space<semaphore_mem>> -> memref<!tpu.dma_semaphore, #tpu.memory_space<semaphore_mem>>
    tpu.enqueue_indirect_dma source(%dma_start3A_46 : memref<10240x64xf32, #tpu.memory_space<hbm>>) target(%dma_start3A_40 : memref<128x64xf32, #tpu.memory_space<vmem>>) offsets(%dma_start3A_43 : memref<128xi32, #tpu.memory_space<vmem>>) semaphore(%dma_start3A_48 : memref<!tpu.dma_semaphore, #tpu.memory_space<semaphore_mem>>)
    %dma_start3A_49 = arith.constant 3 : i32
    %dma_start3A_50 = arith.constant 3 : i32
    %dma_start3A_51 = arith.constant 3 : i32
    %dma_start3A_52 = arith.constant 0 : i32
    %dma_start3A_53 = arith.constant 0 : i32
    %dma_start3A_54 = tpu.memref_slice %arg9[%dma_start3A_50, %dma_start3A_52, %dma_start3A_53] : memref<8x128x64xf32, #tpu.memory_space<vmem>> -> memref<1x128x64xf32, #tpu.memory_space<vmem>>
    %dma_start3A_55 = tpu.memref_squeeze %dma_start3A_54 : memref<1x128x64xf32, #tpu.memory_space<vmem>> -> memref<128x64xf32, #tpu.memory_space<vmem>>
    %dma_start3A_56 = arith.constant 0 : i32
    %dma_start3A_57 = tpu.memref_slice %arg7[%dma_start3A_49, %dma_start3A_56] : memref<80x128xi32, #tpu.memory_space<vmem>> -> memref<1x128xi32, #tpu.memory_space<vmem>>
    %dma_start3A_58 = tpu.memref_squeeze %dma_start3A_57 : memref<1x128xi32, #tpu.memory_space<vmem>> -> memref<128xi32, #tpu.memory_space<vmem>>
    %dma_start3A_59 = arith.constant 0 : i32
    %dma_start3A_60 = arith.constant 0 : i32
    %dma_start3A_61 = tpu.memref_slice %arg2[%dma_start3A_59, %dma_start3A_60] : memref<10240x64xf32, #tpu.memory_space<hbm>> -> memref<10240x64xf32, #tpu.memory_space<hbm>>
    %dma_start3A_62 = tpu.memref_slice %arg10[%dma_start3A_51] : memref<8x!tpu.dma_semaphore, #tpu.memory_space<semaphore_mem>> -> memref<1x!tpu.dma_semaphore, #tpu.memory_space<semaphore_mem>>
    %dma_start3A_63 = tpu.memref_squeeze %dma_start3A_62 : memref<1x!tpu.dma_semaphore, #tpu.memory_space<semaphore_mem>> -> memref<!tpu.dma_semaphore, #tpu.memory_space<semaphore_mem>>
    tpu.enqueue_indirect_dma source(%dma_start3A_61 : memref<10240x64xf32, #tpu.memory_space<hbm>>) target(%dma_start3A_55 : memref<128x64xf32, #tpu.memory_space<vmem>>) offsets(%dma_start3A_58 : memref<128xi32, #tpu.memory_space<vmem>>) semaphore(%dma_start3A_63 : memref<!tpu.dma_semaphore, #tpu.memory_space<semaphore_mem>>)
    %dma_start3A_64 = arith.constant 4 : i32
    %dma_start3A_65 = arith.constant 4 : i32
    %dma_start3A_66 = arith.constant 4 : i32
    %dma_start3A_67 = arith.constant 0 : i32
    %dma_start3A_68 = arith.constant 0 : i32
    %dma_start3A_69 = tpu.memref_slice %arg9[%dma_start3A_65, %dma_start3A_67, %dma_start3A_68] : memref<8x128x64xf32, #tpu.memory_space<vmem>> -> memref<1x128x64xf32, #tpu.memory_space<vmem>>
    %dma_start3A_70 = tpu.memref_squeeze %dma_start3A_69 : memref<1x128x64xf32, #tpu.memory_space<vmem>> -> memref<128x64xf32, #tpu.memory_space<vmem>>
    %dma_start3A_71 = arith.constant 0 : i32
    %dma_start3A_72 = tpu.memref_slice %arg7[%dma_start3A_64, %dma_start3A_71] : memref<80x128xi32, #tpu.memory_space<vmem>> -> memref<1x128xi32, #tpu.memory_space<vmem>>
    %dma_start3A_73 = tpu.memref_squeeze %dma_start3A_72 : memref<1x128xi32, #tpu.memory_space<vmem>> -> memref<128xi32, #tpu.memory_space<vmem>>
    %dma_start3A_74 = arith.constant 0 : i32
    %dma_start3A_75 = arith.constant 0 : i32
    %dma_start3A_76 = tpu.memref_slice %arg2[%dma_start3A_74, %dma_start3A_75] : memref<10240x64xf32, #tpu.memory_space<hbm>> -> memref<10240x64xf32, #tpu.memory_space<hbm>>
    %dma_start3A_77 = tpu.memref_slice %arg10[%dma_start3A_66] : memref<8x!tpu.dma_semaphore, #tpu.memory_space<semaphore_mem>> -> memref<1x!tpu.dma_semaphore, #tpu.memory_space<semaphore_mem>>
    %dma_start3A_78 = tpu.memref_squeeze %dma_start3A_77 : memref<1x!tpu.dma_semaphore, #tpu.memory_space<semaphore_mem>> -> memref<!tpu.dma_semaphore, #tpu.memory_space<semaphore_mem>>
    tpu.enqueue_indirect_dma source(%dma_start3A_76 : memref<10240x64xf32, #tpu.memory_space<hbm>>) target(%dma_start3A_70 : memref<128x64xf32, #tpu.memory_space<vmem>>) offsets(%dma_start3A_73 : memref<128xi32, #tpu.memory_space<vmem>>) semaphore(%dma_start3A_78 : memref<!tpu.dma_semaphore, #tpu.memory_space<semaphore_mem>>)
    %dma_start3A_79 = arith.constant 5 : i32
    %dma_start3A_80 = arith.constant 5 : i32
    %dma_start3A_81 = arith.constant 5 : i32
    %dma_start3A_82 = arith.constant 0 : i32
    %dma_start3A_83 = arith.constant 0 : i32
    %dma_start3A_84 = tpu.memref_slice %arg9[%dma_start3A_80, %dma_start3A_82, %dma_start3A_83] : memref<8x128x64xf32, #tpu.memory_space<vmem>> -> memref<1x128x64xf32, #tpu.memory_space<vmem>>
    %dma_start3A_85 = tpu.memref_squeeze %dma_start3A_84 : memref<1x128x64xf32, #tpu.memory_space<vmem>> -> memref<128x64xf32, #tpu.memory_space<vmem>>
    %dma_start3A_86 = arith.constant 0 : i32
    %dma_start3A_87 = tpu.memref_slice %arg7[%dma_start3A_79, %dma_start3A_86] : memref<80x128xi32, #tpu.memory_space<vmem>> -> memref<1x128xi32, #tpu.memory_space<vmem>>
    %dma_start3A_88 = tpu.memref_squeeze %dma_start3A_87 : memref<1x128xi32, #tpu.memory_space<vmem>> -> memref<128xi32, #tpu.memory_space<vmem>>
    %dma_start3A_89 = arith.constant 0 : i32
    %dma_start3A_90 = arith.constant 0 : i32
    %dma_start3A_91 = tpu.memref_slice %arg2[%dma_start3A_89, %dma_start3A_90] : memref<10240x64xf32, #tpu.memory_space<hbm>> -> memref<10240x64xf32, #tpu.memory_space<hbm>>
    %dma_start3A_92 = tpu.memref_slice %arg10[%dma_start3A_81] : memref<8x!tpu.dma_semaphore, #tpu.memory_space<semaphore_mem>> -> memref<1x!tpu.dma_semaphore, #tpu.memory_space<semaphore_mem>>
    %dma_start3A_93 = tpu.memref_squeeze %dma_start3A_92 : memref<1x!tpu.dma_semaphore, #tpu.memory_space<semaphore_mem>> -> memref<!tpu.dma_semaphore, #tpu.memory_space<semaphore_mem>>
    tpu.enqueue_indirect_dma source(%dma_start3A_91 : memref<10240x64xf32, #tpu.memory_space<hbm>>) target(%dma_start3A_85 : memref<128x64xf32, #tpu.memory_space<vmem>>) offsets(%dma_start3A_88 : memref<128xi32, #tpu.memory_space<vmem>>) semaphore(%dma_start3A_93 : memref<!tpu.dma_semaphore, #tpu.memory_space<semaphore_mem>>)
    %scan3A = arith.constant 0 : i32
    %scan3A_94 = arith.constant 10 : i32
    %scan3A_95 = arith.addi %scan3A, %scan3A_94 : i32
    %scan3A_96 = arith.constant 1 : i32
    scf.for %scan3A_222 = %scan3A to %scan3A_95 step %scan3A_96  : i32 {
      %mul3A_223 = arith.constant 1 : i32
      %mul3A_224 = arith.muli %scan3A_222, %mul3A_223 : i32
      %add3A_225 = arith.constant 0 : i32
      %add3A_226 = arith.addi %add3A_225, %mul3A_224 : i32
      %mul3A_227 = arith.constant 8 : i32
      %mul3A_228 = arith.muli %add3A_226, %mul3A_227 : i32
      %add3A_229 = arith.constant 0 : i32
      %add3A_230 = arith.addi %mul3A_228, %add3A_229 : i32
      %gt3A = arith.constant 0 : i32
      %gt3A_231 = arith.cmpi sgt, %add3A_226, %gt3A : i32
      %convert_element_type3A = arith.extui %gt3A_231 : i1 to i32
      %cond3A = arith.constant 0 : i32
      %cond3A_232 = arith.cmpi ne, %convert_element_type3A, %cond3A : i32
      scf.if %cond3A_232 {
        %sub3A = arith.constant 2 : i32
        %sub3A_551 = arith.subi %add3A_230, %sub3A : i32
        %dma_wait3A_552 = arith.constant 6 : i32
        %dma_wait3A_553 = arith.constant 6 : i32
        %dma_wait3A_554 = arith.constant 0 : i32
        %dma_wait3A_555 = arith.constant 0 : i32
        %dma_wait3A_556 = tpu.memref_slice %arg9[%dma_wait3A_552, %dma_wait3A_554, %dma_wait3A_555] : memref<8x128x64xf32, #tpu.memory_space<vmem>> -> memref<1x128x64xf32, #tpu.memory_space<vmem>>
        %dma_wait3A_557 = tpu.memref_squeeze %dma_wait3A_556 : memref<1x128x64xf32, #tpu.memory_space<vmem>> -> memref<128x64xf32, #tpu.memory_space<vmem>>
        %dma_wait3A_558 = arith.constant 0 : i32
        %dma_wait3A_559 = tpu.memref_slice %arg8[%sub3A_551, %dma_wait3A_558] : memref<80x128xi32, #tpu.memory_space<vmem>> -> memref<1x128xi32, #tpu.memory_space<vmem>>
        %dma_wait3A_560 = tpu.memref_squeeze %dma_wait3A_559 : memref<1x128xi32, #tpu.memory_space<vmem>> -> memref<128xi32, #tpu.memory_space<vmem>>
        %dma_wait3A_561 = arith.constant 0 : i32
        %dma_wait3A_562 = arith.constant 0 : i32
        %dma_wait3A_563 = tpu.memref_slice %arg12[%dma_wait3A_561, %dma_wait3A_562] : memref<10240x64xf32, #tpu.memory_space<vmem_shared>> -> memref<10240x64xf32, #tpu.memory_space<vmem_shared>>
        %dma_wait3A_564 = tpu.memref_slice %arg11[%dma_wait3A_553] : memref<8x!tpu.dma_semaphore, #tpu.memory_space<semaphore_mem>> -> memref<1x!tpu.dma_semaphore, #tpu.memory_space<semaphore_mem>>
        %dma_wait3A_565 = tpu.memref_squeeze %dma_wait3A_564 : memref<1x!tpu.dma_semaphore, #tpu.memory_space<semaphore_mem>> -> memref<!tpu.dma_semaphore, #tpu.memory_space<semaphore_mem>>
        tpu.wait_indirect_dma semaphore(%dma_wait3A_565 : memref<!tpu.dma_semaphore, #tpu.memory_space<semaphore_mem>>) src(%dma_wait3A_557 : memref<128x64xf32, #tpu.memory_space<vmem>>) dst(%dma_wait3A_563 : memref<10240x64xf32, #tpu.memory_space<vmem_shared>>)
      } else {
      }
      %add3A_233 = arith.constant 6 : i32
      %add3A_234 = arith.addi %add3A_230, %add3A_233 : i32
      %dma_start3A_235 = arith.constant 6 : i32
      %dma_start3A_236 = arith.constant 6 : i32
      %dma_start3A_237 = arith.constant 0 : i32
      %dma_start3A_238 = arith.constant 0 : i32
      %dma_start3A_239 = tpu.memref_slice %arg9[%dma_start3A_235, %dma_start3A_237, %dma_start3A_238] : memref<8x128x64xf32, #tpu.memory_space<vmem>> -> memref<1x128x64xf32, #tpu.memory_space<vmem>>
      %dma_start3A_240 = tpu.memref_squeeze %dma_start3A_239 : memref<1x128x64xf32, #tpu.memory_space<vmem>> -> memref<128x64xf32, #tpu.memory_space<vmem>>
      %dma_start3A_241 = arith.constant 0 : i32
      %dma_start3A_242 = tpu.memref_slice %arg7[%add3A_234, %dma_start3A_241] : memref<80x128xi32, #tpu.memory_space<vmem>> -> memref<1x128xi32, #tpu.memory_space<vmem>>
      %dma_start3A_243 = tpu.memref_squeeze %dma_start3A_242 : memref<1x128xi32, #tpu.memory_space<vmem>> -> memref<128xi32, #tpu.memory_space<vmem>>
      %dma_start3A_244 = arith.constant 0 : i32
      %dma_start3A_245 = arith.constant 0 : i32
      %dma_start3A_246 = tpu.memref_slice %arg2[%dma_start3A_244, %dma_start3A_245] : memref<10240x64xf32, #tpu.memory_space<hbm>> -> memref<10240x64xf32, #tpu.memory_space<hbm>>
      %dma_start3A_247 = tpu.memref_slice %arg10[%dma_start3A_236] : memref<8x!tpu.dma_semaphore, #tpu.memory_space<semaphore_mem>> -> memref<1x!tpu.dma_semaphore, #tpu.memory_space<semaphore_mem>>
      %dma_start3A_248 = tpu.memref_squeeze %dma_start3A_247 : memref<1x!tpu.dma_semaphore, #tpu.memory_space<semaphore_mem>> -> memref<!tpu.dma_semaphore, #tpu.memory_space<semaphore_mem>>
      tpu.enqueue_indirect_dma source(%dma_start3A_246 : memref<10240x64xf32, #tpu.memory_space<hbm>>) target(%dma_start3A_240 : memref<128x64xf32, #tpu.memory_space<vmem>>) offsets(%dma_start3A_243 : memref<128xi32, #tpu.memory_space<vmem>>) semaphore(%dma_start3A_248 : memref<!tpu.dma_semaphore, #tpu.memory_space<semaphore_mem>>)
      %dma_wait3A_249 = arith.constant 0 : i32
      %dma_wait3A_250 = arith.constant 0 : i32
      %dma_wait3A_251 = arith.constant 0 : i32
      %dma_wait3A_252 = arith.constant 0 : i32
      %dma_wait3A_253 = tpu.memref_slice %arg9[%dma_wait3A_249, %dma_wait3A_251, %dma_wait3A_252] : memref<8x128x64xf32, #tpu.memory_space<vmem>> -> memref<1x128x64xf32, #tpu.memory_space<vmem>>
      %dma_wait3A_254 = tpu.memref_squeeze %dma_wait3A_253 : memref<1x128x64xf32, #tpu.memory_space<vmem>> -> memref<128x64xf32, #tpu.memory_space<vmem>>
      %dma_wait3A_255 = arith.constant 0 : i32
      %dma_wait3A_256 = tpu.memref_slice %arg7[%add3A_230, %dma_wait3A_255] : memref<80x128xi32, #tpu.memory_space<vmem>> -> memref<1x128xi32, #tpu.memory_space<vmem>>
      %dma_wait3A_257 = tpu.memref_squeeze %dma_wait3A_256 : memref<1x128xi32, #tpu.memory_space<vmem>> -> memref<128xi32, #tpu.memory_space<vmem>>
      %dma_wait3A_258 = arith.constant 0 : i32
      %dma_wait3A_259 = arith.constant 0 : i32
      %dma_wait3A_260 = tpu.memref_slice %arg2[%dma_wait3A_258, %dma_wait3A_259] : memref<10240x64xf32, #tpu.memory_space<hbm>> -> memref<10240x64xf32, #tpu.memory_space<hbm>>
      %dma_wait3A_261 = tpu.memref_slice %arg10[%dma_wait3A_250] : memref<8x!tpu.dma_semaphore, #tpu.memory_space<semaphore_mem>> -> memref<1x!tpu.dma_semaphore, #tpu.memory_space<semaphore_mem>>
      %dma_wait3A_262 = tpu.memref_squeeze %dma_wait3A_261 : memref<1x!tpu.dma_semaphore, #tpu.memory_space<semaphore_mem>> -> memref<!tpu.dma_semaphore, #tpu.memory_space<semaphore_mem>>
      tpu.wait_indirect_dma semaphore(%dma_wait3A_262 : memref<!tpu.dma_semaphore, #tpu.memory_space<semaphore_mem>>) src(%dma_wait3A_260 : memref<10240x64xf32, #tpu.memory_space<hbm>>) dst(%dma_wait3A_254 : memref<128x64xf32, #tpu.memory_space<vmem>>)
      %dma_start3A_263 = arith.constant 0 : i32
      %dma_start3A_264 = arith.constant 0 : i32
      %dma_start3A_265 = arith.constant 0 : i32
      %dma_start3A_266 = arith.constant 0 : i32
      %dma_start3A_267 = tpu.memref_slice %arg9[%dma_start3A_263, %dma_start3A_265, %dma_start3A_266] : memref<8x128x64xf32, #tpu.memory_space<vmem>> -> memref<1x128x64xf32, #tpu.memory_space<vmem>>
      %dma_start3A_268 = tpu.memref_squeeze %dma_start3A_267 : memref<1x128x64xf32, #tpu.memory_space<vmem>> -> memref<128x64xf32, #tpu.memory_space<vmem>>
      %dma_start3A_269 = arith.constant 0 : i32
      %dma_start3A_270 = tpu.memref_slice %arg8[%add3A_230, %dma_start3A_269] : memref<80x128xi32, #tpu.memory_space<vmem>> -> memref<1x128xi32, #tpu.memory_space<vmem>>
      %dma_start3A_271 = tpu.memref_squeeze %dma_start3A_270 : memref<1x128xi32, #tpu.memory_space<vmem>> -> memref<128xi32, #tpu.memory_space<vmem>>
      %dma_start3A_272 = arith.constant 0 : i32
      %dma_start3A_273 = arith.constant 0 : i32
      %dma_start3A_274 = tpu.memref_slice %arg12[%dma_start3A_272, %dma_start3A_273] : memref<10240x64xf32, #tpu.memory_space<vmem_shared>> -> memref<10240x64xf32, #tpu.memory_space<vmem_shared>>
      %dma_start3A_275 = tpu.memref_slice %arg11[%dma_start3A_264] : memref<8x!tpu.dma_semaphore, #tpu.memory_space<semaphore_mem>> -> memref<1x!tpu.dma_semaphore, #tpu.memory_space<semaphore_mem>>
      %dma_start3A_276 = tpu.memref_squeeze %dma_start3A_275 : memref<1x!tpu.dma_semaphore, #tpu.memory_space<semaphore_mem>> -> memref<!tpu.dma_semaphore, #tpu.memory_space<semaphore_mem>>
      tpu.enqueue_indirect_dma source(%dma_start3A_268 : memref<128x64xf32, #tpu.memory_space<vmem>>) target(%dma_start3A_274 : memref<10240x64xf32, #tpu.memory_space<vmem_shared>>) offsets(%dma_start3A_271 : memref<128xi32, #tpu.memory_space<vmem>>) semaphore(%dma_start3A_276 : memref<!tpu.dma_semaphore, #tpu.memory_space<semaphore_mem>>) {add = true}
      %mul3A_277 = arith.constant 8 : i32
      %mul3A_278 = arith.muli %add3A_226, %mul3A_277 : i32
      %add3A_279 = arith.constant 1 : i32
      %add3A_280 = arith.addi %mul3A_278, %add3A_279 : i32
      %gt3A_281 = arith.constant 0 : i32
      %gt3A_282 = arith.cmpi sgt, %add3A_226, %gt3A_281 : i32
      %convert_element_type3A_283 = arith.extui %gt3A_282 : i1 to i32
      %cond3A_284 = arith.constant 0 : i32
      %cond3A_285 = arith.cmpi ne, %convert_element_type3A_283, %cond3A_284 : i32
      scf.if %cond3A_285 {
        %sub3A = arith.constant 2 : i32
        %sub3A_551 = arith.subi %add3A_280, %sub3A : i32
        %dma_wait3A_552 = arith.constant 7 : i32
        %dma_wait3A_553 = arith.constant 7 : i32
        %dma_wait3A_554 = arith.constant 0 : i32
        %dma_wait3A_555 = arith.constant 0 : i32
        %dma_wait3A_556 = tpu.memref_slice %arg9[%dma_wait3A_552, %dma_wait3A_554, %dma_wait3A_555] : memref<8x128x64xf32, #tpu.memory_space<vmem>> -> memref<1x128x64xf32, #tpu.memory_space<vmem>>
        %dma_wait3A_557 = tpu.memref_squeeze %dma_wait3A_556 : memref<1x128x64xf32, #tpu.memory_space<vmem>> -> memref<128x64xf32, #tpu.memory_space<vmem>>
        %dma_wait3A_558 = arith.constant 0 : i32
        %dma_wait3A_559 = tpu.memref_slice %arg8[%sub3A_551, %dma_wait3A_558] : memref<80x128xi32, #tpu.memory_space<vmem>> -> memref<1x128xi32, #tpu.memory_space<vmem>>
        %dma_wait3A_560 = tpu.memref_squeeze %dma_wait3A_559 : memref<1x128xi32, #tpu.memory_space<vmem>> -> memref<128xi32, #tpu.memory_space<vmem>>
        %dma_wait3A_561 = arith.constant 0 : i32
        %dma_wait3A_562 = arith.constant 0 : i32
        %dma_wait3A_563 = tpu.memref_slice %arg12[%dma_wait3A_561, %dma_wait3A_562] : memref<10240x64xf32, #tpu.memory_space<vmem_shared>> -> memref<10240x64xf32, #tpu.memory_space<vmem_shared>>
        %dma_wait3A_564 = tpu.memref_slice %arg11[%dma_wait3A_553] : memref<8x!tpu.dma_semaphore, #tpu.memory_space<semaphore_mem>> -> memref<1x!tpu.dma_semaphore, #tpu.memory_space<semaphore_mem>>
        %dma_wait3A_565 = tpu.memref_squeeze %dma_wait3A_564 : memref<1x!tpu.dma_semaphore, #tpu.memory_space<semaphore_mem>> -> memref<!tpu.dma_semaphore, #tpu.memory_space<semaphore_mem>>
        tpu.wait_indirect_dma semaphore(%dma_wait3A_565 : memref<!tpu.dma_semaphore, #tpu.memory_space<semaphore_mem>>) src(%dma_wait3A_557 : memref<128x64xf32, #tpu.memory_space<vmem>>) dst(%dma_wait3A_563 : memref<10240x64xf32, #tpu.memory_space<vmem_shared>>)
      } else {
      }
      %add3A_286 = arith.constant 6 : i32
      %add3A_287 = arith.addi %add3A_280, %add3A_286 : i32
      %dma_start3A_288 = arith.constant 7 : i32
      %dma_start3A_289 = arith.constant 7 : i32
      %dma_start3A_290 = arith.constant 0 : i32
      %dma_start3A_291 = arith.constant 0 : i32
      %dma_start3A_292 = tpu.memref_slice %arg9[%dma_start3A_288, %dma_start3A_290, %dma_start3A_291] : memref<8x128x64xf32, #tpu.memory_space<vmem>> -> memref<1x128x64xf32, #tpu.memory_space<vmem>>
      %dma_start3A_293 = tpu.memref_squeeze %dma_start3A_292 : memref<1x128x64xf32, #tpu.memory_space<vmem>> -> memref<128x64xf32, #tpu.memory_space<vmem>>
      %dma_start3A_294 = arith.constant 0 : i32
      %dma_start3A_295 = tpu.memref_slice %arg7[%add3A_287, %dma_start3A_294] : memref<80x128xi32, #tpu.memory_space<vmem>> -> memref<1x128xi32, #tpu.memory_space<vmem>>
      %dma_start3A_296 = tpu.memref_squeeze %dma_start3A_295 : memref<1x128xi32, #tpu.memory_space<vmem>> -> memref<128xi32, #tpu.memory_space<vmem>>
      %dma_start3A_297 = arith.constant 0 : i32
      %dma_start3A_298 = arith.constant 0 : i32
      %dma_start3A_299 = tpu.memref_slice %arg2[%dma_start3A_297, %dma_start3A_298] : memref<10240x64xf32, #tpu.memory_space<hbm>> -> memref<10240x64xf32, #tpu.memory_space<hbm>>
      %dma_start3A_300 = tpu.memref_slice %arg10[%dma_start3A_289] : memref<8x!tpu.dma_semaphore, #tpu.memory_space<semaphore_mem>> -> memref<1x!tpu.dma_semaphore, #tpu.memory_space<semaphore_mem>>
      %dma_start3A_301 = tpu.memref_squeeze %dma_start3A_300 : memref<1x!tpu.dma_semaphore, #tpu.memory_space<semaphore_mem>> -> memref<!tpu.dma_semaphore, #tpu.memory_space<semaphore_mem>>
      tpu.enqueue_indirect_dma source(%dma_start3A_299 : memref<10240x64xf32, #tpu.memory_space<hbm>>) target(%dma_start3A_293 : memref<128x64xf32, #tpu.memory_space<vmem>>) offsets(%dma_start3A_296 : memref<128xi32, #tpu.memory_space<vmem>>) semaphore(%dma_start3A_301 : memref<!tpu.dma_semaphore, #tpu.memory_space<semaphore_mem>>)
      %dma_wait3A_302 = arith.constant 1 : i32
      %dma_wait3A_303 = arith.constant 1 : i32
      %dma_wait3A_304 = arith.constant 0 : i32
      %dma_wait3A_305 = arith.constant 0 : i32
      %dma_wait3A_306 = tpu.memref_slice %arg9[%dma_wait3A_302, %dma_wait3A_304, %dma_wait3A_305] : memref<8x128x64xf32, #tpu.memory_space<vmem>> -> memref<1x128x64xf32, #tpu.memory_space<vmem>>
      %dma_wait3A_307 = tpu.memref_squeeze %dma_wait3A_306 : memref<1x128x64xf32, #tpu.memory_space<vmem>> -> memref<128x64xf32, #tpu.memory_space<vmem>>
      %dma_wait3A_308 = arith.constant 0 : i32
      %dma_wait3A_309 = tpu.memref_slice %arg7[%add3A_280, %dma_wait3A_308] : memref<80x128xi32, #tpu.memory_space<vmem>> -> memref<1x128xi32, #tpu.memory_space<vmem>>
      %dma_wait3A_310 = tpu.memref_squeeze %dma_wait3A_309 : memref<1x128xi32, #tpu.memory_space<vmem>> -> memref<128xi32, #tpu.memory_space<vmem>>
      %dma_wait3A_311 = arith.constant 0 : i32
      %dma_wait3A_312 = arith.constant 0 : i32
      %dma_wait3A_313 = tpu.memref_slice %arg2[%dma_wait3A_311, %dma_wait3A_312] : memref<10240x64xf32, #tpu.memory_space<hbm>> -> memref<10240x64xf32, #tpu.memory_space<hbm>>
      %dma_wait3A_314 = tpu.memref_slice %arg10[%dma_wait3A_303] : memref<8x!tpu.dma_semaphore, #tpu.memory_space<semaphore_mem>> -> memref<1x!tpu.dma_semaphore, #tpu.memory_space<semaphore_mem>>
      %dma_wait3A_315 = tpu.memref_squeeze %dma_wait3A_314 : memref<1x!tpu.dma_semaphore, #tpu.memory_space<semaphore_mem>> -> memref<!tpu.dma_semaphore, #tpu.memory_space<semaphore_mem>>
      tpu.wait_indirect_dma semaphore(%dma_wait3A_315 : memref<!tpu.dma_semaphore, #tpu.memory_space<semaphore_mem>>) src(%dma_wait3A_313 : memref<10240x64xf32, #tpu.memory_space<hbm>>) dst(%dma_wait3A_307 : memref<128x64xf32, #tpu.memory_space<vmem>>)
      %dma_start3A_316 = arith.constant 1 : i32
      %dma_start3A_317 = arith.constant 1 : i32
      %dma_start3A_318 = arith.constant 0 : i32
      %dma_start3A_319 = arith.constant 0 : i32
      %dma_start3A_320 = tpu.memref_slice %arg9[%dma_start3A_316, %dma_start3A_318, %dma_start3A_319] : memref<8x128x64xf32, #tpu.memory_space<vmem>> -> memref<1x128x64xf32, #tpu.memory_space<vmem>>
      %dma_start3A_321 = tpu.memref_squeeze %dma_start3A_320 : memref<1x128x64xf32, #tpu.memory_space<vmem>> -> memref<128x64xf32, #tpu.memory_space<vmem>>
      %dma_start3A_322 = arith.constant 0 : i32
      %dma_start3A_323 = tpu.memref_slice %arg8[%add3A_280, %dma_start3A_322] : memref<80x128xi32, #tpu.memory_space<vmem>> -> memref<1x128xi32, #tpu.memory_space<vmem>>
      %dma_start3A_324 = tpu.memref_squeeze %dma_start3A_323 : memref<1x128xi32, #tpu.memory_space<vmem>> -> memref<128xi32, #tpu.memory_space<vmem>>
      %dma_start3A_325 = arith.constant 0 : i32
      %dma_start3A_326 = arith.constant 0 : i32
      %dma_start3A_327 = tpu.memref_slice %arg12[%dma_start3A_325, %dma_start3A_326] : memref<10240x64xf32, #tpu.memory_space<vmem_shared>> -> memref<10240x64xf32, #tpu.memory_space<vmem_shared>>
      %dma_start3A_328 = tpu.memref_slice %arg11[%dma_start3A_317] : memref<8x!tpu.dma_semaphore, #tpu.memory_space<semaphore_mem>> -> memref<1x!tpu.dma_semaphore, #tpu.memory_space<semaphore_mem>>
      %dma_start3A_329 = tpu.memref_squeeze %dma_start3A_328 : memref<1x!tpu.dma_semaphore, #tpu.memory_space<semaphore_mem>> -> memref<!tpu.dma_semaphore, #tpu.memory_space<semaphore_mem>>
      tpu.enqueue_indirect_dma source(%dma_start3A_321 : memref<128x64xf32, #tpu.memory_space<vmem>>) target(%dma_start3A_327 : memref<10240x64xf32, #tpu.memory_space<vmem_shared>>) offsets(%dma_start3A_324 : memref<128xi32, #tpu.memory_space<vmem>>) semaphore(%dma_start3A_329 : memref<!tpu.dma_semaphore, #tpu.memory_space<semaphore_mem>>) {add = true}
      %mul3A_330 = arith.constant 8 : i32
      %mul3A_331 = arith.muli %add3A_226, %mul3A_330 : i32
      %add3A_332 = arith.constant 2 : i32
      %add3A_333 = arith.addi %mul3A_331, %add3A_332 : i32
      %lt3A = arith.constant 9 : i32
      %lt3A_334 = arith.cmpi slt, %add3A_226, %lt3A : i32
      %convert_element_type3A_335 = arith.extui %lt3A_334 : i1 to i32
      %cond3A_336 = arith.constant 0 : i32
      %cond3A_337 = arith.cmpi ne, %convert_element_type3A_335, %cond3A_336 : i32
      scf.if %cond3A_337 {
        %sub3A = arith.constant 2 : i32
        %sub3A_551 = arith.subi %add3A_333, %sub3A : i32
        %dma_wait3A_552 = arith.constant 0 : i32
        %dma_wait3A_553 = arith.constant 0 : i32
        %dma_wait3A_554 = arith.constant 0 : i32
        %dma_wait3A_555 = arith.constant 0 : i32
        %dma_wait3A_556 = tpu.memref_slice %arg9[%dma_wait3A_552, %dma_wait3A_554, %dma_wait3A_555] : memref<8x128x64xf32, #tpu.memory_space<vmem>> -> memref<1x128x64xf32, #tpu.memory_space<vmem>>
        %dma_wait3A_557 = tpu.memref_squeeze %dma_wait3A_556 : memref<1x128x64xf32, #tpu.memory_space<vmem>> -> memref<128x64xf32, #tpu.memory_space<vmem>>
        %dma_wait3A_558 = arith.constant 0 : i32
        %dma_wait3A_559 = tpu.memref_slice %arg8[%sub3A_551, %dma_wait3A_558] : memref<80x128xi32, #tpu.memory_space<vmem>> -> memref<1x128xi32, #tpu.memory_space<vmem>>
        %dma_wait3A_560 = tpu.memref_squeeze %dma_wait3A_559 : memref<1x128xi32, #tpu.memory_space<vmem>> -> memref<128xi32, #tpu.memory_space<vmem>>
        %dma_wait3A_561 = arith.constant 0 : i32
        %dma_wait3A_562 = arith.constant 0 : i32
        %dma_wait3A_563 = tpu.memref_slice %arg12[%dma_wait3A_561, %dma_wait3A_562] : memref<10240x64xf32, #tpu.memory_space<vmem_shared>> -> memref<10240x64xf32, #tpu.memory_space<vmem_shared>>
        %dma_wait3A_564 = tpu.memref_slice %arg11[%dma_wait3A_553] : memref<8x!tpu.dma_semaphore, #tpu.memory_space<semaphore_mem>> -> memref<1x!tpu.dma_semaphore, #tpu.memory_space<semaphore_mem>>
        %dma_wait3A_565 = tpu.memref_squeeze %dma_wait3A_564 : memref<1x!tpu.dma_semaphore, #tpu.memory_space<semaphore_mem>> -> memref<!tpu.dma_semaphore, #tpu.memory_space<semaphore_mem>>
        tpu.wait_indirect_dma semaphore(%dma_wait3A_565 : memref<!tpu.dma_semaphore, #tpu.memory_space<semaphore_mem>>) src(%dma_wait3A_557 : memref<128x64xf32, #tpu.memory_space<vmem>>) dst(%dma_wait3A_563 : memref<10240x64xf32, #tpu.memory_space<vmem_shared>>)
        %add3A_566 = arith.constant 6 : i32
        %add3A_567 = arith.addi %add3A_333, %add3A_566 : i32
        %dma_start3A_568 = arith.constant 0 : i32
        %dma_start3A_569 = arith.constant 0 : i32
        %dma_start3A_570 = arith.constant 0 : i32
        %dma_start3A_571 = arith.constant 0 : i32
        %dma_start3A_572 = tpu.memref_slice %arg9[%dma_start3A_568, %dma_start3A_570, %dma_start3A_571] : memref<8x128x64xf32, #tpu.memory_space<vmem>> -> memref<1x128x64xf32, #tpu.memory_space<vmem>>
        %dma_start3A_573 = tpu.memref_squeeze %dma_start3A_572 : memref<1x128x64xf32, #tpu.memory_space<vmem>> -> memref<128x64xf32, #tpu.memory_space<vmem>>
        %dma_start3A_574 = arith.constant 0 : i32
        %dma_start3A_575 = tpu.memref_slice %arg7[%add3A_567, %dma_start3A_574] : memref<80x128xi32, #tpu.memory_space<vmem>> -> memref<1x128xi32, #tpu.memory_space<vmem>>
        %dma_start3A_576 = tpu.memref_squeeze %dma_start3A_575 : memref<1x128xi32, #tpu.memory_space<vmem>> -> memref<128xi32, #tpu.memory_space<vmem>>
        %dma_start3A_577 = arith.constant 0 : i32
        %dma_start3A_578 = arith.constant 0 : i32
        %dma_start3A_579 = tpu.memref_slice %arg2[%dma_start3A_577, %dma_start3A_578] : memref<10240x64xf32, #tpu.memory_space<hbm>> -> memref<10240x64xf32, #tpu.memory_space<hbm>>
        %dma_start3A_580 = tpu.memref_slice %arg10[%dma_start3A_569] : memref<8x!tpu.dma_semaphore, #tpu.memory_space<semaphore_mem>> -> memref<1x!tpu.dma_semaphore, #tpu.memory_space<semaphore_mem>>
        %dma_start3A_581 = tpu.memref_squeeze %dma_start3A_580 : memref<1x!tpu.dma_semaphore, #tpu.memory_space<semaphore_mem>> -> memref<!tpu.dma_semaphore, #tpu.memory_space<semaphore_mem>>
        tpu.enqueue_indirect_dma source(%dma_start3A_579 : memref<10240x64xf32, #tpu.memory_space<hbm>>) target(%dma_start3A_573 : memref<128x64xf32, #tpu.memory_space<vmem>>) offsets(%dma_start3A_576 : memref<128xi32, #tpu.memory_space<vmem>>) semaphore(%dma_start3A_581 : memref<!tpu.dma_semaphore, #tpu.memory_space<semaphore_mem>>)
      } else {
      }
      %dma_wait3A_338 = arith.constant 2 : i32
      %dma_wait3A_339 = arith.constant 2 : i32
      %dma_wait3A_340 = arith.constant 0 : i32
      %dma_wait3A_341 = arith.constant 0 : i32
      %dma_wait3A_342 = tpu.memref_slice %arg9[%dma_wait3A_338, %dma_wait3A_340, %dma_wait3A_341] : memref<8x128x64xf32, #tpu.memory_space<vmem>> -> memref<1x128x64xf32, #tpu.memory_space<vmem>>
      %dma_wait3A_343 = tpu.memref_squeeze %dma_wait3A_342 : memref<1x128x64xf32, #tpu.memory_space<vmem>> -> memref<128x64xf32, #tpu.memory_space<vmem>>
      %dma_wait3A_344 = arith.constant 0 : i32
      %dma_wait3A_345 = tpu.memref_slice %arg7[%add3A_333, %dma_wait3A_344] : memref<80x128xi32, #tpu.memory_space<vmem>> -> memref<1x128xi32, #tpu.memory_space<vmem>>
      %dma_wait3A_346 = tpu.memref_squeeze %dma_wait3A_345 : memref<1x128xi32, #tpu.memory_space<vmem>> -> memref<128xi32, #tpu.memory_space<vmem>>
      %dma_wait3A_347 = arith.constant 0 : i32
      %dma_wait3A_348 = arith.constant 0 : i32
      %dma_wait3A_349 = tpu.memref_slice %arg2[%dma_wait3A_347, %dma_wait3A_348] : memref<10240x64xf32, #tpu.memory_space<hbm>> -> memref<10240x64xf32, #tpu.memory_space<hbm>>
      %dma_wait3A_350 = tpu.memref_slice %arg10[%dma_wait3A_339] : memref<8x!tpu.dma_semaphore, #tpu.memory_space<semaphore_mem>> -> memref<1x!tpu.dma_semaphore, #tpu.memory_space<semaphore_mem>>
      %dma_wait3A_351 = tpu.memref_squeeze %dma_wait3A_350 : memref<1x!tpu.dma_semaphore, #tpu.memory_space<semaphore_mem>> -> memref<!tpu.dma_semaphore, #tpu.memory_space<semaphore_mem>>
      tpu.wait_indirect_dma semaphore(%dma_wait3A_351 : memref<!tpu.dma_semaphore, #tpu.memory_space<semaphore_mem>>) src(%dma_wait3A_349 : memref<10240x64xf32, #tpu.memory_space<hbm>>) dst(%dma_wait3A_343 : memref<128x64xf32, #tpu.memory_space<vmem>>)
      %dma_start3A_352 = arith.constant 2 : i32
      %dma_start3A_353 = arith.constant 2 : i32
      %dma_start3A_354 = arith.constant 0 : i32
      %dma_start3A_355 = arith.constant 0 : i32
      %dma_start3A_356 = tpu.memref_slice %arg9[%dma_start3A_352, %dma_start3A_354, %dma_start3A_355] : memref<8x128x64xf32, #tpu.memory_space<vmem>> -> memref<1x128x64xf32, #tpu.memory_space<vmem>>
      %dma_start3A_357 = tpu.memref_squeeze %dma_start3A_356 : memref<1x128x64xf32, #tpu.memory_space<vmem>> -> memref<128x64xf32, #tpu.memory_space<vmem>>
      %dma_start3A_358 = arith.constant 0 : i32
      %dma_start3A_359 = tpu.memref_slice %arg8[%add3A_333, %dma_start3A_358] : memref<80x128xi32, #tpu.memory_space<vmem>> -> memref<1x128xi32, #tpu.memory_space<vmem>>
      %dma_start3A_360 = tpu.memref_squeeze %dma_start3A_359 : memref<1x128xi32, #tpu.memory_space<vmem>> -> memref<128xi32, #tpu.memory_space<vmem>>
      %dma_start3A_361 = arith.constant 0 : i32
      %dma_start3A_362 = arith.constant 0 : i32
      %dma_start3A_363 = tpu.memref_slice %arg12[%dma_start3A_361, %dma_start3A_362] : memref<10240x64xf32, #tpu.memory_space<vmem_shared>> -> memref<10240x64xf32, #tpu.memory_space<vmem_shared>>
      %dma_start3A_364 = tpu.memref_slice %arg11[%dma_start3A_353] : memref<8x!tpu.dma_semaphore, #tpu.memory_space<semaphore_mem>> -> memref<1x!tpu.dma_semaphore, #tpu.memory_space<semaphore_mem>>
      %dma_start3A_365 = tpu.memref_squeeze %dma_start3A_364 : memref<1x!tpu.dma_semaphore, #tpu.memory_space<semaphore_mem>> -> memref<!tpu.dma_semaphore, #tpu.memory_space<semaphore_mem>>
      tpu.enqueue_indirect_dma source(%dma_start3A_357 : memref<128x64xf32, #tpu.memory_space<vmem>>) target(%dma_start3A_363 : memref<10240x64xf32, #tpu.memory_space<vmem_shared>>) offsets(%dma_start3A_360 : memref<128xi32, #tpu.memory_space<vmem>>) semaphore(%dma_start3A_365 : memref<!tpu.dma_semaphore, #tpu.memory_space<semaphore_mem>>) {add = true}
      %mul3A_366 = arith.constant 8 : i32
      %mul3A_367 = arith.muli %add3A_226, %mul3A_366 : i32
      %add3A_368 = arith.constant 3 : i32
      %add3A_369 = arith.addi %mul3A_367, %add3A_368 : i32
      %lt3A_370 = arith.constant 9 : i32
      %lt3A_371 = arith.cmpi slt, %add3A_226, %lt3A_370 : i32
      %convert_element_type3A_372 = arith.extui %lt3A_371 : i1 to i32
      %cond3A_373 = arith.constant 0 : i32
      %cond3A_374 = arith.cmpi ne, %convert_element_type3A_372, %cond3A_373 : i32
      scf.if %cond3A_374 {
        %sub3A = arith.constant 2 : i32
        %sub3A_551 = arith.subi %add3A_369, %sub3A : i32
        %dma_wait3A_552 = arith.constant 1 : i32
        %dma_wait3A_553 = arith.constant 1 : i32
        %dma_wait3A_554 = arith.constant 0 : i32
        %dma_wait3A_555 = arith.constant 0 : i32
        %dma_wait3A_556 = tpu.memref_slice %arg9[%dma_wait3A_552, %dma_wait3A_554, %dma_wait3A_555] : memref<8x128x64xf32, #tpu.memory_space<vmem>> -> memref<1x128x64xf32, #tpu.memory_space<vmem>>
        %dma_wait3A_557 = tpu.memref_squeeze %dma_wait3A_556 : memref<1x128x64xf32, #tpu.memory_space<vmem>> -> memref<128x64xf32, #tpu.memory_space<vmem>>
        %dma_wait3A_558 = arith.constant 0 : i32
        %dma_wait3A_559 = tpu.memref_slice %arg8[%sub3A_551, %dma_wait3A_558] : memref<80x128xi32, #tpu.memory_space<vmem>> -> memref<1x128xi32, #tpu.memory_space<vmem>>
        %dma_wait3A_560 = tpu.memref_squeeze %dma_wait3A_559 : memref<1x128xi32, #tpu.memory_space<vmem>> -> memref<128xi32, #tpu.memory_space<vmem>>
        %dma_wait3A_561 = arith.constant 0 : i32
        %dma_wait3A_562 = arith.constant 0 : i32
        %dma_wait3A_563 = tpu.memref_slice %arg12[%dma_wait3A_561, %dma_wait3A_562] : memref<10240x64xf32, #tpu.memory_space<vmem_shared>> -> memref<10240x64xf32, #tpu.memory_space<vmem_shared>>
        %dma_wait3A_564 = tpu.memref_slice %arg11[%dma_wait3A_553] : memref<8x!tpu.dma_semaphore, #tpu.memory_space<semaphore_mem>> -> memref<1x!tpu.dma_semaphore, #tpu.memory_space<semaphore_mem>>
        %dma_wait3A_565 = tpu.memref_squeeze %dma_wait3A_564 : memref<1x!tpu.dma_semaphore, #tpu.memory_space<semaphore_mem>> -> memref<!tpu.dma_semaphore, #tpu.memory_space<semaphore_mem>>
        tpu.wait_indirect_dma semaphore(%dma_wait3A_565 : memref<!tpu.dma_semaphore, #tpu.memory_space<semaphore_mem>>) src(%dma_wait3A_557 : memref<128x64xf32, #tpu.memory_space<vmem>>) dst(%dma_wait3A_563 : memref<10240x64xf32, #tpu.memory_space<vmem_shared>>)
        %add3A_566 = arith.constant 6 : i32
        %add3A_567 = arith.addi %add3A_369, %add3A_566 : i32
        %dma_start3A_568 = arith.constant 1 : i32
        %dma_start3A_569 = arith.constant 1 : i32
        %dma_start3A_570 = arith.constant 0 : i32
        %dma_start3A_571 = arith.constant 0 : i32
        %dma_start3A_572 = tpu.memref_slice %arg9[%dma_start3A_568, %dma_start3A_570, %dma_start3A_571] : memref<8x128x64xf32, #tpu.memory_space<vmem>> -> memref<1x128x64xf32, #tpu.memory_space<vmem>>
        %dma_start3A_573 = tpu.memref_squeeze %dma_start3A_572 : memref<1x128x64xf32, #tpu.memory_space<vmem>> -> memref<128x64xf32, #tpu.memory_space<vmem>>
        %dma_start3A_574 = arith.constant 0 : i32
        %dma_start3A_575 = tpu.memref_slice %arg7[%add3A_567, %dma_start3A_574] : memref<80x128xi32, #tpu.memory_space<vmem>> -> memref<1x128xi32, #tpu.memory_space<vmem>>
        %dma_start3A_576 = tpu.memref_squeeze %dma_start3A_575 : memref<1x128xi32, #tpu.memory_space<vmem>> -> memref<128xi32, #tpu.memory_space<vmem>>
        %dma_start3A_577 = arith.constant 0 : i32
        %dma_start3A_578 = arith.constant 0 : i32
        %dma_start3A_579 = tpu.memref_slice %arg2[%dma_start3A_577, %dma_start3A_578] : memref<10240x64xf32, #tpu.memory_space<hbm>> -> memref<10240x64xf32, #tpu.memory_space<hbm>>
        %dma_start3A_580 = tpu.memref_slice %arg10[%dma_start3A_569] : memref<8x!tpu.dma_semaphore, #tpu.memory_space<semaphore_mem>> -> memref<1x!tpu.dma_semaphore, #tpu.memory_space<semaphore_mem>>
        %dma_start3A_581 = tpu.memref_squeeze %dma_start3A_580 : memref<1x!tpu.dma_semaphore, #tpu.memory_space<semaphore_mem>> -> memref<!tpu.dma_semaphore, #tpu.memory_space<semaphore_mem>>
        tpu.enqueue_indirect_dma source(%dma_start3A_579 : memref<10240x64xf32, #tpu.memory_space<hbm>>) target(%dma_start3A_573 : memref<128x64xf32, #tpu.memory_space<vmem>>) offsets(%dma_start3A_576 : memref<128xi32, #tpu.memory_space<vmem>>) semaphore(%dma_start3A_581 : memref<!tpu.dma_semaphore, #tpu.memory_space<semaphore_mem>>)
      } else {
      }
      %dma_wait3A_375 = arith.constant 3 : i32
      %dma_wait3A_376 = arith.constant 3 : i32
      %dma_wait3A_377 = arith.constant 0 : i32
      %dma_wait3A_378 = arith.constant 0 : i32
      %dma_wait3A_379 = tpu.memref_slice %arg9[%dma_wait3A_375, %dma_wait3A_377, %dma_wait3A_378] : memref<8x128x64xf32, #tpu.memory_space<vmem>> -> memref<1x128x64xf32, #tpu.memory_space<vmem>>
      %dma_wait3A_380 = tpu.memref_squeeze %dma_wait3A_379 : memref<1x128x64xf32, #tpu.memory_space<vmem>> -> memref<128x64xf32, #tpu.memory_space<vmem>>
      %dma_wait3A_381 = arith.constant 0 : i32
      %dma_wait3A_382 = tpu.memref_slice %arg7[%add3A_369, %dma_wait3A_381] : memref<80x128xi32, #tpu.memory_space<vmem>> -> memref<1x128xi32, #tpu.memory_space<vmem>>
      %dma_wait3A_383 = tpu.memref_squeeze %dma_wait3A_382 : memref<1x128xi32, #tpu.memory_space<vmem>> -> memref<128xi32, #tpu.memory_space<vmem>>
      %dma_wait3A_384 = arith.constant 0 : i32
      %dma_wait3A_385 = arith.constant 0 : i32
      %dma_wait3A_386 = tpu.memref_slice %arg2[%dma_wait3A_384, %dma_wait3A_385] : memref<10240x64xf32, #tpu.memory_space<hbm>> -> memref<10240x64xf32, #tpu.memory_space<hbm>>
      %dma_wait3A_387 = tpu.memref_slice %arg10[%dma_wait3A_376] : memref<8x!tpu.dma_semaphore, #tpu.memory_space<semaphore_mem>> -> memref<1x!tpu.dma_semaphore, #tpu.memory_space<semaphore_mem>>
      %dma_wait3A_388 = tpu.memref_squeeze %dma_wait3A_387 : memref<1x!tpu.dma_semaphore, #tpu.memory_space<semaphore_mem>> -> memref<!tpu.dma_semaphore, #tpu.memory_space<semaphore_mem>>
      tpu.wait_indirect_dma semaphore(%dma_wait3A_388 : memref<!tpu.dma_semaphore, #tpu.memory_space<semaphore_mem>>) src(%dma_wait3A_386 : memref<10240x64xf32, #tpu.memory_space<hbm>>) dst(%dma_wait3A_380 : memref<128x64xf32, #tpu.memory_space<vmem>>)
      %dma_start3A_389 = arith.constant 3 : i32
      %dma_start3A_390 = arith.constant 3 : i32
      %dma_start3A_391 = arith.constant 0 : i32
      %dma_start3A_392 = arith.constant 0 : i32
      %dma_start3A_393 = tpu.memref_slice %arg9[%dma_start3A_389, %dma_start3A_391, %dma_start3A_392] : memref<8x128x64xf32, #tpu.memory_space<vmem>> -> memref<1x128x64xf32, #tpu.memory_space<vmem>>
      %dma_start3A_394 = tpu.memref_squeeze %dma_start3A_393 : memref<1x128x64xf32, #tpu.memory_space<vmem>> -> memref<128x64xf32, #tpu.memory_space<vmem>>
      %dma_start3A_395 = arith.constant 0 : i32
      %dma_start3A_396 = tpu.memref_slice %arg8[%add3A_369, %dma_start3A_395] : memref<80x128xi32, #tpu.memory_space<vmem>> -> memref<1x128xi32, #tpu.memory_space<vmem>>
      %dma_start3A_397 = tpu.memref_squeeze %dma_start3A_396 : memref<1x128xi32, #tpu.memory_space<vmem>> -> memref<128xi32, #tpu.memory_space<vmem>>
      %dma_start3A_398 = arith.constant 0 : i32
      %dma_start3A_399 = arith.constant 0 : i32
      %dma_start3A_400 = tpu.memref_slice %arg12[%dma_start3A_398, %dma_start3A_399] : memref<10240x64xf32, #tpu.memory_space<vmem_shared>> -> memref<10240x64xf32, #tpu.memory_space<vmem_shared>>
      %dma_start3A_401 = tpu.memref_slice %arg11[%dma_start3A_390] : memref<8x!tpu.dma_semaphore, #tpu.memory_space<semaphore_mem>> -> memref<1x!tpu.dma_semaphore, #tpu.memory_space<semaphore_mem>>
      %dma_start3A_402 = tpu.memref_squeeze %dma_start3A_401 : memref<1x!tpu.dma_semaphore, #tpu.memory_space<semaphore_mem>> -> memref<!tpu.dma_semaphore, #tpu.memory_space<semaphore_mem>>
      tpu.enqueue_indirect_dma source(%dma_start3A_394 : memref<128x64xf32, #tpu.memory_space<vmem>>) target(%dma_start3A_400 : memref<10240x64xf32, #tpu.memory_space<vmem_shared>>) offsets(%dma_start3A_397 : memref<128xi32, #tpu.memory_space<vmem>>) semaphore(%dma_start3A_402 : memref<!tpu.dma_semaphore, #tpu.memory_space<semaphore_mem>>) {add = true}
      %mul3A_403 = arith.constant 8 : i32
      %mul3A_404 = arith.muli %add3A_226, %mul3A_403 : i32
      %add3A_405 = arith.constant 4 : i32
      %add3A_406 = arith.addi %mul3A_404, %add3A_405 : i32
      %lt3A_407 = arith.constant 9 : i32
      %lt3A_408 = arith.cmpi slt, %add3A_226, %lt3A_407 : i32
      %convert_element_type3A_409 = arith.extui %lt3A_408 : i1 to i32
      %cond3A_410 = arith.constant 0 : i32
      %cond3A_411 = arith.cmpi ne, %convert_element_type3A_409, %cond3A_410 : i32
      scf.if %cond3A_411 {
        %sub3A = arith.constant 2 : i32
        %sub3A_551 = arith.subi %add3A_406, %sub3A : i32
        %dma_wait3A_552 = arith.constant 2 : i32
        %dma_wait3A_553 = arith.constant 2 : i32
        %dma_wait3A_554 = arith.constant 0 : i32
        %dma_wait3A_555 = arith.constant 0 : i32
        %dma_wait3A_556 = tpu.memref_slice %arg9[%dma_wait3A_552, %dma_wait3A_554, %dma_wait3A_555] : memref<8x128x64xf32, #tpu.memory_space<vmem>> -> memref<1x128x64xf32, #tpu.memory_space<vmem>>
        %dma_wait3A_557 = tpu.memref_squeeze %dma_wait3A_556 : memref<1x128x64xf32, #tpu.memory_space<vmem>> -> memref<128x64xf32, #tpu.memory_space<vmem>>
        %dma_wait3A_558 = arith.constant 0 : i32
        %dma_wait3A_559 = tpu.memref_slice %arg8[%sub3A_551, %dma_wait3A_558] : memref<80x128xi32, #tpu.memory_space<vmem>> -> memref<1x128xi32, #tpu.memory_space<vmem>>
        %dma_wait3A_560 = tpu.memref_squeeze %dma_wait3A_559 : memref<1x128xi32, #tpu.memory_space<vmem>> -> memref<128xi32, #tpu.memory_space<vmem>>
        %dma_wait3A_561 = arith.constant 0 : i32
        %dma_wait3A_562 = arith.constant 0 : i32
        %dma_wait3A_563 = tpu.memref_slice %arg12[%dma_wait3A_561, %dma_wait3A_562] : memref<10240x64xf32, #tpu.memory_space<vmem_shared>> -> memref<10240x64xf32, #tpu.memory_space<vmem_shared>>
        %dma_wait3A_564 = tpu.memref_slice %arg11[%dma_wait3A_553] : memref<8x!tpu.dma_semaphore, #tpu.memory_space<semaphore_mem>> -> memref<1x!tpu.dma_semaphore, #tpu.memory_space<semaphore_mem>>
        %dma_wait3A_565 = tpu.memref_squeeze %dma_wait3A_564 : memref<1x!tpu.dma_semaphore, #tpu.memory_space<semaphore_mem>> -> memref<!tpu.dma_semaphore, #tpu.memory_space<semaphore_mem>>
        tpu.wait_indirect_dma semaphore(%dma_wait3A_565 : memref<!tpu.dma_semaphore, #tpu.memory_space<semaphore_mem>>) src(%dma_wait3A_557 : memref<128x64xf32, #tpu.memory_space<vmem>>) dst(%dma_wait3A_563 : memref<10240x64xf32, #tpu.memory_space<vmem_shared>>)
        %add3A_566 = arith.constant 6 : i32
        %add3A_567 = arith.addi %add3A_406, %add3A_566 : i32
        %dma_start3A_568 = arith.constant 2 : i32
        %dma_start3A_569 = arith.constant 2 : i32
        %dma_start3A_570 = arith.constant 0 : i32
        %dma_start3A_571 = arith.constant 0 : i32
        %dma_start3A_572 = tpu.memref_slice %arg9[%dma_start3A_568, %dma_start3A_570, %dma_start3A_571] : memref<8x128x64xf32, #tpu.memory_space<vmem>> -> memref<1x128x64xf32, #tpu.memory_space<vmem>>
        %dma_start3A_573 = tpu.memref_squeeze %dma_start3A_572 : memref<1x128x64xf32, #tpu.memory_space<vmem>> -> memref<128x64xf32, #tpu.memory_space<vmem>>
        %dma_start3A_574 = arith.constant 0 : i32
        %dma_start3A_575 = tpu.memref_slice %arg7[%add3A_567, %dma_start3A_574] : memref<80x128xi32, #tpu.memory_space<vmem>> -> memref<1x128xi32, #tpu.memory_space<vmem>>
        %dma_start3A_576 = tpu.memref_squeeze %dma_start3A_575 : memref<1x128xi32, #tpu.memory_space<vmem>> -> memref<128xi32, #tpu.memory_space<vmem>>
        %dma_start3A_577 = arith.constant 0 : i32
        %dma_start3A_578 = arith.constant 0 : i32
        %dma_start3A_579 = tpu.memref_slice %arg2[%dma_start3A_577, %dma_start3A_578] : memref<10240x64xf32, #tpu.memory_space<hbm>> -> memref<10240x64xf32, #tpu.memory_space<hbm>>
        %dma_start3A_580 = tpu.memref_slice %arg10[%dma_start3A_569] : memref<8x!tpu.dma_semaphore, #tpu.memory_space<semaphore_mem>> -> memref<1x!tpu.dma_semaphore, #tpu.memory_space<semaphore_mem>>
        %dma_start3A_581 = tpu.memref_squeeze %dma_start3A_580 : memref<1x!tpu.dma_semaphore, #tpu.memory_space<semaphore_mem>> -> memref<!tpu.dma_semaphore, #tpu.memory_space<semaphore_mem>>
        tpu.enqueue_indirect_dma source(%dma_start3A_579 : memref<10240x64xf32, #tpu.memory_space<hbm>>) target(%dma_start3A_573 : memref<128x64xf32, #tpu.memory_space<vmem>>) offsets(%dma_start3A_576 : memref<128xi32, #tpu.memory_space<vmem>>) semaphore(%dma_start3A_581 : memref<!tpu.dma_semaphore, #tpu.memory_space<semaphore_mem>>)
      } else {
      }
      %dma_wait3A_412 = arith.constant 4 : i32
      %dma_wait3A_413 = arith.constant 4 : i32
      %dma_wait3A_414 = arith.constant 0 : i32
      %dma_wait3A_415 = arith.constant 0 : i32
      %dma_wait3A_416 = tpu.memref_slice %arg9[%dma_wait3A_412, %dma_wait3A_414, %dma_wait3A_415] : memref<8x128x64xf32, #tpu.memory_space<vmem>> -> memref<1x128x64xf32, #tpu.memory_space<vmem>>
      %dma_wait3A_417 = tpu.memref_squeeze %dma_wait3A_416 : memref<1x128x64xf32, #tpu.memory_space<vmem>> -> memref<128x64xf32, #tpu.memory_space<vmem>>
      %dma_wait3A_418 = arith.constant 0 : i32
      %dma_wait3A_419 = tpu.memref_slice %arg7[%add3A_406, %dma_wait3A_418] : memref<80x128xi32, #tpu.memory_space<vmem>> -> memref<1x128xi32, #tpu.memory_space<vmem>>
      %dma_wait3A_420 = tpu.memref_squeeze %dma_wait3A_419 : memref<1x128xi32, #tpu.memory_space<vmem>> -> memref<128xi32, #tpu.memory_space<vmem>>
      %dma_wait3A_421 = arith.constant 0 : i32
      %dma_wait3A_422 = arith.constant 0 : i32
      %dma_wait3A_423 = tpu.memref_slice %arg2[%dma_wait3A_421, %dma_wait3A_422] : memref<10240x64xf32, #tpu.memory_space<hbm>> -> memref<10240x64xf32, #tpu.memory_space<hbm>>
      %dma_wait3A_424 = tpu.memref_slice %arg10[%dma_wait3A_413] : memref<8x!tpu.dma_semaphore, #tpu.memory_space<semaphore_mem>> -> memref<1x!tpu.dma_semaphore, #tpu.memory_space<semaphore_mem>>
      %dma_wait3A_425 = tpu.memref_squeeze %dma_wait3A_424 : memref<1x!tpu.dma_semaphore, #tpu.memory_space<semaphore_mem>> -> memref<!tpu.dma_semaphore, #tpu.memory_space<semaphore_mem>>
      tpu.wait_indirect_dma semaphore(%dma_wait3A_425 : memref<!tpu.dma_semaphore, #tpu.memory_space<semaphore_mem>>) src(%dma_wait3A_423 : memref<10240x64xf32, #tpu.memory_space<hbm>>) dst(%dma_wait3A_417 : memref<128x64xf32, #tpu.memory_space<vmem>>)
      %dma_start3A_426 = arith.constant 4 : i32
      %dma_start3A_427 = arith.constant 4 : i32
      %dma_start3A_428 = arith.constant 0 : i32
      %dma_start3A_429 = arith.constant 0 : i32
      %dma_start3A_430 = tpu.memref_slice %arg9[%dma_start3A_426, %dma_start3A_428, %dma_start3A_429] : memref<8x128x64xf32, #tpu.memory_space<vmem>> -> memref<1x128x64xf32, #tpu.memory_space<vmem>>
      %dma_start3A_431 = tpu.memref_squeeze %dma_start3A_430 : memref<1x128x64xf32, #tpu.memory_space<vmem>> -> memref<128x64xf32, #tpu.memory_space<vmem>>
      %dma_start3A_432 = arith.constant 0 : i32
      %dma_start3A_433 = tpu.memref_slice %arg8[%add3A_406, %dma_start3A_432] : memref<80x128xi32, #tpu.memory_space<vmem>> -> memref<1x128xi32, #tpu.memory_space<vmem>>
      %dma_start3A_434 = tpu.memref_squeeze %dma_start3A_433 : memref<1x128xi32, #tpu.memory_space<vmem>> -> memref<128xi32, #tpu.memory_space<vmem>>
      %dma_start3A_435 = arith.constant 0 : i32
      %dma_start3A_436 = arith.constant 0 : i32
      %dma_start3A_437 = tpu.memref_slice %arg12[%dma_start3A_435, %dma_start3A_436] : memref<10240x64xf32, #tpu.memory_space<vmem_shared>> -> memref<10240x64xf32, #tpu.memory_space<vmem_shared>>
      %dma_start3A_438 = tpu.memref_slice %arg11[%dma_start3A_427] : memref<8x!tpu.dma_semaphore, #tpu.memory_space<semaphore_mem>> -> memref<1x!tpu.dma_semaphore, #tpu.memory_space<semaphore_mem>>
      %dma_start3A_439 = tpu.memref_squeeze %dma_start3A_438 : memref<1x!tpu.dma_semaphore, #tpu.memory_space<semaphore_mem>> -> memref<!tpu.dma_semaphore, #tpu.memory_space<semaphore_mem>>
      tpu.enqueue_indirect_dma source(%dma_start3A_431 : memref<128x64xf32, #tpu.memory_space<vmem>>) target(%dma_start3A_437 : memref<10240x64xf32, #tpu.memory_space<vmem_shared>>) offsets(%dma_start3A_434 : memref<128xi32, #tpu.memory_space<vmem>>) semaphore(%dma_start3A_439 : memref<!tpu.dma_semaphore, #tpu.memory_space<semaphore_mem>>) {add = true}
      %mul3A_440 = arith.constant 8 : i32
      %mul3A_441 = arith.muli %add3A_226, %mul3A_440 : i32
      %add3A_442 = arith.constant 5 : i32
      %add3A_443 = arith.addi %mul3A_441, %add3A_442 : i32
      %lt3A_444 = arith.constant 9 : i32
      %lt3A_445 = arith.cmpi slt, %add3A_226, %lt3A_444 : i32
      %convert_element_type3A_446 = arith.extui %lt3A_445 : i1 to i32
      %cond3A_447 = arith.constant 0 : i32
      %cond3A_448 = arith.cmpi ne, %convert_element_type3A_446, %cond3A_447 : i32
      scf.if %cond3A_448 {
        %sub3A = arith.constant 2 : i32
        %sub3A_551 = arith.subi %add3A_443, %sub3A : i32
        %dma_wait3A_552 = arith.constant 3 : i32
        %dma_wait3A_553 = arith.constant 3 : i32
        %dma_wait3A_554 = arith.constant 0 : i32
        %dma_wait3A_555 = arith.constant 0 : i32
        %dma_wait3A_556 = tpu.memref_slice %arg9[%dma_wait3A_552, %dma_wait3A_554, %dma_wait3A_555] : memref<8x128x64xf32, #tpu.memory_space<vmem>> -> memref<1x128x64xf32, #tpu.memory_space<vmem>>
        %dma_wait3A_557 = tpu.memref_squeeze %dma_wait3A_556 : memref<1x128x64xf32, #tpu.memory_space<vmem>> -> memref<128x64xf32, #tpu.memory_space<vmem>>
        %dma_wait3A_558 = arith.constant 0 : i32
        %dma_wait3A_559 = tpu.memref_slice %arg8[%sub3A_551, %dma_wait3A_558] : memref<80x128xi32, #tpu.memory_space<vmem>> -> memref<1x128xi32, #tpu.memory_space<vmem>>
        %dma_wait3A_560 = tpu.memref_squeeze %dma_wait3A_559 : memref<1x128xi32, #tpu.memory_space<vmem>> -> memref<128xi32, #tpu.memory_space<vmem>>
        %dma_wait3A_561 = arith.constant 0 : i32
        %dma_wait3A_562 = arith.constant 0 : i32
        %dma_wait3A_563 = tpu.memref_slice %arg12[%dma_wait3A_561, %dma_wait3A_562] : memref<10240x64xf32, #tpu.memory_space<vmem_shared>> -> memref<10240x64xf32, #tpu.memory_space<vmem_shared>>
        %dma_wait3A_564 = tpu.memref_slice %arg11[%dma_wait3A_553] : memref<8x!tpu.dma_semaphore, #tpu.memory_space<semaphore_mem>> -> memref<1x!tpu.dma_semaphore, #tpu.memory_space<semaphore_mem>>
        %dma_wait3A_565 = tpu.memref_squeeze %dma_wait3A_564 : memref<1x!tpu.dma_semaphore, #tpu.memory_space<semaphore_mem>> -> memref<!tpu.dma_semaphore, #tpu.memory_space<semaphore_mem>>
        tpu.wait_indirect_dma semaphore(%dma_wait3A_565 : memref<!tpu.dma_semaphore, #tpu.memory_space<semaphore_mem>>) src(%dma_wait3A_557 : memref<128x64xf32, #tpu.memory_space<vmem>>) dst(%dma_wait3A_563 : memref<10240x64xf32, #tpu.memory_space<vmem_shared>>)
        %add3A_566 = arith.constant 6 : i32
        %add3A_567 = arith.addi %add3A_443, %add3A_566 : i32
        %dma_start3A_568 = arith.constant 3 : i32
        %dma_start3A_569 = arith.constant 3 : i32
        %dma_start3A_570 = arith.constant 0 : i32
        %dma_start3A_571 = arith.constant 0 : i32
        %dma_start3A_572 = tpu.memref_slice %arg9[%dma_start3A_568, %dma_start3A_570, %dma_start3A_571] : memref<8x128x64xf32, #tpu.memory_space<vmem>> -> memref<1x128x64xf32, #tpu.memory_space<vmem>>
        %dma_start3A_573 = tpu.memref_squeeze %dma_start3A_572 : memref<1x128x64xf32, #tpu.memory_space<vmem>> -> memref<128x64xf32, #tpu.memory_space<vmem>>
        %dma_start3A_574 = arith.constant 0 : i32
        %dma_start3A_575 = tpu.memref_slice %arg7[%add3A_567, %dma_start3A_574] : memref<80x128xi32, #tpu.memory_space<vmem>> -> memref<1x128xi32, #tpu.memory_space<vmem>>
        %dma_start3A_576 = tpu.memref_squeeze %dma_start3A_575 : memref<1x128xi32, #tpu.memory_space<vmem>> -> memref<128xi32, #tpu.memory_space<vmem>>
        %dma_start3A_577 = arith.constant 0 : i32
        %dma_start3A_578 = arith.constant 0 : i32
        %dma_start3A_579 = tpu.memref_slice %arg2[%dma_start3A_577, %dma_start3A_578] : memref<10240x64xf32, #tpu.memory_space<hbm>> -> memref<10240x64xf32, #tpu.memory_space<hbm>>
        %dma_start3A_580 = tpu.memref_slice %arg10[%dma_start3A_569] : memref<8x!tpu.dma_semaphore, #tpu.memory_space<semaphore_mem>> -> memref<1x!tpu.dma_semaphore, #tpu.memory_space<semaphore_mem>>
        %dma_start3A_581 = tpu.memref_squeeze %dma_start3A_580 : memref<1x!tpu.dma_semaphore, #tpu.memory_space<semaphore_mem>> -> memref<!tpu.dma_semaphore, #tpu.memory_space<semaphore_mem>>
        tpu.enqueue_indirect_dma source(%dma_start3A_579 : memref<10240x64xf32, #tpu.memory_space<hbm>>) target(%dma_start3A_573 : memref<128x64xf32, #tpu.memory_space<vmem>>) offsets(%dma_start3A_576 : memref<128xi32, #tpu.memory_space<vmem>>) semaphore(%dma_start3A_581 : memref<!tpu.dma_semaphore, #tpu.memory_space<semaphore_mem>>)
      } else {
      }
      %dma_wait3A_449 = arith.constant 5 : i32
      %dma_wait3A_450 = arith.constant 5 : i32
      %dma_wait3A_451 = arith.constant 0 : i32
      %dma_wait3A_452 = arith.constant 0 : i32
      %dma_wait3A_453 = tpu.memref_slice %arg9[%dma_wait3A_449, %dma_wait3A_451, %dma_wait3A_452] : memref<8x128x64xf32, #tpu.memory_space<vmem>> -> memref<1x128x64xf32, #tpu.memory_space<vmem>>
      %dma_wait3A_454 = tpu.memref_squeeze %dma_wait3A_453 : memref<1x128x64xf32, #tpu.memory_space<vmem>> -> memref<128x64xf32, #tpu.memory_space<vmem>>
      %dma_wait3A_455 = arith.constant 0 : i32
      %dma_wait3A_456 = tpu.memref_slice %arg7[%add3A_443, %dma_wait3A_455] : memref<80x128xi32, #tpu.memory_space<vmem>> -> memref<1x128xi32, #tpu.memory_space<vmem>>
      %dma_wait3A_457 = tpu.memref_squeeze %dma_wait3A_456 : memref<1x128xi32, #tpu.memory_space<vmem>> -> memref<128xi32, #tpu.memory_space<vmem>>
      %dma_wait3A_458 = arith.constant 0 : i32
      %dma_wait3A_459 = arith.constant 0 : i32
      %dma_wait3A_460 = tpu.memref_slice %arg2[%dma_wait3A_458, %dma_wait3A_459] : memref<10240x64xf32, #tpu.memory_space<hbm>> -> memref<10240x64xf32, #tpu.memory_space<hbm>>
      %dma_wait3A_461 = tpu.memref_slice %arg10[%dma_wait3A_450] : memref<8x!tpu.dma_semaphore, #tpu.memory_space<semaphore_mem>> -> memref<1x!tpu.dma_semaphore, #tpu.memory_space<semaphore_mem>>
      %dma_wait3A_462 = tpu.memref_squeeze %dma_wait3A_461 : memref<1x!tpu.dma_semaphore, #tpu.memory_space<semaphore_mem>> -> memref<!tpu.dma_semaphore, #tpu.memory_space<semaphore_mem>>
      tpu.wait_indirect_dma semaphore(%dma_wait3A_462 : memref<!tpu.dma_semaphore, #tpu.memory_space<semaphore_mem>>) src(%dma_wait3A_460 : memref<10240x64xf32, #tpu.memory_space<hbm>>) dst(%dma_wait3A_454 : memref<128x64xf32, #tpu.memory_space<vmem>>)
      %dma_start3A_463 = arith.constant 5 : i32
      %dma_start3A_464 = arith.constant 5 : i32
      %dma_start3A_465 = arith.constant 0 : i32
      %dma_start3A_466 = arith.constant 0 : i32
      %dma_start3A_467 = tpu.memref_slice %arg9[%dma_start3A_463, %dma_start3A_465, %dma_start3A_466] : memref<8x128x64xf32, #tpu.memory_space<vmem>> -> memref<1x128x64xf32, #tpu.memory_space<vmem>>
      %dma_start3A_468 = tpu.memref_squeeze %dma_start3A_467 : memref<1x128x64xf32, #tpu.memory_space<vmem>> -> memref<128x64xf32, #tpu.memory_space<vmem>>
      %dma_start3A_469 = arith.constant 0 : i32
      %dma_start3A_470 = tpu.memref_slice %arg8[%add3A_443, %dma_start3A_469] : memref<80x128xi32, #tpu.memory_space<vmem>> -> memref<1x128xi32, #tpu.memory_space<vmem>>
      %dma_start3A_471 = tpu.memref_squeeze %dma_start3A_470 : memref<1x128xi32, #tpu.memory_space<vmem>> -> memref<128xi32, #tpu.memory_space<vmem>>
      %dma_start3A_472 = arith.constant 0 : i32
      %dma_start3A_473 = arith.constant 0 : i32
      %dma_start3A_474 = tpu.memref_slice %arg12[%dma_start3A_472, %dma_start3A_473] : memref<10240x64xf32, #tpu.memory_space<vmem_shared>> -> memref<10240x64xf32, #tpu.memory_space<vmem_shared>>
      %dma_start3A_475 = tpu.memref_slice %arg11[%dma_start3A_464] : memref<8x!tpu.dma_semaphore, #tpu.memory_space<semaphore_mem>> -> memref<1x!tpu.dma_semaphore, #tpu.memory_space<semaphore_mem>>
      %dma_start3A_476 = tpu.memref_squeeze %dma_start3A_475 : memref<1x!tpu.dma_semaphore, #tpu.memory_space<semaphore_mem>> -> memref<!tpu.dma_semaphore, #tpu.memory_space<semaphore_mem>>
      tpu.enqueue_indirect_dma source(%dma_start3A_468 : memref<128x64xf32, #tpu.memory_space<vmem>>) target(%dma_start3A_474 : memref<10240x64xf32, #tpu.memory_space<vmem_shared>>) offsets(%dma_start3A_471 : memref<128xi32, #tpu.memory_space<vmem>>) semaphore(%dma_start3A_476 : memref<!tpu.dma_semaphore, #tpu.memory_space<semaphore_mem>>) {add = true}
      %mul3A_477 = arith.constant 8 : i32
      %mul3A_478 = arith.muli %add3A_226, %mul3A_477 : i32
      %add3A_479 = arith.constant 6 : i32
      %add3A_480 = arith.addi %mul3A_478, %add3A_479 : i32
      %lt3A_481 = arith.constant 9 : i32
      %lt3A_482 = arith.cmpi slt, %add3A_226, %lt3A_481 : i32
      %convert_element_type3A_483 = arith.extui %lt3A_482 : i1 to i32
      %cond3A_484 = arith.constant 0 : i32
      %cond3A_485 = arith.cmpi ne, %convert_element_type3A_483, %cond3A_484 : i32
      scf.if %cond3A_485 {
        %sub3A = arith.constant 2 : i32
        %sub3A_551 = arith.subi %add3A_480, %sub3A : i32
        %dma_wait3A_552 = arith.constant 4 : i32
        %dma_wait3A_553 = arith.constant 4 : i32
        %dma_wait3A_554 = arith.constant 0 : i32
        %dma_wait3A_555 = arith.constant 0 : i32
        %dma_wait3A_556 = tpu.memref_slice %arg9[%dma_wait3A_552, %dma_wait3A_554, %dma_wait3A_555] : memref<8x128x64xf32, #tpu.memory_space<vmem>> -> memref<1x128x64xf32, #tpu.memory_space<vmem>>
        %dma_wait3A_557 = tpu.memref_squeeze %dma_wait3A_556 : memref<1x128x64xf32, #tpu.memory_space<vmem>> -> memref<128x64xf32, #tpu.memory_space<vmem>>
        %dma_wait3A_558 = arith.constant 0 : i32
        %dma_wait3A_559 = tpu.memref_slice %arg8[%sub3A_551, %dma_wait3A_558] : memref<80x128xi32, #tpu.memory_space<vmem>> -> memref<1x128xi32, #tpu.memory_space<vmem>>
        %dma_wait3A_560 = tpu.memref_squeeze %dma_wait3A_559 : memref<1x128xi32, #tpu.memory_space<vmem>> -> memref<128xi32, #tpu.memory_space<vmem>>
        %dma_wait3A_561 = arith.constant 0 : i32
        %dma_wait3A_562 = arith.constant 0 : i32
        %dma_wait3A_563 = tpu.memref_slice %arg12[%dma_wait3A_561, %dma_wait3A_562] : memref<10240x64xf32, #tpu.memory_space<vmem_shared>> -> memref<10240x64xf32, #tpu.memory_space<vmem_shared>>
        %dma_wait3A_564 = tpu.memref_slice %arg11[%dma_wait3A_553] : memref<8x!tpu.dma_semaphore, #tpu.memory_space<semaphore_mem>> -> memref<1x!tpu.dma_semaphore, #tpu.memory_space<semaphore_mem>>
        %dma_wait3A_565 = tpu.memref_squeeze %dma_wait3A_564 : memref<1x!tpu.dma_semaphore, #tpu.memory_space<semaphore_mem>> -> memref<!tpu.dma_semaphore, #tpu.memory_space<semaphore_mem>>
        tpu.wait_indirect_dma semaphore(%dma_wait3A_565 : memref<!tpu.dma_semaphore, #tpu.memory_space<semaphore_mem>>) src(%dma_wait3A_557 : memref<128x64xf32, #tpu.memory_space<vmem>>) dst(%dma_wait3A_563 : memref<10240x64xf32, #tpu.memory_space<vmem_shared>>)
        %add3A_566 = arith.constant 6 : i32
        %add3A_567 = arith.addi %add3A_480, %add3A_566 : i32
        %dma_start3A_568 = arith.constant 4 : i32
        %dma_start3A_569 = arith.constant 4 : i32
        %dma_start3A_570 = arith.constant 0 : i32
        %dma_start3A_571 = arith.constant 0 : i32
        %dma_start3A_572 = tpu.memref_slice %arg9[%dma_start3A_568, %dma_start3A_570, %dma_start3A_571] : memref<8x128x64xf32, #tpu.memory_space<vmem>> -> memref<1x128x64xf32, #tpu.memory_space<vmem>>
        %dma_start3A_573 = tpu.memref_squeeze %dma_start3A_572 : memref<1x128x64xf32, #tpu.memory_space<vmem>> -> memref<128x64xf32, #tpu.memory_space<vmem>>
        %dma_start3A_574 = arith.constant 0 : i32
        %dma_start3A_575 = tpu.memref_slice %arg7[%add3A_567, %dma_start3A_574] : memref<80x128xi32, #tpu.memory_space<vmem>> -> memref<1x128xi32, #tpu.memory_space<vmem>>
        %dma_start3A_576 = tpu.memref_squeeze %dma_start3A_575 : memref<1x128xi32, #tpu.memory_space<vmem>> -> memref<128xi32, #tpu.memory_space<vmem>>
        %dma_start3A_577 = arith.constant 0 : i32
        %dma_start3A_578 = arith.constant 0 : i32
        %dma_start3A_579 = tpu.memref_slice %arg2[%dma_start3A_577, %dma_start3A_578] : memref<10240x64xf32, #tpu.memory_space<hbm>> -> memref<10240x64xf32, #tpu.memory_space<hbm>>
        %dma_start3A_580 = tpu.memref_slice %arg10[%dma_start3A_569] : memref<8x!tpu.dma_semaphore, #tpu.memory_space<semaphore_mem>> -> memref<1x!tpu.dma_semaphore, #tpu.memory_space<semaphore_mem>>
        %dma_start3A_581 = tpu.memref_squeeze %dma_start3A_580 : memref<1x!tpu.dma_semaphore, #tpu.memory_space<semaphore_mem>> -> memref<!tpu.dma_semaphore, #tpu.memory_space<semaphore_mem>>
        tpu.enqueue_indirect_dma source(%dma_start3A_579 : memref<10240x64xf32, #tpu.memory_space<hbm>>) target(%dma_start3A_573 : memref<128x64xf32, #tpu.memory_space<vmem>>) offsets(%dma_start3A_576 : memref<128xi32, #tpu.memory_space<vmem>>) semaphore(%dma_start3A_581 : memref<!tpu.dma_semaphore, #tpu.memory_space<semaphore_mem>>)
      } else {
      }
      %dma_wait3A_486 = arith.constant 6 : i32
      %dma_wait3A_487 = arith.constant 6 : i32
      %dma_wait3A_488 = arith.constant 0 : i32
      %dma_wait3A_489 = arith.constant 0 : i32
      %dma_wait3A_490 = tpu.memref_slice %arg9[%dma_wait3A_486, %dma_wait3A_488, %dma_wait3A_489] : memref<8x128x64xf32, #tpu.memory_space<vmem>> -> memref<1x128x64xf32, #tpu.memory_space<vmem>>
      %dma_wait3A_491 = tpu.memref_squeeze %dma_wait3A_490 : memref<1x128x64xf32, #tpu.memory_space<vmem>> -> memref<128x64xf32, #tpu.memory_space<vmem>>
      %dma_wait3A_492 = arith.constant 0 : i32
      %dma_wait3A_493 = tpu.memref_slice %arg7[%add3A_480, %dma_wait3A_492] : memref<80x128xi32, #tpu.memory_space<vmem>> -> memref<1x128xi32, #tpu.memory_space<vmem>>
      %dma_wait3A_494 = tpu.memref_squeeze %dma_wait3A_493 : memref<1x128xi32, #tpu.memory_space<vmem>> -> memref<128xi32, #tpu.memory_space<vmem>>
      %dma_wait3A_495 = arith.constant 0 : i32
      %dma_wait3A_496 = arith.constant 0 : i32
      %dma_wait3A_497 = tpu.memref_slice %arg2[%dma_wait3A_495, %dma_wait3A_496] : memref<10240x64xf32, #tpu.memory_space<hbm>> -> memref<10240x64xf32, #tpu.memory_space<hbm>>
      %dma_wait3A_498 = tpu.memref_slice %arg10[%dma_wait3A_487] : memref<8x!tpu.dma_semaphore, #tpu.memory_space<semaphore_mem>> -> memref<1x!tpu.dma_semaphore, #tpu.memory_space<semaphore_mem>>
      %dma_wait3A_499 = tpu.memref_squeeze %dma_wait3A_498 : memref<1x!tpu.dma_semaphore, #tpu.memory_space<semaphore_mem>> -> memref<!tpu.dma_semaphore, #tpu.memory_space<semaphore_mem>>
      tpu.wait_indirect_dma semaphore(%dma_wait3A_499 : memref<!tpu.dma_semaphore, #tpu.memory_space<semaphore_mem>>) src(%dma_wait3A_497 : memref<10240x64xf32, #tpu.memory_space<hbm>>) dst(%dma_wait3A_491 : memref<128x64xf32, #tpu.memory_space<vmem>>)
      %dma_start3A_500 = arith.constant 6 : i32
      %dma_start3A_501 = arith.constant 6 : i32
      %dma_start3A_502 = arith.constant 0 : i32
      %dma_start3A_503 = arith.constant 0 : i32
      %dma_start3A_504 = tpu.memref_slice %arg9[%dma_start3A_500, %dma_start3A_502, %dma_start3A_503] : memref<8x128x64xf32, #tpu.memory_space<vmem>> -> memref<1x128x64xf32, #tpu.memory_space<vmem>>
      %dma_start3A_505 = tpu.memref_squeeze %dma_start3A_504 : memref<1x128x64xf32, #tpu.memory_space<vmem>> -> memref<128x64xf32, #tpu.memory_space<vmem>>
      %dma_start3A_506 = arith.constant 0 : i32
      %dma_start3A_507 = tpu.memref_slice %arg8[%add3A_480, %dma_start3A_506] : memref<80x128xi32, #tpu.memory_space<vmem>> -> memref<1x128xi32, #tpu.memory_space<vmem>>
      %dma_start3A_508 = tpu.memref_squeeze %dma_start3A_507 : memref<1x128xi32, #tpu.memory_space<vmem>> -> memref<128xi32, #tpu.memory_space<vmem>>
      %dma_start3A_509 = arith.constant 0 : i32
      %dma_start3A_510 = arith.constant 0 : i32
      %dma_start3A_511 = tpu.memref_slice %arg12[%dma_start3A_509, %dma_start3A_510] : memref<10240x64xf32, #tpu.memory_space<vmem_shared>> -> memref<10240x64xf32, #tpu.memory_space<vmem_shared>>
      %dma_start3A_512 = tpu.memref_slice %arg11[%dma_start3A_501] : memref<8x!tpu.dma_semaphore, #tpu.memory_space<semaphore_mem>> -> memref<1x!tpu.dma_semaphore, #tpu.memory_space<semaphore_mem>>
      %dma_start3A_513 = tpu.memref_squeeze %dma_start3A_512 : memref<1x!tpu.dma_semaphore, #tpu.memory_space<semaphore_mem>> -> memref<!tpu.dma_semaphore, #tpu.memory_space<semaphore_mem>>
      tpu.enqueue_indirect_dma source(%dma_start3A_505 : memref<128x64xf32, #tpu.memory_space<vmem>>) target(%dma_start3A_511 : memref<10240x64xf32, #tpu.memory_space<vmem_shared>>) offsets(%dma_start3A_508 : memref<128xi32, #tpu.memory_space<vmem>>) semaphore(%dma_start3A_513 : memref<!tpu.dma_semaphore, #tpu.memory_space<semaphore_mem>>) {add = true}
      %mul3A_514 = arith.constant 8 : i32
      %mul3A_515 = arith.muli %add3A_226, %mul3A_514 : i32
      %add3A_516 = arith.constant 7 : i32
      %add3A_517 = arith.addi %mul3A_515, %add3A_516 : i32
      %lt3A_518 = arith.constant 9 : i32
      %lt3A_519 = arith.cmpi slt, %add3A_226, %lt3A_518 : i32
      %convert_element_type3A_520 = arith.extui %lt3A_519 : i1 to i32
      %cond3A_521 = arith.constant 0 : i32
      %cond3A_522 = arith.cmpi ne, %convert_element_type3A_520, %cond3A_521 : i32
      scf.if %cond3A_522 {
        %sub3A = arith.constant 2 : i32
        %sub3A_551 = arith.subi %add3A_517, %sub3A : i32
        %dma_wait3A_552 = arith.constant 5 : i32
        %dma_wait3A_553 = arith.constant 5 : i32
        %dma_wait3A_554 = arith.constant 0 : i32
        %dma_wait3A_555 = arith.constant 0 : i32
        %dma_wait3A_556 = tpu.memref_slice %arg9[%dma_wait3A_552, %dma_wait3A_554, %dma_wait3A_555] : memref<8x128x64xf32, #tpu.memory_space<vmem>> -> memref<1x128x64xf32, #tpu.memory_space<vmem>>
        %dma_wait3A_557 = tpu.memref_squeeze %dma_wait3A_556 : memref<1x128x64xf32, #tpu.memory_space<vmem>> -> memref<128x64xf32, #tpu.memory_space<vmem>>
        %dma_wait3A_558 = arith.constant 0 : i32
        %dma_wait3A_559 = tpu.memref_slice %arg8[%sub3A_551, %dma_wait3A_558] : memref<80x128xi32, #tpu.memory_space<vmem>> -> memref<1x128xi32, #tpu.memory_space<vmem>>
        %dma_wait3A_560 = tpu.memref_squeeze %dma_wait3A_559 : memref<1x128xi32, #tpu.memory_space<vmem>> -> memref<128xi32, #tpu.memory_space<vmem>>
        %dma_wait3A_561 = arith.constant 0 : i32
        %dma_wait3A_562 = arith.constant 0 : i32
        %dma_wait3A_563 = tpu.memref_slice %arg12[%dma_wait3A_561, %dma_wait3A_562] : memref<10240x64xf32, #tpu.memory_space<vmem_shared>> -> memref<10240x64xf32, #tpu.memory_space<vmem_shared>>
        %dma_wait3A_564 = tpu.memref_slice %arg11[%dma_wait3A_553] : memref<8x!tpu.dma_semaphore, #tpu.memory_space<semaphore_mem>> -> memref<1x!tpu.dma_semaphore, #tpu.memory_space<semaphore_mem>>
        %dma_wait3A_565 = tpu.memref_squeeze %dma_wait3A_564 : memref<1x!tpu.dma_semaphore, #tpu.memory_space<semaphore_mem>> -> memref<!tpu.dma_semaphore, #tpu.memory_space<semaphore_mem>>
        tpu.wait_indirect_dma semaphore(%dma_wait3A_565 : memref<!tpu.dma_semaphore, #tpu.memory_space<semaphore_mem>>) src(%dma_wait3A_557 : memref<128x64xf32, #tpu.memory_space<vmem>>) dst(%dma_wait3A_563 : memref<10240x64xf32, #tpu.memory_space<vmem_shared>>)
        %add3A_566 = arith.constant 6 : i32
        %add3A_567 = arith.addi %add3A_517, %add3A_566 : i32
        %dma_start3A_568 = arith.constant 5 : i32
        %dma_start3A_569 = arith.constant 5 : i32
        %dma_start3A_570 = arith.constant 0 : i32
        %dma_start3A_571 = arith.constant 0 : i32
        %dma_start3A_572 = tpu.memref_slice %arg9[%dma_start3A_568, %dma_start3A_570, %dma_start3A_571] : memref<8x128x64xf32, #tpu.memory_space<vmem>> -> memref<1x128x64xf32, #tpu.memory_space<vmem>>
        %dma_start3A_573 = tpu.memref_squeeze %dma_start3A_572 : memref<1x128x64xf32, #tpu.memory_space<vmem>> -> memref<128x64xf32, #tpu.memory_space<vmem>>
        %dma_start3A_574 = arith.constant 0 : i32
        %dma_start3A_575 = tpu.memref_slice %arg7[%add3A_567, %dma_start3A_574] : memref<80x128xi32, #tpu.memory_space<vmem>> -> memref<1x128xi32, #tpu.memory_space<vmem>>
        %dma_start3A_576 = tpu.memref_squeeze %dma_start3A_575 : memref<1x128xi32, #tpu.memory_space<vmem>> -> memref<128xi32, #tpu.memory_space<vmem>>
        %dma_start3A_577 = arith.constant 0 : i32
        %dma_start3A_578 = arith.constant 0 : i32
        %dma_start3A_579 = tpu.memref_slice %arg2[%dma_start3A_577, %dma_start3A_578] : memref<10240x64xf32, #tpu.memory_space<hbm>> -> memref<10240x64xf32, #tpu.memory_space<hbm>>
        %dma_start3A_580 = tpu.memref_slice %arg10[%dma_start3A_569] : memref<8x!tpu.dma_semaphore, #tpu.memory_space<semaphore_mem>> -> memref<1x!tpu.dma_semaphore, #tpu.memory_space<semaphore_mem>>
        %dma_start3A_581 = tpu.memref_squeeze %dma_start3A_580 : memref<1x!tpu.dma_semaphore, #tpu.memory_space<semaphore_mem>> -> memref<!tpu.dma_semaphore, #tpu.memory_space<semaphore_mem>>
        tpu.enqueue_indirect_dma source(%dma_start3A_579 : memref<10240x64xf32, #tpu.memory_space<hbm>>) target(%dma_start3A_573 : memref<128x64xf32, #tpu.memory_space<vmem>>) offsets(%dma_start3A_576 : memref<128xi32, #tpu.memory_space<vmem>>) semaphore(%dma_start3A_581 : memref<!tpu.dma_semaphore, #tpu.memory_space<semaphore_mem>>)
      } else {
      }
      %dma_wait3A_523 = arith.constant 7 : i32
      %dma_wait3A_524 = arith.constant 7 : i32
      %dma_wait3A_525 = arith.constant 0 : i32
      %dma_wait3A_526 = arith.constant 0 : i32
      %dma_wait3A_527 = tpu.memref_slice %arg9[%dma_wait3A_523, %dma_wait3A_525, %dma_wait3A_526] : memref<8x128x64xf32, #tpu.memory_space<vmem>> -> memref<1x128x64xf32, #tpu.memory_space<vmem>>
      %dma_wait3A_528 = tpu.memref_squeeze %dma_wait3A_527 : memref<1x128x64xf32, #tpu.memory_space<vmem>> -> memref<128x64xf32, #tpu.memory_space<vmem>>
      %dma_wait3A_529 = arith.constant 0 : i32
      %dma_wait3A_530 = tpu.memref_slice %arg7[%add3A_517, %dma_wait3A_529] : memref<80x128xi32, #tpu.memory_space<vmem>> -> memref<1x128xi32, #tpu.memory_space<vmem>>
      %dma_wait3A_531 = tpu.memref_squeeze %dma_wait3A_530 : memref<1x128xi32, #tpu.memory_space<vmem>> -> memref<128xi32, #tpu.memory_space<vmem>>
      %dma_wait3A_532 = arith.constant 0 : i32
      %dma_wait3A_533 = arith.constant 0 : i32
      %dma_wait3A_534 = tpu.memref_slice %arg2[%dma_wait3A_532, %dma_wait3A_533] : memref<10240x64xf32, #tpu.memory_space<hbm>> -> memref<10240x64xf32, #tpu.memory_space<hbm>>
      %dma_wait3A_535 = tpu.memref_slice %arg10[%dma_wait3A_524] : memref<8x!tpu.dma_semaphore, #tpu.memory_space<semaphore_mem>> -> memref<1x!tpu.dma_semaphore, #tpu.memory_space<semaphore_mem>>
      %dma_wait3A_536 = tpu.memref_squeeze %dma_wait3A_535 : memref<1x!tpu.dma_semaphore, #tpu.memory_space<semaphore_mem>> -> memref<!tpu.dma_semaphore, #tpu.memory_space<semaphore_mem>>
      tpu.wait_indirect_dma semaphore(%dma_wait3A_536 : memref<!tpu.dma_semaphore, #tpu.memory_space<semaphore_mem>>) src(%dma_wait3A_534 : memref<10240x64xf32, #tpu.memory_space<hbm>>) dst(%dma_wait3A_528 : memref<128x64xf32, #tpu.memory_space<vmem>>)
      %dma_start3A_537 = arith.constant 7 : i32
      %dma_start3A_538 = arith.constant 7 : i32
      %dma_start3A_539 = arith.constant 0 : i32
      %dma_start3A_540 = arith.constant 0 : i32
      %dma_start3A_541 = tpu.memref_slice %arg9[%dma_start3A_537, %dma_start3A_539, %dma_start3A_540] : memref<8x128x64xf32, #tpu.memory_space<vmem>> -> memref<1x128x64xf32, #tpu.memory_space<vmem>>
      %dma_start3A_542 = tpu.memref_squeeze %dma_start3A_541 : memref<1x128x64xf32, #tpu.memory_space<vmem>> -> memref<128x64xf32, #tpu.memory_space<vmem>>
      %dma_start3A_543 = arith.constant 0 : i32
      %dma_start3A_544 = tpu.memref_slice %arg8[%add3A_517, %dma_start3A_543] : memref<80x128xi32, #tpu.memory_space<vmem>> -> memref<1x128xi32, #tpu.memory_space<vmem>>
      %dma_start3A_545 = tpu.memref_squeeze %dma_start3A_544 : memref<1x128xi32, #tpu.memory_space<vmem>> -> memref<128xi32, #tpu.memory_space<vmem>>
      %dma_start3A_546 = arith.constant 0 : i32
      %dma_start3A_547 = arith.constant 0 : i32
      %dma_start3A_548 = tpu.memref_slice %arg12[%dma_start3A_546, %dma_start3A_547] : memref<10240x64xf32, #tpu.memory_space<vmem_shared>> -> memref<10240x64xf32, #tpu.memory_space<vmem_shared>>
      %dma_start3A_549 = tpu.memref_slice %arg11[%dma_start3A_538] : memref<8x!tpu.dma_semaphore, #tpu.memory_space<semaphore_mem>> -> memref<1x!tpu.dma_semaphore, #tpu.memory_space<semaphore_mem>>
      %dma_start3A_550 = tpu.memref_squeeze %dma_start3A_549 : memref<1x!tpu.dma_semaphore, #tpu.memory_space<semaphore_mem>> -> memref<!tpu.dma_semaphore, #tpu.memory_space<semaphore_mem>>
      tpu.enqueue_indirect_dma source(%dma_start3A_542 : memref<128x64xf32, #tpu.memory_space<vmem>>) target(%dma_start3A_548 : memref<10240x64xf32, #tpu.memory_space<vmem_shared>>) offsets(%dma_start3A_545 : memref<128xi32, #tpu.memory_space<vmem>>) semaphore(%dma_start3A_550 : memref<!tpu.dma_semaphore, #tpu.memory_space<semaphore_mem>>) {add = true}
    }
    %scan3A_97 = arith.constant 10 : i32
    %dma_wait3A = arith.constant 0 : i32
    %dma_wait3A_98 = arith.constant 72 : i32
    %dma_wait3A_99 = arith.constant 0 : i32
    %dma_wait3A_100 = arith.constant 0 : i32
    %dma_wait3A_101 = arith.constant 0 : i32
    %dma_wait3A_102 = tpu.memref_slice %arg9[%dma_wait3A, %dma_wait3A_100, %dma_wait3A_101] : memref<8x128x64xf32, #tpu.memory_space<vmem>> -> memref<1x128x64xf32, #tpu.memory_space<vmem>>
    %dma_wait3A_103 = tpu.memref_squeeze %dma_wait3A_102 : memref<1x128x64xf32, #tpu.memory_space<vmem>> -> memref<128x64xf32, #tpu.memory_space<vmem>>
    %dma_wait3A_104 = arith.constant 0 : i32
    %dma_wait3A_105 = tpu.memref_slice %arg8[%dma_wait3A_98, %dma_wait3A_104] : memref<80x128xi32, #tpu.memory_space<vmem>> -> memref<1x128xi32, #tpu.memory_space<vmem>>
    %dma_wait3A_106 = tpu.memref_squeeze %dma_wait3A_105 : memref<1x128xi32, #tpu.memory_space<vmem>> -> memref<128xi32, #tpu.memory_space<vmem>>
    %dma_wait3A_107 = arith.constant 0 : i32
    %dma_wait3A_108 = arith.constant 0 : i32
    %dma_wait3A_109 = tpu.memref_slice %arg12[%dma_wait3A_107, %dma_wait3A_108] : memref<10240x64xf32, #tpu.memory_space<vmem_shared>> -> memref<10240x64xf32, #tpu.memory_space<vmem_shared>>
    %dma_wait3A_110 = tpu.memref_slice %arg11[%dma_wait3A_99] : memref<8x!tpu.dma_semaphore, #tpu.memory_space<semaphore_mem>> -> memref<1x!tpu.dma_semaphore, #tpu.memory_space<semaphore_mem>>
    %dma_wait3A_111 = tpu.memref_squeeze %dma_wait3A_110 : memref<1x!tpu.dma_semaphore, #tpu.memory_space<semaphore_mem>> -> memref<!tpu.dma_semaphore, #tpu.memory_space<semaphore_mem>>
    tpu.wait_indirect_dma semaphore(%dma_wait3A_111 : memref<!tpu.dma_semaphore, #tpu.memory_space<semaphore_mem>>) src(%dma_wait3A_103 : memref<128x64xf32, #tpu.memory_space<vmem>>) dst(%dma_wait3A_109 : memref<10240x64xf32, #tpu.memory_space<vmem_shared>>)
    %dma_wait3A_112 = arith.constant 1 : i32
    %dma_wait3A_113 = arith.constant 73 : i32
    %dma_wait3A_114 = arith.constant 1 : i32
    %dma_wait3A_115 = arith.constant 0 : i32
    %dma_wait3A_116 = arith.constant 0 : i32
    %dma_wait3A_117 = tpu.memref_slice %arg9[%dma_wait3A_112, %dma_wait3A_115, %dma_wait3A_116] : memref<8x128x64xf32, #tpu.memory_space<vmem>> -> memref<1x128x64xf32, #tpu.memory_space<vmem>>
    %dma_wait3A_118 = tpu.memref_squeeze %dma_wait3A_117 : memref<1x128x64xf32, #tpu.memory_space<vmem>> -> memref<128x64xf32, #tpu.memory_space<vmem>>
    %dma_wait3A_119 = arith.constant 0 : i32
    %dma_wait3A_120 = tpu.memref_slice %arg8[%dma_wait3A_113, %dma_wait3A_119] : memref<80x128xi32, #tpu.memory_space<vmem>> -> memref<1x128xi32, #tpu.memory_space<vmem>>
    %dma_wait3A_121 = tpu.memref_squeeze %dma_wait3A_120 : memref<1x128xi32, #tpu.memory_space<vmem>> -> memref<128xi32, #tpu.memory_space<vmem>>
    %dma_wait3A_122 = arith.constant 0 : i32
    %dma_wait3A_123 = arith.constant 0 : i32
    %dma_wait3A_124 = tpu.memref_slice %arg12[%dma_wait3A_122, %dma_wait3A_123] : memref<10240x64xf32, #tpu.memory_space<vmem_shared>> -> memref<10240x64xf32, #tpu.memory_space<vmem_shared>>
    %dma_wait3A_125 = tpu.memref_slice %arg11[%dma_wait3A_114] : memref<8x!tpu.dma_semaphore, #tpu.memory_space<semaphore_mem>> -> memref<1x!tpu.dma_semaphore, #tpu.memory_space<semaphore_mem>>
    %dma_wait3A_126 = tpu.memref_squeeze %dma_wait3A_125 : memref<1x!tpu.dma_semaphore, #tpu.memory_space<semaphore_mem>> -> memref<!tpu.dma_semaphore, #tpu.memory_space<semaphore_mem>>
    tpu.wait_indirect_dma semaphore(%dma_wait3A_126 : memref<!tpu.dma_semaphore, #tpu.memory_space<semaphore_mem>>) src(%dma_wait3A_118 : memref<128x64xf32, #tpu.memory_space<vmem>>) dst(%dma_wait3A_124 : memref<10240x64xf32, #tpu.memory_space<vmem_shared>>)
    %dma_wait3A_127 = arith.constant 2 : i32
    %dma_wait3A_128 = arith.constant 74 : i32
    %dma_wait3A_129 = arith.constant 2 : i32
    %dma_wait3A_130 = arith.constant 0 : i32
    %dma_wait3A_131 = arith.constant 0 : i32
    %dma_wait3A_132 = tpu.memref_slice %arg9[%dma_wait3A_127, %dma_wait3A_130, %dma_wait3A_131] : memref<8x128x64xf32, #tpu.memory_space<vmem>> -> memref<1x128x64xf32, #tpu.memory_space<vmem>>
    %dma_wait3A_133 = tpu.memref_squeeze %dma_wait3A_132 : memref<1x128x64xf32, #tpu.memory_space<vmem>> -> memref<128x64xf32, #tpu.memory_space<vmem>>
    %dma_wait3A_134 = arith.constant 0 : i32
    %dma_wait3A_135 = tpu.memref_slice %arg8[%dma_wait3A_128, %dma_wait3A_134] : memref<80x128xi32, #tpu.memory_space<vmem>> -> memref<1x128xi32, #tpu.memory_space<vmem>>
    %dma_wait3A_136 = tpu.memref_squeeze %dma_wait3A_135 : memref<1x128xi32, #tpu.memory_space<vmem>> -> memref<128xi32, #tpu.memory_space<vmem>>
    %dma_wait3A_137 = arith.constant 0 : i32
    %dma_wait3A_138 = arith.constant 0 : i32
    %dma_wait3A_139 = tpu.memref_slice %arg12[%dma_wait3A_137, %dma_wait3A_138] : memref<10240x64xf32, #tpu.memory_space<vmem_shared>> -> memref<10240x64xf32, #tpu.memory_space<vmem_shared>>
    %dma_wait3A_140 = tpu.memref_slice %arg11[%dma_wait3A_129] : memref<8x!tpu.dma_semaphore, #tpu.memory_space<semaphore_mem>> -> memref<1x!tpu.dma_semaphore, #tpu.memory_space<semaphore_mem>>
    %dma_wait3A_141 = tpu.memref_squeeze %dma_wait3A_140 : memref<1x!tpu.dma_semaphore, #tpu.memory_space<semaphore_mem>> -> memref<!tpu.dma_semaphore, #tpu.memory_space<semaphore_mem>>
    tpu.wait_indirect_dma semaphore(%dma_wait3A_141 : memref<!tpu.dma_semaphore, #tpu.memory_space<semaphore_mem>>) src(%dma_wait3A_133 : memref<128x64xf32, #tpu.memory_space<vmem>>) dst(%dma_wait3A_139 : memref<10240x64xf32, #tpu.memory_space<vmem_shared>>)
    %dma_wait3A_142 = arith.constant 3 : i32
    %dma_wait3A_143 = arith.constant 75 : i32
    %dma_wait3A_144 = arith.constant 3 : i32
    %dma_wait3A_145 = arith.constant 0 : i32
    %dma_wait3A_146 = arith.constant 0 : i32
    %dma_wait3A_147 = tpu.memref_slice %arg9[%dma_wait3A_142, %dma_wait3A_145, %dma_wait3A_146] : memref<8x128x64xf32, #tpu.memory_space<vmem>> -> memref<1x128x64xf32, #tpu.memory_space<vmem>>
    %dma_wait3A_148 = tpu.memref_squeeze %dma_wait3A_147 : memref<1x128x64xf32, #tpu.memory_space<vmem>> -> memref<128x64xf32, #tpu.memory_space<vmem>>
    %dma_wait3A_149 = arith.constant 0 : i32
    %dma_wait3A_150 = tpu.memref_slice %arg8[%dma_wait3A_143, %dma_wait3A_149] : memref<80x128xi32, #tpu.memory_space<vmem>> -> memref<1x128xi32, #tpu.memory_space<vmem>>
    %dma_wait3A_151 = tpu.memref_squeeze %dma_wait3A_150 : memref<1x128xi32, #tpu.memory_space<vmem>> -> memref<128xi32, #tpu.memory_space<vmem>>
    %dma_wait3A_152 = arith.constant 0 : i32
    %dma_wait3A_153 = arith.constant 0 : i32
    %dma_wait3A_154 = tpu.memref_slice %arg12[%dma_wait3A_152, %dma_wait3A_153] : memref<10240x64xf32, #tpu.memory_space<vmem_shared>> -> memref<10240x64xf32, #tpu.memory_space<vmem_shared>>
    %dma_wait3A_155 = tpu.memref_slice %arg11[%dma_wait3A_144] : memref<8x!tpu.dma_semaphore, #tpu.memory_space<semaphore_mem>> -> memref<1x!tpu.dma_semaphore, #tpu.memory_space<semaphore_mem>>
    %dma_wait3A_156 = tpu.memref_squeeze %dma_wait3A_155 : memref<1x!tpu.dma_semaphore, #tpu.memory_space<semaphore_mem>> -> memref<!tpu.dma_semaphore, #tpu.memory_space<semaphore_mem>>
    tpu.wait_indirect_dma semaphore(%dma_wait3A_156 : memref<!tpu.dma_semaphore, #tpu.memory_space<semaphore_mem>>) src(%dma_wait3A_148 : memref<128x64xf32, #tpu.memory_space<vmem>>) dst(%dma_wait3A_154 : memref<10240x64xf32, #tpu.memory_space<vmem_shared>>)
    %dma_wait3A_157 = arith.constant 4 : i32
    %dma_wait3A_158 = arith.constant 76 : i32
    %dma_wait3A_159 = arith.constant 4 : i32
    %dma_wait3A_160 = arith.constant 0 : i32
    %dma_wait3A_161 = arith.constant 0 : i32
    %dma_wait3A_162 = tpu.memref_slice %arg9[%dma_wait3A_157, %dma_wait3A_160, %dma_wait3A_161] : memref<8x128x64xf32, #tpu.memory_space<vmem>> -> memref<1x128x64xf32, #tpu.memory_space<vmem>>
    %dma_wait3A_163 = tpu.memref_squeeze %dma_wait3A_162 : memref<1x128x64xf32, #tpu.memory_space<vmem>> -> memref<128x64xf32, #tpu.memory_space<vmem>>
    %dma_wait3A_164 = arith.constant 0 : i32
    %dma_wait3A_165 = tpu.memref_slice %arg8[%dma_wait3A_158, %dma_wait3A_164] : memref<80x128xi32, #tpu.memory_space<vmem>> -> memref<1x128xi32, #tpu.memory_space<vmem>>
    %dma_wait3A_166 = tpu.memref_squeeze %dma_wait3A_165 : memref<1x128xi32, #tpu.memory_space<vmem>> -> memref<128xi32, #tpu.memory_space<vmem>>
    %dma_wait3A_167 = arith.constant 0 : i32
    %dma_wait3A_168 = arith.constant 0 : i32
    %dma_wait3A_169 = tpu.memref_slice %arg12[%dma_wait3A_167, %dma_wait3A_168] : memref<10240x64xf32, #tpu.memory_space<vmem_shared>> -> memref<10240x64xf32, #tpu.memory_space<vmem_shared>>
    %dma_wait3A_170 = tpu.memref_slice %arg11[%dma_wait3A_159] : memref<8x!tpu.dma_semaphore, #tpu.memory_space<semaphore_mem>> -> memref<1x!tpu.dma_semaphore, #tpu.memory_space<semaphore_mem>>
    %dma_wait3A_171 = tpu.memref_squeeze %dma_wait3A_170 : memref<1x!tpu.dma_semaphore, #tpu.memory_space<semaphore_mem>> -> memref<!tpu.dma_semaphore, #tpu.memory_space<semaphore_mem>>
    tpu.wait_indirect_dma semaphore(%dma_wait3A_171 : memref<!tpu.dma_semaphore, #tpu.memory_space<semaphore_mem>>) src(%dma_wait3A_163 : memref<128x64xf32, #tpu.memory_space<vmem>>) dst(%dma_wait3A_169 : memref<10240x64xf32, #tpu.memory_space<vmem_shared>>)
    %dma_wait3A_172 = arith.constant 5 : i32
    %dma_wait3A_173 = arith.constant 77 : i32
    %dma_wait3A_174 = arith.constant 5 : i32
    %dma_wait3A_175 = arith.constant 0 : i32
    %dma_wait3A_176 = arith.constant 0 : i32
    %dma_wait3A_177 = tpu.memref_slice %arg9[%dma_wait3A_172, %dma_wait3A_175, %dma_wait3A_176] : memref<8x128x64xf32, #tpu.memory_space<vmem>> -> memref<1x128x64xf32, #tpu.memory_space<vmem>>
    %dma_wait3A_178 = tpu.memref_squeeze %dma_wait3A_177 : memref<1x128x64xf32, #tpu.memory_space<vmem>> -> memref<128x64xf32, #tpu.memory_space<vmem>>
    %dma_wait3A_179 = arith.constant 0 : i32
    %dma_wait3A_180 = tpu.memref_slice %arg8[%dma_wait3A_173, %dma_wait3A_179] : memref<80x128xi32, #tpu.memory_space<vmem>> -> memref<1x128xi32, #tpu.memory_space<vmem>>
    %dma_wait3A_181 = tpu.memref_squeeze %dma_wait3A_180 : memref<1x128xi32, #tpu.memory_space<vmem>> -> memref<128xi32, #tpu.memory_space<vmem>>
    %dma_wait3A_182 = arith.constant 0 : i32
    %dma_wait3A_183 = arith.constant 0 : i32
    %dma_wait3A_184 = tpu.memref_slice %arg12[%dma_wait3A_182, %dma_wait3A_183] : memref<10240x64xf32, #tpu.memory_space<vmem_shared>> -> memref<10240x64xf32, #tpu.memory_space<vmem_shared>>
    %dma_wait3A_185 = tpu.memref_slice %arg11[%dma_wait3A_174] : memref<8x!tpu.dma_semaphore, #tpu.memory_space<semaphore_mem>> -> memref<1x!tpu.dma_semaphore, #tpu.memory_space<semaphore_mem>>
    %dma_wait3A_186 = tpu.memref_squeeze %dma_wait3A_185 : memref<1x!tpu.dma_semaphore, #tpu.memory_space<semaphore_mem>> -> memref<!tpu.dma_semaphore, #tpu.memory_space<semaphore_mem>>
    tpu.wait_indirect_dma semaphore(%dma_wait3A_186 : memref<!tpu.dma_semaphore, #tpu.memory_space<semaphore_mem>>) src(%dma_wait3A_178 : memref<128x64xf32, #tpu.memory_space<vmem>>) dst(%dma_wait3A_184 : memref<10240x64xf32, #tpu.memory_space<vmem_shared>>)
    %dma_wait3A_187 = arith.constant 6 : i32
    %dma_wait3A_188 = arith.constant 78 : i32
    %dma_wait3A_189 = arith.constant 6 : i32
    %dma_wait3A_190 = arith.constant 0 : i32
    %dma_wait3A_191 = arith.constant 0 : i32
    %dma_wait3A_192 = tpu.memref_slice %arg9[%dma_wait3A_187, %dma_wait3A_190, %dma_wait3A_191] : memref<8x128x64xf32, #tpu.memory_space<vmem>> -> memref<1x128x64xf32, #tpu.memory_space<vmem>>
    %dma_wait3A_193 = tpu.memref_squeeze %dma_wait3A_192 : memref<1x128x64xf32, #tpu.memory_space<vmem>> -> memref<128x64xf32, #tpu.memory_space<vmem>>
    %dma_wait3A_194 = arith.constant 0 : i32
    %dma_wait3A_195 = tpu.memref_slice %arg8[%dma_wait3A_188, %dma_wait3A_194] : memref<80x128xi32, #tpu.memory_space<vmem>> -> memref<1x128xi32, #tpu.memory_space<vmem>>
    %dma_wait3A_196 = tpu.memref_squeeze %dma_wait3A_195 : memref<1x128xi32, #tpu.memory_space<vmem>> -> memref<128xi32, #tpu.memory_space<vmem>>
    %dma_wait3A_197 = arith.constant 0 : i32
    %dma_wait3A_198 = arith.constant 0 : i32
    %dma_wait3A_199 = tpu.memref_slice %arg12[%dma_wait3A_197, %dma_wait3A_198] : memref<10240x64xf32, #tpu.memory_space<vmem_shared>> -> memref<10240x64xf32, #tpu.memory_space<vmem_shared>>
    %dma_wait3A_200 = tpu.memref_slice %arg11[%dma_wait3A_189] : memref<8x!tpu.dma_semaphore, #tpu.memory_space<semaphore_mem>> -> memref<1x!tpu.dma_semaphore, #tpu.memory_space<semaphore_mem>>
    %dma_wait3A_201 = tpu.memref_squeeze %dma_wait3A_200 : memref<1x!tpu.dma_semaphore, #tpu.memory_space<semaphore_mem>> -> memref<!tpu.dma_semaphore, #tpu.memory_space<semaphore_mem>>
    tpu.wait_indirect_dma semaphore(%dma_wait3A_201 : memref<!tpu.dma_semaphore, #tpu.memory_space<semaphore_mem>>) src(%dma_wait3A_193 : memref<128x64xf32, #tpu.memory_space<vmem>>) dst(%dma_wait3A_199 : memref<10240x64xf32, #tpu.memory_space<vmem_shared>>)
    %dma_wait3A_202 = arith.constant 7 : i32
    %dma_wait3A_203 = arith.constant 79 : i32
    %dma_wait3A_204 = arith.constant 7 : i32
    %dma_wait3A_205 = arith.constant 0 : i32
    %dma_wait3A_206 = arith.constant 0 : i32
    %dma_wait3A_207 = tpu.memref_slice %arg9[%dma_wait3A_202, %dma_wait3A_205, %dma_wait3A_206] : memref<8x128x64xf32, #tpu.memory_space<vmem>> -> memref<1x128x64xf32, #tpu.memory_space<vmem>>
    %dma_wait3A_208 = tpu.memref_squeeze %dma_wait3A_207 : memref<1x128x64xf32, #tpu.memory_space<vmem>> -> memref<128x64xf32, #tpu.memory_space<vmem>>
    %dma_wait3A_209 = arith.constant 0 : i32
    %dma_wait3A_210 = tpu.memref_slice %arg8[%dma_wait3A_203, %dma_wait3A_209] : memref<80x128xi32, #tpu.memory_space<vmem>> -> memref<1x128xi32, #tpu.memory_space<vmem>>
    %dma_wait3A_211 = tpu.memref_squeeze %dma_wait3A_210 : memref<1x128xi32, #tpu.memory_space<vmem>> -> memref<128xi32, #tpu.memory_space<vmem>>
    %dma_wait3A_212 = arith.constant 0 : i32
    %dma_wait3A_213 = arith.constant 0 : i32
    %dma_wait3A_214 = tpu.memref_slice %arg12[%dma_wait3A_212, %dma_wait3A_213] : memref<10240x64xf32, #tpu.memory_space<vmem_shared>> -> memref<10240x64xf32, #tpu.memory_space<vmem_shared>>
    %dma_wait3A_215 = tpu.memref_slice %arg11[%dma_wait3A_204] : memref<8x!tpu.dma_semaphore, #tpu.memory_space<semaphore_mem>> -> memref<1x!tpu.dma_semaphore, #tpu.memory_space<semaphore_mem>>
    %dma_wait3A_216 = tpu.memref_squeeze %dma_wait3A_215 : memref<1x!tpu.dma_semaphore, #tpu.memory_space<semaphore_mem>> -> memref<!tpu.dma_semaphore, #tpu.memory_space<semaphore_mem>>
    tpu.wait_indirect_dma semaphore(%dma_wait3A_216 : memref<!tpu.dma_semaphore, #tpu.memory_space<semaphore_mem>>) src(%dma_wait3A_208 : memref<128x64xf32, #tpu.memory_space<vmem>>) dst(%dma_wait3A_214 : memref<10240x64xf32, #tpu.memory_space<vmem_shared>>)
    %barrier3A_217 = arith.constant 0 : index
    tpu.barrier barrier_id(%barrier3A_217)
    %mul3A_218 = arith.constant 640 : i32
    %mul3A_219 = arith.muli %arg1, %mul3A_218 : i32
    %mul3A_220 = arith.constant 640 : i32
    %mul3A_221 = arith.muli %arg1, %mul3A_220 : i32
    "tpu.region"() ({
      %run_scoped3A = tpu.sem_alloc : memref<!tpu.dma_semaphore, #tpu.memory_space<semaphore_mem>>
      %dma_start3A_222 = arith.constant 0 : i32
      %dma_start3A_223 = tpu.memref_slice %arg6[%arg0, %mul3A_221, %dma_start3A_222] : memref<2x10240x64xf32, #tpu.memory_space<hbm>> -> memref<1x640x64xf32, #tpu.memory_space<hbm>>
      %dma_start3A_224 = tpu.memref_squeeze %dma_start3A_223 : memref<1x640x64xf32, #tpu.memory_space<hbm>> -> memref<640x64xf32, #tpu.memory_space<hbm>>
      %dma_start3A_225 = arith.constant 0 : i32
      %dma_start3A_226 = tpu.memref_slice %arg12[%mul3A_219, %dma_start3A_225] : memref<10240x64xf32, #tpu.memory_space<vmem_shared>> -> memref<640x64xf32, #tpu.memory_space<vmem_shared>>
      tpu.enqueue_dma source(%dma_start3A_226 : memref<640x64xf32, #tpu.memory_space<vmem_shared>>) target(%dma_start3A_224 : memref<640x64xf32, #tpu.memory_space<hbm>>) target_semaphore(%run_scoped3A : memref<!tpu.dma_semaphore, #tpu.memory_space<semaphore_mem>>)
      %dma_wait3A_227 = arith.constant 0 : i32
      %dma_wait3A_228 = tpu.memref_slice %arg6[%arg0, %mul3A_221, %dma_wait3A_227] : memref<2x10240x64xf32, #tpu.memory_space<hbm>> -> memref<1x640x64xf32, #tpu.memory_space<hbm>>
      %dma_wait3A_229 = tpu.memref_squeeze %dma_wait3A_228 : memref<1x640x64xf32, #tpu.memory_space<hbm>> -> memref<640x64xf32, #tpu.memory_space<hbm>>
      %dma_wait3A_230 = arith.constant 0 : i32
      %dma_wait3A_231 = tpu.memref_slice %arg12[%mul3A_219, %dma_wait3A_230] : memref<10240x64xf32, #tpu.memory_space<vmem_shared>> -> memref<640x64xf32, #tpu.memory_space<vmem_shared>>
      tpu.wait_dma2 semaphore(%run_scoped3A : memref<!tpu.dma_semaphore, #tpu.memory_space<semaphore_mem>>) src(%dma_wait3A_231 : memref<640x64xf32, #tpu.memory_space<vmem_shared>>) dst(%dma_wait3A_229 : memref<640x64xf32, #tpu.memory_space<hbm>>)
      tpu.yield
    }) : () -> ()
    return
  }
}

module attributes {stable_mosaic.version = 14 : i64} {
  func.func @_mm1_body(%arg0: i32, %arg1: memref<5120x128xf32, #tpu.memory_space<vmem>>, %arg2: memref<128x64xf32, #tpu.memory_space<vmem>>, %arg3: memref<2x5120xf32, #tpu.memory_space<vmem>>, %arg4: memref<5120x64xf32, #tpu.memory_space<vmem>>) attributes {dimension_semantics = [#tpu.dimension_semantics<arbitrary>], iteration_bounds = array<i64: 2>, scalar_prefetch = 0 : i64, scratch_operands = 0 : i64, tpu.core_type = #tpu.core_type<tc>, window_params = [{transform_indices = @transform_0, window_bounds = array<i64: 5120, 128>}, {pipeline_mode = #tpu.pipeline_mode<synchronous>, transform_indices = @transform_1, window_bounds = array<i64: 128, 64>}, {transform_indices = @transform_2, window_bounds = array<i64: 2, 5120>}, {transform_indices = @transform_3, window_bounds = array<i64: 5120, 64>}]} {
    %get3A = arith.constant 0 : index
    %get3A_0 = arith.constant 0 : index
    %get3A_1 = vector.load %arg3[%get3A, %get3A_0] : memref<2x5120xf32, #tpu.memory_space<vmem>>, vector<1x5120xf32>
    %get3A_2 = vector.shape_cast %get3A_1 : vector<1x5120xf32> to vector<5120xf32>
    %get3A_3 = arith.constant 1 : index
    %get3A_4 = arith.constant 0 : index
    %get3A_5 = vector.load %arg3[%get3A_3, %get3A_4] : memref<2x5120xf32, #tpu.memory_space<vmem>>, vector<1x5120xf32>
    %get3A_6 = vector.shape_cast %get3A_5 : vector<1x5120xf32> to vector<5120xf32>
    %add3A = arith.addf %get3A_2, %get3A_6 : vector<5120xf32>
    %add3A_7 = arith.constant 1.000000e+00 : f32
    %add3A_8 = vector.broadcast %add3A_7 : f32 to vector<5120xf32>
    %add3A_9 = arith.addf %add3A, %add3A_8 : vector<5120xf32>
    %rsqrt3A = math.rsqrt %add3A_9 : vector<5120xf32>
    %get3A_10 = arith.constant 0 : index
    %get3A_11 = arith.constant 0 : index
    %get3A_12 = vector.load %arg1[%get3A_10, %get3A_11] : memref<5120x128xf32, #tpu.memory_space<vmem>>, vector<5120x128xf32>
    %get3A_13 = arith.constant 0 : index
    %get3A_14 = arith.constant 0 : index
    %get3A_15 = vector.load %arg2[%get3A_13, %get3A_14] : memref<128x64xf32, #tpu.memory_space<vmem>>, vector<128x64xf32>
    %dot_general3A = arith.constant dense<0.000000e+00> : vector<5120x64xf32>
    %dot_general3A_16 = tpu.matmul %get3A_12, %get3A_15, %dot_general3A {dimension_numbers = #tpu.dot_dimension_numbers<[1], [0], [0], [1], [0, 0, 1, 1], [], []>, transpose_lhs_hint = false} : vector<5120x128xf32>, vector<128x64xf32>, vector<5120x64xf32> -> vector<5120x64xf32>
    %broadcast_in_dim3A = vector.shape_cast %rsqrt3A : vector<5120xf32> to vector<5120x1xf32>
    %mul3A = vector.broadcast %broadcast_in_dim3A : vector<5120x1xf32> to vector<5120x64xf32>
    %mul3A_17 = arith.mulf %dot_general3A_16, %mul3A : vector<5120x64xf32>
    %swap3A = arith.constant 0 : index
    %swap3A_18 = arith.constant 0 : index
    %swap3A_19 = vector.load %arg4[%swap3A, %swap3A_18] : memref<5120x64xf32, #tpu.memory_space<vmem>>, vector<5120x64xf32>
    tpu.vector_store %arg4[%swap3A, %swap3A_18], %mul3A_17 {strides = array<i32>} : memref<5120x64xf32, #tpu.memory_space<vmem>>, vector<5120x64xf32>,
    return
  }
  func.func @transform_0(%arg0: i32) -> (i32, i32) {
    %c0_i32 = arith.constant 0 : i32
    %c0_i32_0 = arith.constant 0 : i32
    return %arg0, %c0_i32 : i32, i32
  }
  func.func @transform_1(%arg0: i32) -> (i32, i32) {
    %c0_i32 = arith.constant 0 : i32
    %c0_i32_0 = arith.constant 0 : i32
    %c0_i32_1 = arith.constant 0 : i32
    return %c0_i32, %c0_i32_0 : i32, i32
  }
  func.func @transform_2(%arg0: i32) -> (i32, i32) {
    %c0_i32 = arith.constant 0 : i32
    %c0_i32_0 = arith.constant 0 : i32
    return %c0_i32, %arg0 : i32, i32
  }
  func.func @transform_3(%arg0: i32) -> (i32, i32) {
    %c0_i32 = arith.constant 0 : i32
    %c0_i32_0 = arith.constant 0 : i32
    return %arg0, %c0_i32 : i32, i32
  }
}

module attributes {stable_mosaic.version = 14 : i64} {
  func.func @_mm2_body(%arg0: i32, %arg1: memref<2x5120x64xf32, #tpu.memory_space<vmem>>, %arg2: memref<5120x64xf32, #tpu.memory_space<vmem>>, %arg3: memref<2x5120xf32, #tpu.memory_space<vmem>>, %arg4: memref<1x64xf32, #tpu.memory_space<vmem>>, %arg5: memref<64x64xf32, #tpu.memory_space<vmem>>, %arg6: memref<5120x64xf32, #tpu.memory_space<vmem>>) attributes {dimension_semantics = [#tpu.dimension_semantics<arbitrary>], iteration_bounds = array<i64: 2>, scalar_prefetch = 0 : i64, scratch_operands = 0 : i64, tpu.core_type = #tpu.core_type<tc>, window_params = [{transform_indices = @transform_0, window_bounds = array<i64: 2, 5120, 64>}, {transform_indices = @transform_1, window_bounds = array<i64: 5120, 64>}, {transform_indices = @transform_2, window_bounds = array<i64: 2, 5120>}, {pipeline_mode = #tpu.pipeline_mode<synchronous>, transform_indices = @transform_3, window_bounds = array<i64: 1, 64>}, {pipeline_mode = #tpu.pipeline_mode<synchronous>, transform_indices = @transform_4, window_bounds = array<i64: 64, 64>}, {transform_indices = @transform_5, window_bounds = array<i64: 5120, 64>}]} {
    %get3A = arith.constant 0 : index
    %get3A_0 = arith.constant 0 : index
    %get3A_1 = vector.load %arg3[%get3A, %get3A_0] : memref<2x5120xf32, #tpu.memory_space<vmem>>, vector<1x5120xf32>
    %get3A_2 = vector.shape_cast %get3A_1 : vector<1x5120xf32> to vector<5120xf32>
    %get3A_3 = arith.constant 1 : index
    %get3A_4 = arith.constant 0 : index
    %get3A_5 = vector.load %arg3[%get3A_3, %get3A_4] : memref<2x5120xf32, #tpu.memory_space<vmem>>, vector<1x5120xf32>
    %get3A_6 = vector.shape_cast %get3A_5 : vector<1x5120xf32> to vector<5120xf32>
    %add3A = arith.addf %get3A_2, %get3A_6 : vector<5120xf32>
    %add3A_7 = arith.constant 1.000000e+00 : f32
    %add3A_8 = vector.broadcast %add3A_7 : f32 to vector<5120xf32>
    %add3A_9 = arith.addf %add3A, %add3A_8 : vector<5120xf32>
    %rsqrt3A = math.rsqrt %add3A_9 : vector<5120xf32>
    %get3A_10 = arith.constant 0 : index
    %get3A_11 = arith.constant 0 : index
    %get3A_12 = arith.constant 0 : index
    %get3A_13 = vector.load %arg1[%get3A_10, %get3A_11, %get3A_12] : memref<2x5120x64xf32, #tpu.memory_space<vmem>>, vector<1x5120x64xf32>
    %get3A_14 = vector.shape_cast %get3A_13 : vector<1x5120x64xf32> to vector<5120x64xf32>
    %get3A_15 = arith.constant 1 : index
    %get3A_16 = arith.constant 0 : index
    %get3A_17 = arith.constant 0 : index
    %get3A_18 = vector.load %arg1[%get3A_15, %get3A_16, %get3A_17] : memref<2x5120x64xf32, #tpu.memory_space<vmem>>, vector<1x5120x64xf32>
    %get3A_19 = vector.shape_cast %get3A_18 : vector<1x5120x64xf32> to vector<5120x64xf32>
    %add3A_20 = arith.addf %get3A_14, %get3A_19 : vector<5120x64xf32>
    %get3A_21 = arith.constant 0 : index
    %get3A_22 = arith.constant 0 : index
    %get3A_23 = vector.load %arg2[%get3A_21, %get3A_22] : memref<5120x64xf32, #tpu.memory_space<vmem>>, vector<5120x64xf32>
    %add3A_24 = arith.addf %add3A_20, %get3A_23 : vector<5120x64xf32>
    %broadcast_in_dim3A = vector.shape_cast %rsqrt3A : vector<5120xf32> to vector<5120x1xf32>
    %mul3A = vector.broadcast %broadcast_in_dim3A : vector<5120x1xf32> to vector<5120x64xf32>
    %mul3A_25 = arith.mulf %add3A_24, %mul3A : vector<5120x64xf32>
    %get3A_26 = arith.constant 0 : index
    %get3A_27 = arith.constant 0 : index
    %get3A_28 = vector.load %arg4[%get3A_26, %get3A_27] : memref<1x64xf32, #tpu.memory_space<vmem>>, vector<1x64xf32>
    %add3A_29 = vector.broadcast %get3A_28 : vector<1x64xf32> to vector<5120x64xf32>
    %add3A_30 = arith.addf %mul3A_25, %add3A_29 : vector<5120x64xf32>
    %max3A = arith.constant 0.000000e+00 : f32
    %max3A_31 = vector.broadcast %max3A : f32 to vector<5120x64xf32>
    %max3A_32 = arith.maximumf %add3A_30, %max3A_31 : vector<5120x64xf32>
    %get3A_33 = arith.constant 0 : index
    %get3A_34 = arith.constant 0 : index
    %get3A_35 = vector.load %arg5[%get3A_33, %get3A_34] : memref<64x64xf32, #tpu.memory_space<vmem>>, vector<64x64xf32>
    %dot_general3A = arith.constant dense<0.000000e+00> : vector<5120x64xf32>
    %dot_general3A_36 = tpu.matmul %max3A_32, %get3A_35, %dot_general3A {dimension_numbers = #tpu.dot_dimension_numbers<[1], [0], [0], [1], [0, 0, 1, 1], [], []>, transpose_lhs_hint = false} : vector<5120x64xf32>, vector<64x64xf32>, vector<5120x64xf32> -> vector<5120x64xf32>
    %broadcast_in_dim3A_37 = vector.shape_cast %rsqrt3A : vector<5120xf32> to vector<5120x1xf32>
    %mul3A_38 = vector.broadcast %broadcast_in_dim3A_37 : vector<5120x1xf32> to vector<5120x64xf32>
    %mul3A_39 = arith.mulf %dot_general3A_36, %mul3A_38 : vector<5120x64xf32>
    %swap3A = arith.constant 0 : index
    %swap3A_40 = arith.constant 0 : index
    %swap3A_41 = vector.load %arg6[%swap3A, %swap3A_40] : memref<5120x64xf32, #tpu.memory_space<vmem>>, vector<5120x64xf32>
    tpu.vector_store %arg6[%swap3A, %swap3A_40], %mul3A_39 {strides = array<i32>} : memref<5120x64xf32, #tpu.memory_space<vmem>>, vector<5120x64xf32>,
    return
  }
  func.func @transform_0(%arg0: i32) -> (i32, i32, i32) {
    %c0_i32 = arith.constant 0 : i32
    %c0_i32_0 = arith.constant 0 : i32
    %c0_i32_1 = arith.constant 0 : i32
    return %c0_i32, %arg0, %c0_i32_0 : i32, i32, i32
  }
  func.func @transform_1(%arg0: i32) -> (i32, i32) {
    %c0_i32 = arith.constant 0 : i32
    %c0_i32_0 = arith.constant 0 : i32
    return %arg0, %c0_i32 : i32, i32
  }
  func.func @transform_2(%arg0: i32) -> (i32, i32) {
    %c0_i32 = arith.constant 0 : i32
    %c0_i32_0 = arith.constant 0 : i32
    return %c0_i32, %arg0 : i32, i32
  }
  func.func @transform_3(%arg0: i32) -> (i32, i32) {
    %c0_i32 = arith.constant 0 : i32
    %c0_i32_0 = arith.constant 0 : i32
    %c0_i32_1 = arith.constant 0 : i32
    return %c0_i32, %c0_i32_0 : i32, i32
  }
  func.func @transform_4(%arg0: i32) -> (i32, i32) {
    %c0_i32 = arith.constant 0 : i32
    %c0_i32_0 = arith.constant 0 : i32
    %c0_i32_1 = arith.constant 0 : i32
    return %c0_i32, %c0_i32_0 : i32, i32
  }
  func.func @transform_5(%arg0: i32) -> (i32, i32) {
    %c0_i32 = arith.constant 0 : i32
    %c0_i32_0 = arith.constant 0 : i32
    return %arg0, %c0_i32 : i32, i32
  }
}

module attributes {stable_mosaic.version = 14 : i64} {
  func.func @_mm3_body(%arg0: i32, %arg1: memref<2x5120x64xf32, #tpu.memory_space<vmem>>, %arg2: memref<5120x64xf32, #tpu.memory_space<vmem>>, %arg3: memref<2x5120xf32, #tpu.memory_space<vmem>>, %arg4: memref<1x64xf32, #tpu.memory_space<vmem>>, %arg5: memref<64x1xf32, #tpu.memory_space<vmem>>, %arg6: memref<5120x1xi32, #tpu.memory_space<vmem>>, %arg7: memref<1x1xf32, #tpu.memory_space<vmem>>, %arg8: memref<512x1xf32, #tpu.memory_space<vmem>>, %arg9: memref<512x64xf32, #tpu.memory_space<vmem>>, %arg10: memref<512x1xf32, #tpu.memory_space<vmem>>) attributes {dimension_semantics = [#tpu.dimension_semantics<arbitrary>], iteration_bounds = array<i64: 2>, scalar_prefetch = 0 : i64, scratch_operands = 2 : i64, tpu.core_type = #tpu.core_type<tc>, window_params = [{transform_indices = @transform_0, window_bounds = array<i64: 2, 5120, 64>}, {transform_indices = @transform_1, window_bounds = array<i64: 5120, 64>}, {transform_indices = @transform_2, window_bounds = array<i64: 2, 5120>}, {pipeline_mode = #tpu.pipeline_mode<synchronous>, transform_indices = @transform_3, window_bounds = array<i64: 1, 64>}, {pipeline_mode = #tpu.pipeline_mode<synchronous>, transform_indices = @transform_4, window_bounds = array<i64: 64, 1>}, {transform_indices = @transform_5, window_bounds = array<i64: 5120, 1>}, {pipeline_mode = #tpu.pipeline_mode<synchronous>, transform_indices = @transform_6, window_bounds = array<i64: 1, 1>}, {pipeline_mode = #tpu.pipeline_mode<synchronous>, transform_indices = @transform_7, window_bounds = array<i64: 512, 1>}]} {
    %get3A = arith.constant 0 : index
    %get3A_0 = arith.constant 0 : index
    %get3A_1 = vector.load %arg3[%get3A, %get3A_0] : memref<2x5120xf32, #tpu.memory_space<vmem>>, vector<1x5120xf32>
    %get3A_2 = vector.shape_cast %get3A_1 : vector<1x5120xf32> to vector<5120xf32>
    %get3A_3 = arith.constant 1 : index
    %get3A_4 = arith.constant 0 : index
    %get3A_5 = vector.load %arg3[%get3A_3, %get3A_4] : memref<2x5120xf32, #tpu.memory_space<vmem>>, vector<1x5120xf32>
    %get3A_6 = vector.shape_cast %get3A_5 : vector<1x5120xf32> to vector<5120xf32>
    %add3A = arith.addf %get3A_2, %get3A_6 : vector<5120xf32>
    %add3A_7 = arith.constant 1.000000e+00 : f32
    %add3A_8 = vector.broadcast %add3A_7 : f32 to vector<5120xf32>
    %add3A_9 = arith.addf %add3A, %add3A_8 : vector<5120xf32>
    %rsqrt3A = math.rsqrt %add3A_9 : vector<5120xf32>
    %get3A_10 = arith.constant 0 : index
    %get3A_11 = arith.constant 0 : index
    %get3A_12 = arith.constant 0 : index
    %get3A_13 = vector.load %arg1[%get3A_10, %get3A_11, %get3A_12] : memref<2x5120x64xf32, #tpu.memory_space<vmem>>, vector<1x5120x64xf32>
    %get3A_14 = vector.shape_cast %get3A_13 : vector<1x5120x64xf32> to vector<5120x64xf32>
    %get3A_15 = arith.constant 1 : index
    %get3A_16 = arith.constant 0 : index
    %get3A_17 = arith.constant 0 : index
    %get3A_18 = vector.load %arg1[%get3A_15, %get3A_16, %get3A_17] : memref<2x5120x64xf32, #tpu.memory_space<vmem>>, vector<1x5120x64xf32>
    %get3A_19 = vector.shape_cast %get3A_18 : vector<1x5120x64xf32> to vector<5120x64xf32>
    %add3A_20 = arith.addf %get3A_14, %get3A_19 : vector<5120x64xf32>
    %get3A_21 = arith.constant 0 : index
    %get3A_22 = arith.constant 0 : index
    %get3A_23 = vector.load %arg2[%get3A_21, %get3A_22] : memref<5120x64xf32, #tpu.memory_space<vmem>>, vector<5120x64xf32>
    %add3A_24 = arith.addf %add3A_20, %get3A_23 : vector<5120x64xf32>
    %broadcast_in_dim3A = vector.shape_cast %rsqrt3A : vector<5120xf32> to vector<5120x1xf32>
    %mul3A = vector.broadcast %broadcast_in_dim3A : vector<5120x1xf32> to vector<5120x64xf32>
    %mul3A_25 = arith.mulf %add3A_24, %mul3A : vector<5120x64xf32>
    %get3A_26 = arith.constant 0 : index
    %get3A_27 = arith.constant 0 : index
    %get3A_28 = vector.load %arg4[%get3A_26, %get3A_27] : memref<1x64xf32, #tpu.memory_space<vmem>>, vector<1x64xf32>
    %add3A_29 = vector.broadcast %get3A_28 : vector<1x64xf32> to vector<5120x64xf32>
    %add3A_30 = arith.addf %mul3A_25, %add3A_29 : vector<5120x64xf32>
    %mul3A_31 = arith.constant 5120 : i32
    %mul3A_32 = arith.muli %arg0, %mul3A_31 : i32
    %iota3A = tpu.iota {dimensions = array<i32: 0>} : vector<5120x1xi32>
    %add3A_33 = vector.broadcast %mul3A_32 : i32 to vector<5120x1xi32>
    %add3A_34 = arith.addi %add3A_33, %iota3A : vector<5120x1xi32>
    %iota3A_35 = tpu.iota {dimensions = array<i32: 1>} : vector<1x512xi32>
    %get3A_36 = arith.constant 0 : index
    %get3A_37 = arith.constant 0 : index
    %get3A_38 = vector.load %arg6[%get3A_36, %get3A_37] : memref<5120x1xi32, #tpu.memory_space<vmem>>, vector<5120x1xi32>
    %eq3A = vector.broadcast %get3A_38 : vector<5120x1xi32> to vector<5120x512xi32>
    %eq3A_39 = vector.broadcast %iota3A_35 : vector<1x512xi32> to vector<5120x512xi32>
    %eq3A_40 = arith.cmpi eq, %eq3A, %eq3A_39 : vector<5120x512xi32>
    %lt3A = arith.constant 10000 : i32
    %lt3A_41 = vector.broadcast %lt3A : i32 to vector<5120x1xi32>
    %lt3A_42 = arith.cmpi slt, %add3A_34, %lt3A_41 : vector<5120x1xi32>
    %and3A = vector.broadcast %lt3A_42 : vector<5120x1xi1> to vector<5120x512xi1>
    %and3A_43 = arith.andi %eq3A_40, %and3A : vector<5120x512xi1>
    %jit3A = arith.constant 1.000000e+00 : f32
    %jit3A_44 = arith.constant 0.000000e+00 : f32
    %broadcast_in_dim3A_45 = vector.broadcast %jit3A : f32 to vector<5120x512xf32>
    %broadcast_in_dim3A_46 = vector.broadcast %jit3A_44 : f32 to vector<5120x512xf32>
    %select_n3A = arith.select %and3A_43, %broadcast_in_dim3A_45, %broadcast_in_dim3A_46 : vector<5120x512xi1>, vector<5120x512xf32>
    %dot_general3A = arith.constant dense<0.000000e+00> : vector<512x64xf32>
    %dot_general3A_47 = tpu.matmul %select_n3A, %add3A_30, %dot_general3A {dimension_numbers = #tpu.dot_dimension_numbers<[0], [0], [1], [1], [0, 1, 1, 1], [], []>, precision = #tpu.contract_precision<fp32>, transpose_lhs_hint = false} : vector<5120x512xf32>, vector<5120x64xf32>, vector<512x64xf32> -> vector<512x64xf32>
    %broadcast_in_dim3A_48 = arith.constant 1.000000e+00 : f32
    %broadcast_in_dim3A_49 = vector.broadcast %broadcast_in_dim3A_48 : f32 to vector<5120x1xf32>
    %dot_general3A_50 = arith.constant dense<0.000000e+00> : vector<512x1xf32>
    %dot_general3A_51 = tpu.matmul %select_n3A, %broadcast_in_dim3A_49, %dot_general3A_50 {dimension_numbers = #tpu.dot_dimension_numbers<[0], [0], [1], [1], [0, 1, 1, 1], [], []>, precision = #tpu.contract_precision<fp32>, transpose_lhs_hint = false} : vector<5120x512xf32>, vector<5120x1xf32>, vector<512x1xf32> -> vector<512x1xf32>
    %eq3A_52 = arith.constant 0 : i32
    %eq3A_53 = arith.cmpi eq, %arg0, %eq3A_52 : i32
    %convert_element_type3A = arith.extui %eq3A_53 : i1 to i32
    %cond3A = arith.constant 0 : i32
    %cond3A_54 = arith.cmpi ne, %convert_element_type3A, %cond3A : i32
    scf.if %cond3A_54 {
      %swap3A_80 = arith.constant 0 : index
      %swap3A_81 = arith.constant 0 : index
      %swap3A_82 = vector.load %arg9[%swap3A_80, %swap3A_81] : memref<512x64xf32, #tpu.memory_space<vmem>>, vector<512x64xf32>
      tpu.vector_store %arg9[%swap3A_80, %swap3A_81], %dot_general3A_47 {strides = array<i32>} : memref<512x64xf32, #tpu.memory_space<vmem>>, vector<512x64xf32>,
      %swap3A_83 = arith.constant 0 : index
      %swap3A_84 = arith.constant 0 : index
      %swap3A_85 = vector.load %arg10[%swap3A_83, %swap3A_84] : memref<512x1xf32, #tpu.memory_space<vmem>>, vector<512x1xf32>
      tpu.vector_store %arg10[%swap3A_83, %swap3A_84], %dot_general3A_51 {strides = array<i32>} : memref<512x1xf32, #tpu.memory_space<vmem>>, vector<512x1xf32>,
    } else {
    }
    %gt3A = arith.constant 0 : i32
    %gt3A_55 = arith.cmpi sgt, %arg0, %gt3A : i32
    %convert_element_type3A_56 = arith.extui %gt3A_55 : i1 to i32
    %cond3A_57 = arith.constant 0 : i32
    %cond3A_58 = arith.cmpi ne, %convert_element_type3A_56, %cond3A_57 : i32
    scf.if %cond3A_58 {
      %get3A_80 = arith.constant 0 : index
      %get3A_81 = arith.constant 0 : index
      %get3A_82 = vector.load %arg9[%get3A_80, %get3A_81] : memref<512x64xf32, #tpu.memory_space<vmem>>, vector<512x64xf32>
      %add3A_83 = arith.addf %get3A_82, %dot_general3A_47 : vector<512x64xf32>
      %swap3A_84 = arith.constant 0 : index
      %swap3A_85 = arith.constant 0 : index
      %swap3A_86 = vector.load %arg9[%swap3A_84, %swap3A_85] : memref<512x64xf32, #tpu.memory_space<vmem>>, vector<512x64xf32>
      tpu.vector_store %arg9[%swap3A_84, %swap3A_85], %add3A_83 {strides = array<i32>} : memref<512x64xf32, #tpu.memory_space<vmem>>, vector<512x64xf32>,
      %get3A_87 = arith.constant 0 : index
      %get3A_88 = arith.constant 0 : index
      %get3A_89 = vector.load %arg10[%get3A_87, %get3A_88] : memref<512x1xf32, #tpu.memory_space<vmem>>, vector<512x1xf32>
      %add3A_90 = arith.addf %get3A_89, %dot_general3A_51 : vector<512x1xf32>
      %swap3A_91 = arith.constant 0 : index
      %swap3A_92 = arith.constant 0 : index
      %swap3A_93 = vector.load %arg10[%swap3A_91, %swap3A_92] : memref<512x1xf32, #tpu.memory_space<vmem>>, vector<512x1xf32>
      tpu.vector_store %arg10[%swap3A_91, %swap3A_92], %add3A_90 {strides = array<i32>} : memref<512x1xf32, #tpu.memory_space<vmem>>, vector<512x1xf32>,
    } else {
    }
    %get3A_59 = arith.constant 0 : index
    %get3A_60 = arith.constant 0 : index
    %get3A_61 = vector.load %arg9[%get3A_59, %get3A_60] : memref<512x64xf32, #tpu.memory_space<vmem>>, vector<512x64xf32>
    %get3A_62 = arith.constant 0 : index
    %get3A_63 = arith.constant 0 : index
    %get3A_64 = vector.load %arg10[%get3A_62, %get3A_63] : memref<512x1xf32, #tpu.memory_space<vmem>>, vector<512x1xf32>
    %max3A = arith.constant 1.000000e+00 : f32
    %max3A_65 = vector.broadcast %max3A : f32 to vector<512x1xf32>
    %max3A_66 = arith.maximumf %get3A_64, %max3A_65 : vector<512x1xf32>
    %div3A = vector.broadcast %max3A_66 : vector<512x1xf32> to vector<512x64xf32>
    %div3A_67 = arith.divf %get3A_61, %div3A : vector<512x64xf32>
    %get3A_68 = arith.constant 0 : index
    %get3A_69 = arith.constant 0 : index
    %get3A_70 = vector.load %arg5[%get3A_68, %get3A_69] : memref<64x1xf32, #tpu.memory_space<vmem>>, vector<64x1xf32>
    %dot_general3A_71 = arith.constant dense<0.000000e+00> : vector<512x1xf32>
    %dot_general3A_72 = tpu.matmul %div3A_67, %get3A_70, %dot_general3A_71 {dimension_numbers = #tpu.dot_dimension_numbers<[1], [0], [0], [1], [0, 0, 1, 1], [], []>, transpose_lhs_hint = false} : vector<512x64xf32>, vector<64x1xf32>, vector<512x1xf32> -> vector<512x1xf32>
    %get3A_73 = arith.constant 0 : index
    %get3A_74 = arith.constant 0 : index
    %get3A_75 = vector.load %arg7[%get3A_73, %get3A_74] : memref<1x1xf32, #tpu.memory_space<vmem>>, vector<1x1xf32>
    %add3A_76 = vector.broadcast %get3A_75 : vector<1x1xf32> to vector<512x1xf32>
    %add3A_77 = arith.addf %dot_general3A_72, %add3A_76 : vector<512x1xf32>
    %swap3A = arith.constant 0 : index
    %swap3A_78 = arith.constant 0 : index
    %swap3A_79 = vector.load %arg8[%swap3A, %swap3A_78] : memref<512x1xf32, #tpu.memory_space<vmem>>, vector<512x1xf32>
    tpu.vector_store %arg8[%swap3A, %swap3A_78], %add3A_77 {strides = array<i32>} : memref<512x1xf32, #tpu.memory_space<vmem>>, vector<512x1xf32>,
    return
  }
  func.func @transform_0(%arg0: i32) -> (i32, i32, i32) {
    %c0_i32 = arith.constant 0 : i32
    %c0_i32_0 = arith.constant 0 : i32
    %c0_i32_1 = arith.constant 0 : i32
    return %c0_i32, %arg0, %c0_i32_0 : i32, i32, i32
  }
  func.func @transform_1(%arg0: i32) -> (i32, i32) {
    %c0_i32 = arith.constant 0 : i32
    %c0_i32_0 = arith.constant 0 : i32
    return %arg0, %c0_i32 : i32, i32
  }
  func.func @transform_2(%arg0: i32) -> (i32, i32) {
    %c0_i32 = arith.constant 0 : i32
    %c0_i32_0 = arith.constant 0 : i32
    return %c0_i32, %arg0 : i32, i32
  }
  func.func @transform_3(%arg0: i32) -> (i32, i32) {
    %c0_i32 = arith.constant 0 : i32
    %c0_i32_0 = arith.constant 0 : i32
    %c0_i32_1 = arith.constant 0 : i32
    return %c0_i32, %c0_i32_0 : i32, i32
  }
  func.func @transform_4(%arg0: i32) -> (i32, i32) {
    %c0_i32 = arith.constant 0 : i32
    %c0_i32_0 = arith.constant 0 : i32
    %c0_i32_1 = arith.constant 0 : i32
    return %c0_i32, %c0_i32_0 : i32, i32
  }
  func.func @transform_5(%arg0: i32) -> (i32, i32) {
    %c0_i32 = arith.constant 0 : i32
    %c0_i32_0 = arith.constant 0 : i32
    return %arg0, %c0_i32 : i32, i32
  }
  func.func @transform_6(%arg0: i32) -> (i32, i32) {
    %c0_i32 = arith.constant 0 : i32
    %c0_i32_0 = arith.constant 0 : i32
    %c0_i32_1 = arith.constant 0 : i32
    return %c0_i32, %c0_i32_0 : i32, i32
  }
  func.func @transform_7(%arg0: i32) -> (i32, i32) {
    %c0_i32 = arith.constant 0 : i32
    %c0_i32_0 = arith.constant 0 : i32
    %c0_i32_1 = arith.constant 0 : i32
    return %c0_i32, %c0_i32_0 : i32, i32
  }
}

</mosaic_0001>

<sc_bundles>
// kernel: kernel.11.cloned.1.call-start
scs
__scs_entry_jumppad:
0x0: {  	(pc) =	sbr.rel $0x88, $3  }
0x1: {  	(tag) =	ssettag $0x0;
	lr =	simm.s32 $0x1  }
0x2: {  	[smem:$0x3F98] =	sst lr;
	_ =	strace $0xD0000000  }
0x3: {  	_ = 	snop  }
0x4: {  	_ = 	snop  }
0x5: {  	_ = 	snop  }
0x6: {  	_ = 	snop  }
0x7: {  	_ = 	snop  }
__scs_overlays_trampoline_lowered:
0x8: {  	[smem:$0x3FA7] =	sst s0  }
0x9: {  	[smem:$0x3FA8] =	sst s1  }
0xa: {  	[smem:$0x3FA9] =	sst s2  }
0xb: {  	[smem:$0x3FAA] =	sst s3  }
0xc: {  	[smem:$0x3FAB] =	sst s4  }
0xd: {  	[smem:$0x3FAC] =	sst s5  }
0xe: {  	[smem:$0x3FAD] =	sst s6  }
0xf: {  	[smem:$0x3FAE] =	sst s7  }
0x10: {  	[smem:$0x3FAF] =	sst s8  }
0x11: {  	[smem:$0x3FB0] =	sst s9;
	s0 =	simm.s32 @!p0 $0x0  }
0x12: {  	s1 =	sld [smem:$0x3F96];
	s0 =	simm.s32 @p0 $0x1  }
0x13: {  	[smem:$0x3FB1] =	sst s0;
	s0 =	simm.s32 @!p1 $0x0  }
0x14: {  	s2 =	sld [smem:$0x3F95];
	s0 =	simm.s32 @p1 $0x1  }
0x15: {  	[smem:$0x3FB2] =	sst s0;
	s0 =	simm.s32 @!p2 $0x0  }
0x16: {  	s3 =	sld [smem:$0x3FDB];
	s0 =	simm.s32 @p2 $0x1  }
0x17: {  	s4 =	simm.s32 $0x1BF5;
	[smem:$0x3FB4] =	sst s0  }
0x18: {  	s0 =	sld [smem:$0x3F97];
	_ =	swait.ge [sflag:s4], $0x0  }
0x19: {  	s7 =	sld [smem:$0x3F98]  }
0x1a: {  	s8 =	sadd.s32 $0xFFFFE003, lr  }
0x1b: {  	s9 =	sadd.s32 $0xFFFFFEF7, lr;
	s5 =	simm.s32 $0xFFFFFFFF;
	p2 =	slt.u32 s8, $0xFFFFF086  }
0x1c: {  	p1 =	slt.u32 s9, $0xF7A;
	s5 =	simm.s32 @!p2 $0x0  }
0x1d: {  	s5 =	simm.s32 @p1 $0x1;
	p0 =	seq.s32 s7, s2  }
0x1e: {  	s7 =	smul.u32 @!p0 $0xF7A, s2;
	p2 =	seq.s32 @!p0 s5, $0x0  }
0x1f: {  	s9 =	smul.u32 $0xF7A, s1;
	s8 =	simm.s32 @!p0 $0x1BF5;
	p2 =	por !p2, p0  }
0x20: {  	[sflag:s8] =	ssyncset.s32 @!p0 $0xFFFFF086;
	s6 =	sadd.s32 @!p0 s3, s7;
	s7 =	simm.s32 @!p0 $0x108  }
0x21: {  	s3 =	sadd.s32 s3, s9;
	s6 =	sadd.s32 @!p0 $0x88, s6;
	s7 =	simm.s32 @p2 $0x1082  }
0x22: {  	[simem:s7], [sflag:s8] =	dma.local @!p0 [hbm:s6], $0xF7A  }
0x23: {  	s9 =	sor.u32 $0xD0000000, s2;
	s6 =	simm.s32 $0x108;
	_ =	swait.ge @!p0 [sflag:s8], $0x0  }
0x24: {  	s3 =	sadd.s32 $0x88, s3;
	s6 =	simm.s32 @!p1 $0x1082;
	[sflag:s4] =	ssyncset.s32 $0xFFFFF086  }
0x25: {  	[simem:s6], [sflag:s4] =	dma.local [hbm:s3], $0xF7A  }
0x26: {  	[smem:$0x3F98] =	sst s1;
	(tag) =	ssettag s2;
	_ =	strace s9  }
0x27: {  	s1 =	sld [smem:$0x3FA8]  }
0x28: {  	s2 =	sld [smem:$0x3FA9]  }
0x29: {  	s4 =	sld [smem:$0x3FAB]  }
0x2a: {  	p0 =	seq.s32 s5, $0x0;
	s5 =	sld [smem:$0x3FAC]  }
0x2b: {  	s6 =	sld [smem:$0x3FAD]  }
0x2c: {  	s7 =	sld [smem:$0x3FAE]  }
0x2d: {  	s3 =	simm.s32 $0x108;
	s8 =	sld [smem:$0x3FAF]  }
0x2e: {  	s3 =	simm.s32 @!p0 $0x1082;
	s9 =	sld [smem:$0x3FB0]  }
0x2f: {  	lr =	sadd.s32 s0, s3;
	s0 =	sld [smem:$0x3FA7]  }
0x30: {  	s3 =	sld [smem:$0x3FAA]  }
0x31: {  	[smem:$0x3FB3] =	sst s10  }
0x32: {  	s10 =	sld [smem:$0x3FB1];
	_ =	sdelay $0x3  }
0x33: {  	p0 =	seq.s32 s10, $0x1;
	s10 =	sld [smem:$0x3FB3];
	_ =	sdelay $0x3  }
0x34: {  	[smem:$0x3FB3] =	sst s10  }
0x35: {  	s10 =	sld [smem:$0x3FB2];
	_ =	sdelay $0x3  }
0x36: {  	p1 =	seq.s32 s10, $0x1;
	s10 =	sld [smem:$0x3FB3];
	_ =	sdelay $0x3  }
0x37: {  	[smem:$0x3FB3] =	sst s10  }
0x38: {  	s10 =	sld [smem:$0x3FB4]  }
0x39: {  	_ = 	snop;
	(pc) =	sbr.ind lr, $3  }
0x3a: {  	_ = 	snop  }
0x3b: {  	_ = 	snop  }
0x3c: {  	p2 =	seq.s32 s10, $0x1;
	s10 =	sld [smem:$0x3FB3]  }
0x3d: {  	_ =	shalt  }
0x3e: {  	_ =	shalt  }
0x3f: {  	_ =	shalt  }
0x40: {  	_ =	shalt  }
0x41: {  	_ =	shalt  }
0x42: {  	_ =	shalt  }
0x43: {  	_ =	shalt  }
0x44: {  	_ =	shalt  }
0x45: {  	_ =	shalt  }
0x46: {  	_ =	shalt  }
0x47: {  	_ =	shalt  }
0x48: {  	_ =	shalt  }
0x49: {  	_ =	shalt  }
0x4a: {  	_ =	shalt  }
0x4b: {  	_ =	shalt  }
0x4c: {  	_ =	shalt  }
0x4d: {  	_ =	shalt  }
0x4e: {  	_ =	shalt  }
0x4f: {  	_ =	shalt  }
0x50: {  	_ =	shalt  }
0x51: {  	_ =	shalt  }
0x52: {  	_ =	shalt  }
0x53: {  	_ =	shalt  }
0x54: {  	_ =	shalt  }
0x55: {  	_ =	shalt  }
0x56: {  	_ =	shalt  }
0x57: {  	_ =	shalt  }
0x58: {  	_ =	shalt  }
0x59: {  	_ =	shalt  }
0x5a: {  	_ =	shalt  }
0x5b: {  	_ =	shalt  }
0x5c: {  	_ =	shalt  }
0x5d: {  	_ =	shalt  }
0x5e: {  	_ =	shalt  }
0x5f: {  	_ =	shalt  }
0x60: {  	_ =	shalt  }
0x61: {  	_ =	shalt  }
0x62: {  	_ =	shalt  }
0x63: {  	_ =	shalt  }
0x64: {  	_ =	shalt  }
0x65: {  	_ =	shalt  }
0x66: {  	_ =	shalt  }
0x67: {  	_ =	shalt  }
0x68: {  	_ =	shalt  }
0x69: {  	_ =	shalt  }
0x6a: {  	_ =	shalt  }
0x6b: {  	_ =	shalt  }
0x6c: {  	_ =	shalt  }
0x6d: {  	_ =	shalt  }
0x6e: {  	_ =	shalt  }
0x6f: {  	_ =	shalt  }
0x70: {  	_ =	shalt  }
0x71: {  	_ =	shalt  }
0x72: {  	_ =	shalt  }
0x73: {  	_ =	shalt  }
0x74: {  	_ =	shalt  }
0x75: {  	_ =	shalt  }
0x76: {  	_ =	shalt  }
0x77: {  	_ =	shalt  }
0x78: {  	_ =	shalt  }
0x79: {  	_ =	shalt  }
0x7a: {  	_ =	shalt  }
0x7b: {  	_ =	shalt  }
0x7c: {  	_ =	shalt  }
0x7d: {  	_ =	shalt  }
0x7e: {  	_ =	shalt  }
0x7f: {  	_ =	shalt  }
0x80: {  	_ =	shalt  }
0x81: {  	_ =	shalt  }
0x82: {  	_ =	shalt  }
0x83: {  	_ =	shalt  }
0x84: {  	_ =	shalt  }
0x85: {  	_ =	shalt  }
0x86: {  	_ =	shalt  }
0x87: {  	_ =	shalt  }
.Lfunc_end0:
.L_simem_size_0:
called_computation.1_lowered:
.L_overlay_start_0:
0x88: {  	s2 =	sld [smem:$0x3FD9]  }
0x89: {  	s3 =	sld [smem:$0x3FFE];
	_ =	sdelay $0x1  }
0x8a: {  	s1 =	srdreg.scid  }
0x8b: {  	s0 =	sand.u32 $0x1, s1  }
0x8c: {  	s16 =	sshll.u32 s0, $0xA;
	s2 =	sadd.s32 s3, s2  }
0x8d: {  	s2 =	sadd.s32 s2, s16  }
0x8e: {  	[smem:$0x3FBF] =	sst s2  }
0x8f: {  	_ = 	snop  }
0x90: {  	(tm) =	ssettm $0x1  }
0x91: {  	s17 =	sld [smem:$0x3FFB];
	_ =	sdelay $0x3  }
0x92: {  	_ =	strace s17  }
0x93: {  	s2 =	sld [smem:$0x3FFC];
	_ =	sdelay $0x3  }
0x94: {  	_ =	strace s2  }
0x95: {  	s2 =	sld [smem:$0x3FFD];
	_ =	sdelay $0x3  }
0x96: {  	_ =	strace s2  }
0x97: {  	_ =	strace $0x8FFFFFFF  }
0x98: {  	s18 =	sld [smem:$0x3FDB];
	_ =	sdelay $0x1  }
0x99: {  	s19 =	simm.s32 $_scs_section_size  }
0x9a: {  	s4 =	simm.s32 $_size__tile_overlayer_lowered;
	s5 =	simm.s32 $_tile_overlayer_lowered  }
0x9b: {  	s22 =	simm.s32 $0x1BFF;
	s21 =	sshll.u32 s5, $0x1;
	s2 =	sadd.s32 s19, s18  }
0x9c: {  	s6 =	simm.s32 $0x0;
	s20 =	sshll.u32 s4, $0x1;
	s4 =	sadd.s32 s21, s2  }
0x9d: {  	[timem:s6], [sflag:s22] =	dma.local [hbm:s4], s20  }
0x9e: {  	_ =	swait.ge [sflag:s22], s20  }
0x9f: {  	s3 =	ssub.s32 $0x0, s20;
	[sflag:s22] =	ssyncset.done $0x0  }
0xa0: {  	[sflag:s22] =	ssyncadd.s32 s3;
	_ =	sdelay $0x1  }
0xa1: {  	s23 =	simm.s32 $0x1B8B  }
0xa2: {  	_ =	swait.ge [sflag:s23], $0x1  }
0xa3: {  	[sflag:s23] =	ssyncset.done $0x0  }
0xa4: {  	s25 =	simm.s32 $0x1B8E;
	s24 =	sld [smem:$0x3FFE];
	[sflag:s23] =	ssyncadd.s32 $0xFFFFFFFF  }
0xa5: {  	s26 =	simm.s32 $execute0_lowered;
	[smem:$0x3FD2] =	sst s25  }
0xa6: {  	s4 =	sshll.u32 s26, $0x1;
	_ =	strace $0x80000049;
	[dreg:$0x1] =	wrdreg $0xFFFFFFFF  }
0xa7: {  	s28 =	simm.s32 $_size_execute0_lowered;
	s2 =	sadd.s32 s2, s4;
	[dreg:$0x0] =	wrdreg $0x0  }
0xa8: {  	s4 =	sshll.u32 s28, $0x1;
	[dreg:$0x2] =	wrdreg s2  }
0xa9: {  	[dreg:$0x3] =	wrdreg s4  }
0xaa: {  	[dreg:$0x4] =	wrdreg $0xC0  }
0xab: {  	_ =	task [dreg:s6], $0x5FFFF  }
0xac: {  	[dreg:$0x1] =	wrdreg $0xFFFFFFFF  }
0xad: {  	[dreg:$0x0] =	wrdreg $0x60  }
0xae: {  	[dreg:$0x2] =	wrdreg s24  }
0xaf: {  	[dreg:$0x3] =	wrdreg $0x150000  }
0xb0: {  	[dreg:$0x4] =	wrdreg $0x9  }
0xb1: {  	_ =	task.clear_ibuf [dreg:s6], $0x5FFFF;
	_ =	strace $0x90000049  }
0xb2: {  	s29 =	simm.s32 $0x9;
	_ =	strace $0x8000004B  }
0xb3: {  	_ =	swait.ge [sflag:s29], $0x1  }
0xb4: {  	[sflag:s29] =	ssyncadd.s32 $0xFFFFFFFF  }
0xb5: {  	_ =	strace $0x9000004B  }
0xb6: {  	_ =	sfence  }
0xb7: {  	s30 =	sld [smem:$0x0];
	_ =	sdelay $0x2  }
0xb8: {  	s31 =	sshll.u32 s1, $0xD;
	s1 =	sshrl.u32 s1, $0x2  }
0xb9: {  	s3 =	sand.u32 $0x4000, s31;
	s1 =	sadd.s32 s1, s30  }
0xba: {  	s0 =	sor.u32 s3, s0;
	s1 =	sshll.u32 s1, $0x11  }
0xbb: {  	s0 =	sor.u32 s1, s0  }
0xbc: {  	s0 =	sadd.s32 $0x8F2B, s0  }
0xbd: {  	[sflag:s0] =	ssyncadd.remote.s32 $0x1  }
0xbe: {  	_ =	sfence.sel $0xFFFF  }
0xbf: {  	[dreg:$0x0] =	wrdreg $0xFFFFFFFF;
	(pc) =	sbr.abs _section_cstart, $3  }
0xc0: {  	[dreg:$0x1] =	wrdreg $0xFFFFFFFF  }
0xc1: {  	_ =	task.clear_ibuf [dreg:s6], $0x2FFFF;
	_ =	strace $0x9FFFFFFF  }
0xc2: {  	(tm) =	ssettm $0x7FFFFFFF  }
0xc3: {  	_ =	shalt  }
tec
execute0_lowered:
.L_overlay_start_1:
0x0: {  	(tag) =	ssettag $0x1  }
0x1: {  	s0 =	srdreg.scid;
	s3 =	rddreg [dreg:$0x0]  }
0x2: {  	s8 =	stileid.u32;
	s2 =	rddreg [dreg:$0x1];
	s4 =	simm.s32 $0x0  }
0x3: {  	s12 =	simm.s32 $0x11;
	s14 =	simm.s32 $0x80;
	s15 =	simm.s32 $0x5000  }
0x4: {  	s16 =	simm.s32 $0x7000;
	s18 =	simm.s32 $0x9000;
	s20 =	simm.s32 $0xB000  }
0x5: {  	s22 =	simm.s32 $0xD000;
	s28 =	simm.s32 $0x13000;
	s29 =	simm.s32 $0x2  }
0x6: {  	s30 =	simm.s32 $0x3;
	s31 =	simm.s32 $0x4;
	s13 =	simm.s32 $0x7  }
0x7: {  	s17 =	simm.s32 $0x8;
	s19 =	simm.s32 $0x9;
	s21 =	simm.s32 $0xA  }
0x8: {  	s0 =	sand.u32 $0x1, s0;
	s5 =	smul.u32 $0xA000, s8;
	[smem:$0x7FF] =	sst s4  }
0x9: {  	s4 =	sadd.s32 $0x16200, s3;
	s24 =	sshll.u32 s8, $0x6;
	s1 =	sshll.u32 s0, $0x4  }
0xa: {  	s6 =	smul.u32 $0xA0000, s0;
	_ =	strace $0x8000004A;
	s0 =	ssub.s32 $0x2, s0  }
0xb: {  	s9 =	sor.u32 $0x1C11, s24;
	s24 =	simm.s32 $0xF000;
	s1 =	sor.u32 s8, s1  }
0xc: {  	s7 =	sshrl.u32 s5, $0x3;
	s23 =	sshrl.u32 s0, $0x1;
	s8 =	simm.s32 $0xE  }
0xd: {  	[dreg:$0x4] =	wrdreg s9;
	s1 =	smul.u32 $0x500, s1;
	s6 =	sadd.s32 s5, s6  }
0xe: {  	s7 =	sadd.s32 s7, s3;
	s0 =	ssub.s32 s0, s23;
	s5 =	sadd.s32 s5, s2  }
0xf: {  	s23 =	simm.s32 $0xB;
	s6 =	sshrl.u32 s6, $0x3;
	s7 =	sadd.s32 $0x2A200, s7  }
0x10: {  	s0 =	smax.u32 s0, $0x1;
	s10 =	sshrl.u32 s5, $0x3;
	[dreg:$0x3] =	wrdreg s7  }
0x11: {  	s5 =	simm.s32 $0xC;
	s1 =	sadd.s32 s1, s3;
	[dreg:$0x8] =	wrdreg s0  }
.Ltmp0:
0x12: {  	[dreg:$0x9] =	wrdreg s10;
	s25 =	sadd.s32 $0x2200, s1;
	(pc) =	sbr.rel .LBB2_1-.Ltmp0, $4  }
0x13: {  	s3 =	sadd.s32 s6, s3;
	s1 =	sadd.s32 $0xC200, s1;
	[dreg:$0x5] =	wrdreg s25  }
0x14: {  	s0 =	simm.s32 $0x6;
	s26 =	sadd.s32 $0x3E200, s3;
	[dreg:$0x6] =	wrdreg s1  }
0x15: {  	s7 =	simm.s32 $0xD;
	s3 =	simm.s32 $0x0;
	[dreg:$0x7] =	wrdreg s26  }
0x16: {  	s25 =	simm.s32 $0x11000;
	s26 =	simm.s32 $0x1;
	s1 =	simm.s32 $0x5  }
.LBB2_6:
0x17: {  	_ =	swait.ge [sflag:s19], $0x2000  }
0x18: {  	[sflag:s19] =	ssyncset.done $0x0  }
0x19: {  	[sflag:s19] =	ssyncadd.s32 $0xFFFFE000  }
0x1a: {  	_ =	swait.ge [sflag:s21], $0x2000  }
0x1b: {  	[sflag:s21] =	ssyncset.done $0x0  }
0x1c: {  	[sflag:s21] =	ssyncadd.s32 $0xFFFFE000  }
0x1d: {  	_ =	swait.ge [sflag:s23], $0x2000  }
0x1e: {  	[sflag:s23] =	ssyncset.done $0x0  }
0x1f: {  	[sflag:s23] =	ssyncadd.s32 $0xFFFFE000  }
0x20: {  	_ =	swait.ge [sflag:s5], $0x2000  }
0x21: {  	[sflag:s5] =	ssyncset.done $0x0  }
0x22: {  	[sflag:s5] =	ssyncadd.s32 $0xFFFFE000  }
0x23: {  	_ =	swait.ge [sflag:s7], $0x2000  }
0x24: {  	[sflag:s7] =	ssyncset.done $0x0  }
0x25: {  	[sflag:s7] =	ssyncadd.s32 $0xFFFFE000  }
0x26: {  	_ =	swait.ge [sflag:s8], $0x2000  }
0x27: {  	[sflag:s8] =	ssyncset.done $0x0  }
0x28: {  	s6 =	simm.s32 $0xF;
	[sflag:s8] =	ssyncadd.s32 $0xFFFFE000  }
0x29: {  	_ =	swait.ge [sflag:s6], $0x2000  }
0x2a: {  	[sflag:s6] =	ssyncset.done $0x0  }
0x2b: {  	s10 =	simm.s32 $0x10;
	[sflag:s6] =	ssyncadd.s32 $0xFFFFE000  }
0x2c: {  	_ =	swait.ge [sflag:s10], $0x2000  }
0x2d: {  	[sflag:s10] =	ssyncset.done $0x0  }
0x2e: {  	[sflag:s10] =	ssyncadd.s32 $0xFFFFE000  }
0x2f: {  	[bflag:$0x0] =	sbarrier.arrive $0xFFFF  }
0x30: {  	s9 =	rddreg [dreg:$0x4]  }
0x31: {  	s11 =	rddreg [dreg:$0x7]  }
0x32: {  	s10 =	rddreg [dreg:$0x9]  }
0x33: {  	[hbm:s11], [sflag:s9] =	dma.local [spmem:s10], $0x1400  }
0x34: {  	_ =	swait.ge [sflag:s12], $0x1400  }
0x35: {  	s3 =	sadd.s32 $0x1, s3;
	s11 =	rddreg [dreg:$0x8]  }
0x36: {  	p0 =	sne.s32 s3, s11  }
.Ltmp1:
0x37: {  	_ = 	snop;
	(pc) =	sbr.rel @!p0 .LBB2_7-.Ltmp1, $3  }
0x38: {  	_ =	sdelay $0x1  }
0x39: {  	[sflag:s12] =	ssyncset.done $0x0  }
0x3a: {  	[sflag:s12] =	ssyncadd.s32 $0xFFFFEC00  }
.LBB2_1:
0x3b: {  	s6 =	rddreg [dreg:$0x3]  }
0x3c: {  	[spmem:s10], [sflag:s9] =	dma.local [hbm:s6], $0x1400  }
0x3d: {  	_ =	swait.ge [sflag:s12], $0x1400  }
0x3e: {  	[sflag:s12] =	ssyncset.done $0x0  }
0x3f: {  	s6 =	simm.s32 $0x0;
	s11 =	rddreg [dreg:$0x5];
	[sflag:s12] =	ssyncadd.s32 $0xFFFFEC00  }
0x40: {  	[tilespmem:s6], [sflag:$0x11] =	stream.linear.gather [hbm4b:s11+s6], $0x2800, $0x38;
	[tilespmem:$0x1F000] =	vst v63  }
0x41: {  	_ =	swait.ge [sflag:s12], $0x2800  }
0x42: {  	[sflag:s12] =	ssyncset.done $0x0  }
0x43: {  	s11 =	simm.s32 $0x2800;
	s10 =	rddreg [dreg:$0x6];
	[sflag:s12] =	ssyncadd.s32 $0xFFFFD800  }
0x44: {  	[tilespmem:s11], [sflag:$0x11] =	stream.linear.gather [hbm4b:s10+s6], $0x2800, $0x38;
	[tilespmem:$0x1F000] =	vst v63  }
0x45: {  	_ =	swait.ge [sflag:s12], $0x2800  }
0x46: {  	[sflag:s12] =	ssyncset.done $0x0  }
0x47: {  	[sflag:s12] =	ssyncadd.s32 $0xFFFFD800  }
0x48: {  	[bflag:$0x0] =	sbarrier.arrive $0xFFFF  }
0x49: {  	[tilespmem:s15], [sflag:$0x1] =	stream.indirect.gather [hbm4b:s4+s14], $0x40, s6, s14, $0xb8;
	[tilespmem:$0x1F000] =	vst v63  }
0x4a: {  	_ = 	snop  }
0x4b: {  	[tilespmem:s16], [sflag:$0x2] =	stream.indirect.gather [hbm4b:s4+s14], $0x40, s14, s14, $0xb8;
	[tilespmem:$0x1F000] =	vst v63  }
0x4c: {  	s11 =	simm.s32 $0x100  }
0x4d: {  	[tilespmem:s18], [sflag:$0x3] =	stream.indirect.gather [hbm4b:s4+s14], $0x40, s11, s14, $0xb8;
	[tilespmem:$0x1F000] =	vst v63  }
0x4e: {  	s9 =	simm.s32 $0x180  }
0x4f: {  	[tilespmem:s20], [sflag:$0x4] =	stream.indirect.gather [hbm4b:s4+s14], $0x40, s9, s14, $0xb8;
	[tilespmem:$0x1F000] =	vst v63  }
.Ltmp2:
0x50: {  	_ = 	snop;
	(pc) =	sbr.rel .LBB2_2-.Ltmp2, $4  }
0x51: {  	s10 =	simm.s32 $0x200  }
0x52: {  	[tilespmem:s22], [sflag:$0x5] =	stream.indirect.gather [hbm4b:s4+s14], $0x40, s10, s14, $0xb8;
	[tilespmem:$0x1F000] =	vst v63  }
0x53: {  	s11 =	simm.s32 $0x280;
	s9 =	simm.s32 $0x0  }
0x54: {  	[tilespmem:s24], [sflag:$0x6] =	stream.indirect.gather [hbm4b:s4+s14], $0x40, s11, s14, $0xb8;
	[tilespmem:$0x1F000] =	vst v63  }
.LBB2_4:
0x55: {  	_ =	swait.ge [sflag:s30], $0x2000  }
0x56: {  	[sflag:s30] =	ssyncset.done $0x0  }
0x57: {  	[sflag:s30] =	ssyncadd.s32 $0xFFFFE000  }
0x58: {  	[spmem:s2] =	stream.indirect.scatter.add.f32 [tilespmem:s18], [sflag:$0xB], $0x40, s6, s14, $0xb8;
	[tilespmem:$0x1F000] =	vst v63  }
0x59: {  	_ =	swait.ge [sflag:s31], $0x2000  }
0x5a: {  	[sflag:s31] =	ssyncset.done $0x0  }
0x5b: {  	s11 =	sadd.s32 $0x2980, s10;
	[sflag:s31] =	ssyncadd.s32 $0xFFFFE000  }
0x5c: {  	[spmem:s2] =	stream.indirect.scatter.add.f32 [tilespmem:s20], [sflag:$0xC], $0x40, s11, s14, $0xb8;
	[tilespmem:$0x1F000] =	vst v63  }
0x5d: {  	_ =	swait.ge [sflag:s1], $0x2000  }
0x5e: {  	[sflag:s1] =	ssyncset.done $0x0  }
0x5f: {  	s11 =	sadd.s32 $0x2A00, s10;
	[sflag:s1] =	ssyncadd.s32 $0xFFFFE000  }
0x60: {  	[spmem:s2] =	stream.indirect.scatter.add.f32 [tilespmem:s22], [sflag:$0xD], $0x40, s11, s14, $0xb8;
	[tilespmem:$0x1F000] =	vst v63  }
0x61: {  	_ =	swait.ge [sflag:s0], $0x2000  }
0x62: {  	[sflag:s0] =	ssyncset.done $0x0  }
0x63: {  	s11 =	sadd.s32 $0x2A80, s10;
	[sflag:s0] =	ssyncadd.s32 $0xFFFFE000  }
0x64: {  	[spmem:s2] =	stream.indirect.scatter.add.f32 [tilespmem:s24], [sflag:$0xE], $0x40, s11, s14, $0xb8;
	[tilespmem:$0x1F000] =	vst v63  }
0x65: {  	_ =	swait.ge [sflag:s13], $0x2000  }
0x66: {  	[sflag:s13] =	ssyncset.done $0x0  }
0x67: {  	s11 =	sadd.s32 $0x2B00, s10;
	[sflag:s13] =	ssyncadd.s32 $0xFFFFE000  }
0x68: {  	[spmem:s2] =	stream.indirect.scatter.add.f32 [tilespmem:s25], [sflag:$0xF], $0x40, s11, s14, $0xb8;
	[tilespmem:$0x1F000] =	vst v63  }
.LBB2_5:
0x69: {  	s9 =	sadd.s32 $0x1000, s9  }
0x6a: {  	p0 =	sne.s32 s9, $0xA000  }
.Ltmp3:
0x6b: {  	_ = 	snop;
	(pc) =	sbr.rel @!p0 .LBB2_6-.Ltmp3, $4  }
0x6c: {  	_ =	swait.ge [sflag:s17], $0x2000  }
0x6d: {  	[sflag:s17] =	ssyncset.done $0x0  }
0x6e: {  	s6 =	sadd.s32 $0x2B80, s10;
	[sflag:s17] =	ssyncadd.s32 $0xFFFFE000  }
0x6f: {  	[spmem:s2] =	stream.indirect.scatter.add.f32 [tilespmem:s28], [sflag:$0x10], $0x40, s6, s14, $0xb8;
	[tilespmem:$0x1F000] =	vst v63  }
.LBB2_2:
0x70: {  	p0 =	seq.s32 s9, $0x0  }
0x71: {  	s6 =	simm.s32 @!p0 $0xF  }
0x72: {  	_ =	swait.ge @!p0 [sflag:s6], $0x2000  }
0x73: {  	s10 =	sshra.s32 s9, $0x2;
	[sflag:s6] =	ssyncset.done @!p0 $0x0  }
0x74: {  	s11 =	sadd.s32 $0x300, s10;
	[sflag:s6] =	ssyncadd.s32 @!p0 $0xFFFFE000  }
0x75: {  	[tilespmem:s25], [sflag:$0x7] =	stream.indirect.gather [hbm4b:s4+s14], $0x40, s11, s14, $0xb8;
	[tilespmem:$0x1F000] =	vst v63  }
0x76: {  	_ =	swait.ge [sflag:s26], $0x2000  }
0x77: {  	[sflag:s26] =	ssyncset.done $0x0  }
0x78: {  	s6 =	simm.s32 @!p0 $0x10;
	s11 =	sadd.s32 $0x2800, s10;
	[sflag:s26] =	ssyncadd.s32 $0xFFFFE000  }
0x79: {  	[spmem:s2] =	stream.indirect.scatter.add.f32 [tilespmem:s15], [sflag:$0x9], $0x40, s11, s14, $0xb8;
	[tilespmem:$0x1F000] =	vst v63  }
0x7a: {  	_ =	swait.ge @!p0 [sflag:s6], $0x2000  }
0x7b: {  	[sflag:s6] =	ssyncset.done @!p0 $0x0  }
0x7c: {  	s11 =	sadd.s32 $0x380, s10;
	[sflag:s6] =	ssyncadd.s32 @!p0 $0xFFFFE000;
	p0 =	seq.s32 s9, $0x9000  }
0x7d: {  	[tilespmem:s28], [sflag:$0x8] =	stream.indirect.gather [hbm4b:s4+s14], $0x40, s11, s14, $0xb8;
	[tilespmem:$0x1F000] =	vst v63  }
.Ltmp4:
0x7e: {  	_ = 	snop;
	(pc) =	sbr.rel @p0 .LBB2_4-.Ltmp4, $4  }
0x7f: {  	_ =	swait.ge [sflag:s29], $0x2000  }
0x80: {  	[sflag:s29] =	ssyncset.done $0x0  }
0x81: {  	s6 =	sadd.s32 $0x2900, s10;
	s11 =	sadd.s32 $0x2880, s10;
	[sflag:s29] =	ssyncadd.s32 $0xFFFFE000  }
0x82: {  	[spmem:s2] =	stream.indirect.scatter.add.f32 [tilespmem:s16], [sflag:$0xA], $0x40, s11, s14, $0xb8;
	[tilespmem:$0x1F000] =	vst v63  }
0x83: {  	_ =	swait.ge [sflag:s19], $0x2000  }
0x84: {  	[sflag:s19] =	ssyncset.done $0x0  }
0x85: {  	s11 =	sadd.s32 $0x400, s10;
	[sflag:s19] =	ssyncadd.s32 $0xFFFFE000  }
0x86: {  	[tilespmem:s15], [sflag:$0x1] =	stream.indirect.gather [hbm4b:s4+s14], $0x40, s11, s14, $0xb8;
	[tilespmem:$0x1F000] =	vst v63  }
0x87: {  	_ =	swait.ge [sflag:s30], $0x2000  }
0x88: {  	[sflag:s30] =	ssyncset.done $0x0  }
0x89: {  	[sflag:s30] =	ssyncadd.s32 $0xFFFFE000  }
0x8a: {  	[spmem:s2] =	stream.indirect.scatter.add.f32 [tilespmem:s18], [sflag:$0xB], $0x40, s6, s14, $0xb8;
	[tilespmem:$0x1F000] =	vst v63  }
0x8b: {  	_ =	swait.ge [sflag:s21], $0x2000  }
0x8c: {  	[sflag:s21] =	ssyncset.done $0x0  }
0x8d: {  	s11 =	sadd.s32 $0x480, s10;
	[sflag:s21] =	ssyncadd.s32 $0xFFFFE000  }
0x8e: {  	[tilespmem:s16], [sflag:$0x2] =	stream.indirect.gather [hbm4b:s4+s14], $0x40, s11, s14, $0xb8;
	[tilespmem:$0x1F000] =	vst v63  }
0x8f: {  	_ =	swait.ge [sflag:s31], $0x2000  }
0x90: {  	[sflag:s31] =	ssyncset.done $0x0  }
0x91: {  	s11 =	sadd.s32 $0x2980, s10;
	[sflag:s31] =	ssyncadd.s32 $0xFFFFE000  }
0x92: {  	[spmem:s2] =	stream.indirect.scatter.add.f32 [tilespmem:s20], [sflag:$0xC], $0x40, s11, s14, $0xb8;
	[tilespmem:$0x1F000] =	vst v63  }
0x93: {  	_ =	swait.ge [sflag:s23], $0x2000  }
0x94: {  	[sflag:s23] =	ssyncset.done $0x0  }
0x95: {  	s11 =	sadd.s32 $0x500, s10;
	[sflag:s23] =	ssyncadd.s32 $0xFFFFE000  }
0x96: {  	[tilespmem:s18], [sflag:$0x3] =	stream.indirect.gather [hbm4b:s4+s14], $0x40, s11, s14, $0xb8;
	[tilespmem:$0x1F000] =	vst v63  }
0x97: {  	_ =	swait.ge [sflag:s1], $0x2000  }
0x98: {  	[sflag:s1] =	ssyncset.done $0x0  }
0x99: {  	s11 =	sadd.s32 $0x2A00, s10;
	[sflag:s1] =	ssyncadd.s32 $0xFFFFE000  }
0x9a: {  	[spmem:s2] =	stream.indirect.scatter.add.f32 [tilespmem:s22], [sflag:$0xD], $0x40, s11, s14, $0xb8;
	[tilespmem:$0x1F000] =	vst v63  }
0x9b: {  	_ =	swait.ge [sflag:s5], $0x2000  }
0x9c: {  	[sflag:s5] =	ssyncset.done $0x0  }
0x9d: {  	s11 =	sadd.s32 $0x580, s10;
	[sflag:s5] =	ssyncadd.s32 $0xFFFFE000  }
0x9e: {  	[tilespmem:s20], [sflag:$0x4] =	stream.indirect.gather [hbm4b:s4+s14], $0x40, s11, s14, $0xb8;
	[tilespmem:$0x1F000] =	vst v63  }
0x9f: {  	_ =	swait.ge [sflag:s0], $0x2000  }
0xa0: {  	[sflag:s0] =	ssyncset.done $0x0  }
0xa1: {  	s11 =	sadd.s32 $0x2A80, s10;
	[sflag:s0] =	ssyncadd.s32 $0xFFFFE000  }
0xa2: {  	[spmem:s2] =	stream.indirect.scatter.add.f32 [tilespmem:s24], [sflag:$0xE], $0x40, s11, s14, $0xb8;
	[tilespmem:$0x1F000] =	vst v63  }
0xa3: {  	_ =	swait.ge [sflag:s7], $0x2000  }
0xa4: {  	[sflag:s7] =	ssyncset.done $0x0  }
0xa5: {  	s11 =	sadd.s32 $0x600, s10;
	[sflag:s7] =	ssyncadd.s32 $0xFFFFE000  }
0xa6: {  	[tilespmem:s22], [sflag:$0x5] =	stream.indirect.gather [hbm4b:s4+s14], $0x40, s11, s14, $0xb8;
	[tilespmem:$0x1F000] =	vst v63  }
0xa7: {  	_ =	swait.ge [sflag:s13], $0x2000  }
0xa8: {  	[sflag:s13] =	ssyncset.done $0x0  }
0xa9: {  	s11 =	sadd.s32 $0x2B00, s10;
	[sflag:s13] =	ssyncadd.s32 $0xFFFFE000  }
0xaa: {  	[spmem:s2] =	stream.indirect.scatter.add.f32 [tilespmem:s25], [sflag:$0xF], $0x40, s11, s14, $0xb8;
	[tilespmem:$0x1F000] =	vst v63  }
.Ltmp5:
0xab: {  	_ = 	snop;
	(pc) =	sbr.rel .LBB2_5-.Ltmp5, $4  }
0xac: {  	_ =	swait.ge [sflag:s8], $0x2000  }
0xad: {  	[sflag:s8] =	ssyncset.done $0x0  }
0xae: {  	s11 =	sadd.s32 $0x680, s10;
	[sflag:s8] =	ssyncadd.s32 $0xFFFFE000  }
0xaf: {  	[tilespmem:s24], [sflag:$0x6] =	stream.indirect.gather [hbm4b:s4+s14], $0x40, s11, s14, $0xb8;
	[tilespmem:$0x1F000] =	vst v63  }
.LBB2_7:
0xb0: {  	_ =	sfence.sel $0x180000  }
0xb1: {  	[bflag:$0x0] =	sbarrier.arrive $0xFFFF  }
0xb2: {  	_ =	strace $0x9000004A  }
0xb3: {  	s0 =	stileid.u32;
	[bflag:$0x2] =	sbarrier.arrive $0xFFFF  }
0xb4: {  	p0 =	sne.s32 s0, $0x0;
	s0 =	rddreg [dreg:$0x2]  }
0xb5: {  	s0 =	sadd.s32 @!p0 $0x100000, s0  }
0xb6: {  	[sflag:s0] =	ssyncadd.tile.s32 @!p0 $0x1;
	_ =	shalt  }
.Lfunc_end2:
_tile_overlayer_lowered:
.L_overlay_start_2:
0xb7: {  	(tag) =	ssettag $0x2  }
0xb8: {  	s0 =	rddreg [dreg:$0x0];
	s2 =	stileid.u32  }
0xb9: {  	s1 =	rddreg [dreg:$0x1];
	p0 =	sne.s32 s2, $0x0  }
0xba: {  	s3 =	rddreg [dreg:$0x2];
	[bflag:$0x3] =	sbarrier.arrive $0xFFFF;
	s2 =	simm.s32 @!p0 $0x1C11  }
0xbb: {  	[timem:s3], [sflag:s2] =	dma.local @!p0 [hbm:s0], s1  }
0xbc: {  	s0 =	simm.s32 @!p0 $0x11  }
0xbd: {  	_ =	swait.ge @!p0 [sflag:s0], s1  }
0xbe: {  	s1 =	ssub.s32 @!p0 $0x0, s1;
	[sflag:s0] =	ssyncset.done @!p0 $0x0  }
0xbf: {  	[sflag:s0] =	ssyncadd.s32 @!p0 s1  }
0xc0: {  	[bflag:$0x3] =	sbarrier.arrive $0xFFFF  }
0xc1: {  	_ =	shalt  }

// kernel: kernel.14.cloned.1.call-start
scs
__scs_entry_jumppad:
0x0: {  	(pc) =	sbr.rel $0x88, $3  }
0x1: {  	(tag) =	ssettag $0x0;
	lr =	simm.s32 $0x1  }
0x2: {  	[smem:$0x3F98] =	sst lr;
	_ =	strace $0xD0000000  }
0x3: {  	_ = 	snop  }
0x4: {  	_ = 	snop  }
0x5: {  	_ = 	snop  }
0x6: {  	_ = 	snop  }
0x7: {  	_ = 	snop  }
__scs_overlays_trampoline_lowered:
0x8: {  	[smem:$0x3FA7] =	sst s0  }
0x9: {  	[smem:$0x3FA8] =	sst s1  }
0xa: {  	[smem:$0x3FA9] =	sst s2  }
0xb: {  	[smem:$0x3FAA] =	sst s3  }
0xc: {  	[smem:$0x3FAB] =	sst s4  }
0xd: {  	[smem:$0x3FAC] =	sst s5  }
0xe: {  	[smem:$0x3FAD] =	sst s6  }
0xf: {  	[smem:$0x3FAE] =	sst s7  }
0x10: {  	[smem:$0x3FAF] =	sst s8  }
0x11: {  	[smem:$0x3FB0] =	sst s9;
	s0 =	simm.s32 @!p0 $0x0  }
0x12: {  	s1 =	sld [smem:$0x3F96];
	s0 =	simm.s32 @p0 $0x1  }
0x13: {  	[smem:$0x3FB1] =	sst s0;
	s0 =	simm.s32 @!p1 $0x0  }
0x14: {  	s2 =	sld [smem:$0x3F95];
	s0 =	simm.s32 @p1 $0x1  }
0x15: {  	[smem:$0x3FB2] =	sst s0;
	s0 =	simm.s32 @!p2 $0x0  }
0x16: {  	s3 =	sld [smem:$0x3FDB];
	s0 =	simm.s32 @p2 $0x1  }
0x17: {  	s4 =	simm.s32 $0x1BF5;
	[smem:$0x3FB4] =	sst s0  }
0x18: {  	s0 =	sld [smem:$0x3F97];
	_ =	swait.ge [sflag:s4], $0x0  }
0x19: {  	s7 =	sld [smem:$0x3F98]  }
0x1a: {  	s8 =	sadd.s32 $0xFFFFE003, lr  }
0x1b: {  	s9 =	sadd.s32 $0xFFFFFEF7, lr;
	s5 =	simm.s32 $0xFFFFFFFF;
	p2 =	slt.u32 s8, $0xFFFFF086  }
0x1c: {  	p1 =	slt.u32 s9, $0xF7A;
	s5 =	simm.s32 @!p2 $0x0  }
0x1d: {  	s5 =	simm.s32 @p1 $0x1;
	p0 =	seq.s32 s7, s2  }
0x1e: {  	s7 =	smul.u32 @!p0 $0xF7A, s2;
	p2 =	seq.s32 @!p0 s5, $0x0  }
0x1f: {  	s9 =	smul.u32 $0xF7A, s1;
	s8 =	simm.s32 @!p0 $0x1BF5;
	p2 =	por !p2, p0  }
0x20: {  	[sflag:s8] =	ssyncset.s32 @!p0 $0xFFFFF086;
	s6 =	sadd.s32 @!p0 s3, s7;
	s7 =	simm.s32 @!p0 $0x108  }
0x21: {  	s3 =	sadd.s32 s3, s9;
	s6 =	sadd.s32 @!p0 $0x88, s6;
	s7 =	simm.s32 @p2 $0x1082  }
0x22: {  	[simem:s7], [sflag:s8] =	dma.local @!p0 [hbm:s6], $0xF7A  }
0x23: {  	s9 =	sor.u32 $0xD0000000, s2;
	s6 =	simm.s32 $0x108;
	_ =	swait.ge @!p0 [sflag:s8], $0x0  }
0x24: {  	s3 =	sadd.s32 $0x88, s3;
	s6 =	simm.s32 @!p1 $0x1082;
	[sflag:s4] =	ssyncset.s32 $0xFFFFF086  }
0x25: {  	[simem:s6], [sflag:s4] =	dma.local [hbm:s3], $0xF7A  }
0x26: {  	[smem:$0x3F98] =	sst s1;
	(tag) =	ssettag s2;
	_ =	strace s9  }
0x27: {  	s1 =	sld [smem:$0x3FA8]  }
0x28: {  	s2 =	sld [smem:$0x3FA9]  }
0x29: {  	s4 =	sld [smem:$0x3FAB]  }
0x2a: {  	p0 =	seq.s32 s5, $0x0;
	s5 =	sld [smem:$0x3FAC]  }
0x2b: {  	s6 =	sld [smem:$0x3FAD]  }
0x2c: {  	s7 =	sld [smem:$0x3FAE]  }
0x2d: {  	s3 =	simm.s32 $0x108;
	s8 =	sld [smem:$0x3FAF]  }
0x2e: {  	s3 =	simm.s32 @!p0 $0x1082;
	s9 =	sld [smem:$0x3FB0]  }
0x2f: {  	lr =	sadd.s32 s0, s3;
	s0 =	sld [smem:$0x3FA7]  }
0x30: {  	s3 =	sld [smem:$0x3FAA]  }
0x31: {  	[smem:$0x3FB3] =	sst s10  }
0x32: {  	s10 =	sld [smem:$0x3FB1];
	_ =	sdelay $0x3  }
0x33: {  	p0 =	seq.s32 s10, $0x1;
	s10 =	sld [smem:$0x3FB3];
	_ =	sdelay $0x3  }
0x34: {  	[smem:$0x3FB3] =	sst s10  }
0x35: {  	s10 =	sld [smem:$0x3FB2];
	_ =	sdelay $0x3  }
0x36: {  	p1 =	seq.s32 s10, $0x1;
	s10 =	sld [smem:$0x3FB3];
	_ =	sdelay $0x3  }
0x37: {  	[smem:$0x3FB3] =	sst s10  }
0x38: {  	s10 =	sld [smem:$0x3FB4]  }
0x39: {  	_ = 	snop;
	(pc) =	sbr.ind lr, $3  }
0x3a: {  	_ = 	snop  }
0x3b: {  	_ = 	snop  }
0x3c: {  	p2 =	seq.s32 s10, $0x1;
	s10 =	sld [smem:$0x3FB3]  }
0x3d: {  	_ =	shalt  }
0x3e: {  	_ =	shalt  }
0x3f: {  	_ =	shalt  }
0x40: {  	_ =	shalt  }
0x41: {  	_ =	shalt  }
0x42: {  	_ =	shalt  }
0x43: {  	_ =	shalt  }
0x44: {  	_ =	shalt  }
0x45: {  	_ =	shalt  }
0x46: {  	_ =	shalt  }
0x47: {  	_ =	shalt  }
0x48: {  	_ =	shalt  }
0x49: {  	_ =	shalt  }
0x4a: {  	_ =	shalt  }
0x4b: {  	_ =	shalt  }
0x4c: {  	_ =	shalt  }
0x4d: {  	_ =	shalt  }
0x4e: {  	_ =	shalt  }
0x4f: {  	_ =	shalt  }
0x50: {  	_ =	shalt  }
0x51: {  	_ =	shalt  }
0x52: {  	_ =	shalt  }
0x53: {  	_ =	shalt  }
0x54: {  	_ =	shalt  }
0x55: {  	_ =	shalt  }
0x56: {  	_ =	shalt  }
0x57: {  	_ =	shalt  }
0x58: {  	_ =	shalt  }
0x59: {  	_ =	shalt  }
0x5a: {  	_ =	shalt  }
0x5b: {  	_ =	shalt  }
0x5c: {  	_ =	shalt  }
0x5d: {  	_ =	shalt  }
0x5e: {  	_ =	shalt  }
0x5f: {  	_ =	shalt  }
0x60: {  	_ =	shalt  }
0x61: {  	_ =	shalt  }
0x62: {  	_ =	shalt  }
0x63: {  	_ =	shalt  }
0x64: {  	_ =	shalt  }
0x65: {  	_ =	shalt  }
0x66: {  	_ =	shalt  }
0x67: {  	_ =	shalt  }
0x68: {  	_ =	shalt  }
0x69: {  	_ =	shalt  }
0x6a: {  	_ =	shalt  }
0x6b: {  	_ =	shalt  }
0x6c: {  	_ =	shalt  }
0x6d: {  	_ =	shalt  }
0x6e: {  	_ =	shalt  }
0x6f: {  	_ =	shalt  }
0x70: {  	_ =	shalt  }
0x71: {  	_ =	shalt  }
0x72: {  	_ =	shalt  }
0x73: {  	_ =	shalt  }
0x74: {  	_ =	shalt  }
0x75: {  	_ =	shalt  }
0x76: {  	_ =	shalt  }
0x77: {  	_ =	shalt  }
0x78: {  	_ =	shalt  }
0x79: {  	_ =	shalt  }
0x7a: {  	_ =	shalt  }
0x7b: {  	_ =	shalt  }
0x7c: {  	_ =	shalt  }
0x7d: {  	_ =	shalt  }
0x7e: {  	_ =	shalt  }
0x7f: {  	_ =	shalt  }
0x80: {  	_ =	shalt  }
0x81: {  	_ =	shalt  }
0x82: {  	_ =	shalt  }
0x83: {  	_ =	shalt  }
0x84: {  	_ =	shalt  }
0x85: {  	_ =	shalt  }
0x86: {  	_ =	shalt  }
0x87: {  	_ =	shalt  }
.Lfunc_end0:
.L_simem_size_0:
called_computation.2_lowered:
.L_overlay_start_0:
0x88: {  	s2 =	sld [smem:$0x3FD9]  }
0x89: {  	s3 =	sld [smem:$0x3FFE];
	_ =	sdelay $0x1  }
0x8a: {  	s1 =	srdreg.scid  }
0x8b: {  	s0 =	sand.u32 $0x1, s1  }
0x8c: {  	s16 =	sshll.u32 s0, $0xA;
	s2 =	sadd.s32 s3, s2  }
0x8d: {  	s2 =	sadd.s32 s2, s16  }
0x8e: {  	[smem:$0x3FBF] =	sst s2  }
0x8f: {  	_ = 	snop  }
0x90: {  	(tm) =	ssettm $0x1  }
0x91: {  	s17 =	sld [smem:$0x3FFB];
	_ =	sdelay $0x3  }
0x92: {  	_ =	strace s17  }
0x93: {  	s2 =	sld [smem:$0x3FFC];
	_ =	sdelay $0x3  }
0x94: {  	_ =	strace s2  }
0x95: {  	s2 =	sld [smem:$0x3FFD];
	_ =	sdelay $0x3  }
0x96: {  	_ =	strace s2  }
0x97: {  	_ =	strace $0x8FFFFFFF  }
0x98: {  	s18 =	sld [smem:$0x3FDB];
	_ =	sdelay $0x1  }
0x99: {  	s19 =	simm.s32 $_scs_section_size  }
0x9a: {  	s4 =	simm.s32 $_size__tile_overlayer_lowered;
	s5 =	simm.s32 $_tile_overlayer_lowered  }
0x9b: {  	s22 =	simm.s32 $0x1BFF;
	s21 =	sshll.u32 s5, $0x1;
	s2 =	sadd.s32 s19, s18  }
0x9c: {  	s6 =	simm.s32 $0x0;
	s20 =	sshll.u32 s4, $0x1;
	s4 =	sadd.s32 s21, s2  }
0x9d: {  	[timem:s6], [sflag:s22] =	dma.local [hbm:s4], s20  }
0x9e: {  	_ =	swait.ge [sflag:s22], s20  }
0x9f: {  	s3 =	ssub.s32 $0x0, s20;
	[sflag:s22] =	ssyncset.done $0x0  }
0xa0: {  	[sflag:s22] =	ssyncadd.s32 s3;
	_ =	sdelay $0x1  }
0xa1: {  	s23 =	simm.s32 $0x1B8B  }
0xa2: {  	_ =	swait.ge [sflag:s23], $0x1  }
0xa3: {  	[sflag:s23] =	ssyncset.done $0x0  }
0xa4: {  	s25 =	simm.s32 $0x1B8E;
	s24 =	sld [smem:$0x3FFE];
	[sflag:s23] =	ssyncadd.s32 $0xFFFFFFFF  }
0xa5: {  	s26 =	simm.s32 $execute0_lowered;
	[smem:$0x3FD2] =	sst s25  }
0xa6: {  	s4 =	sshll.u32 s26, $0x1;
	_ =	strace $0x8000004C;
	[dreg:$0x1] =	wrdreg $0xFFFFFFFF  }
0xa7: {  	s28 =	simm.s32 $_size_execute0_lowered;
	s2 =	sadd.s32 s2, s4;
	[dreg:$0x0] =	wrdreg $0x0  }
0xa8: {  	s4 =	sshll.u32 s28, $0x1;
	[dreg:$0x2] =	wrdreg s2  }
0xa9: {  	[dreg:$0x3] =	wrdreg s4  }
0xaa: {  	[dreg:$0x4] =	wrdreg $0xC0  }
0xab: {  	_ =	task [dreg:s6], $0x5FFFF  }
0xac: {  	[dreg:$0x1] =	wrdreg $0xFFFFFFFF  }
0xad: {  	[dreg:$0x0] =	wrdreg $0x60  }
0xae: {  	[dreg:$0x2] =	wrdreg s24  }
0xaf: {  	[dreg:$0x3] =	wrdreg $0x150000  }
0xb0: {  	[dreg:$0x4] =	wrdreg $0x9  }
0xb1: {  	_ =	task.clear_ibuf [dreg:s6], $0x5FFFF;
	_ =	strace $0x9000004C  }
0xb2: {  	s29 =	simm.s32 $0x9;
	_ =	strace $0x8000004E  }
0xb3: {  	_ =	swait.ge [sflag:s29], $0x1  }
0xb4: {  	[sflag:s29] =	ssyncadd.s32 $0xFFFFFFFF  }
0xb5: {  	_ =	strace $0x9000004E  }
0xb6: {  	_ =	sfence  }
0xb7: {  	s30 =	sld [smem:$0x0];
	_ =	sdelay $0x2  }
0xb8: {  	s31 =	sshll.u32 s1, $0xD;
	s1 =	sshrl.u32 s1, $0x2  }
0xb9: {  	s3 =	sand.u32 $0x4000, s31;
	s1 =	sadd.s32 s1, s30  }
0xba: {  	s0 =	sor.u32 s3, s0;
	s1 =	sshll.u32 s1, $0x11  }
0xbb: {  	s0 =	sor.u32 s1, s0  }
0xbc: {  	s0 =	sadd.s32 $0x8F2B, s0  }
0xbd: {  	[sflag:s0] =	ssyncadd.remote.s32 $0x1  }
0xbe: {  	_ =	sfence.sel $0xFFFF  }
0xbf: {  	[dreg:$0x0] =	wrdreg $0xFFFFFFFF;
	(pc) =	sbr.abs _section_cstart, $3  }
0xc0: {  	[dreg:$0x1] =	wrdreg $0xFFFFFFFF  }
0xc1: {  	_ =	task.clear_ibuf [dreg:s6], $0x2FFFF;
	_ =	strace $0x9FFFFFFF  }
0xc2: {  	(tm) =	ssettm $0x7FFFFFFF  }
0xc3: {  	_ =	shalt  }
tec
execute0_lowered:
.L_overlay_start_1:
0x0: {  	(tag) =	ssettag $0x1  }
0x1: {  	s0 =	srdreg.scid;
	s3 =	rddreg [dreg:$0x0]  }
0x2: {  	s8 =	stileid.u32;
	s2 =	rddreg [dreg:$0x1];
	s4 =	simm.s32 $0x0  }
0x3: {  	s12 =	simm.s32 $0x11;
	s14 =	simm.s32 $0x80;
	s15 =	simm.s32 $0x5000  }
0x4: {  	s16 =	simm.s32 $0x7000;
	s18 =	simm.s32 $0x9000;
	s20 =	simm.s32 $0xB000  }
0x5: {  	s22 =	simm.s32 $0xD000;
	s28 =	simm.s32 $0x13000;
	s29 =	simm.s32 $0x2  }
0x6: {  	s30 =	simm.s32 $0x3;
	s31 =	simm.s32 $0x4;
	s13 =	simm.s32 $0x7  }
0x7: {  	s17 =	simm.s32 $0x8;
	s19 =	simm.s32 $0x9;
	s21 =	simm.s32 $0xA  }
0x8: {  	s0 =	sand.u32 $0x1, s0;
	s5 =	smul.u32 $0xA000, s8;
	[smem:$0x7FF] =	sst s4  }
0x9: {  	s4 =	sadd.s32 $0x16200, s3;
	s24 =	sshll.u32 s8, $0x6;
	s1 =	sshll.u32 s0, $0x4  }
0xa: {  	s6 =	smul.u32 $0xA0000, s0;
	_ =	strace $0x8000004D;
	s0 =	ssub.s32 $0x2, s0  }
0xb: {  	s9 =	sor.u32 $0x1C11, s24;
	s24 =	simm.s32 $0xF000;
	s1 =	sor.u32 s8, s1  }
0xc: {  	s7 =	sshrl.u32 s5, $0x3;
	s23 =	sshrl.u32 s0, $0x1;
	s8 =	simm.s32 $0xE  }
0xd: {  	[dreg:$0x4] =	wrdreg s9;
	s1 =	smul.u32 $0x500, s1;
	s6 =	sadd.s32 s5, s6  }
0xe: {  	s7 =	sadd.s32 s7, s3;
	s0 =	ssub.s32 s0, s23;
	s5 =	sadd.s32 s5, s2  }
0xf: {  	s23 =	simm.s32 $0xB;
	s6 =	sshrl.u32 s6, $0x3;
	s7 =	sadd.s32 $0x2A200, s7  }
0x10: {  	s0 =	smax.u32 s0, $0x1;
	s10 =	sshrl.u32 s5, $0x3;
	[dreg:$0x3] =	wrdreg s7  }
0x11: {  	s5 =	simm.s32 $0xC;
	s1 =	sadd.s32 s1, s3;
	[dreg:$0x8] =	wrdreg s0  }
.Ltmp0:
0x12: {  	[dreg:$0x9] =	wrdreg s10;
	s25 =	sadd.s32 $0x2200, s1;
	(pc) =	sbr.rel .LBB2_1-.Ltmp0, $4  }
0x13: {  	s3 =	sadd.s32 s6, s3;
	s1 =	sadd.s32 $0xC200, s1;
	[dreg:$0x5] =	wrdreg s25  }
0x14: {  	s0 =	simm.s32 $0x6;
	s26 =	sadd.s32 $0x3E200, s3;
	[dreg:$0x6] =	wrdreg s1  }
0x15: {  	s7 =	simm.s32 $0xD;
	s3 =	simm.s32 $0x0;
	[dreg:$0x7] =	wrdreg s26  }
0x16: {  	s25 =	simm.s32 $0x11000;
	s26 =	simm.s32 $0x1;
	s1 =	simm.s32 $0x5  }
.LBB2_6:
0x17: {  	_ =	swait.ge [sflag:s19], $0x2000  }
0x18: {  	[sflag:s19] =	ssyncset.done $0x0  }
0x19: {  	[sflag:s19] =	ssyncadd.s32 $0xFFFFE000  }
0x1a: {  	_ =	swait.ge [sflag:s21], $0x2000  }
0x1b: {  	[sflag:s21] =	ssyncset.done $0x0  }
0x1c: {  	[sflag:s21] =	ssyncadd.s32 $0xFFFFE000  }
0x1d: {  	_ =	swait.ge [sflag:s23], $0x2000  }
0x1e: {  	[sflag:s23] =	ssyncset.done $0x0  }
0x1f: {  	[sflag:s23] =	ssyncadd.s32 $0xFFFFE000  }
0x20: {  	_ =	swait.ge [sflag:s5], $0x2000  }
0x21: {  	[sflag:s5] =	ssyncset.done $0x0  }
0x22: {  	[sflag:s5] =	ssyncadd.s32 $0xFFFFE000  }
0x23: {  	_ =	swait.ge [sflag:s7], $0x2000  }
0x24: {  	[sflag:s7] =	ssyncset.done $0x0  }
0x25: {  	[sflag:s7] =	ssyncadd.s32 $0xFFFFE000  }
0x26: {  	_ =	swait.ge [sflag:s8], $0x2000  }
0x27: {  	[sflag:s8] =	ssyncset.done $0x0  }
0x28: {  	s6 =	simm.s32 $0xF;
	[sflag:s8] =	ssyncadd.s32 $0xFFFFE000  }
0x29: {  	_ =	swait.ge [sflag:s6], $0x2000  }
0x2a: {  	[sflag:s6] =	ssyncset.done $0x0  }
0x2b: {  	s10 =	simm.s32 $0x10;
	[sflag:s6] =	ssyncadd.s32 $0xFFFFE000  }
0x2c: {  	_ =	swait.ge [sflag:s10], $0x2000  }
0x2d: {  	[sflag:s10] =	ssyncset.done $0x0  }
0x2e: {  	[sflag:s10] =	ssyncadd.s32 $0xFFFFE000  }
0x2f: {  	[bflag:$0x0] =	sbarrier.arrive $0xFFFF  }
0x30: {  	s9 =	rddreg [dreg:$0x4]  }
0x31: {  	s11 =	rddreg [dreg:$0x7]  }
0x32: {  	s10 =	rddreg [dreg:$0x9]  }
0x33: {  	[hbm:s11], [sflag:s9] =	dma.local [spmem:s10], $0x1400  }
0x34: {  	_ =	swait.ge [sflag:s12], $0x1400  }
0x35: {  	s3 =	sadd.s32 $0x1, s3;
	s11 =	rddreg [dreg:$0x8]  }
0x36: {  	p0 =	sne.s32 s3, s11  }
.Ltmp1:
0x37: {  	_ = 	snop;
	(pc) =	sbr.rel @!p0 .LBB2_7-.Ltmp1, $3  }
0x38: {  	_ =	sdelay $0x1  }
0x39: {  	[sflag:s12] =	ssyncset.done $0x0  }
0x3a: {  	[sflag:s12] =	ssyncadd.s32 $0xFFFFEC00  }
.LBB2_1:
0x3b: {  	s6 =	rddreg [dreg:$0x3]  }
0x3c: {  	[spmem:s10], [sflag:s9] =	dma.local [hbm:s6], $0x1400  }
0x3d: {  	_ =	swait.ge [sflag:s12], $0x1400  }
0x3e: {  	[sflag:s12] =	ssyncset.done $0x0  }
0x3f: {  	s6 =	simm.s32 $0x0;
	s11 =	rddreg [dreg:$0x5];
	[sflag:s12] =	ssyncadd.s32 $0xFFFFEC00  }
0x40: {  	[tilespmem:s6], [sflag:$0x11] =	stream.linear.gather [hbm4b:s11+s6], $0x2800, $0x38;
	[tilespmem:$0x1F000] =	vst v63  }
0x41: {  	_ =	swait.ge [sflag:s12], $0x2800  }
0x42: {  	[sflag:s12] =	ssyncset.done $0x0  }
0x43: {  	s11 =	simm.s32 $0x2800;
	s10 =	rddreg [dreg:$0x6];
	[sflag:s12] =	ssyncadd.s32 $0xFFFFD800  }
0x44: {  	[tilespmem:s11], [sflag:$0x11] =	stream.linear.gather [hbm4b:s10+s6], $0x2800, $0x38;
	[tilespmem:$0x1F000] =	vst v63  }
0x45: {  	_ =	swait.ge [sflag:s12], $0x2800  }
0x46: {  	[sflag:s12] =	ssyncset.done $0x0  }
0x47: {  	[sflag:s12] =	ssyncadd.s32 $0xFFFFD800  }
0x48: {  	[bflag:$0x0] =	sbarrier.arrive $0xFFFF  }
0x49: {  	[tilespmem:s15], [sflag:$0x1] =	stream.indirect.gather [hbm4b:s4+s14], $0x40, s6, s14, $0xb8;
	[tilespmem:$0x1F000] =	vst v63  }
0x4a: {  	_ = 	snop  }
0x4b: {  	[tilespmem:s16], [sflag:$0x2] =	stream.indirect.gather [hbm4b:s4+s14], $0x40, s14, s14, $0xb8;
	[tilespmem:$0x1F000] =	vst v63  }
0x4c: {  	s11 =	simm.s32 $0x100  }
0x4d: {  	[tilespmem:s18], [sflag:$0x3] =	stream.indirect.gather [hbm4b:s4+s14], $0x40, s11, s14, $0xb8;
	[tilespmem:$0x1F000] =	vst v63  }
0x4e: {  	s9 =	simm.s32 $0x180  }
0x4f: {  	[tilespmem:s20], [sflag:$0x4] =	stream.indirect.gather [hbm4b:s4+s14], $0x40, s9, s14, $0xb8;
	[tilespmem:$0x1F000] =	vst v63  }
.Ltmp2:
0x50: {  	_ = 	snop;
	(pc) =	sbr.rel .LBB2_2-.Ltmp2, $4  }
0x51: {  	s10 =	simm.s32 $0x200  }
0x52: {  	[tilespmem:s22], [sflag:$0x5] =	stream.indirect.gather [hbm4b:s4+s14], $0x40, s10, s14, $0xb8;
	[tilespmem:$0x1F000] =	vst v63  }
0x53: {  	s11 =	simm.s32 $0x280;
	s9 =	simm.s32 $0x0  }
0x54: {  	[tilespmem:s24], [sflag:$0x6] =	stream.indirect.gather [hbm4b:s4+s14], $0x40, s11, s14, $0xb8;
	[tilespmem:$0x1F000] =	vst v63  }
.LBB2_4:
0x55: {  	_ =	swait.ge [sflag:s30], $0x2000  }
0x56: {  	[sflag:s30] =	ssyncset.done $0x0  }
0x57: {  	[sflag:s30] =	ssyncadd.s32 $0xFFFFE000  }
0x58: {  	[spmem:s2] =	stream.indirect.scatter.add.f32 [tilespmem:s18], [sflag:$0xB], $0x40, s6, s14, $0xb8;
	[tilespmem:$0x1F000] =	vst v63  }
0x59: {  	_ =	swait.ge [sflag:s31], $0x2000  }
0x5a: {  	[sflag:s31] =	ssyncset.done $0x0  }
0x5b: {  	s11 =	sadd.s32 $0x2980, s10;
	[sflag:s31] =	ssyncadd.s32 $0xFFFFE000  }
0x5c: {  	[spmem:s2] =	stream.indirect.scatter.add.f32 [tilespmem:s20], [sflag:$0xC], $0x40, s11, s14, $0xb8;
	[tilespmem:$0x1F000] =	vst v63  }
0x5d: {  	_ =	swait.ge [sflag:s1], $0x2000  }
0x5e: {  	[sflag:s1] =	ssyncset.done $0x0  }
0x5f: {  	s11 =	sadd.s32 $0x2A00, s10;
	[sflag:s1] =	ssyncadd.s32 $0xFFFFE000  }
0x60: {  	[spmem:s2] =	stream.indirect.scatter.add.f32 [tilespmem:s22], [sflag:$0xD], $0x40, s11, s14, $0xb8;
	[tilespmem:$0x1F000] =	vst v63  }
0x61: {  	_ =	swait.ge [sflag:s0], $0x2000  }
0x62: {  	[sflag:s0] =	ssyncset.done $0x0  }
0x63: {  	s11 =	sadd.s32 $0x2A80, s10;
	[sflag:s0] =	ssyncadd.s32 $0xFFFFE000  }
0x64: {  	[spmem:s2] =	stream.indirect.scatter.add.f32 [tilespmem:s24], [sflag:$0xE], $0x40, s11, s14, $0xb8;
	[tilespmem:$0x1F000] =	vst v63  }
0x65: {  	_ =	swait.ge [sflag:s13], $0x2000  }
0x66: {  	[sflag:s13] =	ssyncset.done $0x0  }
0x67: {  	s11 =	sadd.s32 $0x2B00, s10;
	[sflag:s13] =	ssyncadd.s32 $0xFFFFE000  }
0x68: {  	[spmem:s2] =	stream.indirect.scatter.add.f32 [tilespmem:s25], [sflag:$0xF], $0x40, s11, s14, $0xb8;
	[tilespmem:$0x1F000] =	vst v63  }
.LBB2_5:
0x69: {  	s9 =	sadd.s32 $0x1000, s9  }
0x6a: {  	p0 =	sne.s32 s9, $0xA000  }
.Ltmp3:
0x6b: {  	_ = 	snop;
	(pc) =	sbr.rel @!p0 .LBB2_6-.Ltmp3, $4  }
0x6c: {  	_ =	swait.ge [sflag:s17], $0x2000  }
0x6d: {  	[sflag:s17] =	ssyncset.done $0x0  }
0x6e: {  	s6 =	sadd.s32 $0x2B80, s10;
	[sflag:s17] =	ssyncadd.s32 $0xFFFFE000  }
0x6f: {  	[spmem:s2] =	stream.indirect.scatter.add.f32 [tilespmem:s28], [sflag:$0x10], $0x40, s6, s14, $0xb8;
	[tilespmem:$0x1F000] =	vst v63  }
.LBB2_2:
0x70: {  	p0 =	seq.s32 s9, $0x0  }
0x71: {  	s6 =	simm.s32 @!p0 $0xF  }
0x72: {  	_ =	swait.ge @!p0 [sflag:s6], $0x2000  }
0x73: {  	s10 =	sshra.s32 s9, $0x2;
	[sflag:s6] =	ssyncset.done @!p0 $0x0  }
0x74: {  	s11 =	sadd.s32 $0x300, s10;
	[sflag:s6] =	ssyncadd.s32 @!p0 $0xFFFFE000  }
0x75: {  	[tilespmem:s25], [sflag:$0x7] =	stream.indirect.gather [hbm4b:s4+s14], $0x40, s11, s14, $0xb8;
	[tilespmem:$0x1F000] =	vst v63  }
0x76: {  	_ =	swait.ge [sflag:s26], $0x2000  }
0x77: {  	[sflag:s26] =	ssyncset.done $0x0  }
0x78: {  	s6 =	simm.s32 @!p0 $0x10;
	s11 =	sadd.s32 $0x2800, s10;
	[sflag:s26] =	ssyncadd.s32 $0xFFFFE000  }
0x79: {  	[spmem:s2] =	stream.indirect.scatter.add.f32 [tilespmem:s15], [sflag:$0x9], $0x40, s11, s14, $0xb8;
	[tilespmem:$0x1F000] =	vst v63  }
0x7a: {  	_ =	swait.ge @!p0 [sflag:s6], $0x2000  }
0x7b: {  	[sflag:s6] =	ssyncset.done @!p0 $0x0  }
0x7c: {  	s11 =	sadd.s32 $0x380, s10;
	[sflag:s6] =	ssyncadd.s32 @!p0 $0xFFFFE000;
	p0 =	seq.s32 s9, $0x9000  }
0x7d: {  	[tilespmem:s28], [sflag:$0x8] =	stream.indirect.gather [hbm4b:s4+s14], $0x40, s11, s14, $0xb8;
	[tilespmem:$0x1F000] =	vst v63  }
.Ltmp4:
0x7e: {  	_ = 	snop;
	(pc) =	sbr.rel @p0 .LBB2_4-.Ltmp4, $4  }
0x7f: {  	_ =	swait.ge [sflag:s29], $0x2000  }
0x80: {  	[sflag:s29] =	ssyncset.done $0x0  }
0x81: {  	s6 =	sadd.s32 $0x2900, s10;
	s11 =	sadd.s32 $0x2880, s10;
	[sflag:s29] =	ssyncadd.s32 $0xFFFFE000  }
0x82: {  	[spmem:s2] =	stream.indirect.scatter.add.f32 [tilespmem:s16], [sflag:$0xA], $0x40, s11, s14, $0xb8;
	[tilespmem:$0x1F000] =	vst v63  }
0x83: {  	_ =	swait.ge [sflag:s19], $0x2000  }
0x84: {  	[sflag:s19] =	ssyncset.done $0x0  }
0x85: {  	s11 =	sadd.s32 $0x400, s10;
	[sflag:s19] =	ssyncadd.s32 $0xFFFFE000  }
0x86: {  	[tilespmem:s15], [sflag:$0x1] =	stream.indirect.gather [hbm4b:s4+s14], $0x40, s11, s14, $0xb8;
	[tilespmem:$0x1F000] =	vst v63  }
0x87: {  	_ =	swait.ge [sflag:s30], $0x2000  }
0x88: {  	[sflag:s30] =	ssyncset.done $0x0  }
0x89: {  	[sflag:s30] =	ssyncadd.s32 $0xFFFFE000  }
0x8a: {  	[spmem:s2] =	stream.indirect.scatter.add.f32 [tilespmem:s18], [sflag:$0xB], $0x40, s6, s14, $0xb8;
	[tilespmem:$0x1F000] =	vst v63  }
0x8b: {  	_ =	swait.ge [sflag:s21], $0x2000  }
0x8c: {  	[sflag:s21] =	ssyncset.done $0x0  }
0x8d: {  	s11 =	sadd.s32 $0x480, s10;
	[sflag:s21] =	ssyncadd.s32 $0xFFFFE000  }
0x8e: {  	[tilespmem:s16], [sflag:$0x2] =	stream.indirect.gather [hbm4b:s4+s14], $0x40, s11, s14, $0xb8;
	[tilespmem:$0x1F000] =	vst v63  }
0x8f: {  	_ =	swait.ge [sflag:s31], $0x2000  }
0x90: {  	[sflag:s31] =	ssyncset.done $0x0  }
0x91: {  	s11 =	sadd.s32 $0x2980, s10;
	[sflag:s31] =	ssyncadd.s32 $0xFFFFE000  }
0x92: {  	[spmem:s2] =	stream.indirect.scatter.add.f32 [tilespmem:s20], [sflag:$0xC], $0x40, s11, s14, $0xb8;
	[tilespmem:$0x1F000] =	vst v63  }
0x93: {  	_ =	swait.ge [sflag:s23], $0x2000  }
0x94: {  	[sflag:s23] =	ssyncset.done $0x0  }
0x95: {  	s11 =	sadd.s32 $0x500, s10;
	[sflag:s23] =	ssyncadd.s32 $0xFFFFE000  }
0x96: {  	[tilespmem:s18], [sflag:$0x3] =	stream.indirect.gather [hbm4b:s4+s14], $0x40, s11, s14, $0xb8;
	[tilespmem:$0x1F000] =	vst v63  }
0x97: {  	_ =	swait.ge [sflag:s1], $0x2000  }
0x98: {  	[sflag:s1] =	ssyncset.done $0x0  }
0x99: {  	s11 =	sadd.s32 $0x2A00, s10;
	[sflag:s1] =	ssyncadd.s32 $0xFFFFE000  }
0x9a: {  	[spmem:s2] =	stream.indirect.scatter.add.f32 [tilespmem:s22], [sflag:$0xD], $0x40, s11, s14, $0xb8;
	[tilespmem:$0x1F000] =	vst v63  }
0x9b: {  	_ =	swait.ge [sflag:s5], $0x2000  }
0x9c: {  	[sflag:s5] =	ssyncset.done $0x0  }
0x9d: {  	s11 =	sadd.s32 $0x580, s10;
	[sflag:s5] =	ssyncadd.s32 $0xFFFFE000  }
0x9e: {  	[tilespmem:s20], [sflag:$0x4] =	stream.indirect.gather [hbm4b:s4+s14], $0x40, s11, s14, $0xb8;
	[tilespmem:$0x1F000] =	vst v63  }
0x9f: {  	_ =	swait.ge [sflag:s0], $0x2000  }
0xa0: {  	[sflag:s0] =	ssyncset.done $0x0  }
0xa1: {  	s11 =	sadd.s32 $0x2A80, s10;
	[sflag:s0] =	ssyncadd.s32 $0xFFFFE000  }
0xa2: {  	[spmem:s2] =	stream.indirect.scatter.add.f32 [tilespmem:s24], [sflag:$0xE], $0x40, s11, s14, $0xb8;
	[tilespmem:$0x1F000] =	vst v63  }
0xa3: {  	_ =	swait.ge [sflag:s7], $0x2000  }
0xa4: {  	[sflag:s7] =	ssyncset.done $0x0  }
0xa5: {  	s11 =	sadd.s32 $0x600, s10;
	[sflag:s7] =	ssyncadd.s32 $0xFFFFE000  }
0xa6: {  	[tilespmem:s22], [sflag:$0x5] =	stream.indirect.gather [hbm4b:s4+s14], $0x40, s11, s14, $0xb8;
	[tilespmem:$0x1F000] =	vst v63  }
0xa7: {  	_ =	swait.ge [sflag:s13], $0x2000  }
0xa8: {  	[sflag:s13] =	ssyncset.done $0x0  }
0xa9: {  	s11 =	sadd.s32 $0x2B00, s10;
	[sflag:s13] =	ssyncadd.s32 $0xFFFFE000  }
0xaa: {  	[spmem:s2] =	stream.indirect.scatter.add.f32 [tilespmem:s25], [sflag:$0xF], $0x40, s11, s14, $0xb8;
	[tilespmem:$0x1F000] =	vst v63  }
.Ltmp5:
0xab: {  	_ = 	snop;
	(pc) =	sbr.rel .LBB2_5-.Ltmp5, $4  }
0xac: {  	_ =	swait.ge [sflag:s8], $0x2000  }
0xad: {  	[sflag:s8] =	ssyncset.done $0x0  }
0xae: {  	s11 =	sadd.s32 $0x680, s10;
	[sflag:s8] =	ssyncadd.s32 $0xFFFFE000  }
0xaf: {  	[tilespmem:s24], [sflag:$0x6] =	stream.indirect.gather [hbm4b:s4+s14], $0x40, s11, s14, $0xb8;
	[tilespmem:$0x1F000] =	vst v63  }
.LBB2_7:
0xb0: {  	_ =	sfence.sel $0x180000  }
0xb1: {  	[bflag:$0x0] =	sbarrier.arrive $0xFFFF  }
0xb2: {  	_ =	strace $0x9000004D  }
0xb3: {  	s0 =	stileid.u32;
	[bflag:$0x2] =	sbarrier.arrive $0xFFFF  }
0xb4: {  	p0 =	sne.s32 s0, $0x0;
	s0 =	rddreg [dreg:$0x2]  }
0xb5: {  	s0 =	sadd.s32 @!p0 $0x100000, s0  }
0xb6: {  	[sflag:s0] =	ssyncadd.tile.s32 @!p0 $0x1;
	_ =	shalt  }
.Lfunc_end2:
_tile_overlayer_lowered:
.L_overlay_start_2:
0xb7: {  	(tag) =	ssettag $0x2  }
0xb8: {  	s0 =	rddreg [dreg:$0x0];
	s2 =	stileid.u32  }
0xb9: {  	s1 =	rddreg [dreg:$0x1];
	p0 =	sne.s32 s2, $0x0  }
0xba: {  	s3 =	rddreg [dreg:$0x2];
	[bflag:$0x3] =	sbarrier.arrive $0xFFFF;
	s2 =	simm.s32 @!p0 $0x1C11  }
0xbb: {  	[timem:s3], [sflag:s2] =	dma.local @!p0 [hbm:s0], s1  }
0xbc: {  	s0 =	simm.s32 @!p0 $0x11  }
0xbd: {  	_ =	swait.ge @!p0 [sflag:s0], s1  }
0xbe: {  	s1 =	ssub.s32 @!p0 $0x0, s1;
	[sflag:s0] =	ssyncset.done @!p0 $0x0  }
0xbf: {  	[sflag:s0] =	ssyncadd.s32 @!p0 s1  }
0xc0: {  	[bflag:$0x3] =	sbarrier.arrive $0xFFFF  }
0xc1: {  	_ =	shalt  }

// kernel: kernel.8.cloned.1.call-start
scs
__scs_entry_jumppad:
0x0: {  	(pc) =	sbr.rel $0x88, $3  }
0x1: {  	(tag) =	ssettag $0x0;
	lr =	simm.s32 $0x1  }
0x2: {  	[smem:$0x3F98] =	sst lr;
	_ =	strace $0xD0000000  }
0x3: {  	_ = 	snop  }
0x4: {  	_ = 	snop  }
0x5: {  	_ = 	snop  }
0x6: {  	_ = 	snop  }
0x7: {  	_ = 	snop  }
__scs_overlays_trampoline_lowered:
0x8: {  	[smem:$0x3FA7] =	sst s0  }
0x9: {  	[smem:$0x3FA8] =	sst s1  }
0xa: {  	[smem:$0x3FA9] =	sst s2  }
0xb: {  	[smem:$0x3FAA] =	sst s3  }
0xc: {  	[smem:$0x3FAB] =	sst s4  }
0xd: {  	[smem:$0x3FAC] =	sst s5  }
0xe: {  	[smem:$0x3FAD] =	sst s6  }
0xf: {  	[smem:$0x3FAE] =	sst s7  }
0x10: {  	[smem:$0x3FAF] =	sst s8  }
0x11: {  	[smem:$0x3FB0] =	sst s9;
	s0 =	simm.s32 @!p0 $0x0  }
0x12: {  	s1 =	sld [smem:$0x3F96];
	s0 =	simm.s32 @p0 $0x1  }
0x13: {  	[smem:$0x3FB1] =	sst s0;
	s0 =	simm.s32 @!p1 $0x0  }
0x14: {  	s2 =	sld [smem:$0x3F95];
	s0 =	simm.s32 @p1 $0x1  }
0x15: {  	[smem:$0x3FB2] =	sst s0;
	s0 =	simm.s32 @!p2 $0x0  }
0x16: {  	s3 =	sld [smem:$0x3FDB];
	s0 =	simm.s32 @p2 $0x1  }
0x17: {  	s4 =	simm.s32 $0x1BF5;
	[smem:$0x3FB4] =	sst s0  }
0x18: {  	s0 =	sld [smem:$0x3F97];
	_ =	swait.ge [sflag:s4], $0x0  }
0x19: {  	s7 =	sld [smem:$0x3F98]  }
0x1a: {  	s8 =	sadd.s32 $0xFFFFE003, lr  }
0x1b: {  	s9 =	sadd.s32 $0xFFFFFEF7, lr;
	s5 =	simm.s32 $0xFFFFFFFF;
	p2 =	slt.u32 s8, $0xFFFFF086  }
0x1c: {  	p1 =	slt.u32 s9, $0xF7A;
	s5 =	simm.s32 @!p2 $0x0  }
0x1d: {  	s5 =	simm.s32 @p1 $0x1;
	p0 =	seq.s32 s7, s2  }
0x1e: {  	s7 =	smul.u32 @!p0 $0xF7A, s2;
	p2 =	seq.s32 @!p0 s5, $0x0  }
0x1f: {  	s9 =	smul.u32 $0xF7A, s1;
	s8 =	simm.s32 @!p0 $0x1BF5;
	p2 =	por !p2, p0  }
0x20: {  	[sflag:s8] =	ssyncset.s32 @!p0 $0xFFFFF086;
	s6 =	sadd.s32 @!p0 s3, s7;
	s7 =	simm.s32 @!p0 $0x108  }
0x21: {  	s3 =	sadd.s32 s3, s9;
	s6 =	sadd.s32 @!p0 $0x88, s6;
	s7 =	simm.s32 @p2 $0x1082  }
0x22: {  	[simem:s7], [sflag:s8] =	dma.local @!p0 [hbm:s6], $0xF7A  }
0x23: {  	s9 =	sor.u32 $0xD0000000, s2;
	s6 =	simm.s32 $0x108;
	_ =	swait.ge @!p0 [sflag:s8], $0x0  }
0x24: {  	s3 =	sadd.s32 $0x88, s3;
	s6 =	simm.s32 @!p1 $0x1082;
	[sflag:s4] =	ssyncset.s32 $0xFFFFF086  }
0x25: {  	[simem:s6], [sflag:s4] =	dma.local [hbm:s3], $0xF7A  }
0x26: {  	[smem:$0x3F98] =	sst s1;
	(tag) =	ssettag s2;
	_ =	strace s9  }
0x27: {  	s1 =	sld [smem:$0x3FA8]  }
0x28: {  	s2 =	sld [smem:$0x3FA9]  }
0x29: {  	s4 =	sld [smem:$0x3FAB]  }
0x2a: {  	p0 =	seq.s32 s5, $0x0;
	s5 =	sld [smem:$0x3FAC]  }
0x2b: {  	s6 =	sld [smem:$0x3FAD]  }
0x2c: {  	s7 =	sld [smem:$0x3FAE]  }
0x2d: {  	s3 =	simm.s32 $0x108;
	s8 =	sld [smem:$0x3FAF]  }
0x2e: {  	s3 =	simm.s32 @!p0 $0x1082;
	s9 =	sld [smem:$0x3FB0]  }
0x2f: {  	lr =	sadd.s32 s0, s3;
	s0 =	sld [smem:$0x3FA7]  }
0x30: {  	s3 =	sld [smem:$0x3FAA]  }
0x31: {  	[smem:$0x3FB3] =	sst s10  }
0x32: {  	s10 =	sld [smem:$0x3FB1];
	_ =	sdelay $0x3  }
0x33: {  	p0 =	seq.s32 s10, $0x1;
	s10 =	sld [smem:$0x3FB3];
	_ =	sdelay $0x3  }
0x34: {  	[smem:$0x3FB3] =	sst s10  }
0x35: {  	s10 =	sld [smem:$0x3FB2];
	_ =	sdelay $0x3  }
0x36: {  	p1 =	seq.s32 s10, $0x1;
	s10 =	sld [smem:$0x3FB3];
	_ =	sdelay $0x3  }
0x37: {  	[smem:$0x3FB3] =	sst s10  }
0x38: {  	s10 =	sld [smem:$0x3FB4]  }
0x39: {  	_ = 	snop;
	(pc) =	sbr.ind lr, $3  }
0x3a: {  	_ = 	snop  }
0x3b: {  	_ = 	snop  }
0x3c: {  	p2 =	seq.s32 s10, $0x1;
	s10 =	sld [smem:$0x3FB3]  }
0x3d: {  	_ =	shalt  }
0x3e: {  	_ =	shalt  }
0x3f: {  	_ =	shalt  }
0x40: {  	_ =	shalt  }
0x41: {  	_ =	shalt  }
0x42: {  	_ =	shalt  }
0x43: {  	_ =	shalt  }
0x44: {  	_ =	shalt  }
0x45: {  	_ =	shalt  }
0x46: {  	_ =	shalt  }
0x47: {  	_ =	shalt  }
0x48: {  	_ =	shalt  }
0x49: {  	_ =	shalt  }
0x4a: {  	_ =	shalt  }
0x4b: {  	_ =	shalt  }
0x4c: {  	_ =	shalt  }
0x4d: {  	_ =	shalt  }
0x4e: {  	_ =	shalt  }
0x4f: {  	_ =	shalt  }
0x50: {  	_ =	shalt  }
0x51: {  	_ =	shalt  }
0x52: {  	_ =	shalt  }
0x53: {  	_ =	shalt  }
0x54: {  	_ =	shalt  }
0x55: {  	_ =	shalt  }
0x56: {  	_ =	shalt  }
0x57: {  	_ =	shalt  }
0x58: {  	_ =	shalt  }
0x59: {  	_ =	shalt  }
0x5a: {  	_ =	shalt  }
0x5b: {  	_ =	shalt  }
0x5c: {  	_ =	shalt  }
0x5d: {  	_ =	shalt  }
0x5e: {  	_ =	shalt  }
0x5f: {  	_ =	shalt  }
0x60: {  	_ =	shalt  }
0x61: {  	_ =	shalt  }
0x62: {  	_ =	shalt  }
0x63: {  	_ =	shalt  }
0x64: {  	_ =	shalt  }
0x65: {  	_ =	shalt  }
0x66: {  	_ =	shalt  }
0x67: {  	_ =	shalt  }
0x68: {  	_ =	shalt  }
0x69: {  	_ =	shalt  }
0x6a: {  	_ =	shalt  }
0x6b: {  	_ =	shalt  }
0x6c: {  	_ =	shalt  }
0x6d: {  	_ =	shalt  }
0x6e: {  	_ =	shalt  }
0x6f: {  	_ =	shalt  }
0x70: {  	_ =	shalt  }
0x71: {  	_ =	shalt  }
0x72: {  	_ =	shalt  }
0x73: {  	_ =	shalt  }
0x74: {  	_ =	shalt  }
0x75: {  	_ =	shalt  }
0x76: {  	_ =	shalt  }
0x77: {  	_ =	shalt  }
0x78: {  	_ =	shalt  }
0x79: {  	_ =	shalt  }
0x7a: {  	_ =	shalt  }
0x7b: {  	_ =	shalt  }
0x7c: {  	_ =	shalt  }
0x7d: {  	_ =	shalt  }
0x7e: {  	_ =	shalt  }
0x7f: {  	_ =	shalt  }
0x80: {  	_ =	shalt  }
0x81: {  	_ =	shalt  }
0x82: {  	_ =	shalt  }
0x83: {  	_ =	shalt  }
0x84: {  	_ =	shalt  }
0x85: {  	_ =	shalt  }
0x86: {  	_ =	shalt  }
0x87: {  	_ =	shalt  }
.Lfunc_end0:
.L_simem_size_0:
called_computation_lowered:
.L_overlay_start_0:
0x88: {  	s2 =	sld [smem:$0x3FD9]  }
0x89: {  	s3 =	sld [smem:$0x3FFE];
	_ =	sdelay $0x1  }
0x8a: {  	s1 =	srdreg.scid  }
0x8b: {  	s0 =	sand.u32 $0x1, s1  }
0x8c: {  	s16 =	sshll.u32 s0, $0xA;
	s2 =	sadd.s32 s3, s2  }
0x8d: {  	s2 =	sadd.s32 s2, s16  }
0x8e: {  	[smem:$0x3FBF] =	sst s2  }
0x8f: {  	_ = 	snop  }
0x90: {  	(tm) =	ssettm $0x1  }
0x91: {  	s17 =	sld [smem:$0x3FFB];
	_ =	sdelay $0x3  }
0x92: {  	_ =	strace s17  }
0x93: {  	s2 =	sld [smem:$0x3FFC];
	_ =	sdelay $0x3  }
0x94: {  	_ =	strace s2  }
0x95: {  	s2 =	sld [smem:$0x3FFD];
	_ =	sdelay $0x3  }
0x96: {  	_ =	strace s2  }
0x97: {  	_ =	strace $0x8FFFFFFF  }
0x98: {  	s18 =	sld [smem:$0x3FDB];
	_ =	sdelay $0x1  }
0x99: {  	s19 =	simm.s32 $_scs_section_size  }
0x9a: {  	s4 =	simm.s32 $_size__tile_overlayer_lowered;
	s5 =	simm.s32 $_tile_overlayer_lowered  }
0x9b: {  	s22 =	simm.s32 $0x1BFF;
	s21 =	sshll.u32 s5, $0x1;
	s2 =	sadd.s32 s19, s18  }
0x9c: {  	s6 =	simm.s32 $0x0;
	s20 =	sshll.u32 s4, $0x1;
	s4 =	sadd.s32 s21, s2  }
0x9d: {  	[timem:s6], [sflag:s22] =	dma.local [hbm:s4], s20  }
0x9e: {  	_ =	swait.ge [sflag:s22], s20  }
0x9f: {  	s3 =	ssub.s32 $0x0, s20;
	[sflag:s22] =	ssyncset.done $0x0  }
0xa0: {  	[sflag:s22] =	ssyncadd.s32 s3;
	_ =	sdelay $0x1  }
0xa1: {  	s23 =	simm.s32 $0x1B8B  }
0xa2: {  	_ =	swait.ge [sflag:s23], $0x1  }
0xa3: {  	[sflag:s23] =	ssyncset.done $0x0  }
0xa4: {  	s25 =	simm.s32 $0x1B8E;
	s24 =	sld [smem:$0x3FFE];
	[sflag:s23] =	ssyncadd.s32 $0xFFFFFFFF  }
0xa5: {  	s26 =	simm.s32 $execute0_lowered;
	[smem:$0x3FD2] =	sst s25  }
0xa6: {  	s4 =	sshll.u32 s26, $0x1;
	_ =	strace $0x80000046;
	[dreg:$0x1] =	wrdreg $0xFFFFFFFF  }
0xa7: {  	s28 =	simm.s32 $_size_execute0_lowered;
	s2 =	sadd.s32 s2, s4;
	[dreg:$0x0] =	wrdreg $0x0  }
0xa8: {  	s4 =	sshll.u32 s28, $0x1;
	[dreg:$0x2] =	wrdreg s2  }
0xa9: {  	[dreg:$0x3] =	wrdreg s4  }
0xaa: {  	[dreg:$0x4] =	wrdreg $0xC0  }
0xab: {  	_ =	task [dreg:s6], $0x5FFFF  }
0xac: {  	[dreg:$0x1] =	wrdreg $0xFFFFFFFF  }
0xad: {  	[dreg:$0x0] =	wrdreg $0x60  }
0xae: {  	[dreg:$0x2] =	wrdreg s24  }
0xaf: {  	[dreg:$0x3] =	wrdreg $0x7A800  }
0xb0: {  	[dreg:$0x4] =	wrdreg $0x9  }
0xb1: {  	_ =	task.clear_ibuf [dreg:s6], $0x5FFFF;
	_ =	strace $0x90000046  }
0xb2: {  	s29 =	simm.s32 $0x9;
	_ =	strace $0x80000048  }
0xb3: {  	_ =	swait.ge [sflag:s29], $0x1  }
0xb4: {  	[sflag:s29] =	ssyncadd.s32 $0xFFFFFFFF  }
0xb5: {  	_ =	strace $0x90000048  }
0xb6: {  	_ =	sfence  }
0xb7: {  	s30 =	sld [smem:$0x0];
	_ =	sdelay $0x2  }
0xb8: {  	s31 =	sshll.u32 s1, $0xD;
	s1 =	sshrl.u32 s1, $0x2  }
0xb9: {  	s3 =	sand.u32 $0x4000, s31;
	s1 =	sadd.s32 s1, s30  }
0xba: {  	s0 =	sor.u32 s3, s0;
	s1 =	sshll.u32 s1, $0x11  }
0xbb: {  	s0 =	sor.u32 s1, s0  }
0xbc: {  	s0 =	sadd.s32 $0x8F2B, s0  }
0xbd: {  	[sflag:s0] =	ssyncadd.remote.s32 $0x1  }
0xbe: {  	_ =	sfence.sel $0xFFFF  }
0xbf: {  	[dreg:$0x0] =	wrdreg $0xFFFFFFFF;
	(pc) =	sbr.abs _section_cstart, $3  }
0xc0: {  	[dreg:$0x1] =	wrdreg $0xFFFFFFFF  }
0xc1: {  	_ =	task.clear_ibuf [dreg:s6], $0x2FFFF;
	_ =	strace $0x9FFFFFFF  }
0xc2: {  	(tm) =	ssettm $0x7FFFFFFF  }
0xc3: {  	_ =	shalt  }
tec
execute0_lowered:
.L_overlay_start_1:
0x0: {  	(tag) =	ssettag $0x1  }
0x1: {  	s3 =	rddreg [dreg:$0x0];
	s0 =	srdreg.scid  }
0x2: {  	s5 =	rddreg [dreg:$0x1];
	s1 =	stileid.u32  }
0x3: {  	s2 =	simm.s32 $0x0;
	s11 =	simm.s32 $0x5000;
	s12 =	simm.s32 $0x7800  }
0x4: {  	s4 =	sand.u32 $0x1, s0;
	s0 =	rddreg [dreg:$0x2];
	s7 =	smul.u32 $0x280, s1  }
0x5: {  	s13 =	simm.s32 $0x0;
	[smem:$0x7FF] =	sst s2;
	s9 =	smul.u32 $0xA000, s1  }
0x6: {  	s6 =	sshll.u32 s4, $0x4;
	s8 =	smul.u32 $0x2800, s4;
	s4 =	ssub.s32 $0x2, s4  }
0x7: {  	_ =	strace $0x80000047;
	s6 =	sor.u32 s1, s6;
	s31 =	sshrl.u32 s4, $0x1  }
0x8: {  	s9 =	sshrl.u32 s9, $0x2;
	s6 =	smul.u32 $0x500, s6;
	s8 =	sadd.s32 s7, s8  }
0x9: {  	s10 =	ssub.s32 s4, s31;
	s4 =	sadd.s32 s9, s5;
	s5 =	sadd.s32 s7, s5  }
0xa: {  	s9 =	simm.s32 $0x2800;
	s8 =	sshrl.u32 s8, $0x3;
	s7 =	smax.u32 s10, $0x1  }
0xb: {  	s10 =	simm.s32 $0x280;
	s6 =	sadd.s32 s6, s3;
	s8 =	sadd.s32 s8, s3  }
0xc: {  	v0 =	vimm.f32 $0.0e+00;
	v1 =	vimm.f32 $1.000000000e+00;
	s3 =	sadd.s32 $0xC200, s6;
	s6 =	sadd.s32 $0x16200, s8;
	s8 =	simm.s32 $0x1  }
.LBB2_1:
0xd: {  	s14 =	simm.s32 $0x40;
	s15 =	simm.s32 $0x0  }
.LBB2_2:
0xe: {  	p0 =	sne.s32 s14, $0x9FC0;
	[tilespmem:s15+$0x2800] =	vst v0;
	s15 =	smov.u32 s14;
	s14 =	sadd.s32 $0x40, s14  }
.Ltmp0:
0xf: {  	(pc) =	sbr.rel @p0 .LBB2_2-.Ltmp0, $2  }
0x10: {  	_ =	sdelay $0x2  }
0x11: {  	s15 =	sshra.s32 s15, $0x2  }
0x12: {  	[tilespmem:s15+$0x2800] =	vst v0;
	s14 =	simm.s32 $0x0  }
0x13: {  	[tilespmem:s14], [sflag:$0x1] =	stream.linear.gather [hbm4b:s3+s14], $0x2800, $0x38;
	[tilespmem:$0xA280] =	vst v63  }
0x14: {  	_ =	swait.ge [sflag:s8], $0x2800  }
0x15: {  	[sflag:s8] =	ssyncset.done $0x0  }
0x16: {  	[sflag:s8] =	ssyncadd.s32 $0xFFFFD800  }
.LBB2_4:
0x17: {  	s15 =	sshra.s32 s14, $0x2  }
0x18: {  	v2 =	vld [tilespmem:s15+$0x0];
	_ =	sdelay $0x7  }
0x19: {  	[tilespmem:v2+s9+$0x0] =	vst.idx.add.f32.msk $0xffff, v1  }
0x1a: {  	v2 =	vld [tilespmem:s15+$0x10];
	_ =	sdelay $0x7  }
0x1b: {  	[tilespmem:v2+s9+$0x0] =	vst.idx.add.f32.msk $0xffff, v1  }
0x1c: {  	v2 =	vld [tilespmem:s15+$0x20];
	_ =	sdelay $0x7  }
0x1d: {  	[tilespmem:v2+s9+$0x0] =	vst.idx.add.f32.msk $0xffff, v1  }
0x1e: {  	v2 =	vld [tilespmem:s15+$0x30];
	_ =	sdelay $0x7  }
0x1f: {  	[tilespmem:v2+s9+$0x0] =	vst.idx.add.f32.msk $0xffff, v1  }
0x20: {  	v2 =	vld [tilespmem:s15+$0x40];
	_ =	sdelay $0x7  }
0x21: {  	[tilespmem:v2+s9+$0x0] =	vst.idx.add.f32.msk $0xffff, v1  }
0x22: {  	v2 =	vld [tilespmem:s15+$0x50];
	_ =	sdelay $0x7  }
0x23: {  	[tilespmem:v2+s9+$0x0] =	vst.idx.add.f32.msk $0xffff, v1  }
0x24: {  	v2 =	vld [tilespmem:s15+$0x60];
	_ =	sdelay $0x7  }
0x25: {  	[tilespmem:v2+s9+$0x0] =	vst.idx.add.f32.msk $0xffff, v1  }
0x26: {  	v2 =	vld [tilespmem:s15+$0x70];
	_ =	sdelay $0x2  }
0x27: {  	p0 =	sne.s32 s14, $0x9E00  }
.Ltmp1:
0x28: {  	_ = 	snop;
	(pc) =	sbr.rel @p0 .LBB2_4-.Ltmp1, $2  }
0x29: {  	_ =	sdelay $0x2  }
0x2a: {  	s14 =	sadd.s32 $0x200, s14;
	[tilespmem:v2+s9+$0x0] =	vst.idx.add.f32.msk $0xffff, v1  }
0x2b: {  	[spmem:s4] =	stream.linear.scatter [tilespmem:s9], [sflag:$0x1], $0x2800, $0x38;
	[tilespmem:$0xA280] =	vst v63  }
0x2c: {  	_ =	swait.ge [sflag:s8], $0x2800  }
0x2d: {  	[sflag:s8] =	ssyncset.done $0x0  }
0x2e: {  	[sflag:s8] =	ssyncadd.s32 $0xFFFFD800  }
0x2f: {  	[bflag:$0x0] =	sbarrier.arrive $0xFFFF  }
0x30: {  	[tilespmem:s11], [sflag:$0x1] =	stream.strided.gather [spmem:s5], $0x2800, s9, s10, $0x38;
	[tilespmem:$0xA280] =	vst v63  }
0x31: {  	_ =	swait.ge [sflag:s8], $0x2800  }
0x32: {  	[sflag:s8] =	ssyncset.done $0x0  }
0x33: {  	s15 =	simm.s32 $0x0;
	[sflag:s8] =	ssyncadd.s32 $0xFFFFD800  }
0x34: {  	v2 =	vld [tilespmem:s15+$0x5000]  }
0x35: {  	v3 =	vld [tilespmem:s15+$0x5280];
	_ =	sdelay $0x1  }
0x36: {  	v4 =	vld [tilespmem:s15+$0x5500];
	_ =	sdelay $0x1  }
0x37: {  	v5 =	vld [tilespmem:s15+$0x5780]  }
0x38: {  	v2 =	vadd.f32 v3, v2  }
0x39: {  	v3 =	vld [tilespmem:s15+$0x5A00]  }
0x3a: {  	v2 =	vadd.f32 v4, v2  }
0x3b: {  	v4 =	vld [tilespmem:s15+$0x5C80]  }
0x3c: {  	v2 =	vadd.f32 v5, v2  }
0x3d: {  	v5 =	vld [tilespmem:s15+$0x5F00]  }
0x3e: {  	v2 =	vadd.f32 v3, v2  }
0x3f: {  	v3 =	vld [tilespmem:s15+$0x6180]  }
0x40: {  	s14 =	simm.s32 $0x10;
	v6 =	vld [tilespmem:s15+$0x6400];
	v2 =	vadd.f32 v4, v2  }
0x41: {  	v7 =	vld [tilespmem:s14+$0x5000]  }
0x42: {  	v4 =	vld [tilespmem:s15+$0x6680];
	v2 =	vadd.f32 v5, v2  }
0x43: {  	v5 =	vld [tilespmem:s14+$0x5280]  }
0x44: {  	v8 =	vld [tilespmem:s14+$0x5500];
	v2 =	vadd.f32 v3, v2  }
0x45: {  	v3 =	vld [tilespmem:s15+$0x6900]  }
0x46: {  	v9 =	vld [tilespmem:s14+$0x5780];
	v2 =	vadd.f32 v6, v2  }
0x47: {  	v6 =	vld [tilespmem:s15+$0x6B80]  }
0x48: {  	v5 =	vadd.f32 v5, v7;
	v7 =	vld [tilespmem:s14+$0x5A00];
	v2 =	vadd.f32 v4, v2  }
0x49: {  	v4 =	vld [tilespmem:s15+$0x6E00]  }
0x4a: {  	v5 =	vadd.f32 v8, v5;
	v8 =	vld [tilespmem:s14+$0x5C80];
	v2 =	vadd.f32 v3, v2  }
0x4b: {  	v3 =	vld [tilespmem:s15+$0x7080]  }
0x4c: {  	v10 =	vld [tilespmem:s14+$0x5F00];
	v5 =	vadd.f32 v9, v5;
	v2 =	vadd.f32 v6, v2  }
0x4d: {  	v9 =	vld [tilespmem:s15+$0x7300]  }
0x4e: {  	v6 =	vadd.f32 v7, v5;
	v5 =	vld [tilespmem:s14+$0x6180];
	v7 =	vadd.f32 v4, v2  }
0x4f: {  	v4 =	vld [tilespmem:s15+$0x7580]  }
0x50: {  	v2 =	vld [tilespmem:s14+$0x6680];
	v8 =	vadd.f32 v8, v6;
	v11 =	vadd.f32 v3, v7  }
0x51: {  	s16 =	simm.s32 $0x20;
	v6 =	vld [tilespmem:s14+$0x6400]  }
0x52: {  	s17 =	simm.s32 $0xC0;
	v3 =	vld [tilespmem:s16+$0x5000];
	v7 =	vadd.f32 v10, v8;
	v8 =	vadd.f32 v9, v11  }
.LBB2_6:
0x53: {  	p0 =	sne.s32 s17, $0x9C0;
	v9 =	vld [tilespmem:s16+$0x5280]  }
0x54: {  	v5 =	vadd.f32 v5, v7;
	v7 =	vld [tilespmem:s14+$0x6900];
	v4 =	vadd.f32 v4, v8  }
0x55: {  	v8 =	vld [tilespmem:s16+$0x5500]  }
0x56: {  	v5 =	vadd.f32 v6, v5;
	v6 =	vld [tilespmem:s14+$0x6B80];
	[tilespmem:s15+$0x7800] =	vst v4;
	s15 =	smov.u32 s14;
	s14 =	smov.u32 s16  }
0x57: {  	v4 =	vld [tilespmem:s14+$0x5780]  }
0x58: {  	v3 =	vadd.f32 v9, v3;
	v2 =	vadd.f32 v2, v5;
	v5 =	vld [tilespmem:s15+$0x6E00]  }
0x59: {  	v9 =	vld [tilespmem:s14+$0x5A00]  }
0x5a: {  	v3 =	vadd.f32 v8, v3;
	v2 =	vadd.f32 v7, v2;
	v7 =	vld [tilespmem:s15+$0x7080]  }
0x5b: {  	v8 =	vld [tilespmem:s14+$0x5C80]  }
0x5c: {  	v3 =	vadd.f32 v4, v3;
	v2 =	vadd.f32 v6, v2;
	v10 =	vld [tilespmem:s15+$0x7300]  }
0x5d: {  	v11 =	vld [tilespmem:s14+$0x5F00]  }
.Ltmp2:
0x5e: {  	v3 =	vadd.f32 v9, v3;
	v6 =	vadd.f32 v5, v2;
	v4 =	vld [tilespmem:s15+$0x7580];
	(pc) =	sbr.rel @p0 .LBB2_6-.Ltmp2, $4  }
0x5f: {  	v5 =	vld [tilespmem:s14+$0x6180]  }
0x60: {  	v8 =	vadd.f32 v8, v3;
	v2 =	vld [tilespmem:s14+$0x6680];
	v9 =	vadd.f32 v7, v6  }
0x61: {  	s16 =	sshra.s32 s17, $0x2;
	v6 =	vld [tilespmem:s14+$0x6400]  }
0x62: {  	s17 =	sadd.s32 $0x40, s17;
	v3 =	vld [tilespmem:s16+$0x5000];
	v7 =	vadd.f32 v11, v8;
	v8 =	vadd.f32 v10, v9  }
0x63: {  	v9 =	vld [tilespmem:s16+$0x5280]  }
0x64: {  	v10 =	vld [tilespmem:s14+$0x6900];
	v4 =	vadd.f32 v4, v8  }
0x65: {  	v49 =	vld [tilespmem:s16+$0x5500]  }
0x66: {  	v11 =	vld [tilespmem:s14+$0x6B80];
	v5 =	vadd.f32 v5, v7;
	[tilespmem:s15+$0x7800] =	vst v4  }
0x67: {  	v4 =	vld [tilespmem:s16+$0x5780]  }
0x68: {  	v5 =	vadd.f32 v6, v5;
	v3 =	vadd.f32 v9, v3  }
0x69: {  	v50 =	vld [tilespmem:s16+$0x5A00]  }
0x6a: {  	v51 =	vld [tilespmem:s14+$0x6E00];
	v2 =	vadd.f32 v2, v5;
	v3 =	vadd.f32 v49, v3  }
0x6b: {  	v52 =	vld [tilespmem:s16+$0x5C80]  }
0x6c: {  	v53 =	vld [tilespmem:s14+$0x7080];
	v2 =	vadd.f32 v10, v2;
	v3 =	vadd.f32 v4, v3  }
0x6d: {  	v54 =	vld [tilespmem:s16+$0x5F00]  }
0x6e: {  	v55 =	vld [tilespmem:s14+$0x7300];
	v2 =	vadd.f32 v11, v2;
	v3 =	vadd.f32 v50, v3  }
0x6f: {  	v56 =	vld [tilespmem:s16+$0x6180]  }
0x70: {  	v57 =	vld [tilespmem:s14+$0x7580];
	v2 =	vadd.f32 v51, v2;
	v3 =	vadd.f32 v52, v3  }
0x71: {  	v58 =	vld [tilespmem:s16+$0x6400]  }
0x72: {  	v2 =	vadd.f32 v53, v2;
	v3 =	vadd.f32 v54, v3  }
0x73: {  	v59 =	vld [tilespmem:s16+$0x6680]  }
0x74: {  	v2 =	vadd.f32 v55, v2;
	v3 =	vadd.f32 v56, v3  }
0x75: {  	v60 =	vld [tilespmem:s16+$0x6900]  }
0x76: {  	v2 =	vadd.f32 v57, v2;
	v3 =	vadd.f32 v58, v3  }
0x77: {  	v61 =	vld [tilespmem:s16+$0x6B80]  }
0x78: {  	[tilespmem:s14+$0x7800] =	vst v2;
	v2 =	vadd.f32 v59, v3  }
0x79: {  	v3 =	vld [tilespmem:s16+$0x6E00]  }
0x7a: {  	v2 =	vadd.f32 v60, v2  }
0x7b: {  	v62 =	vld [tilespmem:s16+$0x7080]  }
0x7c: {  	v2 =	vadd.f32 v61, v2  }
0x7d: {  	v63 =	vld [tilespmem:s16+$0x7300]  }
0x7e: {  	v2 =	vadd.f32 v3, v2  }
0x7f: {  	v3 =	vld [tilespmem:s16+$0x7580]  }
0x80: {  	v2 =	vadd.f32 v62, v2;
	_ =	sdelay $0x1  }
0x81: {  	v2 =	vadd.f32 v63, v2;
	_ =	sdelay $0x1  }
0x82: {  	s13 =	sadd.s32 $0x1, s13;
	v2 =	vadd.f32 v3, v2  }
0x83: {  	p0 =	sne.s32 s13, s7  }
.Ltmp3:
0x84: {  	[tilespmem:s16+$0x7800] =	vst v2;
	(pc) =	sbr.rel @p0 .LBB2_1-.Ltmp3, $4  }
0x85: {  	[hbm4b:s6+s2] =	stream.linear.scatter [tilespmem:s12], [sflag:$0x1], $0x280, $0x38;
	[tilespmem:$0xA280] =	vst v63  }
0x86: {  	_ =	swait.ge [sflag:s8], $0x280  }
0x87: {  	[sflag:s8] =	ssyncset.done $0x0  }
0x88: {  	[sflag:s8] =	ssyncadd.s32 $0xFFFFFD80  }
0x89: {  	_ =	sfence.sel $0x180000  }
0x8a: {  	[bflag:$0x0] =	sbarrier.arrive $0xFFFF  }
0x8b: {  	p0 =	sne.s32 s1, $0x0;
	_ =	strace $0x90000047  }
0x8c: {  	s0 =	sadd.s32 @!p0 $0x100000, s0;
	[bflag:$0x2] =	sbarrier.arrive $0xFFFF  }
0x8d: {  	[sflag:s0] =	ssyncadd.tile.s32 @!p0 $0x1;
	_ =	shalt  }
.Lfunc_end2:
_tile_overlayer_lowered:
.L_overlay_start_2:
0x8e: {  	(tag) =	ssettag $0x2  }
0x8f: {  	s0 =	rddreg [dreg:$0x0];
	s2 =	stileid.u32  }
0x90: {  	s1 =	rddreg [dreg:$0x1];
	p0 =	sne.s32 s2, $0x0  }
0x91: {  	s3 =	rddreg [dreg:$0x2];
	[bflag:$0x3] =	sbarrier.arrive $0xFFFF;
	s2 =	simm.s32 @!p0 $0x1C01  }
0x92: {  	[timem:s3], [sflag:s2] =	dma.local @!p0 [hbm:s0], s1  }
0x93: {  	s0 =	simm.s32 @!p0 $0x1  }
0x94: {  	_ =	swait.ge @!p0 [sflag:s0], s1  }
0x95: {  	s1 =	ssub.s32 @!p0 $0x0, s1;
	[sflag:s0] =	ssyncset.done @!p0 $0x0  }
0x96: {  	[sflag:s0] =	ssyncadd.s32 @!p0 s1  }
0x97: {  	[bflag:$0x3] =	sbarrier.arrive $0xFFFF  }
0x98: {  	_ =	shalt  }

</sc_bundles>
